<compile_context>
chip_gen: v7x
topology: tpu7x:2x2x1
jax: 0.10.2.dev20260603
libtpu: 0.0.44.dev20260713+nightly
codegen_flags: <defaults>
</compile_context>

<pallas_src>
import functools

import jax
import jax.numpy as jnp
from jax import lax
from jax.experimental import pallas as pl
from jax.experimental.pallas import tpu as pltpu
from jax.experimental.pallas import tpu_sc as plsc

_NC = 2
_NS = 16
_L = 16
_NW = _NC * _NS


def _ef_mse_body(xt_ref, yt_ref, std_ref, mean_ref, ef_ref, mse_ref):
    vm = xt_ref[0:1, :] * std_ref[0, 0] + mean_ref[0, 0]
    va = (xt_ref[1:2, :] * std_ref[0, 1] + mean_ref[0, 1]) * (jnp.pi / 180.0)
    ef_ref[0:1, :] = vm * jnp.cos(va)
    ef_ref[1:2, :] = vm * jnp.sin(va)
    d = xt_ref[...] - yt_ref[...]
    mse_ref[...] = jnp.sum(d * d, keepdims=True)


def _ef_mse_kernel(xt, yt, xystd, xymean):
    n = xt.shape[1]
    return pl.pallas_call(
        _ef_mse_body,
        out_shape=(jax.ShapeDtypeStruct((2, n), jnp.float32),
                   jax.ShapeDtypeStruct((1, 1), jnp.float32)),
    )(xt, yt, xystd, xymean)


def _sc_edge_pass(ep_tab, eif, ra_all, xa_all, prm_f, prm_i):
    n = ep_tab.shape[0]
    e_total = eif.shape[0] // 2
    epw = e_total // _NW
    c_chunk = 128
    n_full = (epw - 80) // c_chunk
    tail = epw - n_full * c_chunk
    zsl = ((n + _NS * _L - 1) // (_NS * _L)) * _L
    zlast = n - (_NS - 1) * zsl

    mesh = plsc.VectorSubcoreMesh(core_axis_name="c", subcore_axis_name="s")

    @functools.partial(
        pl.kernel,
        out_type=(
            jax.ShapeDtypeStruct((_NC * n,), jnp.float32),
            jax.ShapeDtypeStruct((_NC * n,), jnp.float32),
            jax.ShapeDtypeStruct((_NC * n,), jnp.float32),
            jax.ShapeDtypeStruct((_NC * n,), jnp.float32),
            jax.ShapeDtypeStruct((_NW * _L,), jnp.int32),
        ),
        mesh=mesh,
        compiler_params=pltpu.CompilerParams(needs_layout_passes=False),
        scratch_types=[
            pltpu.VMEM_SHARED((n,), jnp.float32),
            pltpu.VMEM_SHARED((n,), jnp.float32),
            pltpu.VMEM_SHARED((n,), jnp.float32),
            pltpu.VMEM_SHARED((n,), jnp.float32),
            pltpu.VMEM_SHARED((n,), jnp.float32),
            pltpu.VMEM((zsl,), jnp.float32),
            pltpu.VMEM((zsl,), jnp.float32),
            pltpu.VMEM((2, c_chunk), jnp.int32),
            pltpu.VMEM((2, c_chunk), jnp.int32),
            pltpu.VMEM((2, c_chunk), jnp.float32),
            pltpu.VMEM((2, c_chunk), jnp.float32),
            pltpu.VMEM((80,), jnp.int32),
            pltpu.VMEM((80,), jnp.int32),
            pltpu.VMEM((c_chunk,), jnp.float32),
            pltpu.VMEM((c_chunk,), jnp.float32),
            pltpu.VMEM((c_chunk,), jnp.float32),
            pltpu.VMEM((c_chunk,), jnp.float32),
            pltpu.VMEM((c_chunk,), jnp.float32),
            pltpu.VMEM((c_chunk,), jnp.float32),
            pltpu.VMEM((_L,), jnp.int32),
            pltpu.VMEM((8,), jnp.float32),
            pltpu.VMEM((8,), jnp.int32),
            pltpu.SemaphoreType.DMA,
            pltpu.SemaphoreType.DMA,
            pltpu.SemaphoreType.DMA,
        ],
    )
    def sc_kernel(ep_hbm, eif_hbm, ra_hbm, xa_hbm,
                  prmf_hbm, prmi_hbm,
                  aggpo_hbm, aggqo_hbm, aggpd_hbm, aggqd_hbm, flags_hbm,
                  ep_sh, po_sh, qo_sh, pd_sh, qd_sh, zbuf, bbuf,
                  ii2, jj2, ra2, xa2, ii_t, jj_t, gvi, gvj,
                  p1_v, q1_v, p2_v, q2_v, flags_v, prmf_v, prmi_v,
                  semg, seml0, seml1):
        cc = lax.axis_index("c")
        ss = lax.axis_index("s")
        wid = ss * _NC + cc
        z16i = jnp.zeros((_L,), jnp.int32)
        one16i = z16i + 1
        zero16f = jnp.zeros((_L,), jnp.float32)
        iota16 = lax.iota(jnp.int32, _L)
        seml = (seml0, seml1)

        @pl.loop(0, zsl // _L)
        def _(zi):
            zbuf[pl.ds(zi * _L, _L)] = zero16f

        off = ss * zsl

        @pl.when(ss < _NS - 1)
        def _():
            pltpu.sync_copy(ep_hbm.at[pl.ds(off, zsl)], bbuf)
            pltpu.sync_copy(bbuf, ep_sh.at[pl.ds(off, zsl)])
            pltpu.sync_copy(zbuf, po_sh.at[pl.ds(off, zsl)])
            pltpu.sync_copy(zbuf, qo_sh.at[pl.ds(off, zsl)])
            pltpu.sync_copy(zbuf, pd_sh.at[pl.ds(off, zsl)])
            pltpu.sync_copy(zbuf, qd_sh.at[pl.ds(off, zsl)])

        @pl.when(ss == _NS - 1)
        def _():
            pltpu.sync_copy(ep_hbm.at[pl.ds(off, zlast)], bbuf.at[pl.ds(0, zlast)])
            pltpu.sync_copy(bbuf.at[pl.ds(0, zlast)], ep_sh.at[pl.ds(off, zlast)])
            pltpu.sync_copy(zbuf.at[pl.ds(0, zlast)], po_sh.at[pl.ds(off, zlast)])
            pltpu.sync_copy(zbuf.at[pl.ds(0, zlast)], qo_sh.at[pl.ds(off, zlast)])
            pltpu.sync_copy(zbuf.at[pl.ds(0, zlast)], pd_sh.at[pl.ds(off, zlast)])
            pltpu.sync_copy(zbuf.at[pl.ds(0, zlast)], qd_sh.at[pl.ds(off, zlast)])

        pltpu.sync_copy(prmf_hbm, prmf_v)
        pltpu.sync_copy(prmi_hbm, prmi_v)
        estd0 = plsc.load_gather(prmf_v, [one16i])
        estd1 = plsc.load_gather(prmf_v, [one16i + 1])
        emn0 = plsc.load_gather(prmf_v, [one16i + 2])
        emn1 = plsc.load_gather(prmf_v, [one16i + 3])
        a0 = plsc.load_gather(prmi_v, [one16i])
        b0 = plsc.load_gather(prmi_v, [one16i + 1])
        flags_v[...] = z16i

        plsc.subcore_barrier()

        base_w = wid * epw

        def compute_scatter(iref, jref, raref, xaref, cs):
            g1 = pltpu.async_copy(ep_sh.at[iref], gvi.at[pl.ds(0, cs)], semg)
            g2 = pltpu.async_copy(ep_sh.at[jref], gvj.at[pl.ds(0, cs)], semg)
            g1.wait()
            g2.wait()
            for kk in range(cs // _L):
                sl = pl.ds(kk * _L, _L)
                src16 = iref[sl]
                dst16 = jref[sl]
                e_i, f_i = plsc.unpack(
                    plsc.bitcast(gvi[sl], jnp.bfloat16),
                    format=plsc.PackFormat.INTERLEAVED)
                e_j, f_j = plsc.unpack(
                    plsc.bitcast(gvj[sl], jnp.bfloat16),
                    format=plsc.PackFormat.INTERLEAVED)
                r = raref[sl] * estd0 + emn0
                xx = xaref[sl] * estd1 + emn1
                inv = 1.0 / (r * r + xx * xx)
                g = r * inv
                b = -(xx * inv)
                eef = e_i * e_j + f_i * f_j
                tb = f_i * e_j - e_i * f_j
                ta = eef - e_i * e_i - f_i * f_i
                ta2 = eef - e_j * e_j - f_j * f_j
                gtb = g * tb
                btb = b * tb
                p1_v[sl] = g * ta + btb
                q1_v[sl] = gtb - b * ta
                p2_v[sl] = g * ta2 - btb
                q2_v[sl] = -gtb - b * ta2
                hit = (src16 == b0) & (dst16 == a0)
                flags_v[...] = flags_v[...] | jnp.where(hit, 1, 0)
            s1 = pltpu.async_copy(p1_v.at[pl.ds(0, cs)], po_sh.at[iref],
                                  semg, add=True)
            s2 = pltpu.async_copy(q1_v.at[pl.ds(0, cs)], qo_sh.at[iref],
                                  semg, add=True)
            s3 = pltpu.async_copy(p2_v.at[pl.ds(0, cs)], pd_sh.at[jref],
                                  semg, add=True)
            s4 = pltpu.async_copy(q2_v.at[pl.ds(0, cs)], qd_sh.at[jref],
                                  semg, add=True)
            s1.wait()
            s2.wait()
            s3.wait()
            s4.wait()

        pltpu.sync_copy(eif_hbm.at[pl.ds(base_w, tail)], ii_t)
        pltpu.sync_copy(eif_hbm.at[pl.ds(e_total + base_w, tail)], jj_t)
        pltpu.sync_copy(ra_hbm.at[pl.ds(base_w, tail)],
                        ra2.at[0].at[pl.ds(0, tail)])
        pltpu.sync_copy(xa_hbm.at[pl.ds(base_w, tail)],
                        xa2.at[0].at[pl.ds(0, tail)])
        compute_scatter(ii_t, jj_t, ra2.at[0], xa2.at[0], tail)

        base0 = base_w + tail

        def issue_linear(k, bb):
            base = base0 + k * c_chunk
            pltpu.async_copy(eif_hbm.at[pl.ds(base, c_chunk)], ii2.at[bb],
                             seml[bb])
            pltpu.async_copy(eif_hbm.at[pl.ds(e_total + base, c_chunk)],
                             jj2.at[bb], seml[bb])
            pltpu.async_copy(ra_hbm.at[pl.ds(base, c_chunk)], ra2.at[bb],
                             seml[bb])
            pltpu.async_copy(xa_hbm.at[pl.ds(base, c_chunk)], xa2.at[bb],
                             seml[bb])

        def drain_linear(bb):
            pltpu.make_async_copy(eif_hbm.at[pl.ds(0, c_chunk)], ii2.at[bb],
                                  seml[bb]).wait()
            pltpu.make_async_copy(eif_hbm.at[pl.ds(0, c_chunk)], jj2.at[bb],
                                  seml[bb]).wait()
            pltpu.make_async_copy(ra_hbm.at[pl.ds(0, c_chunk)], ra2.at[bb],
                                  seml[bb]).wait()
            pltpu.make_async_copy(ra_hbm.at[pl.ds(0, c_chunk)], xa2.at[bb],
                                  seml[bb]).wait()

        issue_linear(0, 0)

        @pl.loop(0, n_full // 2)
        def _(it):
            for bb in range(2):
                k = it * 2 + bb
                drain_linear(bb)

                @pl.when(k + 1 < n_full)
                def _():
                    issue_linear(k + 1, 1 - bb)

                compute_scatter(ii2.at[bb], jj2.at[bb], ra2.at[bb],
                                xa2.at[bb], c_chunk)

        pltpu.sync_copy(flags_v, flags_hbm.at[pl.ds(wid * _L, _L)])
        plsc.subcore_barrier()

        hoff = cc * n + off

        @pl.when(ss < _NS - 1)
        def _():
            pltpu.sync_copy(po_sh.at[pl.ds(off, zsl)], bbuf)
            pltpu.sync_copy(bbuf, aggpo_hbm.at[pl.ds(hoff, zsl)])
            pltpu.sync_copy(qo_sh.at[pl.ds(off, zsl)], bbuf)
            pltpu.sync_copy(bbuf, aggqo_hbm.at[pl.ds(hoff, zsl)])
            pltpu.sync_copy(pd_sh.at[pl.ds(off, zsl)], bbuf)
            pltpu.sync_copy(bbuf, aggpd_hbm.at[pl.ds(hoff, zsl)])
            pltpu.sync_copy(qd_sh.at[pl.ds(off, zsl)], bbuf)
            pltpu.sync_copy(bbuf, aggqd_hbm.at[pl.ds(hoff, zsl)])

        @pl.when(ss == _NS - 1)
        def _():
            pltpu.sync_copy(po_sh.at[pl.ds(off, zlast)], bbuf.at[pl.ds(0, zlast)])
            pltpu.sync_copy(bbuf.at[pl.ds(0, zlast)], aggpo_hbm.at[pl.ds(hoff, zlast)])
            pltpu.sync_copy(qo_sh.at[pl.ds(off, zlast)], bbuf.at[pl.ds(0, zlast)])
            pltpu.sync_copy(bbuf.at[pl.ds(0, zlast)], aggqo_hbm.at[pl.ds(hoff, zlast)])
            pltpu.sync_copy(pd_sh.at[pl.ds(off, zlast)], bbuf.at[pl.ds(0, zlast)])
            pltpu.sync_copy(bbuf.at[pl.ds(0, zlast)], aggpd_hbm.at[pl.ds(hoff, zlast)])
            pltpu.sync_copy(qd_sh.at[pl.ds(off, zlast)], bbuf.at[pl.ds(0, zlast)])
            pltpu.sync_copy(bbuf.at[pl.ds(0, zlast)], aggqd_hbm.at[pl.ds(hoff, zlast)])

    return sc_kernel(ep_tab, eif, ra_all, xa_all, prm_f, prm_i)


def _loss_body(xt_ref, mse_ref, apo, aqo, apd, aqd, flags_ref,
               std_ref, mean_ref, out_ref, *, n_nodes):
    wdup = jnp.where(jnp.any(flags_ref[...] != 0), 0.0, 1.0)
    agg_p = apo[0:1, :] + apo[1:2, :] + wdup * (apd[0:1, :] + apd[1:2, :])
    agg_q = aqo[0:1, :] + aqo[1:2, :] + wdup * (aqd[0:1, :] + aqd[1:2, :])
    p_inj = xt_ref[2:3, :] * std_ref[0, 2] + mean_ref[0, 2]
    q_inj = xt_ref[3:4, :] * std_ref[0, 3] + mean_ref[0, 3]
    dp = p_inj - agg_p
    dq = q_inj - agg_q
    imb_part = jnp.sum(dp * dp + dq * dq, keepdims=True)
    out_ref[...] = (0.5 / (6.0 * n_nodes)) * mse_ref[...] + \
        (0.5 * 0.02 / n_nodes) * imb_part


def _loss_kernel(xt, mse11, apo, aqo, apd, aqd, flags, xystd, xymean):
    n = xt.shape[1]
    return pl.pallas_call(
        functools.partial(_loss_body, n_nodes=n),
        out_shape=jax.ShapeDtypeStruct((1, 1), jnp.float32),
    )(xt, mse11, apo, aqo, apd, aqd, flags, xystd, xymean)


def kernel(x, edge_index, edge_attr, y, xymean, xystd, edgemean, edgestd):
    xt = x.T
    yt = y.T
    ef2, mse11 = _ef_mse_kernel(xt, yt, xystd, xymean)
    zf1 = jnp.zeros((1,), jnp.float32)
    prm_f = jnp.concatenate([zf1, edgestd.reshape(2), edgemean.reshape(2),
                             jnp.zeros((3,), jnp.float32)])
    zi1 = jnp.zeros((1,), jnp.int32)
    prm_i = jnp.concatenate([zi1, edge_index[0, 0:1], edge_index[1, 0:1],
                             jnp.zeros((5,), jnp.int32)])
    eb = lax.bitcast_convert_type(
        ef2[0].astype(jnp.bfloat16), jnp.uint16).astype(jnp.uint32)
    fb = lax.bitcast_convert_type(
        ef2[1].astype(jnp.bfloat16), jnp.uint16).astype(jnp.uint32)
    ep = lax.bitcast_convert_type(eb | (fb << jnp.uint32(16)), jnp.float32)
    aggpo, aggqo, aggpd, aggqd, flags = _sc_edge_pass(
        ep, edge_index.reshape(-1), edge_attr[:, 0], edge_attr[:, 1],
        prm_f, prm_i)
    loss = _loss_kernel(xt, mse11,
                        aggpo.reshape(_NC, -1), aggqo.reshape(_NC, -1),
                        aggpd.reshape(_NC, -1), aggqd.reshape(_NC, -1),
                        flags.reshape(_NW * _L // 128, 128),
                        xystd, xymean)
    return loss[0, 0]

# --- scband reference (transcript-rebuilt; emitter-appended) ---
"""Pipeline reference for scband-mixed-msepowe-imbalance-773094113348 (READ-ONLY COPY).

The authoritative reference and input builder live on the scoring server;
editing this copy changes nothing except your own understanding.
"""

import jax, jax.numpy as jnp
import numpy as np


def setup_inputs(seed: int = 0) -> dict:
    key = jax.random.key(seed)
    k1, k2, k3, k4 = jax.random.split(key, 4)
    N = 100000
    E = 1600000
    x = jax.random.normal(k1, (N, 6), dtype=jnp.float32)
    edge_index = jax.random.randint(k2, (2, E), 0, N, dtype=jnp.int32)
    edge_attr = jax.random.normal(k3, (E, 2), dtype=jnp.float32)
    y = jax.random.normal(k4, (N, 6), dtype=jnp.float32)
    xymean = jnp.array([[1.0, 0.0, 0.0, 0.0, 0.0, 0.0]], dtype=jnp.float32)
    xystd = jnp.array([[0.05, 10.0, 1.0, 1.0, 1.0, 1.0]], dtype=jnp.float32)
    edgemean = jnp.array([[0.05, 0.3]], dtype=jnp.float32)
    edgestd = jnp.array([[0.01, 0.05]], dtype=jnp.float32)
    return {"x": x, "edge_index": edge_index, "edge_attr": edge_attr, "y": y,
            "xymean": xymean, "xystd": xystd, "edgemean": edgemean, "edgestd": edgestd}


def reference(x, edge_index, edge_attr, y, xymean, xystd, edgemean, edgestd):
    alpha = 0.5
    # is_directed: edge_index[0,0] not in edge_index[1, edge_index[0,:] == edge_index[1,0]]
    contained = jnp.any((edge_index[0, :] == edge_index[1, 0]) & (edge_index[1, :] == edge_index[0, 0]))
    # undirect_graph: duplicate and reverse edges; duplicated half carries weight 0
    # when the graph was already undirected, so its messages contribute exact zeros
    E = edge_index.shape[1]
    ei_dup = jnp.stack([edge_index[1, :], edge_index[0, :]], axis=0)
    ei = jnp.concatenate([edge_index, ei_dup], axis=1)
    ea = jnp.concatenate([edge_attr, edge_attr], axis=0)
    w_dup = jnp.where(contained, jnp.float32(0.0), jnp.float32(1.0))
    w = jnp.concatenate([jnp.ones((E, 1), dtype=jnp.float32),
                         jnp.full((E, 1), 1.0, dtype=jnp.float32) * w_dup], axis=0)
    # de_normalize
    xd = x * xystd + xymean
    ead = ea * edgestd + edgemean
    # MessagePassing with flow='target_to_source': x_i = x[ei[0]], x_j = x[ei[1]], aggregate at ei[0]
    i = ei[0]
    j = ei[1]
    x_i = xd[i]
    x_j = xd[j]
    r = ead[:, 0:1]
    xx = ead[:, 1:2]
    denom = r ** 2 + xx ** 2
    g_ij = r / denom
    b_ij = -xx / denom
    ym_ij = jnp.sqrt(g_ij ** 2 + b_ij ** 2)
    ya_ij = jnp.arccos(g_ij / ym_ij)  # computed but unused, as in the original
    vm_i = x_i[:, 0:1]
    va_i = (1.0 / 180.0) * jnp.pi * x_i[:, 1:2]
    vm_j = x_j[:, 0:1]
    va_j = (1.0 / 180.0) * jnp.pi * x_j[:, 1:2]
    e_i = vm_i * jnp.cos(va_i)
    f_i = vm_i * jnp.sin(va_i)
    e_j = vm_j * jnp.cos(va_j)
    f_j = vm_j * jnp.sin(va_j)
    Pji = g_ij * (e_i * e_j - e_i ** 2 + f_i * f_j - f_i ** 2) + b_ij * (f_i * e_j - e_i * f_j)
    Qji = g_ij * (f_i * e_j - e_i * f_j) + b_ij * (-e_i * e_j + e_i ** 2 - f_i * f_j + f_i ** 2)
    msg = jnp.concatenate([Pji, Qji], axis=-1) * w
    agg = jax.ops.segment_sum(msg, i, num_segments=xd.shape[0])
    dPi = -agg[:, 0:1] + xd[:, 2:3]
    dQi = -agg[:, 1:2] + xd[:, 3:4]
    dPQ = jnp.concatenate([dPi, dQi], axis=-1)
    power_imb_loss = jnp.mean(jnp.sum(dPQ ** 2, axis=-1))
    mse_loss = jnp.mean((x - y) ** 2)
    loss = alpha * mse_loss + (1.0 - alpha) * 0.02 * power_imb_loss
    return loss

if __name__ == "__main__":
    import jax
    _d = setup_inputs()
    print(jax.jit(kernel)(*tuple(_d.values())))

</pallas_src>

<mosaic_0001>
#map = affine_map<(d0, d1) -> (0)>
module attributes {stable_mosaic.version = 14 : i64} {
  func.func @sc_kernel(%arg0: i32, %arg1: i32, %arg2: memref<100000xf32, #tpu.memory_space<hbm>>, %arg3: memref<3200000xi32, #tpu.memory_space<hbm>>, %arg4: memref<1600000xf32, #tpu.memory_space<hbm>>, %arg5: memref<1600000xf32, #tpu.memory_space<hbm>>, %arg6: memref<8xf32, #tpu.memory_space<hbm>>, %arg7: memref<8xi32, #tpu.memory_space<hbm>>, %arg8: memref<200000xf32, #tpu.memory_space<hbm>>, %arg9: memref<200000xf32, #tpu.memory_space<hbm>>, %arg10: memref<200000xf32, #tpu.memory_space<hbm>>, %arg11: memref<200000xf32, #tpu.memory_space<hbm>>, %arg12: memref<512xi32, #tpu.memory_space<hbm>>, %arg13: memref<100000xf32, #tpu.memory_space<vmem_shared>>, %arg14: memref<100000xf32, #tpu.memory_space<vmem_shared>>, %arg15: memref<100000xf32, #tpu.memory_space<vmem_shared>>, %arg16: memref<100000xf32, #tpu.memory_space<vmem_shared>>, %arg17: memref<100000xf32, #tpu.memory_space<vmem_shared>>, %arg18: memref<6256xf32, #tpu.memory_space<vmem>>, %arg19: memref<6256xf32, #tpu.memory_space<vmem>>, %arg20: memref<2x128xi32, #tpu.memory_space<vmem>>, %arg21: memref<2x128xi32, #tpu.memory_space<vmem>>, %arg22: memref<2x128xf32, #tpu.memory_space<vmem>>, %arg23: memref<2x128xf32, #tpu.memory_space<vmem>>, %arg24: memref<80xi32, #tpu.memory_space<vmem>>, %arg25: memref<80xi32, #tpu.memory_space<vmem>>, %arg26: memref<128xf32, #tpu.memory_space<vmem>>, %arg27: memref<128xf32, #tpu.memory_space<vmem>>, %arg28: memref<128xf32, #tpu.memory_space<vmem>>, %arg29: memref<128xf32, #tpu.memory_space<vmem>>, %arg30: memref<128xf32, #tpu.memory_space<vmem>>, %arg31: memref<128xf32, #tpu.memory_space<vmem>>, %arg32: memref<16xi32, #tpu.memory_space<vmem>>, %arg33: memref<8xf32, #tpu.memory_space<vmem>>, %arg34: memref<8xi32, #tpu.memory_space<vmem>>, %arg35: memref<!tpu.dma_semaphore, #tpu.memory_space<semaphore_mem>>, %arg36: memref<!tpu.dma_semaphore, #tpu.memory_space<semaphore_mem>>, %arg37: memref<!tpu.dma_semaphore, #tpu.memory_space<semaphore_mem>>) attributes {dimension_semantics = [#tpu.dimension_semantics<core_parallel>, #tpu.dimension_semantics<subcore_parallel>], iteration_bounds = array<i64: 2, 16>, scalar_prefetch = 0 : i64, scratch_operands = 25 : i64, tpu.core_type = #tpu.core_type<sc_vector_subcore>, window_params = [{transform_indices = #map}, {transform_indices = #map}, {transform_indices = #map}, {transform_indices = #map}, {transform_indices = #map}, {transform_indices = #map}, {transform_indices = #map}, {transform_indices = #map}, {transform_indices = #map}, {transform_indices = #map}, {transform_indices = #map}]} {
    %mul3A = arith.constant 2 : i32
    %mul3A_0 = arith.muli %arg1, %mul3A : i32
    %add3A = arith.addi %mul3A_0, %arg0 : i32
    %broadcast_in_dim3A = arith.constant 0 : i32
    %broadcast_in_dim3A_1 = vector.broadcast %broadcast_in_dim3A : i32 to vector<16xi32>
    %add3A_2 = arith.constant 1 : i32
    %add3A_3 = vector.broadcast %add3A_2 : i32 to vector<16xi32>
    %add3A_4 = arith.addi %broadcast_in_dim3A_1, %add3A_3 : vector<16xi32>
    %broadcast_in_dim3A_5 = arith.constant 0.000000e+00 : f32
    %broadcast_in_dim3A_6 = vector.broadcast %broadcast_in_dim3A_5 : f32 to vector<16xf32>
    %iota3A = tpu.iota {dimensions = array<i32: 0>} : vector<16xi32>
    %scan3A = arith.constant 0 : i32
    %scan3A_7 = arith.constant 391 : i32
    %scan3A_8 = arith.addi %scan3A, %scan3A_7 : i32
    %scan3A_9 = arith.constant 1 : i32
    scf.for %scan3A_586 = %scan3A to %scan3A_8 step %scan3A_9  : i32 {
      %mul3A_587 = arith.constant 1 : i32
      %mul3A_588 = arith.muli %scan3A_586, %mul3A_587 : i32
      %add3A_589 = arith.constant 0 : i32
      %add3A_590 = arith.addi %add3A_589, %mul3A_588 : i32
      %mul3A_591 = arith.constant 16 : i32
      %mul3A_592 = arith.muli %add3A_590, %mul3A_591 : i32
      %swap3A_593 = arith.index_cast %mul3A_592 : i32 to index
      %swap3A_594 = tpu.vector_load %arg18[%swap3A_593] {strides = array<i32>} : memref<6256xf32, #tpu.memory_space<vmem>>, vector<16xf32>,
      tpu.vector_store %arg18[%swap3A_593], %broadcast_in_dim3A_6 {strides = array<i32>} : memref<6256xf32, #tpu.memory_space<vmem>>, vector<16xf32>,
    }
    %scan3A_10 = arith.constant 391 : i32
    %mul3A_11 = arith.constant 6256 : i32
    %mul3A_12 = arith.muli %arg1, %mul3A_11 : i32
    %lt3A = arith.constant 15 : i32
    %lt3A_13 = arith.cmpi slt, %arg1, %lt3A : i32
    %convert_element_type3A = arith.extui %lt3A_13 : i1 to i32
    %cond3A = arith.constant 0 : i32
    %cond3A_14 = arith.cmpi ne, %convert_element_type3A, %cond3A : i32
    scf.if %cond3A_14 {
      "tpu.region"() ({
        %run_scoped3A_586 = tpu.sem_alloc : memref<!tpu.dma_semaphore, #tpu.memory_space<semaphore_mem>>
        %dma_start3A_587 = tpu.memref_slice %arg2[%mul3A_12] : memref<100000xf32, #tpu.memory_space<hbm>> -> memref<6256xf32, #tpu.memory_space<hbm>>
        %dma_start3A_588 = tpu.memref_slice %arg2[%mul3A_12] : memref<100000xf32, #tpu.memory_space<hbm>> -> memref<6256xf32, #tpu.memory_space<hbm>>
        tpu.enqueue_dma source(%dma_start3A_588 : memref<6256xf32, #tpu.memory_space<hbm>>) target(%arg19 : memref<6256xf32, #tpu.memory_space<vmem>>) target_semaphore(%run_scoped3A_586 : memref<!tpu.dma_semaphore, #tpu.memory_space<semaphore_mem>>)
        %dma_wait3A_589 = tpu.memref_slice %arg2[%mul3A_12] : memref<100000xf32, #tpu.memory_space<hbm>> -> memref<6256xf32, #tpu.memory_space<hbm>>
        %dma_wait3A_590 = tpu.memref_slice %arg2[%mul3A_12] : memref<100000xf32, #tpu.memory_space<hbm>> -> memref<6256xf32, #tpu.memory_space<hbm>>
        tpu.wait_dma2 semaphore(%run_scoped3A_586 : memref<!tpu.dma_semaphore, #tpu.memory_space<semaphore_mem>>) src(%dma_wait3A_590 : memref<6256xf32, #tpu.memory_space<hbm>>) dst(%arg19 : memref<6256xf32, #tpu.memory_space<vmem>>)
        tpu.yield
      }) : () -> ()
      "tpu.region"() ({
        %run_scoped3A_586 = tpu.sem_alloc : memref<!tpu.dma_semaphore, #tpu.memory_space<semaphore_mem>>
        %dma_start3A_587 = tpu.memref_slice %arg13[%mul3A_12] : memref<100000xf32, #tpu.memory_space<vmem_shared>> -> memref<6256xf32, #tpu.memory_space<vmem_shared>>
        %dma_start3A_588 = tpu.memref_slice %arg13[%mul3A_12] : memref<100000xf32, #tpu.memory_space<vmem_shared>> -> memref<6256xf32, #tpu.memory_space<vmem_shared>>
        tpu.enqueue_dma source(%arg19 : memref<6256xf32, #tpu.memory_space<vmem>>) target(%dma_start3A_588 : memref<6256xf32, #tpu.memory_space<vmem_shared>>) target_semaphore(%run_scoped3A_586 : memref<!tpu.dma_semaphore, #tpu.memory_space<semaphore_mem>>)
        %dma_wait3A_589 = tpu.memref_slice %arg13[%mul3A_12] : memref<100000xf32, #tpu.memory_space<vmem_shared>> -> memref<6256xf32, #tpu.memory_space<vmem_shared>>
        %dma_wait3A_590 = tpu.memref_slice %arg13[%mul3A_12] : memref<100000xf32, #tpu.memory_space<vmem_shared>> -> memref<6256xf32, #tpu.memory_space<vmem_shared>>
        tpu.wait_dma2 semaphore(%run_scoped3A_586 : memref<!tpu.dma_semaphore, #tpu.memory_space<semaphore_mem>>) src(%arg19 : memref<6256xf32, #tpu.memory_space<vmem>>) dst(%dma_wait3A_590 : memref<6256xf32, #tpu.memory_space<vmem_shared>>)
        tpu.yield
      }) : () -> ()
      "tpu.region"() ({
        %run_scoped3A_586 = tpu.sem_alloc : memref<!tpu.dma_semaphore, #tpu.memory_space<semaphore_mem>>
        %dma_start3A_587 = tpu.memref_slice %arg14[%mul3A_12] : memref<100000xf32, #tpu.memory_space<vmem_shared>> -> memref<6256xf32, #tpu.memory_space<vmem_shared>>
        %dma_start3A_588 = tpu.memref_slice %arg14[%mul3A_12] : memref<100000xf32, #tpu.memory_space<vmem_shared>> -> memref<6256xf32, #tpu.memory_space<vmem_shared>>
        tpu.enqueue_dma source(%arg18 : memref<6256xf32, #tpu.memory_space<vmem>>) target(%dma_start3A_588 : memref<6256xf32, #tpu.memory_space<vmem_shared>>) target_semaphore(%run_scoped3A_586 : memref<!tpu.dma_semaphore, #tpu.memory_space<semaphore_mem>>)
        %dma_wait3A_589 = tpu.memref_slice %arg14[%mul3A_12] : memref<100000xf32, #tpu.memory_space<vmem_shared>> -> memref<6256xf32, #tpu.memory_space<vmem_shared>>
        %dma_wait3A_590 = tpu.memref_slice %arg14[%mul3A_12] : memref<100000xf32, #tpu.memory_space<vmem_shared>> -> memref<6256xf32, #tpu.memory_space<vmem_shared>>
        tpu.wait_dma2 semaphore(%run_scoped3A_586 : memref<!tpu.dma_semaphore, #tpu.memory_space<semaphore_mem>>) src(%arg18 : memref<6256xf32, #tpu.memory_space<vmem>>) dst(%dma_wait3A_590 : memref<6256xf32, #tpu.memory_space<vmem_shared>>)
        tpu.yield
      }) : () -> ()
      "tpu.region"() ({
        %run_scoped3A_586 = tpu.sem_alloc : memref<!tpu.dma_semaphore, #tpu.memory_space<semaphore_mem>>
        %dma_start3A_587 = tpu.memref_slice %arg15[%mul3A_12] : memref<100000xf32, #tpu.memory_space<vmem_shared>> -> memref<6256xf32, #tpu.memory_space<vmem_shared>>
        %dma_start3A_588 = tpu.memref_slice %arg15[%mul3A_12] : memref<100000xf32, #tpu.memory_space<vmem_shared>> -> memref<6256xf32, #tpu.memory_space<vmem_shared>>
        tpu.enqueue_dma source(%arg18 : memref<6256xf32, #tpu.memory_space<vmem>>) target(%dma_start3A_588 : memref<6256xf32, #tpu.memory_space<vmem_shared>>) target_semaphore(%run_scoped3A_586 : memref<!tpu.dma_semaphore, #tpu.memory_space<semaphore_mem>>)
        %dma_wait3A_589 = tpu.memref_slice %arg15[%mul3A_12] : memref<100000xf32, #tpu.memory_space<vmem_shared>> -> memref<6256xf32, #tpu.memory_space<vmem_shared>>
        %dma_wait3A_590 = tpu.memref_slice %arg15[%mul3A_12] : memref<100000xf32, #tpu.memory_space<vmem_shared>> -> memref<6256xf32, #tpu.memory_space<vmem_shared>>
        tpu.wait_dma2 semaphore(%run_scoped3A_586 : memref<!tpu.dma_semaphore, #tpu.memory_space<semaphore_mem>>) src(%arg18 : memref<6256xf32, #tpu.memory_space<vmem>>) dst(%dma_wait3A_590 : memref<6256xf32, #tpu.memory_space<vmem_shared>>)
        tpu.yield
      }) : () -> ()
      "tpu.region"() ({
        %run_scoped3A_586 = tpu.sem_alloc : memref<!tpu.dma_semaphore, #tpu.memory_space<semaphore_mem>>
        %dma_start3A_587 = tpu.memref_slice %arg16[%mul3A_12] : memref<100000xf32, #tpu.memory_space<vmem_shared>> -> memref<6256xf32, #tpu.memory_space<vmem_shared>>
        %dma_start3A_588 = tpu.memref_slice %arg16[%mul3A_12] : memref<100000xf32, #tpu.memory_space<vmem_shared>> -> memref<6256xf32, #tpu.memory_space<vmem_shared>>
        tpu.enqueue_dma source(%arg18 : memref<6256xf32, #tpu.memory_space<vmem>>) target(%dma_start3A_588 : memref<6256xf32, #tpu.memory_space<vmem_shared>>) target_semaphore(%run_scoped3A_586 : memref<!tpu.dma_semaphore, #tpu.memory_space<semaphore_mem>>)
        %dma_wait3A_589 = tpu.memref_slice %arg16[%mul3A_12] : memref<100000xf32, #tpu.memory_space<vmem_shared>> -> memref<6256xf32, #tpu.memory_space<vmem_shared>>
        %dma_wait3A_590 = tpu.memref_slice %arg16[%mul3A_12] : memref<100000xf32, #tpu.memory_space<vmem_shared>> -> memref<6256xf32, #tpu.memory_space<vmem_shared>>
        tpu.wait_dma2 semaphore(%run_scoped3A_586 : memref<!tpu.dma_semaphore, #tpu.memory_space<semaphore_mem>>) src(%arg18 : memref<6256xf32, #tpu.memory_space<vmem>>) dst(%dma_wait3A_590 : memref<6256xf32, #tpu.memory_space<vmem_shared>>)
        tpu.yield
      }) : () -> ()
      "tpu.region"() ({
        %run_scoped3A_586 = tpu.sem_alloc : memref<!tpu.dma_semaphore, #tpu.memory_space<semaphore_mem>>
        %dma_start3A_587 = tpu.memref_slice %arg17[%mul3A_12] : memref<100000xf32, #tpu.memory_space<vmem_shared>> -> memref<6256xf32, #tpu.memory_space<vmem_shared>>
        %dma_start3A_588 = tpu.memref_slice %arg17[%mul3A_12] : memref<100000xf32, #tpu.memory_space<vmem_shared>> -> memref<6256xf32, #tpu.memory_space<vmem_shared>>
        tpu.enqueue_dma source(%arg18 : memref<6256xf32, #tpu.memory_space<vmem>>) target(%dma_start3A_588 : memref<6256xf32, #tpu.memory_space<vmem_shared>>) target_semaphore(%run_scoped3A_586 : memref<!tpu.dma_semaphore, #tpu.memory_space<semaphore_mem>>)
        %dma_wait3A_589 = tpu.memref_slice %arg17[%mul3A_12] : memref<100000xf32, #tpu.memory_space<vmem_shared>> -> memref<6256xf32, #tpu.memory_space<vmem_shared>>
        %dma_wait3A_590 = tpu.memref_slice %arg17[%mul3A_12] : memref<100000xf32, #tpu.memory_space<vmem_shared>> -> memref<6256xf32, #tpu.memory_space<vmem_shared>>
        tpu.wait_dma2 semaphore(%run_scoped3A_586 : memref<!tpu.dma_semaphore, #tpu.memory_space<semaphore_mem>>) src(%arg18 : memref<6256xf32, #tpu.memory_space<vmem>>) dst(%dma_wait3A_590 : memref<6256xf32, #tpu.memory_space<vmem_shared>>)
        tpu.yield
      }) : () -> ()
    } else {
    }
    %eq3A = arith.constant 15 : i32
    %eq3A_15 = arith.cmpi eq, %arg1, %eq3A : i32
    %convert_element_type3A_16 = arith.extui %eq3A_15 : i1 to i32
    %cond3A_17 = arith.constant 0 : i32
    %cond3A_18 = arith.cmpi ne, %convert_element_type3A_16, %cond3A_17 : i32
    scf.if %cond3A_18 {
      "tpu.region"() ({
        %run_scoped3A_586 = tpu.sem_alloc : memref<!tpu.dma_semaphore, #tpu.memory_space<semaphore_mem>>
        %dma_start3A_587 = arith.constant 0 : i32
        %dma_start3A_588 = tpu.memref_slice %arg19[%dma_start3A_587] : memref<6256xf32, #tpu.memory_space<vmem>> -> memref<6160xf32, #tpu.memory_space<vmem>>
        %dma_start3A_589 = tpu.memref_slice %arg2[%mul3A_12] : memref<100000xf32, #tpu.memory_space<hbm>> -> memref<6160xf32, #tpu.memory_space<hbm>>
        %dma_start3A_590 = arith.constant 0 : i32
        %dma_start3A_591 = tpu.memref_slice %arg19[%dma_start3A_590] : memref<6256xf32, #tpu.memory_space<vmem>> -> memref<6160xf32, #tpu.memory_space<vmem>>
        %dma_start3A_592 = tpu.memref_slice %arg2[%mul3A_12] : memref<100000xf32, #tpu.memory_space<hbm>> -> memref<6160xf32, #tpu.memory_space<hbm>>
        tpu.enqueue_dma source(%dma_start3A_592 : memref<6160xf32, #tpu.memory_space<hbm>>) target(%dma_start3A_591 : memref<6160xf32, #tpu.memory_space<vmem>>) target_semaphore(%run_scoped3A_586 : memref<!tpu.dma_semaphore, #tpu.memory_space<semaphore_mem>>)
        %dma_wait3A_593 = arith.constant 0 : i32
        %dma_wait3A_594 = tpu.memref_slice %arg19[%dma_wait3A_593] : memref<6256xf32, #tpu.memory_space<vmem>> -> memref<6160xf32, #tpu.memory_space<vmem>>
        %dma_wait3A_595 = tpu.memref_slice %arg2[%mul3A_12] : memref<100000xf32, #tpu.memory_space<hbm>> -> memref<6160xf32, #tpu.memory_space<hbm>>
        %dma_wait3A_596 = arith.constant 0 : i32
        %dma_wait3A_597 = tpu.memref_slice %arg19[%dma_wait3A_596] : memref<6256xf32, #tpu.memory_space<vmem>> -> memref<6160xf32, #tpu.memory_space<vmem>>
        %dma_wait3A_598 = tpu.memref_slice %arg2[%mul3A_12] : memref<100000xf32, #tpu.memory_space<hbm>> -> memref<6160xf32, #tpu.memory_space<hbm>>
        tpu.wait_dma2 semaphore(%run_scoped3A_586 : memref<!tpu.dma_semaphore, #tpu.memory_space<semaphore_mem>>) src(%dma_wait3A_598 : memref<6160xf32, #tpu.memory_space<hbm>>) dst(%dma_wait3A_597 : memref<6160xf32, #tpu.memory_space<vmem>>)
        tpu.yield
      }) : () -> ()
      "tpu.region"() ({
        %run_scoped3A_586 = tpu.sem_alloc : memref<!tpu.dma_semaphore, #tpu.memory_space<semaphore_mem>>
        %dma_start3A_587 = arith.constant 0 : i32
        %dma_start3A_588 = tpu.memref_slice %arg19[%dma_start3A_587] : memref<6256xf32, #tpu.memory_space<vmem>> -> memref<6160xf32, #tpu.memory_space<vmem>>
        %dma_start3A_589 = tpu.memref_slice %arg13[%mul3A_12] : memref<100000xf32, #tpu.memory_space<vmem_shared>> -> memref<6160xf32, #tpu.memory_space<vmem_shared>>
        %dma_start3A_590 = tpu.memref_slice %arg13[%mul3A_12] : memref<100000xf32, #tpu.memory_space<vmem_shared>> -> memref<6160xf32, #tpu.memory_space<vmem_shared>>
        %dma_start3A_591 = arith.constant 0 : i32
        %dma_start3A_592 = tpu.memref_slice %arg19[%dma_start3A_591] : memref<6256xf32, #tpu.memory_space<vmem>> -> memref<6160xf32, #tpu.memory_space<vmem>>
        tpu.enqueue_dma source(%dma_start3A_592 : memref<6160xf32, #tpu.memory_space<vmem>>) target(%dma_start3A_590 : memref<6160xf32, #tpu.memory_space<vmem_shared>>) target_semaphore(%run_scoped3A_586 : memref<!tpu.dma_semaphore, #tpu.memory_space<semaphore_mem>>)
        %dma_wait3A_593 = arith.constant 0 : i32
        %dma_wait3A_594 = tpu.memref_slice %arg19[%dma_wait3A_593] : memref<6256xf32, #tpu.memory_space<vmem>> -> memref<6160xf32, #tpu.memory_space<vmem>>
        %dma_wait3A_595 = tpu.memref_slice %arg13[%mul3A_12] : memref<100000xf32, #tpu.memory_space<vmem_shared>> -> memref<6160xf32, #tpu.memory_space<vmem_shared>>
        %dma_wait3A_596 = tpu.memref_slice %arg13[%mul3A_12] : memref<100000xf32, #tpu.memory_space<vmem_shared>> -> memref<6160xf32, #tpu.memory_space<vmem_shared>>
        %dma_wait3A_597 = arith.constant 0 : i32
        %dma_wait3A_598 = tpu.memref_slice %arg19[%dma_wait3A_597] : memref<6256xf32, #tpu.memory_space<vmem>> -> memref<6160xf32, #tpu.memory_space<vmem>>
        tpu.wait_dma2 semaphore(%run_scoped3A_586 : memref<!tpu.dma_semaphore, #tpu.memory_space<semaphore_mem>>) src(%dma_wait3A_598 : memref<6160xf32, #tpu.memory_space<vmem>>) dst(%dma_wait3A_596 : memref<6160xf32, #tpu.memory_space<vmem_shared>>)
        tpu.yield
      }) : () -> ()
      "tpu.region"() ({
        %run_scoped3A_586 = tpu.sem_alloc : memref<!tpu.dma_semaphore, #tpu.memory_space<semaphore_mem>>
        %dma_start3A_587 = arith.constant 0 : i32
        %dma_start3A_588 = tpu.memref_slice %arg18[%dma_start3A_587] : memref<6256xf32, #tpu.memory_space<vmem>> -> memref<6160xf32, #tpu.memory_space<vmem>>
        %dma_start3A_589 = tpu.memref_slice %arg14[%mul3A_12] : memref<100000xf32, #tpu.memory_space<vmem_shared>> -> memref<6160xf32, #tpu.memory_space<vmem_shared>>
        %dma_start3A_590 = tpu.memref_slice %arg14[%mul3A_12] : memref<100000xf32, #tpu.memory_space<vmem_shared>> -> memref<6160xf32, #tpu.memory_space<vmem_shared>>
        %dma_start3A_591 = arith.constant 0 : i32
        %dma_start3A_592 = tpu.memref_slice %arg18[%dma_start3A_591] : memref<6256xf32, #tpu.memory_space<vmem>> -> memref<6160xf32, #tpu.memory_space<vmem>>
        tpu.enqueue_dma source(%dma_start3A_592 : memref<6160xf32, #tpu.memory_space<vmem>>) target(%dma_start3A_590 : memref<6160xf32, #tpu.memory_space<vmem_shared>>) target_semaphore(%run_scoped3A_586 : memref<!tpu.dma_semaphore, #tpu.memory_space<semaphore_mem>>)
        %dma_wait3A_593 = arith.constant 0 : i32
        %dma_wait3A_594 = tpu.memref_slice %arg18[%dma_wait3A_593] : memref<6256xf32, #tpu.memory_space<vmem>> -> memref<6160xf32, #tpu.memory_space<vmem>>
        %dma_wait3A_595 = tpu.memref_slice %arg14[%mul3A_12] : memref<100000xf32, #tpu.memory_space<vmem_shared>> -> memref<6160xf32, #tpu.memory_space<vmem_shared>>
        %dma_wait3A_596 = tpu.memref_slice %arg14[%mul3A_12] : memref<100000xf32, #tpu.memory_space<vmem_shared>> -> memref<6160xf32, #tpu.memory_space<vmem_shared>>
        %dma_wait3A_597 = arith.constant 0 : i32
        %dma_wait3A_598 = tpu.memref_slice %arg18[%dma_wait3A_597] : memref<6256xf32, #tpu.memory_space<vmem>> -> memref<6160xf32, #tpu.memory_space<vmem>>
        tpu.wait_dma2 semaphore(%run_scoped3A_586 : memref<!tpu.dma_semaphore, #tpu.memory_space<semaphore_mem>>) src(%dma_wait3A_598 : memref<6160xf32, #tpu.memory_space<vmem>>) dst(%dma_wait3A_596 : memref<6160xf32, #tpu.memory_space<vmem_shared>>)
        tpu.yield
      }) : () -> ()
      "tpu.region"() ({
        %run_scoped3A_586 = tpu.sem_alloc : memref<!tpu.dma_semaphore, #tpu.memory_space<semaphore_mem>>
        %dma_start3A_587 = arith.constant 0 : i32
        %dma_start3A_588 = tpu.memref_slice %arg18[%dma_start3A_587] : memref<6256xf32, #tpu.memory_space<vmem>> -> memref<6160xf32, #tpu.memory_space<vmem>>
        %dma_start3A_589 = tpu.memref_slice %arg15[%mul3A_12] : memref<100000xf32, #tpu.memory_space<vmem_shared>> -> memref<6160xf32, #tpu.memory_space<vmem_shared>>
        %dma_start3A_590 = tpu.memref_slice %arg15[%mul3A_12] : memref<100000xf32, #tpu.memory_space<vmem_shared>> -> memref<6160xf32, #tpu.memory_space<vmem_shared>>
        %dma_start3A_591 = arith.constant 0 : i32
        %dma_start3A_592 = tpu.memref_slice %arg18[%dma_start3A_591] : memref<6256xf32, #tpu.memory_space<vmem>> -> memref<6160xf32, #tpu.memory_space<vmem>>
        tpu.enqueue_dma source(%dma_start3A_592 : memref<6160xf32, #tpu.memory_space<vmem>>) target(%dma_start3A_590 : memref<6160xf32, #tpu.memory_space<vmem_shared>>) target_semaphore(%run_scoped3A_586 : memref<!tpu.dma_semaphore, #tpu.memory_space<semaphore_mem>>)
        %dma_wait3A_593 = arith.constant 0 : i32
        %dma_wait3A_594 = tpu.memref_slice %arg18[%dma_wait3A_593] : memref<6256xf32, #tpu.memory_space<vmem>> -> memref<6160xf32, #tpu.memory_space<vmem>>
        %dma_wait3A_595 = tpu.memref_slice %arg15[%mul3A_12] : memref<100000xf32, #tpu.memory_space<vmem_shared>> -> memref<6160xf32, #tpu.memory_space<vmem_shared>>
        %dma_wait3A_596 = tpu.memref_slice %arg15[%mul3A_12] : memref<100000xf32, #tpu.memory_space<vmem_shared>> -> memref<6160xf32, #tpu.memory_space<vmem_shared>>
        %dma_wait3A_597 = arith.constant 0 : i32
        %dma_wait3A_598 = tpu.memref_slice %arg18[%dma_wait3A_597] : memref<6256xf32, #tpu.memory_space<vmem>> -> memref<6160xf32, #tpu.memory_space<vmem>>
        tpu.wait_dma2 semaphore(%run_scoped3A_586 : memref<!tpu.dma_semaphore, #tpu.memory_space<semaphore_mem>>) src(%dma_wait3A_598 : memref<6160xf32, #tpu.memory_space<vmem>>) dst(%dma_wait3A_596 : memref<6160xf32, #tpu.memory_space<vmem_shared>>)
        tpu.yield
      }) : () -> ()
      "tpu.region"() ({
        %run_scoped3A_586 = tpu.sem_alloc : memref<!tpu.dma_semaphore, #tpu.memory_space<semaphore_mem>>
        %dma_start3A_587 = arith.constant 0 : i32
        %dma_start3A_588 = tpu.memref_slice %arg18[%dma_start3A_587] : memref<6256xf32, #tpu.memory_space<vmem>> -> memref<6160xf32, #tpu.memory_space<vmem>>
        %dma_start3A_589 = tpu.memref_slice %arg16[%mul3A_12] : memref<100000xf32, #tpu.memory_space<vmem_shared>> -> memref<6160xf32, #tpu.memory_space<vmem_shared>>
        %dma_start3A_590 = tpu.memref_slice %arg16[%mul3A_12] : memref<100000xf32, #tpu.memory_space<vmem_shared>> -> memref<6160xf32, #tpu.memory_space<vmem_shared>>
        %dma_start3A_591 = arith.constant 0 : i32
        %dma_start3A_592 = tpu.memref_slice %arg18[%dma_start3A_591] : memref<6256xf32, #tpu.memory_space<vmem>> -> memref<6160xf32, #tpu.memory_space<vmem>>
        tpu.enqueue_dma source(%dma_start3A_592 : memref<6160xf32, #tpu.memory_space<vmem>>) target(%dma_start3A_590 : memref<6160xf32, #tpu.memory_space<vmem_shared>>) target_semaphore(%run_scoped3A_586 : memref<!tpu.dma_semaphore, #tpu.memory_space<semaphore_mem>>)
        %dma_wait3A_593 = arith.constant 0 : i32
        %dma_wait3A_594 = tpu.memref_slice %arg18[%dma_wait3A_593] : memref<6256xf32, #tpu.memory_space<vmem>> -> memref<6160xf32, #tpu.memory_space<vmem>>
        %dma_wait3A_595 = tpu.memref_slice %arg16[%mul3A_12] : memref<100000xf32, #tpu.memory_space<vmem_shared>> -> memref<6160xf32, #tpu.memory_space<vmem_shared>>
        %dma_wait3A_596 = tpu.memref_slice %arg16[%mul3A_12] : memref<100000xf32, #tpu.memory_space<vmem_shared>> -> memref<6160xf32, #tpu.memory_space<vmem_shared>>
        %dma_wait3A_597 = arith.constant 0 : i32
        %dma_wait3A_598 = tpu.memref_slice %arg18[%dma_wait3A_597] : memref<6256xf32, #tpu.memory_space<vmem>> -> memref<6160xf32, #tpu.memory_space<vmem>>
        tpu.wait_dma2 semaphore(%run_scoped3A_586 : memref<!tpu.dma_semaphore, #tpu.memory_space<semaphore_mem>>) src(%dma_wait3A_598 : memref<6160xf32, #tpu.memory_space<vmem>>) dst(%dma_wait3A_596 : memref<6160xf32, #tpu.memory_space<vmem_shared>>)
        tpu.yield
      }) : () -> ()
      "tpu.region"() ({
        %run_scoped3A_586 = tpu.sem_alloc : memref<!tpu.dma_semaphore, #tpu.memory_space<semaphore_mem>>
        %dma_start3A_587 = arith.constant 0 : i32
        %dma_start3A_588 = tpu.memref_slice %arg18[%dma_start3A_587] : memref<6256xf32, #tpu.memory_space<vmem>> -> memref<6160xf32, #tpu.memory_space<vmem>>
        %dma_start3A_589 = tpu.memref_slice %arg17[%mul3A_12] : memref<100000xf32, #tpu.memory_space<vmem_shared>> -> memref<6160xf32, #tpu.memory_space<vmem_shared>>
        %dma_start3A_590 = tpu.memref_slice %arg17[%mul3A_12] : memref<100000xf32, #tpu.memory_space<vmem_shared>> -> memref<6160xf32, #tpu.memory_space<vmem_shared>>
        %dma_start3A_591 = arith.constant 0 : i32
        %dma_start3A_592 = tpu.memref_slice %arg18[%dma_start3A_591] : memref<6256xf32, #tpu.memory_space<vmem>> -> memref<6160xf32, #tpu.memory_space<vmem>>
        tpu.enqueue_dma source(%dma_start3A_592 : memref<6160xf32, #tpu.memory_space<vmem>>) target(%dma_start3A_590 : memref<6160xf32, #tpu.memory_space<vmem_shared>>) target_semaphore(%run_scoped3A_586 : memref<!tpu.dma_semaphore, #tpu.memory_space<semaphore_mem>>)
        %dma_wait3A_593 = arith.constant 0 : i32
        %dma_wait3A_594 = tpu.memref_slice %arg18[%dma_wait3A_593] : memref<6256xf32, #tpu.memory_space<vmem>> -> memref<6160xf32, #tpu.memory_space<vmem>>
        %dma_wait3A_595 = tpu.memref_slice %arg17[%mul3A_12] : memref<100000xf32, #tpu.memory_space<vmem_shared>> -> memref<6160xf32, #tpu.memory_space<vmem_shared>>
        %dma_wait3A_596 = tpu.memref_slice %arg17[%mul3A_12] : memref<100000xf32, #tpu.memory_space<vmem_shared>> -> memref<6160xf32, #tpu.memory_space<vmem_shared>>
        %dma_wait3A_597 = arith.constant 0 : i32
        %dma_wait3A_598 = tpu.memref_slice %arg18[%dma_wait3A_597] : memref<6256xf32, #tpu.memory_space<vmem>> -> memref<6160xf32, #tpu.memory_space<vmem>>
        tpu.wait_dma2 semaphore(%run_scoped3A_586 : memref<!tpu.dma_semaphore, #tpu.memory_space<semaphore_mem>>) src(%dma_wait3A_598 : memref<6160xf32, #tpu.memory_space<vmem>>) dst(%dma_wait3A_596 : memref<6160xf32, #tpu.memory_space<vmem_shared>>)
        tpu.yield
      }) : () -> ()
    } else {
    }
    "tpu.region"() ({
      %run_scoped3A_586 = tpu.sem_alloc : memref<!tpu.dma_semaphore, #tpu.memory_space<semaphore_mem>>
      tpu.enqueue_dma source(%arg6 : memref<8xf32, #tpu.memory_space<hbm>>) target(%arg33 : memref<8xf32, #tpu.memory_space<vmem>>) target_semaphore(%run_scoped3A_586 : memref<!tpu.dma_semaphore, #tpu.memory_space<semaphore_mem>>)
      tpu.wait_dma2 semaphore(%run_scoped3A_586 : memref<!tpu.dma_semaphore, #tpu.memory_space<semaphore_mem>>) src(%arg6 : memref<8xf32, #tpu.memory_space<hbm>>) dst(%arg33 : memref<8xf32, #tpu.memory_space<vmem>>)
      tpu.yield
    }) : () -> ()
    "tpu.region"() ({
      %run_scoped3A_586 = tpu.sem_alloc : memref<!tpu.dma_semaphore, #tpu.memory_space<semaphore_mem>>
      tpu.enqueue_dma source(%arg7 : memref<8xi32, #tpu.memory_space<hbm>>) target(%arg34 : memref<8xi32, #tpu.memory_space<vmem>>) target_semaphore(%run_scoped3A_586 : memref<!tpu.dma_semaphore, #tpu.memory_space<semaphore_mem>>)
      tpu.wait_dma2 semaphore(%run_scoped3A_586 : memref<!tpu.dma_semaphore, #tpu.memory_space<semaphore_mem>>) src(%arg7 : memref<8xi32, #tpu.memory_space<hbm>>) dst(%arg34 : memref<8xi32, #tpu.memory_space<vmem>>)
      tpu.yield
    }) : () -> ()
    %gather3A = tpu.vector_load_idx %arg33[%add3A_4] : memref<8xf32, #tpu.memory_space<vmem>>[vector<16xi32>], vector<16xf32>,
    %add3A_19 = arith.constant 1 : i32
    %add3A_20 = vector.broadcast %add3A_19 : i32 to vector<16xi32>
    %add3A_21 = arith.addi %add3A_4, %add3A_20 : vector<16xi32>
    %gather3A_22 = tpu.vector_load_idx %arg33[%add3A_21] : memref<8xf32, #tpu.memory_space<vmem>>[vector<16xi32>], vector<16xf32>,
    %add3A_23 = arith.constant 2 : i32
    %add3A_24 = vector.broadcast %add3A_23 : i32 to vector<16xi32>
    %add3A_25 = arith.addi %add3A_4, %add3A_24 : vector<16xi32>
    %gather3A_26 = tpu.vector_load_idx %arg33[%add3A_25] : memref<8xf32, #tpu.memory_space<vmem>>[vector<16xi32>], vector<16xf32>,
    %add3A_27 = arith.constant 3 : i32
    %add3A_28 = vector.broadcast %add3A_27 : i32 to vector<16xi32>
    %add3A_29 = arith.addi %add3A_4, %add3A_28 : vector<16xi32>
    %gather3A_30 = tpu.vector_load_idx %arg33[%add3A_29] : memref<8xf32, #tpu.memory_space<vmem>>[vector<16xi32>], vector<16xf32>,
    %gather3A_31 = tpu.vector_load_idx %arg34[%add3A_4] : memref<8xi32, #tpu.memory_space<vmem>>[vector<16xi32>], vector<16xi32>,
    %add3A_32 = arith.constant 1 : i32
    %add3A_33 = vector.broadcast %add3A_32 : i32 to vector<16xi32>
    %add3A_34 = arith.addi %add3A_4, %add3A_33 : vector<16xi32>
    %gather3A_35 = tpu.vector_load_idx %arg34[%add3A_34] : memref<8xi32, #tpu.memory_space<vmem>>[vector<16xi32>], vector<16xi32>,
    %swap3A = arith.constant 0 : index
    %swap3A_36 = tpu.vector_load %arg32[%swap3A] {strides = array<i32>} : memref<16xi32, #tpu.memory_space<vmem>>, vector<16xi32>,
    tpu.vector_store %arg32[%swap3A], %broadcast_in_dim3A_1 {strides = array<i32>} : memref<16xi32, #tpu.memory_space<vmem>>, vector<16xi32>,
    %barrier3A = arith.constant 0 : index
    tpu.barrier barrier_id(%barrier3A)
    %mul3A_37 = arith.constant 50000 : i32
    %mul3A_38 = arith.muli %add3A, %mul3A_37 : i32
    "tpu.region"() ({
      %run_scoped3A_586 = tpu.sem_alloc : memref<!tpu.dma_semaphore, #tpu.memory_space<semaphore_mem>>
      %dma_start3A_587 = tpu.memref_slice %arg3[%mul3A_38] : memref<3200000xi32, #tpu.memory_space<hbm>> -> memref<80xi32, #tpu.memory_space<hbm>>
      %dma_start3A_588 = tpu.memref_slice %arg3[%mul3A_38] : memref<3200000xi32, #tpu.memory_space<hbm>> -> memref<80xi32, #tpu.memory_space<hbm>>
      tpu.enqueue_dma source(%dma_start3A_588 : memref<80xi32, #tpu.memory_space<hbm>>) target(%arg24 : memref<80xi32, #tpu.memory_space<vmem>>) target_semaphore(%run_scoped3A_586 : memref<!tpu.dma_semaphore, #tpu.memory_space<semaphore_mem>>)
      %dma_wait3A_589 = tpu.memref_slice %arg3[%mul3A_38] : memref<3200000xi32, #tpu.memory_space<hbm>> -> memref<80xi32, #tpu.memory_space<hbm>>
      %dma_wait3A_590 = tpu.memref_slice %arg3[%mul3A_38] : memref<3200000xi32, #tpu.memory_space<hbm>> -> memref<80xi32, #tpu.memory_space<hbm>>
      tpu.wait_dma2 semaphore(%run_scoped3A_586 : memref<!tpu.dma_semaphore, #tpu.memory_space<semaphore_mem>>) src(%dma_wait3A_590 : memref<80xi32, #tpu.memory_space<hbm>>) dst(%arg24 : memref<80xi32, #tpu.memory_space<vmem>>)
      tpu.yield
    }) : () -> ()
    %add3A_39 = arith.constant 1600000 : i32
    %add3A_40 = arith.addi %add3A_39, %mul3A_38 : i32
    "tpu.region"() ({
      %run_scoped3A_586 = tpu.sem_alloc : memref<!tpu.dma_semaphore, #tpu.memory_space<semaphore_mem>>
      %dma_start3A_587 = tpu.memref_slice %arg3[%add3A_40] : memref<3200000xi32, #tpu.memory_space<hbm>> -> memref<80xi32, #tpu.memory_space<hbm>>
      %dma_start3A_588 = tpu.memref_slice %arg3[%add3A_40] : memref<3200000xi32, #tpu.memory_space<hbm>> -> memref<80xi32, #tpu.memory_space<hbm>>
      tpu.enqueue_dma source(%dma_start3A_588 : memref<80xi32, #tpu.memory_space<hbm>>) target(%arg25 : memref<80xi32, #tpu.memory_space<vmem>>) target_semaphore(%run_scoped3A_586 : memref<!tpu.dma_semaphore, #tpu.memory_space<semaphore_mem>>)
      %dma_wait3A_589 = tpu.memref_slice %arg3[%add3A_40] : memref<3200000xi32, #tpu.memory_space<hbm>> -> memref<80xi32, #tpu.memory_space<hbm>>
      %dma_wait3A_590 = tpu.memref_slice %arg3[%add3A_40] : memref<3200000xi32, #tpu.memory_space<hbm>> -> memref<80xi32, #tpu.memory_space<hbm>>
      tpu.wait_dma2 semaphore(%run_scoped3A_586 : memref<!tpu.dma_semaphore, #tpu.memory_space<semaphore_mem>>) src(%dma_wait3A_590 : memref<80xi32, #tpu.memory_space<hbm>>) dst(%arg25 : memref<80xi32, #tpu.memory_space<vmem>>)
      tpu.yield
    }) : () -> ()
    %run_scoped3A = arith.constant 0 : i32
    "tpu.region"() ({
      %run_scoped3A_586 = tpu.sem_alloc : memref<!tpu.dma_semaphore, #tpu.memory_space<semaphore_mem>>
      %dma_start3A_587 = arith.constant 0 : i32
      %dma_start3A_588 = tpu.memref_slice %arg22[%run_scoped3A, %dma_start3A_587] : memref<2x128xf32, #tpu.memory_space<vmem>> -> memref<1x128xf32, #tpu.memory_space<vmem>>
      %dma_start3A_589 = tpu.memref_squeeze %dma_start3A_588 : memref<1x128xf32, #tpu.memory_space<vmem>> -> memref<128xf32, #tpu.memory_space<vmem>>
      %dma_start3A_590 = arith.constant 0 : i32
      %dma_start3A_591 = tpu.memref_slice %dma_start3A_589[%dma_start3A_590] : memref<128xf32, #tpu.memory_space<vmem>> -> memref<80xf32, #tpu.memory_space<vmem>>
      %dma_start3A_592 = tpu.memref_slice %arg4[%mul3A_38] : memref<1600000xf32, #tpu.memory_space<hbm>> -> memref<80xf32, #tpu.memory_space<hbm>>
      %dma_start3A_593 = arith.constant 0 : i32
      %dma_start3A_594 = tpu.memref_slice %arg22[%run_scoped3A, %dma_start3A_593] : memref<2x128xf32, #tpu.memory_space<vmem>> -> memref<1x128xf32, #tpu.memory_space<vmem>>
      %dma_start3A_595 = tpu.memref_squeeze %dma_start3A_594 : memref<1x128xf32, #tpu.memory_space<vmem>> -> memref<128xf32, #tpu.memory_space<vmem>>
      %dma_start3A_596 = arith.constant 0 : i32
      %dma_start3A_597 = tpu.memref_slice %dma_start3A_595[%dma_start3A_596] : memref<128xf32, #tpu.memory_space<vmem>> -> memref<80xf32, #tpu.memory_space<vmem>>
      %dma_start3A_598 = tpu.memref_slice %arg4[%mul3A_38] : memref<1600000xf32, #tpu.memory_space<hbm>> -> memref<80xf32, #tpu.memory_space<hbm>>
      tpu.enqueue_dma source(%dma_start3A_598 : memref<80xf32, #tpu.memory_space<hbm>>) target(%dma_start3A_597 : memref<80xf32, #tpu.memory_space<vmem>>) target_semaphore(%run_scoped3A_586 : memref<!tpu.dma_semaphore, #tpu.memory_space<semaphore_mem>>)
      %dma_wait3A_599 = arith.constant 0 : i32
      %dma_wait3A_600 = tpu.memref_slice %arg22[%run_scoped3A, %dma_wait3A_599] : memref<2x128xf32, #tpu.memory_space<vmem>> -> memref<1x128xf32, #tpu.memory_space<vmem>>
      %dma_wait3A_601 = tpu.memref_squeeze %dma_wait3A_600 : memref<1x128xf32, #tpu.memory_space<vmem>> -> memref<128xf32, #tpu.memory_space<vmem>>
      %dma_wait3A_602 = arith.constant 0 : i32
      %dma_wait3A_603 = tpu.memref_slice %dma_wait3A_601[%dma_wait3A_602] : memref<128xf32, #tpu.memory_space<vmem>> -> memref<80xf32, #tpu.memory_space<vmem>>
      %dma_wait3A_604 = tpu.memref_slice %arg4[%mul3A_38] : memref<1600000xf32, #tpu.memory_space<hbm>> -> memref<80xf32, #tpu.memory_space<hbm>>
      %dma_wait3A_605 = arith.constant 0 : i32
      %dma_wait3A_606 = tpu.memref_slice %arg22[%run_scoped3A, %dma_wait3A_605] : memref<2x128xf32, #tpu.memory_space<vmem>> -> memref<1x128xf32, #tpu.memory_space<vmem>>
      %dma_wait3A_607 = tpu.memref_squeeze %dma_wait3A_606 : memref<1x128xf32, #tpu.memory_space<vmem>> -> memref<128xf32, #tpu.memory_space<vmem>>
      %dma_wait3A_608 = arith.constant 0 : i32
      %dma_wait3A_609 = tpu.memref_slice %dma_wait3A_607[%dma_wait3A_608] : memref<128xf32, #tpu.memory_space<vmem>> -> memref<80xf32, #tpu.memory_space<vmem>>
      %dma_wait3A_610 = tpu.memref_slice %arg4[%mul3A_38] : memref<1600000xf32, #tpu.memory_space<hbm>> -> memref<80xf32, #tpu.memory_space<hbm>>
      tpu.wait_dma2 semaphore(%run_scoped3A_586 : memref<!tpu.dma_semaphore, #tpu.memory_space<semaphore_mem>>) src(%dma_wait3A_610 : memref<80xf32, #tpu.memory_space<hbm>>) dst(%dma_wait3A_609 : memref<80xf32, #tpu.memory_space<vmem>>)
      tpu.yield
    }) : () -> ()
    %run_scoped3A_41 = arith.constant 0 : i32
    "tpu.region"() ({
      %run_scoped3A_586 = tpu.sem_alloc : memref<!tpu.dma_semaphore, #tpu.memory_space<semaphore_mem>>
      %dma_start3A_587 = arith.constant 0 : i32
      %dma_start3A_588 = tpu.memref_slice %arg23[%run_scoped3A_41, %dma_start3A_587] : memref<2x128xf32, #tpu.memory_space<vmem>> -> memref<1x128xf32, #tpu.memory_space<vmem>>
      %dma_start3A_589 = tpu.memref_squeeze %dma_start3A_588 : memref<1x128xf32, #tpu.memory_space<vmem>> -> memref<128xf32, #tpu.memory_space<vmem>>
      %dma_start3A_590 = arith.constant 0 : i32
      %dma_start3A_591 = tpu.memref_slice %dma_start3A_589[%dma_start3A_590] : memref<128xf32, #tpu.memory_space<vmem>> -> memref<80xf32, #tpu.memory_space<vmem>>
      %dma_start3A_592 = tpu.memref_slice %arg5[%mul3A_38] : memref<1600000xf32, #tpu.memory_space<hbm>> -> memref<80xf32, #tpu.memory_space<hbm>>
      %dma_start3A_593 = arith.constant 0 : i32
      %dma_start3A_594 = tpu.memref_slice %arg23[%run_scoped3A_41, %dma_start3A_593] : memref<2x128xf32, #tpu.memory_space<vmem>> -> memref<1x128xf32, #tpu.memory_space<vmem>>
      %dma_start3A_595 = tpu.memref_squeeze %dma_start3A_594 : memref<1x128xf32, #tpu.memory_space<vmem>> -> memref<128xf32, #tpu.memory_space<vmem>>
      %dma_start3A_596 = arith.constant 0 : i32
      %dma_start3A_597 = tpu.memref_slice %dma_start3A_595[%dma_start3A_596] : memref<128xf32, #tpu.memory_space<vmem>> -> memref<80xf32, #tpu.memory_space<vmem>>
      %dma_start3A_598 = tpu.memref_slice %arg5[%mul3A_38] : memref<1600000xf32, #tpu.memory_space<hbm>> -> memref<80xf32, #tpu.memory_space<hbm>>
      tpu.enqueue_dma source(%dma_start3A_598 : memref<80xf32, #tpu.memory_space<hbm>>) target(%dma_start3A_597 : memref<80xf32, #tpu.memory_space<vmem>>) target_semaphore(%run_scoped3A_586 : memref<!tpu.dma_semaphore, #tpu.memory_space<semaphore_mem>>)
      %dma_wait3A_599 = arith.constant 0 : i32
      %dma_wait3A_600 = tpu.memref_slice %arg23[%run_scoped3A_41, %dma_wait3A_599] : memref<2x128xf32, #tpu.memory_space<vmem>> -> memref<1x128xf32, #tpu.memory_space<vmem>>
      %dma_wait3A_601 = tpu.memref_squeeze %dma_wait3A_600 : memref<1x128xf32, #tpu.memory_space<vmem>> -> memref<128xf32, #tpu.memory_space<vmem>>
      %dma_wait3A_602 = arith.constant 0 : i32
      %dma_wait3A_603 = tpu.memref_slice %dma_wait3A_601[%dma_wait3A_602] : memref<128xf32, #tpu.memory_space<vmem>> -> memref<80xf32, #tpu.memory_space<vmem>>
      %dma_wait3A_604 = tpu.memref_slice %arg5[%mul3A_38] : memref<1600000xf32, #tpu.memory_space<hbm>> -> memref<80xf32, #tpu.memory_space<hbm>>
      %dma_wait3A_605 = arith.constant 0 : i32
      %dma_wait3A_606 = tpu.memref_slice %arg23[%run_scoped3A_41, %dma_wait3A_605] : memref<2x128xf32, #tpu.memory_space<vmem>> -> memref<1x128xf32, #tpu.memory_space<vmem>>
      %dma_wait3A_607 = tpu.memref_squeeze %dma_wait3A_606 : memref<1x128xf32, #tpu.memory_space<vmem>> -> memref<128xf32, #tpu.memory_space<vmem>>
      %dma_wait3A_608 = arith.constant 0 : i32
      %dma_wait3A_609 = tpu.memref_slice %dma_wait3A_607[%dma_wait3A_608] : memref<128xf32, #tpu.memory_space<vmem>> -> memref<80xf32, #tpu.memory_space<vmem>>
      %dma_wait3A_610 = tpu.memref_slice %arg5[%mul3A_38] : memref<1600000xf32, #tpu.memory_space<hbm>> -> memref<80xf32, #tpu.memory_space<hbm>>
      tpu.wait_dma2 semaphore(%run_scoped3A_586 : memref<!tpu.dma_semaphore, #tpu.memory_space<semaphore_mem>>) src(%dma_wait3A_610 : memref<80xf32, #tpu.memory_space<hbm>>) dst(%dma_wait3A_609 : memref<80xf32, #tpu.memory_space<vmem>>)
      tpu.yield
    }) : () -> ()
    %dma_start3A = arith.constant 0 : i32
    %dma_start3A_42 = tpu.memref_slice %arg26[%dma_start3A] : memref<128xf32, #tpu.memory_space<vmem>> -> memref<80xf32, #tpu.memory_space<vmem>>
    %dma_start3A_43 = arith.constant 0 : i32
    %dma_start3A_44 = tpu.memref_slice %arg13[%dma_start3A_43] : memref<100000xf32, #tpu.memory_space<vmem_shared>> -> memref<100000xf32, #tpu.memory_space<vmem_shared>>
    tpu.enqueue_indirect_dma source(%dma_start3A_44 : memref<100000xf32, #tpu.memory_space<vmem_shared>>) target(%dma_start3A_42 : memref<80xf32, #tpu.memory_space<vmem>>) offsets(%arg24 : memref<80xi32, #tpu.memory_space<vmem>>) semaphore(%arg35 : memref<!tpu.dma_semaphore, #tpu.memory_space<semaphore_mem>>)
    %dma_start3A_45 = arith.constant 0 : i32
    %dma_start3A_46 = tpu.memref_slice %arg27[%dma_start3A_45] : memref<128xf32, #tpu.memory_space<vmem>> -> memref<80xf32, #tpu.memory_space<vmem>>
    %dma_start3A_47 = arith.constant 0 : i32
    %dma_start3A_48 = tpu.memref_slice %arg13[%dma_start3A_47] : memref<100000xf32, #tpu.memory_space<vmem_shared>> -> memref<100000xf32, #tpu.memory_space<vmem_shared>>
    tpu.enqueue_indirect_dma source(%dma_start3A_48 : memref<100000xf32, #tpu.memory_space<vmem_shared>>) target(%dma_start3A_46 : memref<80xf32, #tpu.memory_space<vmem>>) offsets(%arg25 : memref<80xi32, #tpu.memory_space<vmem>>) semaphore(%arg35 : memref<!tpu.dma_semaphore, #tpu.memory_space<semaphore_mem>>)
    %dma_wait3A = arith.constant 0 : i32
    %dma_wait3A_49 = tpu.memref_slice %arg26[%dma_wait3A] : memref<128xf32, #tpu.memory_space<vmem>> -> memref<80xf32, #tpu.memory_space<vmem>>
    %dma_wait3A_50 = arith.constant 0 : i32
    %dma_wait3A_51 = tpu.memref_slice %arg13[%dma_wait3A_50] : memref<100000xf32, #tpu.memory_space<vmem_shared>> -> memref<100000xf32, #tpu.memory_space<vmem_shared>>
    tpu.wait_indirect_dma semaphore(%arg35 : memref<!tpu.dma_semaphore, #tpu.memory_space<semaphore_mem>>) src(%dma_wait3A_51 : memref<100000xf32, #tpu.memory_space<vmem_shared>>) dst(%dma_wait3A_49 : memref<80xf32, #tpu.memory_space<vmem>>)
    %dma_wait3A_52 = arith.constant 0 : i32
    %dma_wait3A_53 = tpu.memref_slice %arg27[%dma_wait3A_52] : memref<128xf32, #tpu.memory_space<vmem>> -> memref<80xf32, #tpu.memory_space<vmem>>
    %dma_wait3A_54 = arith.constant 0 : i32
    %dma_wait3A_55 = tpu.memref_slice %arg13[%dma_wait3A_54] : memref<100000xf32, #tpu.memory_space<vmem_shared>> -> memref<100000xf32, #tpu.memory_space<vmem_shared>>
    tpu.wait_indirect_dma semaphore(%arg35 : memref<!tpu.dma_semaphore, #tpu.memory_space<semaphore_mem>>) src(%dma_wait3A_55 : memref<100000xf32, #tpu.memory_space<vmem_shared>>) dst(%dma_wait3A_53 : memref<80xf32, #tpu.memory_space<vmem>>)
    %get3A = arith.constant 0 : index
    %get3A_56 = tpu.vector_load %arg24[%get3A] {strides = array<i32>} : memref<80xi32, #tpu.memory_space<vmem>>, vector<16xi32>,
    %get3A_57 = arith.constant 0 : index
    %get3A_58 = tpu.vector_load %arg25[%get3A_57] {strides = array<i32>} : memref<80xi32, #tpu.memory_space<vmem>>, vector<16xi32>,
    %get3A_59 = arith.constant 0 : index
    %get3A_60 = tpu.vector_load %arg26[%get3A_59] {strides = array<i32>} : memref<128xf32, #tpu.memory_space<vmem>>, vector<16xf32>,
    %bitcast3A = vector.bitcast %get3A_60 : vector<16xf32> to vector<32xbf16>
    %unpack3A = tpu.unpack_subelements %bitcast3A, 0 {pack_format = #tpu.pack_format<interleaved>} : vector<32xbf16> -> vector<16xf32>
    %unpack3A_61 = tpu.unpack_subelements %bitcast3A, 1 {pack_format = #tpu.pack_format<interleaved>} : vector<32xbf16> -> vector<16xf32>
    %get3A_62 = arith.constant 0 : index
    %get3A_63 = tpu.vector_load %arg27[%get3A_62] {strides = array<i32>} : memref<128xf32, #tpu.memory_space<vmem>>, vector<16xf32>,
    %bitcast3A_64 = vector.bitcast %get3A_63 : vector<16xf32> to vector<32xbf16>
    %unpack3A_65 = tpu.unpack_subelements %bitcast3A_64, 0 {pack_format = #tpu.pack_format<interleaved>} : vector<32xbf16> -> vector<16xf32>
    %unpack3A_66 = tpu.unpack_subelements %bitcast3A_64, 1 {pack_format = #tpu.pack_format<interleaved>} : vector<32xbf16> -> vector<16xf32>
    %get3A_67 = arith.constant 0 : i32
    %get3A_68 = arith.constant 0 : i32
    %get3A_69 = tpu.memref_slice %arg22[%get3A_67, %get3A_68] : memref<2x128xf32, #tpu.memory_space<vmem>> -> memref<1x128xf32, #tpu.memory_space<vmem>>
    %get3A_70 = tpu.memref_squeeze %get3A_69 : memref<1x128xf32, #tpu.memory_space<vmem>> -> memref<128xf32, #tpu.memory_space<vmem>>
    %get3A_71 = arith.constant 0 : index
    %get3A_72 = tpu.vector_load %get3A_70[%get3A_71] {strides = array<i32>} : memref<128xf32, #tpu.memory_space<vmem>>, vector<16xf32>,
    %mul3A_73 = arith.mulf %get3A_72, %gather3A : vector<16xf32>
    %add3A_74 = arith.addf %mul3A_73, %gather3A_26 : vector<16xf32>
    %get3A_75 = arith.constant 0 : i32
    %get3A_76 = arith.constant 0 : i32
    %get3A_77 = tpu.memref_slice %arg23[%get3A_75, %get3A_76] : memref<2x128xf32, #tpu.memory_space<vmem>> -> memref<1x128xf32, #tpu.memory_space<vmem>>
    %get3A_78 = tpu.memref_squeeze %get3A_77 : memref<1x128xf32, #tpu.memory_space<vmem>> -> memref<128xf32, #tpu.memory_space<vmem>>
    %get3A_79 = arith.constant 0 : index
    %get3A_80 = tpu.vector_load %get3A_78[%get3A_79] {strides = array<i32>} : memref<128xf32, #tpu.memory_space<vmem>>, vector<16xf32>,
    %mul3A_81 = arith.mulf %get3A_80, %gather3A_22 : vector<16xf32>
    %add3A_82 = arith.addf %mul3A_81, %gather3A_30 : vector<16xf32>
    %mul3A_83 = arith.mulf %add3A_74, %add3A_74 : vector<16xf32>
    %mul3A_84 = arith.mulf %add3A_82, %add3A_82 : vector<16xf32>
    %add3A_85 = arith.addf %mul3A_83, %mul3A_84 : vector<16xf32>
    %div3A = arith.constant 1.000000e+00 : f32
    %div3A_86 = vector.broadcast %div3A : f32 to vector<16xf32>
    %div3A_87 = arith.divf %div3A_86, %add3A_85 : vector<16xf32>
    %mul3A_88 = arith.mulf %add3A_74, %div3A_87 : vector<16xf32>
    %mul3A_89 = arith.mulf %add3A_82, %div3A_87 : vector<16xf32>
    %neg3A = arith.constant 0.000000e+00 : f32
    %neg3A_90 = vector.broadcast %neg3A : f32 to vector<16xf32>
    %neg3A_91 = arith.subf %neg3A_90, %mul3A_89 : vector<16xf32>
    %mul3A_92 = arith.mulf %unpack3A, %unpack3A_65 : vector<16xf32>
    %mul3A_93 = arith.mulf %unpack3A_61, %unpack3A_66 : vector<16xf32>
    %add3A_94 = arith.addf %mul3A_92, %mul3A_93 : vector<16xf32>
    %mul3A_95 = arith.mulf %unpack3A_61, %unpack3A_65 : vector<16xf32>
    %mul3A_96 = arith.mulf %unpack3A, %unpack3A_66 : vector<16xf32>
    %sub3A = arith.subf %mul3A_95, %mul3A_96 : vector<16xf32>
    %mul3A_97 = arith.mulf %unpack3A, %unpack3A : vector<16xf32>
    %sub3A_98 = arith.subf %add3A_94, %mul3A_97 : vector<16xf32>
    %mul3A_99 = arith.mulf %unpack3A_61, %unpack3A_61 : vector<16xf32>
    %sub3A_100 = arith.subf %sub3A_98, %mul3A_99 : vector<16xf32>
    %mul3A_101 = arith.mulf %unpack3A_65, %unpack3A_65 : vector<16xf32>
    %sub3A_102 = arith.subf %add3A_94, %mul3A_101 : vector<16xf32>
    %mul3A_103 = arith.mulf %unpack3A_66, %unpack3A_66 : vector<16xf32>
    %sub3A_104 = arith.subf %sub3A_102, %mul3A_103 : vector<16xf32>
    %mul3A_105 = arith.mulf %mul3A_88, %sub3A : vector<16xf32>
    %mul3A_106 = arith.mulf %neg3A_91, %sub3A : vector<16xf32>
    %mul3A_107 = arith.mulf %mul3A_88, %sub3A_100 : vector<16xf32>
    %add3A_108 = arith.addf %mul3A_107, %mul3A_106 : vector<16xf32>
    %swap3A_109 = arith.constant 0 : index
    %swap3A_110 = tpu.vector_load %arg28[%swap3A_109] {strides = array<i32>} : memref<128xf32, #tpu.memory_space<vmem>>, vector<16xf32>,
    tpu.vector_store %arg28[%swap3A_109], %add3A_108 {strides = array<i32>} : memref<128xf32, #tpu.memory_space<vmem>>, vector<16xf32>,
    %mul3A_111 = arith.mulf %neg3A_91, %sub3A_100 : vector<16xf32>
    %sub3A_112 = arith.subf %mul3A_105, %mul3A_111 : vector<16xf32>
    %swap3A_113 = arith.constant 0 : index
    %swap3A_114 = tpu.vector_load %arg29[%swap3A_113] {strides = array<i32>} : memref<128xf32, #tpu.memory_space<vmem>>, vector<16xf32>,
    tpu.vector_store %arg29[%swap3A_113], %sub3A_112 {strides = array<i32>} : memref<128xf32, #tpu.memory_space<vmem>>, vector<16xf32>,
    %mul3A_115 = arith.mulf %mul3A_88, %sub3A_104 : vector<16xf32>
    %sub3A_116 = arith.subf %mul3A_115, %mul3A_106 : vector<16xf32>
    %swap3A_117 = arith.constant 0 : index
    %swap3A_118 = tpu.vector_load %arg30[%swap3A_117] {strides = array<i32>} : memref<128xf32, #tpu.memory_space<vmem>>, vector<16xf32>,
    tpu.vector_store %arg30[%swap3A_117], %sub3A_116 {strides = array<i32>} : memref<128xf32, #tpu.memory_space<vmem>>, vector<16xf32>,
    %neg3A_119 = arith.constant 0.000000e+00 : f32
    %neg3A_120 = vector.broadcast %neg3A_119 : f32 to vector<16xf32>
    %neg3A_121 = arith.subf %neg3A_120, %mul3A_105 : vector<16xf32>
    %mul3A_122 = arith.mulf %neg3A_91, %sub3A_104 : vector<16xf32>
    %sub3A_123 = arith.subf %neg3A_121, %mul3A_122 : vector<16xf32>
    %swap3A_124 = arith.constant 0 : index
    %swap3A_125 = tpu.vector_load %arg31[%swap3A_124] {strides = array<i32>} : memref<128xf32, #tpu.memory_space<vmem>>, vector<16xf32>,
    tpu.vector_store %arg31[%swap3A_124], %sub3A_123 {strides = array<i32>} : memref<128xf32, #tpu.memory_space<vmem>>, vector<16xf32>,
    %eq3A_126 = arith.cmpi eq, %get3A_56, %gather3A_35 : vector<16xi32>
    %eq3A_127 = arith.cmpi eq, %get3A_58, %gather3A_31 : vector<16xi32>
    %and3A = arith.andi %eq3A_126, %eq3A_127 : vector<16xi1>
    %get3A_128 = arith.constant 0 : index
    %get3A_129 = tpu.vector_load %arg32[%get3A_128] {strides = array<i32>} : memref<16xi32, #tpu.memory_space<vmem>>, vector<16xi32>,
    %jit3A = arith.constant 1 : i32
    %jit3A_130 = arith.constant 0 : i32
    %broadcast_in_dim3A_131 = vector.broadcast %jit3A : i32 to vector<16xi32>
    %broadcast_in_dim3A_132 = vector.broadcast %jit3A_130 : i32 to vector<16xi32>
    %select_n3A = arith.select %and3A, %broadcast_in_dim3A_131, %broadcast_in_dim3A_132 : vector<16xi1>, vector<16xi32>
    %or3A = arith.ori %get3A_129, %select_n3A : vector<16xi32>
    %swap3A_133 = arith.constant 0 : index
    %swap3A_134 = tpu.vector_load %arg32[%swap3A_133] {strides = array<i32>} : memref<16xi32, #tpu.memory_space<vmem>>, vector<16xi32>,
    tpu.vector_store %arg32[%swap3A_133], %or3A {strides = array<i32>} : memref<16xi32, #tpu.memory_space<vmem>>, vector<16xi32>,
    %get3A_135 = arith.constant 16 : index
    %get3A_136 = tpu.vector_load %arg24[%get3A_135] {strides = array<i32>} : memref<80xi32, #tpu.memory_space<vmem>>, vector<16xi32>,
    %get3A_137 = arith.constant 16 : index
    %get3A_138 = tpu.vector_load %arg25[%get3A_137] {strides = array<i32>} : memref<80xi32, #tpu.memory_space<vmem>>, vector<16xi32>,
    %get3A_139 = arith.constant 16 : index
    %get3A_140 = tpu.vector_load %arg26[%get3A_139] {strides = array<i32>} : memref<128xf32, #tpu.memory_space<vmem>>, vector<16xf32>,
    %bitcast3A_141 = vector.bitcast %get3A_140 : vector<16xf32> to vector<32xbf16>
    %unpack3A_142 = tpu.unpack_subelements %bitcast3A_141, 0 {pack_format = #tpu.pack_format<interleaved>} : vector<32xbf16> -> vector<16xf32>
    %unpack3A_143 = tpu.unpack_subelements %bitcast3A_141, 1 {pack_format = #tpu.pack_format<interleaved>} : vector<32xbf16> -> vector<16xf32>
    %get3A_144 = arith.constant 16 : index
    %get3A_145 = tpu.vector_load %arg27[%get3A_144] {strides = array<i32>} : memref<128xf32, #tpu.memory_space<vmem>>, vector<16xf32>,
    %bitcast3A_146 = vector.bitcast %get3A_145 : vector<16xf32> to vector<32xbf16>
    %unpack3A_147 = tpu.unpack_subelements %bitcast3A_146, 0 {pack_format = #tpu.pack_format<interleaved>} : vector<32xbf16> -> vector<16xf32>
    %unpack3A_148 = tpu.unpack_subelements %bitcast3A_146, 1 {pack_format = #tpu.pack_format<interleaved>} : vector<32xbf16> -> vector<16xf32>
    %get3A_149 = arith.constant 0 : i32
    %get3A_150 = arith.constant 0 : i32
    %get3A_151 = tpu.memref_slice %arg22[%get3A_149, %get3A_150] : memref<2x128xf32, #tpu.memory_space<vmem>> -> memref<1x128xf32, #tpu.memory_space<vmem>>
    %get3A_152 = tpu.memref_squeeze %get3A_151 : memref<1x128xf32, #tpu.memory_space<vmem>> -> memref<128xf32, #tpu.memory_space<vmem>>
    %get3A_153 = arith.constant 16 : index
    %get3A_154 = tpu.vector_load %get3A_152[%get3A_153] {strides = array<i32>} : memref<128xf32, #tpu.memory_space<vmem>>, vector<16xf32>,
    %mul3A_155 = arith.mulf %get3A_154, %gather3A : vector<16xf32>
    %add3A_156 = arith.addf %mul3A_155, %gather3A_26 : vector<16xf32>
    %get3A_157 = arith.constant 0 : i32
    %get3A_158 = arith.constant 0 : i32
    %get3A_159 = tpu.memref_slice %arg23[%get3A_157, %get3A_158] : memref<2x128xf32, #tpu.memory_space<vmem>> -> memref<1x128xf32, #tpu.memory_space<vmem>>
    %get3A_160 = tpu.memref_squeeze %get3A_159 : memref<1x128xf32, #tpu.memory_space<vmem>> -> memref<128xf32, #tpu.memory_space<vmem>>
    %get3A_161 = arith.constant 16 : index
    %get3A_162 = tpu.vector_load %get3A_160[%get3A_161] {strides = array<i32>} : memref<128xf32, #tpu.memory_space<vmem>>, vector<16xf32>,
    %mul3A_163 = arith.mulf %get3A_162, %gather3A_22 : vector<16xf32>
    %add3A_164 = arith.addf %mul3A_163, %gather3A_30 : vector<16xf32>
    %mul3A_165 = arith.mulf %add3A_156, %add3A_156 : vector<16xf32>
    %mul3A_166 = arith.mulf %add3A_164, %add3A_164 : vector<16xf32>
    %add3A_167 = arith.addf %mul3A_165, %mul3A_166 : vector<16xf32>
    %div3A_168 = arith.constant 1.000000e+00 : f32
    %div3A_169 = vector.broadcast %div3A_168 : f32 to vector<16xf32>
    %div3A_170 = arith.divf %div3A_169, %add3A_167 : vector<16xf32>
    %mul3A_171 = arith.mulf %add3A_156, %div3A_170 : vector<16xf32>
    %mul3A_172 = arith.mulf %add3A_164, %div3A_170 : vector<16xf32>
    %neg3A_173 = arith.constant 0.000000e+00 : f32
    %neg3A_174 = vector.broadcast %neg3A_173 : f32 to vector<16xf32>
    %neg3A_175 = arith.subf %neg3A_174, %mul3A_172 : vector<16xf32>
    %mul3A_176 = arith.mulf %unpack3A_142, %unpack3A_147 : vector<16xf32>
    %mul3A_177 = arith.mulf %unpack3A_143, %unpack3A_148 : vector<16xf32>
    %add3A_178 = arith.addf %mul3A_176, %mul3A_177 : vector<16xf32>
    %mul3A_179 = arith.mulf %unpack3A_143, %unpack3A_147 : vector<16xf32>
    %mul3A_180 = arith.mulf %unpack3A_142, %unpack3A_148 : vector<16xf32>
    %sub3A_181 = arith.subf %mul3A_179, %mul3A_180 : vector<16xf32>
    %mul3A_182 = arith.mulf %unpack3A_142, %unpack3A_142 : vector<16xf32>
    %sub3A_183 = arith.subf %add3A_178, %mul3A_182 : vector<16xf32>
    %mul3A_184 = arith.mulf %unpack3A_143, %unpack3A_143 : vector<16xf32>
    %sub3A_185 = arith.subf %sub3A_183, %mul3A_184 : vector<16xf32>
    %mul3A_186 = arith.mulf %unpack3A_147, %unpack3A_147 : vector<16xf32>
    %sub3A_187 = arith.subf %add3A_178, %mul3A_186 : vector<16xf32>
    %mul3A_188 = arith.mulf %unpack3A_148, %unpack3A_148 : vector<16xf32>
    %sub3A_189 = arith.subf %sub3A_187, %mul3A_188 : vector<16xf32>
    %mul3A_190 = arith.mulf %mul3A_171, %sub3A_181 : vector<16xf32>
    %mul3A_191 = arith.mulf %neg3A_175, %sub3A_181 : vector<16xf32>
    %mul3A_192 = arith.mulf %mul3A_171, %sub3A_185 : vector<16xf32>
    %add3A_193 = arith.addf %mul3A_192, %mul3A_191 : vector<16xf32>
    %swap3A_194 = arith.constant 16 : index
    %swap3A_195 = tpu.vector_load %arg28[%swap3A_194] {strides = array<i32>} : memref<128xf32, #tpu.memory_space<vmem>>, vector<16xf32>,
    tpu.vector_store %arg28[%swap3A_194], %add3A_193 {strides = array<i32>} : memref<128xf32, #tpu.memory_space<vmem>>, vector<16xf32>,
    %mul3A_196 = arith.mulf %neg3A_175, %sub3A_185 : vector<16xf32>
    %sub3A_197 = arith.subf %mul3A_190, %mul3A_196 : vector<16xf32>
    %swap3A_198 = arith.constant 16 : index
    %swap3A_199 = tpu.vector_load %arg29[%swap3A_198] {strides = array<i32>} : memref<128xf32, #tpu.memory_space<vmem>>, vector<16xf32>,
    tpu.vector_store %arg29[%swap3A_198], %sub3A_197 {strides = array<i32>} : memref<128xf32, #tpu.memory_space<vmem>>, vector<16xf32>,
    %mul3A_200 = arith.mulf %mul3A_171, %sub3A_189 : vector<16xf32>
    %sub3A_201 = arith.subf %mul3A_200, %mul3A_191 : vector<16xf32>
    %swap3A_202 = arith.constant 16 : index
    %swap3A_203 = tpu.vector_load %arg30[%swap3A_202] {strides = array<i32>} : memref<128xf32, #tpu.memory_space<vmem>>, vector<16xf32>,
    tpu.vector_store %arg30[%swap3A_202], %sub3A_201 {strides = array<i32>} : memref<128xf32, #tpu.memory_space<vmem>>, vector<16xf32>,
    %neg3A_204 = arith.constant 0.000000e+00 : f32
    %neg3A_205 = vector.broadcast %neg3A_204 : f32 to vector<16xf32>
    %neg3A_206 = arith.subf %neg3A_205, %mul3A_190 : vector<16xf32>
    %mul3A_207 = arith.mulf %neg3A_175, %sub3A_189 : vector<16xf32>
    %sub3A_208 = arith.subf %neg3A_206, %mul3A_207 : vector<16xf32>
    %swap3A_209 = arith.constant 16 : index
    %swap3A_210 = tpu.vector_load %arg31[%swap3A_209] {strides = array<i32>} : memref<128xf32, #tpu.memory_space<vmem>>, vector<16xf32>,
    tpu.vector_store %arg31[%swap3A_209], %sub3A_208 {strides = array<i32>} : memref<128xf32, #tpu.memory_space<vmem>>, vector<16xf32>,
    %eq3A_211 = arith.cmpi eq, %get3A_136, %gather3A_35 : vector<16xi32>
    %eq3A_212 = arith.cmpi eq, %get3A_138, %gather3A_31 : vector<16xi32>
    %and3A_213 = arith.andi %eq3A_211, %eq3A_212 : vector<16xi1>
    %get3A_214 = arith.constant 0 : index
    %get3A_215 = tpu.vector_load %arg32[%get3A_214] {strides = array<i32>} : memref<16xi32, #tpu.memory_space<vmem>>, vector<16xi32>,
    %jit3A_216 = arith.constant 1 : i32
    %jit3A_217 = arith.constant 0 : i32
    %broadcast_in_dim3A_218 = vector.broadcast %jit3A_216 : i32 to vector<16xi32>
    %broadcast_in_dim3A_219 = vector.broadcast %jit3A_217 : i32 to vector<16xi32>
    %select_n3A_220 = arith.select %and3A_213, %broadcast_in_dim3A_218, %broadcast_in_dim3A_219 : vector<16xi1>, vector<16xi32>
    %or3A_221 = arith.ori %get3A_215, %select_n3A_220 : vector<16xi32>
    %swap3A_222 = arith.constant 0 : index
    %swap3A_223 = tpu.vector_load %arg32[%swap3A_222] {strides = array<i32>} : memref<16xi32, #tpu.memory_space<vmem>>, vector<16xi32>,
    tpu.vector_store %arg32[%swap3A_222], %or3A_221 {strides = array<i32>} : memref<16xi32, #tpu.memory_space<vmem>>, vector<16xi32>,
    %get3A_224 = arith.constant 32 : index
    %get3A_225 = tpu.vector_load %arg24[%get3A_224] {strides = array<i32>} : memref<80xi32, #tpu.memory_space<vmem>>, vector<16xi32>,
    %get3A_226 = arith.constant 32 : index
    %get3A_227 = tpu.vector_load %arg25[%get3A_226] {strides = array<i32>} : memref<80xi32, #tpu.memory_space<vmem>>, vector<16xi32>,
    %get3A_228 = arith.constant 32 : index
    %get3A_229 = tpu.vector_load %arg26[%get3A_228] {strides = array<i32>} : memref<128xf32, #tpu.memory_space<vmem>>, vector<16xf32>,
    %bitcast3A_230 = vector.bitcast %get3A_229 : vector<16xf32> to vector<32xbf16>
    %unpack3A_231 = tpu.unpack_subelements %bitcast3A_230, 0 {pack_format = #tpu.pack_format<interleaved>} : vector<32xbf16> -> vector<16xf32>
    %unpack3A_232 = tpu.unpack_subelements %bitcast3A_230, 1 {pack_format = #tpu.pack_format<interleaved>} : vector<32xbf16> -> vector<16xf32>
    %get3A_233 = arith.constant 32 : index
    %get3A_234 = tpu.vector_load %arg27[%get3A_233] {strides = array<i32>} : memref<128xf32, #tpu.memory_space<vmem>>, vector<16xf32>,
    %bitcast3A_235 = vector.bitcast %get3A_234 : vector<16xf32> to vector<32xbf16>
    %unpack3A_236 = tpu.unpack_subelements %bitcast3A_235, 0 {pack_format = #tpu.pack_format<interleaved>} : vector<32xbf16> -> vector<16xf32>
    %unpack3A_237 = tpu.unpack_subelements %bitcast3A_235, 1 {pack_format = #tpu.pack_format<interleaved>} : vector<32xbf16> -> vector<16xf32>
    %get3A_238 = arith.constant 0 : i32
    %get3A_239 = arith.constant 0 : i32
    %get3A_240 = tpu.memref_slice %arg22[%get3A_238, %get3A_239] : memref<2x128xf32, #tpu.memory_space<vmem>> -> memref<1x128xf32, #tpu.memory_space<vmem>>
    %get3A_241 = tpu.memref_squeeze %get3A_240 : memref<1x128xf32, #tpu.memory_space<vmem>> -> memref<128xf32, #tpu.memory_space<vmem>>
    %get3A_242 = arith.constant 32 : index
    %get3A_243 = tpu.vector_load %get3A_241[%get3A_242] {strides = array<i32>} : memref<128xf32, #tpu.memory_space<vmem>>, vector<16xf32>,
    %mul3A_244 = arith.mulf %get3A_243, %gather3A : vector<16xf32>
    %add3A_245 = arith.addf %mul3A_244, %gather3A_26 : vector<16xf32>
    %get3A_246 = arith.constant 0 : i32
    %get3A_247 = arith.constant 0 : i32
    %get3A_248 = tpu.memref_slice %arg23[%get3A_246, %get3A_247] : memref<2x128xf32, #tpu.memory_space<vmem>> -> memref<1x128xf32, #tpu.memory_space<vmem>>
    %get3A_249 = tpu.memref_squeeze %get3A_248 : memref<1x128xf32, #tpu.memory_space<vmem>> -> memref<128xf32, #tpu.memory_space<vmem>>
    %get3A_250 = arith.constant 32 : index
    %get3A_251 = tpu.vector_load %get3A_249[%get3A_250] {strides = array<i32>} : memref<128xf32, #tpu.memory_space<vmem>>, vector<16xf32>,
    %mul3A_252 = arith.mulf %get3A_251, %gather3A_22 : vector<16xf32>
    %add3A_253 = arith.addf %mul3A_252, %gather3A_30 : vector<16xf32>
    %mul3A_254 = arith.mulf %add3A_245, %add3A_245 : vector<16xf32>
    %mul3A_255 = arith.mulf %add3A_253, %add3A_253 : vector<16xf32>
    %add3A_256 = arith.addf %mul3A_254, %mul3A_255 : vector<16xf32>
    %div3A_257 = arith.constant 1.000000e+00 : f32
    %div3A_258 = vector.broadcast %div3A_257 : f32 to vector<16xf32>
    %div3A_259 = arith.divf %div3A_258, %add3A_256 : vector<16xf32>
    %mul3A_260 = arith.mulf %add3A_245, %div3A_259 : vector<16xf32>
    %mul3A_261 = arith.mulf %add3A_253, %div3A_259 : vector<16xf32>
    %neg3A_262 = arith.constant 0.000000e+00 : f32
    %neg3A_263 = vector.broadcast %neg3A_262 : f32 to vector<16xf32>
    %neg3A_264 = arith.subf %neg3A_263, %mul3A_261 : vector<16xf32>
    %mul3A_265 = arith.mulf %unpack3A_231, %unpack3A_236 : vector<16xf32>
    %mul3A_266 = arith.mulf %unpack3A_232, %unpack3A_237 : vector<16xf32>
    %add3A_267 = arith.addf %mul3A_265, %mul3A_266 : vector<16xf32>
    %mul3A_268 = arith.mulf %unpack3A_232, %unpack3A_236 : vector<16xf32>
    %mul3A_269 = arith.mulf %unpack3A_231, %unpack3A_237 : vector<16xf32>
    %sub3A_270 = arith.subf %mul3A_268, %mul3A_269 : vector<16xf32>
    %mul3A_271 = arith.mulf %unpack3A_231, %unpack3A_231 : vector<16xf32>
    %sub3A_272 = arith.subf %add3A_267, %mul3A_271 : vector<16xf32>
    %mul3A_273 = arith.mulf %unpack3A_232, %unpack3A_232 : vector<16xf32>
    %sub3A_274 = arith.subf %sub3A_272, %mul3A_273 : vector<16xf32>
    %mul3A_275 = arith.mulf %unpack3A_236, %unpack3A_236 : vector<16xf32>
    %sub3A_276 = arith.subf %add3A_267, %mul3A_275 : vector<16xf32>
    %mul3A_277 = arith.mulf %unpack3A_237, %unpack3A_237 : vector<16xf32>
    %sub3A_278 = arith.subf %sub3A_276, %mul3A_277 : vector<16xf32>
    %mul3A_279 = arith.mulf %mul3A_260, %sub3A_270 : vector<16xf32>
    %mul3A_280 = arith.mulf %neg3A_264, %sub3A_270 : vector<16xf32>
    %mul3A_281 = arith.mulf %mul3A_260, %sub3A_274 : vector<16xf32>
    %add3A_282 = arith.addf %mul3A_281, %mul3A_280 : vector<16xf32>
    %swap3A_283 = arith.constant 32 : index
    %swap3A_284 = tpu.vector_load %arg28[%swap3A_283] {strides = array<i32>} : memref<128xf32, #tpu.memory_space<vmem>>, vector<16xf32>,
    tpu.vector_store %arg28[%swap3A_283], %add3A_282 {strides = array<i32>} : memref<128xf32, #tpu.memory_space<vmem>>, vector<16xf32>,
    %mul3A_285 = arith.mulf %neg3A_264, %sub3A_274 : vector<16xf32>
    %sub3A_286 = arith.subf %mul3A_279, %mul3A_285 : vector<16xf32>
    %swap3A_287 = arith.constant 32 : index
    %swap3A_288 = tpu.vector_load %arg29[%swap3A_287] {strides = array<i32>} : memref<128xf32, #tpu.memory_space<vmem>>, vector<16xf32>,
    tpu.vector_store %arg29[%swap3A_287], %sub3A_286 {strides = array<i32>} : memref<128xf32, #tpu.memory_space<vmem>>, vector<16xf32>,
    %mul3A_289 = arith.mulf %mul3A_260, %sub3A_278 : vector<16xf32>
    %sub3A_290 = arith.subf %mul3A_289, %mul3A_280 : vector<16xf32>
    %swap3A_291 = arith.constant 32 : index
    %swap3A_292 = tpu.vector_load %arg30[%swap3A_291] {strides = array<i32>} : memref<128xf32, #tpu.memory_space<vmem>>, vector<16xf32>,
    tpu.vector_store %arg30[%swap3A_291], %sub3A_290 {strides = array<i32>} : memref<128xf32, #tpu.memory_space<vmem>>, vector<16xf32>,
    %neg3A_293 = arith.constant 0.000000e+00 : f32
    %neg3A_294 = vector.broadcast %neg3A_293 : f32 to vector<16xf32>
    %neg3A_295 = arith.subf %neg3A_294, %mul3A_279 : vector<16xf32>
    %mul3A_296 = arith.mulf %neg3A_264, %sub3A_278 : vector<16xf32>
    %sub3A_297 = arith.subf %neg3A_295, %mul3A_296 : vector<16xf32>
    %swap3A_298 = arith.constant 32 : index
    %swap3A_299 = tpu.vector_load %arg31[%swap3A_298] {strides = array<i32>} : memref<128xf32, #tpu.memory_space<vmem>>, vector<16xf32>,
    tpu.vector_store %arg31[%swap3A_298], %sub3A_297 {strides = array<i32>} : memref<128xf32, #tpu.memory_space<vmem>>, vector<16xf32>,
    %eq3A_300 = arith.cmpi eq, %get3A_225, %gather3A_35 : vector<16xi32>
    %eq3A_301 = arith.cmpi eq, %get3A_227, %gather3A_31 : vector<16xi32>
    %and3A_302 = arith.andi %eq3A_300, %eq3A_301 : vector<16xi1>
    %get3A_303 = arith.constant 0 : index
    %get3A_304 = tpu.vector_load %arg32[%get3A_303] {strides = array<i32>} : memref<16xi32, #tpu.memory_space<vmem>>, vector<16xi32>,
    %jit3A_305 = arith.constant 1 : i32
    %jit3A_306 = arith.constant 0 : i32
    %broadcast_in_dim3A_307 = vector.broadcast %jit3A_305 : i32 to vector<16xi32>
    %broadcast_in_dim3A_308 = vector.broadcast %jit3A_306 : i32 to vector<16xi32>
    %select_n3A_309 = arith.select %and3A_302, %broadcast_in_dim3A_307, %broadcast_in_dim3A_308 : vector<16xi1>, vector<16xi32>
    %or3A_310 = arith.ori %get3A_304, %select_n3A_309 : vector<16xi32>
    %swap3A_311 = arith.constant 0 : index
    %swap3A_312 = tpu.vector_load %arg32[%swap3A_311] {strides = array<i32>} : memref<16xi32, #tpu.memory_space<vmem>>, vector<16xi32>,
    tpu.vector_store %arg32[%swap3A_311], %or3A_310 {strides = array<i32>} : memref<16xi32, #tpu.memory_space<vmem>>, vector<16xi32>,
    %get3A_313 = arith.constant 48 : index
    %get3A_314 = tpu.vector_load %arg24[%get3A_313] {strides = array<i32>} : memref<80xi32, #tpu.memory_space<vmem>>, vector<16xi32>,
    %get3A_315 = arith.constant 48 : index
    %get3A_316 = tpu.vector_load %arg25[%get3A_315] {strides = array<i32>} : memref<80xi32, #tpu.memory_space<vmem>>, vector<16xi32>,
    %get3A_317 = arith.constant 48 : index
    %get3A_318 = tpu.vector_load %arg26[%get3A_317] {strides = array<i32>} : memref<128xf32, #tpu.memory_space<vmem>>, vector<16xf32>,
    %bitcast3A_319 = vector.bitcast %get3A_318 : vector<16xf32> to vector<32xbf16>
    %unpack3A_320 = tpu.unpack_subelements %bitcast3A_319, 0 {pack_format = #tpu.pack_format<interleaved>} : vector<32xbf16> -> vector<16xf32>
    %unpack3A_321 = tpu.unpack_subelements %bitcast3A_319, 1 {pack_format = #tpu.pack_format<interleaved>} : vector<32xbf16> -> vector<16xf32>
    %get3A_322 = arith.constant 48 : index
    %get3A_323 = tpu.vector_load %arg27[%get3A_322] {strides = array<i32>} : memref<128xf32, #tpu.memory_space<vmem>>, vector<16xf32>,
    %bitcast3A_324 = vector.bitcast %get3A_323 : vector<16xf32> to vector<32xbf16>
    %unpack3A_325 = tpu.unpack_subelements %bitcast3A_324, 0 {pack_format = #tpu.pack_format<interleaved>} : vector<32xbf16> -> vector<16xf32>
    %unpack3A_326 = tpu.unpack_subelements %bitcast3A_324, 1 {pack_format = #tpu.pack_format<interleaved>} : vector<32xbf16> -> vector<16xf32>
    %get3A_327 = arith.constant 0 : i32
    %get3A_328 = arith.constant 0 : i32
    %get3A_329 = tpu.memref_slice %arg22[%get3A_327, %get3A_328] : memref<2x128xf32, #tpu.memory_space<vmem>> -> memref<1x128xf32, #tpu.memory_space<vmem>>
    %get3A_330 = tpu.memref_squeeze %get3A_329 : memref<1x128xf32, #tpu.memory_space<vmem>> -> memref<128xf32, #tpu.memory_space<vmem>>
    %get3A_331 = arith.constant 48 : index
    %get3A_332 = tpu.vector_load %get3A_330[%get3A_331] {strides = array<i32>} : memref<128xf32, #tpu.memory_space<vmem>>, vector<16xf32>,
    %mul3A_333 = arith.mulf %get3A_332, %gather3A : vector<16xf32>
    %add3A_334 = arith.addf %mul3A_333, %gather3A_26 : vector<16xf32>
    %get3A_335 = arith.constant 0 : i32
    %get3A_336 = arith.constant 0 : i32
    %get3A_337 = tpu.memref_slice %arg23[%get3A_335, %get3A_336] : memref<2x128xf32, #tpu.memory_space<vmem>> -> memref<1x128xf32, #tpu.memory_space<vmem>>
    %get3A_338 = tpu.memref_squeeze %get3A_337 : memref<1x128xf32, #tpu.memory_space<vmem>> -> memref<128xf32, #tpu.memory_space<vmem>>
    %get3A_339 = arith.constant 48 : index
    %get3A_340 = tpu.vector_load %get3A_338[%get3A_339] {strides = array<i32>} : memref<128xf32, #tpu.memory_space<vmem>>, vector<16xf32>,
    %mul3A_341 = arith.mulf %get3A_340, %gather3A_22 : vector<16xf32>
    %add3A_342 = arith.addf %mul3A_341, %gather3A_30 : vector<16xf32>
    %mul3A_343 = arith.mulf %add3A_334, %add3A_334 : vector<16xf32>
    %mul3A_344 = arith.mulf %add3A_342, %add3A_342 : vector<16xf32>
    %add3A_345 = arith.addf %mul3A_343, %mul3A_344 : vector<16xf32>
    %div3A_346 = arith.constant 1.000000e+00 : f32
    %div3A_347 = vector.broadcast %div3A_346 : f32 to vector<16xf32>
    %div3A_348 = arith.divf %div3A_347, %add3A_345 : vector<16xf32>
    %mul3A_349 = arith.mulf %add3A_334, %div3A_348 : vector<16xf32>
    %mul3A_350 = arith.mulf %add3A_342, %div3A_348 : vector<16xf32>
    %neg3A_351 = arith.constant 0.000000e+00 : f32
    %neg3A_352 = vector.broadcast %neg3A_351 : f32 to vector<16xf32>
    %neg3A_353 = arith.subf %neg3A_352, %mul3A_350 : vector<16xf32>
    %mul3A_354 = arith.mulf %unpack3A_320, %unpack3A_325 : vector<16xf32>
    %mul3A_355 = arith.mulf %unpack3A_321, %unpack3A_326 : vector<16xf32>
    %add3A_356 = arith.addf %mul3A_354, %mul3A_355 : vector<16xf32>
    %mul3A_357 = arith.mulf %unpack3A_321, %unpack3A_325 : vector<16xf32>
    %mul3A_358 = arith.mulf %unpack3A_320, %unpack3A_326 : vector<16xf32>
    %sub3A_359 = arith.subf %mul3A_357, %mul3A_358 : vector<16xf32>
    %mul3A_360 = arith.mulf %unpack3A_320, %unpack3A_320 : vector<16xf32>
    %sub3A_361 = arith.subf %add3A_356, %mul3A_360 : vector<16xf32>
    %mul3A_362 = arith.mulf %unpack3A_321, %unpack3A_321 : vector<16xf32>
    %sub3A_363 = arith.subf %sub3A_361, %mul3A_362 : vector<16xf32>
    %mul3A_364 = arith.mulf %unpack3A_325, %unpack3A_325 : vector<16xf32>
    %sub3A_365 = arith.subf %add3A_356, %mul3A_364 : vector<16xf32>
    %mul3A_366 = arith.mulf %unpack3A_326, %unpack3A_326 : vector<16xf32>
    %sub3A_367 = arith.subf %sub3A_365, %mul3A_366 : vector<16xf32>
    %mul3A_368 = arith.mulf %mul3A_349, %sub3A_359 : vector<16xf32>
    %mul3A_369 = arith.mulf %neg3A_353, %sub3A_359 : vector<16xf32>
    %mul3A_370 = arith.mulf %mul3A_349, %sub3A_363 : vector<16xf32>
    %add3A_371 = arith.addf %mul3A_370, %mul3A_369 : vector<16xf32>
    %swap3A_372 = arith.constant 48 : index
    %swap3A_373 = tpu.vector_load %arg28[%swap3A_372] {strides = array<i32>} : memref<128xf32, #tpu.memory_space<vmem>>, vector<16xf32>,
    tpu.vector_store %arg28[%swap3A_372], %add3A_371 {strides = array<i32>} : memref<128xf32, #tpu.memory_space<vmem>>, vector<16xf32>,
    %mul3A_374 = arith.mulf %neg3A_353, %sub3A_363 : vector<16xf32>
    %sub3A_375 = arith.subf %mul3A_368, %mul3A_374 : vector<16xf32>
    %swap3A_376 = arith.constant 48 : index
    %swap3A_377 = tpu.vector_load %arg29[%swap3A_376] {strides = array<i32>} : memref<128xf32, #tpu.memory_space<vmem>>, vector<16xf32>,
    tpu.vector_store %arg29[%swap3A_376], %sub3A_375 {strides = array<i32>} : memref<128xf32, #tpu.memory_space<vmem>>, vector<16xf32>,
    %mul3A_378 = arith.mulf %mul3A_349, %sub3A_367 : vector<16xf32>
    %sub3A_379 = arith.subf %mul3A_378, %mul3A_369 : vector<16xf32>
    %swap3A_380 = arith.constant 48 : index
    %swap3A_381 = tpu.vector_load %arg30[%swap3A_380] {strides = array<i32>} : memref<128xf32, #tpu.memory_space<vmem>>, vector<16xf32>,
    tpu.vector_store %arg30[%swap3A_380], %sub3A_379 {strides = array<i32>} : memref<128xf32, #tpu.memory_space<vmem>>, vector<16xf32>,
    %neg3A_382 = arith.constant 0.000000e+00 : f32
    %neg3A_383 = vector.broadcast %neg3A_382 : f32 to vector<16xf32>
    %neg3A_384 = arith.subf %neg3A_383, %mul3A_368 : vector<16xf32>
    %mul3A_385 = arith.mulf %neg3A_353, %sub3A_367 : vector<16xf32>
    %sub3A_386 = arith.subf %neg3A_384, %mul3A_385 : vector<16xf32>
    %swap3A_387 = arith.constant 48 : index
    %swap3A_388 = tpu.vector_load %arg31[%swap3A_387] {strides = array<i32>} : memref<128xf32, #tpu.memory_space<vmem>>, vector<16xf32>,
    tpu.vector_store %arg31[%swap3A_387], %sub3A_386 {strides = array<i32>} : memref<128xf32, #tpu.memory_space<vmem>>, vector<16xf32>,
    %eq3A_389 = arith.cmpi eq, %get3A_314, %gather3A_35 : vector<16xi32>
    %eq3A_390 = arith.cmpi eq, %get3A_316, %gather3A_31 : vector<16xi32>
    %and3A_391 = arith.andi %eq3A_389, %eq3A_390 : vector<16xi1>
    %get3A_392 = arith.constant 0 : index
    %get3A_393 = tpu.vector_load %arg32[%get3A_392] {strides = array<i32>} : memref<16xi32, #tpu.memory_space<vmem>>, vector<16xi32>,
    %jit3A_394 = arith.constant 1 : i32
    %jit3A_395 = arith.constant 0 : i32
    %broadcast_in_dim3A_396 = vector.broadcast %jit3A_394 : i32 to vector<16xi32>
    %broadcast_in_dim3A_397 = vector.broadcast %jit3A_395 : i32 to vector<16xi32>
    %select_n3A_398 = arith.select %and3A_391, %broadcast_in_dim3A_396, %broadcast_in_dim3A_397 : vector<16xi1>, vector<16xi32>
    %or3A_399 = arith.ori %get3A_393, %select_n3A_398 : vector<16xi32>
    %swap3A_400 = arith.constant 0 : index
    %swap3A_401 = tpu.vector_load %arg32[%swap3A_400] {strides = array<i32>} : memref<16xi32, #tpu.memory_space<vmem>>, vector<16xi32>,
    tpu.vector_store %arg32[%swap3A_400], %or3A_399 {strides = array<i32>} : memref<16xi32, #tpu.memory_space<vmem>>, vector<16xi32>,
    %get3A_402 = arith.constant 64 : index
    %get3A_403 = tpu.vector_load %arg24[%get3A_402] {strides = array<i32>} : memref<80xi32, #tpu.memory_space<vmem>>, vector<16xi32>,
    %get3A_404 = arith.constant 64 : index
    %get3A_405 = tpu.vector_load %arg25[%get3A_404] {strides = array<i32>} : memref<80xi32, #tpu.memory_space<vmem>>, vector<16xi32>,
    %get3A_406 = arith.constant 64 : index
    %get3A_407 = tpu.vector_load %arg26[%get3A_406] {strides = array<i32>} : memref<128xf32, #tpu.memory_space<vmem>>, vector<16xf32>,
    %bitcast3A_408 = vector.bitcast %get3A_407 : vector<16xf32> to vector<32xbf16>
    %unpack3A_409 = tpu.unpack_subelements %bitcast3A_408, 0 {pack_format = #tpu.pack_format<interleaved>} : vector<32xbf16> -> vector<16xf32>
    %unpack3A_410 = tpu.unpack_subelements %bitcast3A_408, 1 {pack_format = #tpu.pack_format<interleaved>} : vector<32xbf16> -> vector<16xf32>
    %get3A_411 = arith.constant 64 : index
    %get3A_412 = tpu.vector_load %arg27[%get3A_411] {strides = array<i32>} : memref<128xf32, #tpu.memory_space<vmem>>, vector<16xf32>,
    %bitcast3A_413 = vector.bitcast %get3A_412 : vector<16xf32> to vector<32xbf16>
    %unpack3A_414 = tpu.unpack_subelements %bitcast3A_413, 0 {pack_format = #tpu.pack_format<interleaved>} : vector<32xbf16> -> vector<16xf32>
    %unpack3A_415 = tpu.unpack_subelements %bitcast3A_413, 1 {pack_format = #tpu.pack_format<interleaved>} : vector<32xbf16> -> vector<16xf32>
    %get3A_416 = arith.constant 0 : i32
    %get3A_417 = arith.constant 0 : i32
    %get3A_418 = tpu.memref_slice %arg22[%get3A_416, %get3A_417] : memref<2x128xf32, #tpu.memory_space<vmem>> -> memref<1x128xf32, #tpu.memory_space<vmem>>
    %get3A_419 = tpu.memref_squeeze %get3A_418 : memref<1x128xf32, #tpu.memory_space<vmem>> -> memref<128xf32, #tpu.memory_space<vmem>>
    %get3A_420 = arith.constant 64 : index
    %get3A_421 = tpu.vector_load %get3A_419[%get3A_420] {strides = array<i32>} : memref<128xf32, #tpu.memory_space<vmem>>, vector<16xf32>,
    %mul3A_422 = arith.mulf %get3A_421, %gather3A : vector<16xf32>
    %add3A_423 = arith.addf %mul3A_422, %gather3A_26 : vector<16xf32>
    %get3A_424 = arith.constant 0 : i32
    %get3A_425 = arith.constant 0 : i32
    %get3A_426 = tpu.memref_slice %arg23[%get3A_424, %get3A_425] : memref<2x128xf32, #tpu.memory_space<vmem>> -> memref<1x128xf32, #tpu.memory_space<vmem>>
    %get3A_427 = tpu.memref_squeeze %get3A_426 : memref<1x128xf32, #tpu.memory_space<vmem>> -> memref<128xf32, #tpu.memory_space<vmem>>
    %get3A_428 = arith.constant 64 : index
    %get3A_429 = tpu.vector_load %get3A_427[%get3A_428] {strides = array<i32>} : memref<128xf32, #tpu.memory_space<vmem>>, vector<16xf32>,
    %mul3A_430 = arith.mulf %get3A_429, %gather3A_22 : vector<16xf32>
    %add3A_431 = arith.addf %mul3A_430, %gather3A_30 : vector<16xf32>
    %mul3A_432 = arith.mulf %add3A_423, %add3A_423 : vector<16xf32>
    %mul3A_433 = arith.mulf %add3A_431, %add3A_431 : vector<16xf32>
    %add3A_434 = arith.addf %mul3A_432, %mul3A_433 : vector<16xf32>
    %div3A_435 = arith.constant 1.000000e+00 : f32
    %div3A_436 = vector.broadcast %div3A_435 : f32 to vector<16xf32>
    %div3A_437 = arith.divf %div3A_436, %add3A_434 : vector<16xf32>
    %mul3A_438 = arith.mulf %add3A_423, %div3A_437 : vector<16xf32>
    %mul3A_439 = arith.mulf %add3A_431, %div3A_437 : vector<16xf32>
    %neg3A_440 = arith.constant 0.000000e+00 : f32
    %neg3A_441 = vector.broadcast %neg3A_440 : f32 to vector<16xf32>
    %neg3A_442 = arith.subf %neg3A_441, %mul3A_439 : vector<16xf32>
    %mul3A_443 = arith.mulf %unpack3A_409, %unpack3A_414 : vector<16xf32>
    %mul3A_444 = arith.mulf %unpack3A_410, %unpack3A_415 : vector<16xf32>
    %add3A_445 = arith.addf %mul3A_443, %mul3A_444 : vector<16xf32>
    %mul3A_446 = arith.mulf %unpack3A_410, %unpack3A_414 : vector<16xf32>
    %mul3A_447 = arith.mulf %unpack3A_409, %unpack3A_415 : vector<16xf32>
    %sub3A_448 = arith.subf %mul3A_446, %mul3A_447 : vector<16xf32>
    %mul3A_449 = arith.mulf %unpack3A_409, %unpack3A_409 : vector<16xf32>
    %sub3A_450 = arith.subf %add3A_445, %mul3A_449 : vector<16xf32>
    %mul3A_451 = arith.mulf %unpack3A_410, %unpack3A_410 : vector<16xf32>
    %sub3A_452 = arith.subf %sub3A_450, %mul3A_451 : vector<16xf32>
    %mul3A_453 = arith.mulf %unpack3A_414, %unpack3A_414 : vector<16xf32>
    %sub3A_454 = arith.subf %add3A_445, %mul3A_453 : vector<16xf32>
    %mul3A_455 = arith.mulf %unpack3A_415, %unpack3A_415 : vector<16xf32>
    %sub3A_456 = arith.subf %sub3A_454, %mul3A_455 : vector<16xf32>
    %mul3A_457 = arith.mulf %mul3A_438, %sub3A_448 : vector<16xf32>
    %mul3A_458 = arith.mulf %neg3A_442, %sub3A_448 : vector<16xf32>
    %mul3A_459 = arith.mulf %mul3A_438, %sub3A_452 : vector<16xf32>
    %add3A_460 = arith.addf %mul3A_459, %mul3A_458 : vector<16xf32>
    %swap3A_461 = arith.constant 64 : index
    %swap3A_462 = tpu.vector_load %arg28[%swap3A_461] {strides = array<i32>} : memref<128xf32, #tpu.memory_space<vmem>>, vector<16xf32>,
    tpu.vector_store %arg28[%swap3A_461], %add3A_460 {strides = array<i32>} : memref<128xf32, #tpu.memory_space<vmem>>, vector<16xf32>,
    %mul3A_463 = arith.mulf %neg3A_442, %sub3A_452 : vector<16xf32>
    %sub3A_464 = arith.subf %mul3A_457, %mul3A_463 : vector<16xf32>
    %swap3A_465 = arith.constant 64 : index
    %swap3A_466 = tpu.vector_load %arg29[%swap3A_465] {strides = array<i32>} : memref<128xf32, #tpu.memory_space<vmem>>, vector<16xf32>,
    tpu.vector_store %arg29[%swap3A_465], %sub3A_464 {strides = array<i32>} : memref<128xf32, #tpu.memory_space<vmem>>, vector<16xf32>,
    %mul3A_467 = arith.mulf %mul3A_438, %sub3A_456 : vector<16xf32>
    %sub3A_468 = arith.subf %mul3A_467, %mul3A_458 : vector<16xf32>
    %swap3A_469 = arith.constant 64 : index
    %swap3A_470 = tpu.vector_load %arg30[%swap3A_469] {strides = array<i32>} : memref<128xf32, #tpu.memory_space<vmem>>, vector<16xf32>,
    tpu.vector_store %arg30[%swap3A_469], %sub3A_468 {strides = array<i32>} : memref<128xf32, #tpu.memory_space<vmem>>, vector<16xf32>,
    %neg3A_471 = arith.constant 0.000000e+00 : f32
    %neg3A_472 = vector.broadcast %neg3A_471 : f32 to vector<16xf32>
    %neg3A_473 = arith.subf %neg3A_472, %mul3A_457 : vector<16xf32>
    %mul3A_474 = arith.mulf %neg3A_442, %sub3A_456 : vector<16xf32>
    %sub3A_475 = arith.subf %neg3A_473, %mul3A_474 : vector<16xf32>
    %swap3A_476 = arith.constant 64 : index
    %swap3A_477 = tpu.vector_load %arg31[%swap3A_476] {strides = array<i32>} : memref<128xf32, #tpu.memory_space<vmem>>, vector<16xf32>,
    tpu.vector_store %arg31[%swap3A_476], %sub3A_475 {strides = array<i32>} : memref<128xf32, #tpu.memory_space<vmem>>, vector<16xf32>,
    %eq3A_478 = arith.cmpi eq, %get3A_403, %gather3A_35 : vector<16xi32>
    %eq3A_479 = arith.cmpi eq, %get3A_405, %gather3A_31 : vector<16xi32>
    %and3A_480 = arith.andi %eq3A_478, %eq3A_479 : vector<16xi1>
    %get3A_481 = arith.constant 0 : index
    %get3A_482 = tpu.vector_load %arg32[%get3A_481] {strides = array<i32>} : memref<16xi32, #tpu.memory_space<vmem>>, vector<16xi32>,
    %jit3A_483 = arith.constant 1 : i32
    %jit3A_484 = arith.constant 0 : i32
    %broadcast_in_dim3A_485 = vector.broadcast %jit3A_483 : i32 to vector<16xi32>
    %broadcast_in_dim3A_486 = vector.broadcast %jit3A_484 : i32 to vector<16xi32>
    %select_n3A_487 = arith.select %and3A_480, %broadcast_in_dim3A_485, %broadcast_in_dim3A_486 : vector<16xi1>, vector<16xi32>
    %or3A_488 = arith.ori %get3A_482, %select_n3A_487 : vector<16xi32>
    %swap3A_489 = arith.constant 0 : index
    %swap3A_490 = tpu.vector_load %arg32[%swap3A_489] {strides = array<i32>} : memref<16xi32, #tpu.memory_space<vmem>>, vector<16xi32>,
    tpu.vector_store %arg32[%swap3A_489], %or3A_488 {strides = array<i32>} : memref<16xi32, #tpu.memory_space<vmem>>, vector<16xi32>,
    %dma_start3A_491 = arith.constant 0 : i32
    %dma_start3A_492 = tpu.memref_slice %arg28[%dma_start3A_491] : memref<128xf32, #tpu.memory_space<vmem>> -> memref<80xf32, #tpu.memory_space<vmem>>
    %dma_start3A_493 = arith.constant 0 : i32
    %dma_start3A_494 = tpu.memref_slice %arg14[%dma_start3A_493] : memref<100000xf32, #tpu.memory_space<vmem_shared>> -> memref<100000xf32, #tpu.memory_space<vmem_shared>>
    tpu.enqueue_indirect_dma source(%dma_start3A_492 : memref<80xf32, #tpu.memory_space<vmem>>) target(%dma_start3A_494 : memref<100000xf32, #tpu.memory_space<vmem_shared>>) offsets(%arg24 : memref<80xi32, #tpu.memory_space<vmem>>) semaphore(%arg35 : memref<!tpu.dma_semaphore, #tpu.memory_space<semaphore_mem>>) {add = true}
    %dma_start3A_495 = arith.constant 0 : i32
    %dma_start3A_496 = tpu.memref_slice %arg29[%dma_start3A_495] : memref<128xf32, #tpu.memory_space<vmem>> -> memref<80xf32, #tpu.memory_space<vmem>>
    %dma_start3A_497 = arith.constant 0 : i32
    %dma_start3A_498 = tpu.memref_slice %arg15[%dma_start3A_497] : memref<100000xf32, #tpu.memory_space<vmem_shared>> -> memref<100000xf32, #tpu.memory_space<vmem_shared>>
    tpu.enqueue_indirect_dma source(%dma_start3A_496 : memref<80xf32, #tpu.memory_space<vmem>>) target(%dma_start3A_498 : memref<100000xf32, #tpu.memory_space<vmem_shared>>) offsets(%arg24 : memref<80xi32, #tpu.memory_space<vmem>>) semaphore(%arg35 : memref<!tpu.dma_semaphore, #tpu.memory_space<semaphore_mem>>) {add = true}
    %dma_start3A_499 = arith.constant 0 : i32
    %dma_start3A_500 = tpu.memref_slice %arg30[%dma_start3A_499] : memref<128xf32, #tpu.memory_space<vmem>> -> memref<80xf32, #tpu.memory_space<vmem>>
    %dma_start3A_501 = arith.constant 0 : i32
    %dma_start3A_502 = tpu.memref_slice %arg16[%dma_start3A_501] : memref<100000xf32, #tpu.memory_space<vmem_shared>> -> memref<100000xf32, #tpu.memory_space<vmem_shared>>
    tpu.enqueue_indirect_dma source(%dma_start3A_500 : memref<80xf32, #tpu.memory_space<vmem>>) target(%dma_start3A_502 : memref<100000xf32, #tpu.memory_space<vmem_shared>>) offsets(%arg25 : memref<80xi32, #tpu.memory_space<vmem>>) semaphore(%arg35 : memref<!tpu.dma_semaphore, #tpu.memory_space<semaphore_mem>>) {add = true}
    %dma_start3A_503 = arith.constant 0 : i32
    %dma_start3A_504 = tpu.memref_slice %arg31[%dma_start3A_503] : memref<128xf32, #tpu.memory_space<vmem>> -> memref<80xf32, #tpu.memory_space<vmem>>
    %dma_start3A_505 = arith.constant 0 : i32
    %dma_start3A_506 = tpu.memref_slice %arg17[%dma_start3A_505] : memref<100000xf32, #tpu.memory_space<vmem_shared>> -> memref<100000xf32, #tpu.memory_space<vmem_shared>>
    tpu.enqueue_indirect_dma source(%dma_start3A_504 : memref<80xf32, #tpu.memory_space<vmem>>) target(%dma_start3A_506 : memref<100000xf32, #tpu.memory_space<vmem_shared>>) offsets(%arg25 : memref<80xi32, #tpu.memory_space<vmem>>) semaphore(%arg35 : memref<!tpu.dma_semaphore, #tpu.memory_space<semaphore_mem>>) {add = true}
    %dma_wait3A_507 = arith.constant 0 : i32
    %dma_wait3A_508 = tpu.memref_slice %arg28[%dma_wait3A_507] : memref<128xf32, #tpu.memory_space<vmem>> -> memref<80xf32, #tpu.memory_space<vmem>>
    %dma_wait3A_509 = arith.constant 0 : i32
    %dma_wait3A_510 = tpu.memref_slice %arg14[%dma_wait3A_509] : memref<100000xf32, #tpu.memory_space<vmem_shared>> -> memref<100000xf32, #tpu.memory_space<vmem_shared>>
    tpu.wait_indirect_dma semaphore(%arg35 : memref<!tpu.dma_semaphore, #tpu.memory_space<semaphore_mem>>) src(%dma_wait3A_508 : memref<80xf32, #tpu.memory_space<vmem>>) dst(%dma_wait3A_510 : memref<100000xf32, #tpu.memory_space<vmem_shared>>)
    %dma_wait3A_511 = arith.constant 0 : i32
    %dma_wait3A_512 = tpu.memref_slice %arg29[%dma_wait3A_511] : memref<128xf32, #tpu.memory_space<vmem>> -> memref<80xf32, #tpu.memory_space<vmem>>
    %dma_wait3A_513 = arith.constant 0 : i32
    %dma_wait3A_514 = tpu.memref_slice %arg15[%dma_wait3A_513] : memref<100000xf32, #tpu.memory_space<vmem_shared>> -> memref<100000xf32, #tpu.memory_space<vmem_shared>>
    tpu.wait_indirect_dma semaphore(%arg35 : memref<!tpu.dma_semaphore, #tpu.memory_space<semaphore_mem>>) src(%dma_wait3A_512 : memref<80xf32, #tpu.memory_space<vmem>>) dst(%dma_wait3A_514 : memref<100000xf32, #tpu.memory_space<vmem_shared>>)
    %dma_wait3A_515 = arith.constant 0 : i32
    %dma_wait3A_516 = tpu.memref_slice %arg30[%dma_wait3A_515] : memref<128xf32, #tpu.memory_space<vmem>> -> memref<80xf32, #tpu.memory_space<vmem>>
    %dma_wait3A_517 = arith.constant 0 : i32
    %dma_wait3A_518 = tpu.memref_slice %arg16[%dma_wait3A_517] : memref<100000xf32, #tpu.memory_space<vmem_shared>> -> memref<100000xf32, #tpu.memory_space<vmem_shared>>
    tpu.wait_indirect_dma semaphore(%arg35 : memref<!tpu.dma_semaphore, #tpu.memory_space<semaphore_mem>>) src(%dma_wait3A_516 : memref<80xf32, #tpu.memory_space<vmem>>) dst(%dma_wait3A_518 : memref<100000xf32, #tpu.memory_space<vmem_shared>>)
    %dma_wait3A_519 = arith.constant 0 : i32
    %dma_wait3A_520 = tpu.memref_slice %arg31[%dma_wait3A_519] : memref<128xf32, #tpu.memory_space<vmem>> -> memref<80xf32, #tpu.memory_space<vmem>>
    %dma_wait3A_521 = arith.constant 0 : i32
    %dma_wait3A_522 = tpu.memref_slice %arg17[%dma_wait3A_521] : memref<100000xf32, #tpu.memory_space<vmem_shared>> -> memref<100000xf32, #tpu.memory_space<vmem_shared>>
    tpu.wait_indirect_dma semaphore(%arg35 : memref<!tpu.dma_semaphore, #tpu.memory_space<semaphore_mem>>) src(%dma_wait3A_520 : memref<80xf32, #tpu.memory_space<vmem>>) dst(%dma_wait3A_522 : memref<100000xf32, #tpu.memory_space<vmem_shared>>)
    %add3A_523 = arith.constant 80 : i32
    %add3A_524 = arith.addi %mul3A_38, %add3A_523 : i32
    %add3A_525 = arith.constant 0 : i32
    %add3A_526 = arith.addi %add3A_524, %add3A_525 : i32
    %dma_start3A_527 = arith.constant 0 : i32
    %dma_start3A_528 = arith.constant 0 : i32
    %dma_start3A_529 = tpu.memref_slice %arg20[%dma_start3A_527, %dma_start3A_528] : memref<2x128xi32, #tpu.memory_space<vmem>> -> memref<1x128xi32, #tpu.memory_space<vmem>>
    %dma_start3A_530 = tpu.memref_squeeze %dma_start3A_529 : memref<1x128xi32, #tpu.memory_space<vmem>> -> memref<128xi32, #tpu.memory_space<vmem>>
    %dma_start3A_531 = tpu.memref_slice %arg3[%add3A_526] : memref<3200000xi32, #tpu.memory_space<hbm>> -> memref<128xi32, #tpu.memory_space<hbm>>
    %dma_start3A_532 = arith.constant 0 : i32
    %dma_start3A_533 = tpu.memref_slice %arg20[%dma_start3A_527, %dma_start3A_532] : memref<2x128xi32, #tpu.memory_space<vmem>> -> memref<1x128xi32, #tpu.memory_space<vmem>>
    %dma_start3A_534 = tpu.memref_squeeze %dma_start3A_533 : memref<1x128xi32, #tpu.memory_space<vmem>> -> memref<128xi32, #tpu.memory_space<vmem>>
    %dma_start3A_535 = tpu.memref_slice %arg3[%add3A_526] : memref<3200000xi32, #tpu.memory_space<hbm>> -> memref<128xi32, #tpu.memory_space<hbm>>
    tpu.enqueue_dma source(%dma_start3A_535 : memref<128xi32, #tpu.memory_space<hbm>>) target(%dma_start3A_534 : memref<128xi32, #tpu.memory_space<vmem>>) target_semaphore(%arg36 : memref<!tpu.dma_semaphore, #tpu.memory_space<semaphore_mem>>)
    %add3A_536 = arith.constant 1600000 : i32
    %add3A_537 = arith.addi %add3A_536, %add3A_526 : i32
    %dma_start3A_538 = arith.constant 0 : i32
    %dma_start3A_539 = arith.constant 0 : i32
    %dma_start3A_540 = tpu.memref_slice %arg21[%dma_start3A_538, %dma_start3A_539] : memref<2x128xi32, #tpu.memory_space<vmem>> -> memref<1x128xi32, #tpu.memory_space<vmem>>
    %dma_start3A_541 = tpu.memref_squeeze %dma_start3A_540 : memref<1x128xi32, #tpu.memory_space<vmem>> -> memref<128xi32, #tpu.memory_space<vmem>>
    %dma_start3A_542 = tpu.memref_slice %arg3[%add3A_537] : memref<3200000xi32, #tpu.memory_space<hbm>> -> memref<128xi32, #tpu.memory_space<hbm>>
    %dma_start3A_543 = arith.constant 0 : i32
    %dma_start3A_544 = tpu.memref_slice %arg21[%dma_start3A_538, %dma_start3A_543] : memref<2x128xi32, #tpu.memory_space<vmem>> -> memref<1x128xi32, #tpu.memory_space<vmem>>
    %dma_start3A_545 = tpu.memref_squeeze %dma_start3A_544 : memref<1x128xi32, #tpu.memory_space<vmem>> -> memref<128xi32, #tpu.memory_space<vmem>>
    %dma_start3A_546 = tpu.memref_slice %arg3[%add3A_537] : memref<3200000xi32, #tpu.memory_space<hbm>> -> memref<128xi32, #tpu.memory_space<hbm>>
    tpu.enqueue_dma source(%dma_start3A_546 : memref<128xi32, #tpu.memory_space<hbm>>) target(%dma_start3A_545 : memref<128xi32, #tpu.memory_space<vmem>>) target_semaphore(%arg36 : memref<!tpu.dma_semaphore, #tpu.memory_space<semaphore_mem>>)
    %dma_start3A_547 = arith.constant 0 : i32
    %dma_start3A_548 = arith.constant 0 : i32
    %dma_start3A_549 = tpu.memref_slice %arg22[%dma_start3A_547, %dma_start3A_548] : memref<2x128xf32, #tpu.memory_space<vmem>> -> memref<1x128xf32, #tpu.memory_space<vmem>>
    %dma_start3A_550 = tpu.memref_squeeze %dma_start3A_549 : memref<1x128xf32, #tpu.memory_space<vmem>> -> memref<128xf32, #tpu.memory_space<vmem>>
    %dma_start3A_551 = tpu.memref_slice %arg4[%add3A_526] : memref<1600000xf32, #tpu.memory_space<hbm>> -> memref<128xf32, #tpu.memory_space<hbm>>
    %dma_start3A_552 = arith.constant 0 : i32
    %dma_start3A_553 = tpu.memref_slice %arg22[%dma_start3A_547, %dma_start3A_552] : memref<2x128xf32, #tpu.memory_space<vmem>> -> memref<1x128xf32, #tpu.memory_space<vmem>>
    %dma_start3A_554 = tpu.memref_squeeze %dma_start3A_553 : memref<1x128xf32, #tpu.memory_space<vmem>> -> memref<128xf32, #tpu.memory_space<vmem>>
    %dma_start3A_555 = tpu.memref_slice %arg4[%add3A_526] : memref<1600000xf32, #tpu.memory_space<hbm>> -> memref<128xf32, #tpu.memory_space<hbm>>
    tpu.enqueue_dma source(%dma_start3A_555 : memref<128xf32, #tpu.memory_space<hbm>>) target(%dma_start3A_554 : memref<128xf32, #tpu.memory_space<vmem>>) target_semaphore(%arg36 : memref<!tpu.dma_semaphore, #tpu.memory_space<semaphore_mem>>)
    %dma_start3A_556 = arith.constant 0 : i32
    %dma_start3A_557 = arith.constant 0 : i32
    %dma_start3A_558 = tpu.memref_slice %arg23[%dma_start3A_556, %dma_start3A_557] : memref<2x128xf32, #tpu.memory_space<vmem>> -> memref<1x128xf32, #tpu.memory_space<vmem>>
    %dma_start3A_559 = tpu.memref_squeeze %dma_start3A_558 : memref<1x128xf32, #tpu.memory_space<vmem>> -> memref<128xf32, #tpu.memory_space<vmem>>
    %dma_start3A_560 = tpu.memref_slice %arg5[%add3A_526] : memref<1600000xf32, #tpu.memory_space<hbm>> -> memref<128xf32, #tpu.memory_space<hbm>>
    %dma_start3A_561 = arith.constant 0 : i32
    %dma_start3A_562 = tpu.memref_slice %arg23[%dma_start3A_556, %dma_start3A_561] : memref<2x128xf32, #tpu.memory_space<vmem>> -> memref<1x128xf32, #tpu.memory_space<vmem>>
    %dma_start3A_563 = tpu.memref_squeeze %dma_start3A_562 : memref<1x128xf32, #tpu.memory_space<vmem>> -> memref<128xf32, #tpu.memory_space<vmem>>
    %dma_start3A_564 = tpu.memref_slice %arg5[%add3A_526] : memref<1600000xf32, #tpu.memory_space<hbm>> -> memref<128xf32, #tpu.memory_space<hbm>>
    tpu.enqueue_dma source(%dma_start3A_564 : memref<128xf32, #tpu.memory_space<hbm>>) target(%dma_start3A_563 : memref<128xf32, #tpu.memory_space<vmem>>) target_semaphore(%arg36 : memref<!tpu.dma_semaphore, #tpu.memory_space<semaphore_mem>>)
    %scan3A_565 = arith.constant 0 : i32
    %scan3A_566 = arith.constant 195 : i32
    %scan3A_567 = arith.addi %scan3A_565, %scan3A_566 : i32
    %scan3A_568 = arith.constant 1 : i32
    scf.for %scan3A_586 = %scan3A_565 to %scan3A_567 step %scan3A_568  : i32 {
      %mul3A_587 = arith.constant 1 : i32
      %mul3A_588 = arith.muli %scan3A_586, %mul3A_587 : i32
      %add3A_589 = arith.constant 0 : i32
      %add3A_590 = arith.addi %add3A_589, %mul3A_588 : i32
      %mul3A_591 = arith.constant 2 : i32
      %mul3A_592 = arith.muli %add3A_590, %mul3A_591 : i32
      %add3A_593 = arith.constant 0 : i32
      %add3A_594 = arith.addi %mul3A_592, %add3A_593 : i32
      %dma_wait3A_595 = arith.constant 0 : i32
      %dma_wait3A_596 = arith.constant 0 : i32
      %dma_wait3A_597 = tpu.memref_slice %arg20[%dma_wait3A_595, %dma_wait3A_596] : memref<2x128xi32, #tpu.memory_space<vmem>> -> memref<1x128xi32, #tpu.memory_space<vmem>>
      %dma_wait3A_598 = tpu.memref_squeeze %dma_wait3A_597 : memref<1x128xi32, #tpu.memory_space<vmem>> -> memref<128xi32, #tpu.memory_space<vmem>>
      %dma_wait3A_599 = arith.constant 0 : i32
      %dma_wait3A_600 = tpu.memref_slice %arg3[%dma_wait3A_599] : memref<3200000xi32, #tpu.memory_space<hbm>> -> memref<128xi32, #tpu.memory_space<hbm>>
      %dma_wait3A_601 = arith.constant 0 : i32
      %dma_wait3A_602 = tpu.memref_slice %arg20[%dma_wait3A_595, %dma_wait3A_601] : memref<2x128xi32, #tpu.memory_space<vmem>> -> memref<1x128xi32, #tpu.memory_space<vmem>>
      %dma_wait3A_603 = tpu.memref_squeeze %dma_wait3A_602 : memref<1x128xi32, #tpu.memory_space<vmem>> -> memref<128xi32, #tpu.memory_space<vmem>>
      %dma_wait3A_604 = arith.constant 0 : i32
      %dma_wait3A_605 = tpu.memref_slice %arg3[%dma_wait3A_604] : memref<3200000xi32, #tpu.memory_space<hbm>> -> memref<128xi32, #tpu.memory_space<hbm>>
      tpu.wait_dma2 semaphore(%arg36 : memref<!tpu.dma_semaphore, #tpu.memory_space<semaphore_mem>>) src(%dma_wait3A_605 : memref<128xi32, #tpu.memory_space<hbm>>) dst(%dma_wait3A_603 : memref<128xi32, #tpu.memory_space<vmem>>)
      %dma_wait3A_606 = arith.constant 0 : i32
      %dma_wait3A_607 = arith.constant 0 : i32
      %dma_wait3A_608 = tpu.memref_slice %arg21[%dma_wait3A_606, %dma_wait3A_607] : memref<2x128xi32, #tpu.memory_space<vmem>> -> memref<1x128xi32, #tpu.memory_space<vmem>>
      %dma_wait3A_609 = tpu.memref_squeeze %dma_wait3A_608 : memref<1x128xi32, #tpu.memory_space<vmem>> -> memref<128xi32, #tpu.memory_space<vmem>>
      %dma_wait3A_610 = arith.constant 0 : i32
      %dma_wait3A_611 = tpu.memref_slice %arg3[%dma_wait3A_610] : memref<3200000xi32, #tpu.memory_space<hbm>> -> memref<128xi32, #tpu.memory_space<hbm>>
      %dma_wait3A_612 = arith.constant 0 : i32
      %dma_wait3A_613 = tpu.memref_slice %arg21[%dma_wait3A_606, %dma_wait3A_612] : memref<2x128xi32, #tpu.memory_space<vmem>> -> memref<1x128xi32, #tpu.memory_space<vmem>>
      %dma_wait3A_614 = tpu.memref_squeeze %dma_wait3A_613 : memref<1x128xi32, #tpu.memory_space<vmem>> -> memref<128xi32, #tpu.memory_space<vmem>>
      %dma_wait3A_615 = arith.constant 0 : i32
      %dma_wait3A_616 = tpu.memref_slice %arg3[%dma_wait3A_615] : memref<3200000xi32, #tpu.memory_space<hbm>> -> memref<128xi32, #tpu.memory_space<hbm>>
      tpu.wait_dma2 semaphore(%arg36 : memref<!tpu.dma_semaphore, #tpu.memory_space<semaphore_mem>>) src(%dma_wait3A_616 : memref<128xi32, #tpu.memory_space<hbm>>) dst(%dma_wait3A_614 : memref<128xi32, #tpu.memory_space<vmem>>)
      %dma_wait3A_617 = arith.constant 0 : i32
      %dma_wait3A_618 = arith.constant 0 : i32
      %dma_wait3A_619 = tpu.memref_slice %arg22[%dma_wait3A_617, %dma_wait3A_618] : memref<2x128xf32, #tpu.memory_space<vmem>> -> memref<1x128xf32, #tpu.memory_space<vmem>>
      %dma_wait3A_620 = tpu.memref_squeeze %dma_wait3A_619 : memref<1x128xf32, #tpu.memory_space<vmem>> -> memref<128xf32, #tpu.memory_space<vmem>>
      %dma_wait3A_621 = arith.constant 0 : i32
      %dma_wait3A_622 = tpu.memref_slice %arg4[%dma_wait3A_621] : memref<1600000xf32, #tpu.memory_space<hbm>> -> memref<128xf32, #tpu.memory_space<hbm>>
      %dma_wait3A_623 = arith.constant 0 : i32
      %dma_wait3A_624 = tpu.memref_slice %arg22[%dma_wait3A_617, %dma_wait3A_623] : memref<2x128xf32, #tpu.memory_space<vmem>> -> memref<1x128xf32, #tpu.memory_space<vmem>>
      %dma_wait3A_625 = tpu.memref_squeeze %dma_wait3A_624 : memref<1x128xf32, #tpu.memory_space<vmem>> -> memref<128xf32, #tpu.memory_space<vmem>>
      %dma_wait3A_626 = arith.constant 0 : i32
      %dma_wait3A_627 = tpu.memref_slice %arg4[%dma_wait3A_626] : memref<1600000xf32, #tpu.memory_space<hbm>> -> memref<128xf32, #tpu.memory_space<hbm>>
      tpu.wait_dma2 semaphore(%arg36 : memref<!tpu.dma_semaphore, #tpu.memory_space<semaphore_mem>>) src(%dma_wait3A_627 : memref<128xf32, #tpu.memory_space<hbm>>) dst(%dma_wait3A_625 : memref<128xf32, #tpu.memory_space<vmem>>)
      %dma_wait3A_628 = arith.constant 0 : i32
      %dma_wait3A_629 = arith.constant 0 : i32
      %dma_wait3A_630 = tpu.memref_slice %arg23[%dma_wait3A_628, %dma_wait3A_629] : memref<2x128xf32, #tpu.memory_space<vmem>> -> memref<1x128xf32, #tpu.memory_space<vmem>>
      %dma_wait3A_631 = tpu.memref_squeeze %dma_wait3A_630 : memref<1x128xf32, #tpu.memory_space<vmem>> -> memref<128xf32, #tpu.memory_space<vmem>>
      %dma_wait3A_632 = arith.constant 0 : i32
      %dma_wait3A_633 = tpu.memref_slice %arg4[%dma_wait3A_632] : memref<1600000xf32, #tpu.memory_space<hbm>> -> memref<128xf32, #tpu.memory_space<hbm>>
      %dma_wait3A_634 = arith.constant 0 : i32
      %dma_wait3A_635 = tpu.memref_slice %arg23[%dma_wait3A_628, %dma_wait3A_634] : memref<2x128xf32, #tpu.memory_space<vmem>> -> memref<1x128xf32, #tpu.memory_space<vmem>>
      %dma_wait3A_636 = tpu.memref_squeeze %dma_wait3A_635 : memref<1x128xf32, #tpu.memory_space<vmem>> -> memref<128xf32, #tpu.memory_space<vmem>>
      %dma_wait3A_637 = arith.constant 0 : i32
      %dma_wait3A_638 = tpu.memref_slice %arg4[%dma_wait3A_637] : memref<1600000xf32, #tpu.memory_space<hbm>> -> memref<128xf32, #tpu.memory_space<hbm>>
      tpu.wait_dma2 semaphore(%arg36 : memref<!tpu.dma_semaphore, #tpu.memory_space<semaphore_mem>>) src(%dma_wait3A_638 : memref<128xf32, #tpu.memory_space<hbm>>) dst(%dma_wait3A_636 : memref<128xf32, #tpu.memory_space<vmem>>)
      %add3A_639 = arith.constant 1 : i32
      %add3A_640 = arith.addi %add3A_594, %add3A_639 : i32
      %lt3A_641 = arith.constant 390 : i32
      %lt3A_642 = arith.cmpi slt, %add3A_640, %lt3A_641 : i32
      %convert_element_type3A_643 = arith.extui %lt3A_642 : i1 to i32
      %cond3A_644 = arith.constant 0 : i32
      %cond3A_645 = arith.cmpi ne, %convert_element_type3A_643, %cond3A_644 : i32
      scf.if %cond3A_645 {
        %add3A_2445 = arith.constant 1 : i32
        %add3A_2446 = arith.addi %add3A_594, %add3A_2445 : i32
        %mul3A_2447 = arith.constant 128 : i32
        %mul3A_2448 = arith.muli %add3A_2446, %mul3A_2447 : i32
        %add3A_2449 = arith.addi %add3A_524, %mul3A_2448 : i32
        %dma_start3A_2450 = arith.constant 1 : i32
        %dma_start3A_2451 = arith.constant 0 : i32
        %dma_start3A_2452 = tpu.memref_slice %arg20[%dma_start3A_2450, %dma_start3A_2451] : memref<2x128xi32, #tpu.memory_space<vmem>> -> memref<1x128xi32, #tpu.memory_space<vmem>>
        %dma_start3A_2453 = tpu.memref_squeeze %dma_start3A_2452 : memref<1x128xi32, #tpu.memory_space<vmem>> -> memref<128xi32, #tpu.memory_space<vmem>>
        %dma_start3A_2454 = tpu.memref_slice %arg3[%add3A_2449] : memref<3200000xi32, #tpu.memory_space<hbm>> -> memref<128xi32, #tpu.memory_space<hbm>>
        %dma_start3A_2455 = arith.constant 0 : i32
        %dma_start3A_2456 = tpu.memref_slice %arg20[%dma_start3A_2450, %dma_start3A_2455] : memref<2x128xi32, #tpu.memory_space<vmem>> -> memref<1x128xi32, #tpu.memory_space<vmem>>
        %dma_start3A_2457 = tpu.memref_squeeze %dma_start3A_2456 : memref<1x128xi32, #tpu.memory_space<vmem>> -> memref<128xi32, #tpu.memory_space<vmem>>
        %dma_start3A_2458 = tpu.memref_slice %arg3[%add3A_2449] : memref<3200000xi32, #tpu.memory_space<hbm>> -> memref<128xi32, #tpu.memory_space<hbm>>
        tpu.enqueue_dma source(%dma_start3A_2458 : memref<128xi32, #tpu.memory_space<hbm>>) target(%dma_start3A_2457 : memref<128xi32, #tpu.memory_space<vmem>>) target_semaphore(%arg37 : memref<!tpu.dma_semaphore, #tpu.memory_space<semaphore_mem>>)
        %add3A_2459 = arith.constant 1600000 : i32
        %add3A_2460 = arith.addi %add3A_2459, %add3A_2449 : i32
        %dma_start3A_2461 = arith.constant 1 : i32
        %dma_start3A_2462 = arith.constant 0 : i32
        %dma_start3A_2463 = tpu.memref_slice %arg21[%dma_start3A_2461, %dma_start3A_2462] : memref<2x128xi32, #tpu.memory_space<vmem>> -> memref<1x128xi32, #tpu.memory_space<vmem>>
        %dma_start3A_2464 = tpu.memref_squeeze %dma_start3A_2463 : memref<1x128xi32, #tpu.memory_space<vmem>> -> memref<128xi32, #tpu.memory_space<vmem>>
        %dma_start3A_2465 = tpu.memref_slice %arg3[%add3A_2460] : memref<3200000xi32, #tpu.memory_space<hbm>> -> memref<128xi32, #tpu.memory_space<hbm>>
        %dma_start3A_2466 = arith.constant 0 : i32
        %dma_start3A_2467 = tpu.memref_slice %arg21[%dma_start3A_2461, %dma_start3A_2466] : memref<2x128xi32, #tpu.memory_space<vmem>> -> memref<1x128xi32, #tpu.memory_space<vmem>>
        %dma_start3A_2468 = tpu.memref_squeeze %dma_start3A_2467 : memref<1x128xi32, #tpu.memory_space<vmem>> -> memref<128xi32, #tpu.memory_space<vmem>>
        %dma_start3A_2469 = tpu.memref_slice %arg3[%add3A_2460] : memref<3200000xi32, #tpu.memory_space<hbm>> -> memref<128xi32, #tpu.memory_space<hbm>>
        tpu.enqueue_dma source(%dma_start3A_2469 : memref<128xi32, #tpu.memory_space<hbm>>) target(%dma_start3A_2468 : memref<128xi32, #tpu.memory_space<vmem>>) target_semaphore(%arg37 : memref<!tpu.dma_semaphore, #tpu.memory_space<semaphore_mem>>)
        %dma_start3A_2470 = arith.constant 1 : i32
        %dma_start3A_2471 = arith.constant 0 : i32
        %dma_start3A_2472 = tpu.memref_slice %arg22[%dma_start3A_2470, %dma_start3A_2471] : memref<2x128xf32, #tpu.memory_space<vmem>> -> memref<1x128xf32, #tpu.memory_space<vmem>>
        %dma_start3A_2473 = tpu.memref_squeeze %dma_start3A_2472 : memref<1x128xf32, #tpu.memory_space<vmem>> -> memref<128xf32, #tpu.memory_space<vmem>>
        %dma_start3A_2474 = tpu.memref_slice %arg4[%add3A_2449] : memref<1600000xf32, #tpu.memory_space<hbm>> -> memref<128xf32, #tpu.memory_space<hbm>>
        %dma_start3A_2475 = arith.constant 0 : i32
        %dma_start3A_2476 = tpu.memref_slice %arg22[%dma_start3A_2470, %dma_start3A_2475] : memref<2x128xf32, #tpu.memory_space<vmem>> -> memref<1x128xf32, #tpu.memory_space<vmem>>
        %dma_start3A_2477 = tpu.memref_squeeze %dma_start3A_2476 : memref<1x128xf32, #tpu.memory_space<vmem>> -> memref<128xf32, #tpu.memory_space<vmem>>
        %dma_start3A_2478 = tpu.memref_slice %arg4[%add3A_2449] : memref<1600000xf32, #tpu.memory_space<hbm>> -> memref<128xf32, #tpu.memory_space<hbm>>
        tpu.enqueue_dma source(%dma_start3A_2478 : memref<128xf32, #tpu.memory_space<hbm>>) target(%dma_start3A_2477 : memref<128xf32, #tpu.memory_space<vmem>>) target_semaphore(%arg37 : memref<!tpu.dma_semaphore, #tpu.memory_space<semaphore_mem>>)
        %dma_start3A_2479 = arith.constant 1 : i32
        %dma_start3A_2480 = arith.constant 0 : i32
        %dma_start3A_2481 = tpu.memref_slice %arg23[%dma_start3A_2479, %dma_start3A_2480] : memref<2x128xf32, #tpu.memory_space<vmem>> -> memref<1x128xf32, #tpu.memory_space<vmem>>
        %dma_start3A_2482 = tpu.memref_squeeze %dma_start3A_2481 : memref<1x128xf32, #tpu.memory_space<vmem>> -> memref<128xf32, #tpu.memory_space<vmem>>
        %dma_start3A_2483 = tpu.memref_slice %arg5[%add3A_2449] : memref<1600000xf32, #tpu.memory_space<hbm>> -> memref<128xf32, #tpu.memory_space<hbm>>
        %dma_start3A_2484 = arith.constant 0 : i32
        %dma_start3A_2485 = tpu.memref_slice %arg23[%dma_start3A_2479, %dma_start3A_2484] : memref<2x128xf32, #tpu.memory_space<vmem>> -> memref<1x128xf32, #tpu.memory_space<vmem>>
        %dma_start3A_2486 = tpu.memref_squeeze %dma_start3A_2485 : memref<1x128xf32, #tpu.memory_space<vmem>> -> memref<128xf32, #tpu.memory_space<vmem>>
        %dma_start3A_2487 = tpu.memref_slice %arg5[%add3A_2449] : memref<1600000xf32, #tpu.memory_space<hbm>> -> memref<128xf32, #tpu.memory_space<hbm>>
        tpu.enqueue_dma source(%dma_start3A_2487 : memref<128xf32, #tpu.memory_space<hbm>>) target(%dma_start3A_2486 : memref<128xf32, #tpu.memory_space<vmem>>) target_semaphore(%arg37 : memref<!tpu.dma_semaphore, #tpu.memory_space<semaphore_mem>>)
      } else {
      }
      %dma_start3A_646 = arith.constant 0 : i32
      %dma_start3A_647 = arith.constant 0 : i32
      %dma_start3A_648 = tpu.memref_slice %arg26[%dma_start3A_647] : memref<128xf32, #tpu.memory_space<vmem>> -> memref<128xf32, #tpu.memory_space<vmem>>
      %dma_start3A_649 = arith.constant 0 : i32
      %dma_start3A_650 = tpu.memref_slice %arg20[%dma_start3A_646, %dma_start3A_649] : memref<2x128xi32, #tpu.memory_space<vmem>> -> memref<1x128xi32, #tpu.memory_space<vmem>>
      %dma_start3A_651 = tpu.memref_squeeze %dma_start3A_650 : memref<1x128xi32, #tpu.memory_space<vmem>> -> memref<128xi32, #tpu.memory_space<vmem>>
      %dma_start3A_652 = arith.constant 0 : i32
      %dma_start3A_653 = tpu.memref_slice %arg13[%dma_start3A_652] : memref<100000xf32, #tpu.memory_space<vmem_shared>> -> memref<100000xf32, #tpu.memory_space<vmem_shared>>
      tpu.enqueue_indirect_dma source(%dma_start3A_653 : memref<100000xf32, #tpu.memory_space<vmem_shared>>) target(%dma_start3A_648 : memref<128xf32, #tpu.memory_space<vmem>>) offsets(%dma_start3A_651 : memref<128xi32, #tpu.memory_space<vmem>>) semaphore(%arg35 : memref<!tpu.dma_semaphore, #tpu.memory_space<semaphore_mem>>)
      %dma_start3A_654 = arith.constant 0 : i32
      %dma_start3A_655 = arith.constant 0 : i32
      %dma_start3A_656 = tpu.memref_slice %arg27[%dma_start3A_655] : memref<128xf32, #tpu.memory_space<vmem>> -> memref<128xf32, #tpu.memory_space<vmem>>
      %dma_start3A_657 = arith.constant 0 : i32
      %dma_start3A_658 = tpu.memref_slice %arg21[%dma_start3A_654, %dma_start3A_657] : memref<2x128xi32, #tpu.memory_space<vmem>> -> memref<1x128xi32, #tpu.memory_space<vmem>>
      %dma_start3A_659 = tpu.memref_squeeze %dma_start3A_658 : memref<1x128xi32, #tpu.memory_space<vmem>> -> memref<128xi32, #tpu.memory_space<vmem>>
      %dma_start3A_660 = arith.constant 0 : i32
      %dma_start3A_661 = tpu.memref_slice %arg13[%dma_start3A_660] : memref<100000xf32, #tpu.memory_space<vmem_shared>> -> memref<100000xf32, #tpu.memory_space<vmem_shared>>
      tpu.enqueue_indirect_dma source(%dma_start3A_661 : memref<100000xf32, #tpu.memory_space<vmem_shared>>) target(%dma_start3A_656 : memref<128xf32, #tpu.memory_space<vmem>>) offsets(%dma_start3A_659 : memref<128xi32, #tpu.memory_space<vmem>>) semaphore(%arg35 : memref<!tpu.dma_semaphore, #tpu.memory_space<semaphore_mem>>)
      %dma_wait3A_662 = arith.constant 0 : i32
      %dma_wait3A_663 = arith.constant 0 : i32
      %dma_wait3A_664 = tpu.memref_slice %arg26[%dma_wait3A_663] : memref<128xf32, #tpu.memory_space<vmem>> -> memref<128xf32, #tpu.memory_space<vmem>>
      %dma_wait3A_665 = arith.constant 0 : i32
      %dma_wait3A_666 = tpu.memref_slice %arg20[%dma_wait3A_662, %dma_wait3A_665] : memref<2x128xi32, #tpu.memory_space<vmem>> -> memref<1x128xi32, #tpu.memory_space<vmem>>
      %dma_wait3A_667 = tpu.memref_squeeze %dma_wait3A_666 : memref<1x128xi32, #tpu.memory_space<vmem>> -> memref<128xi32, #tpu.memory_space<vmem>>
      %dma_wait3A_668 = arith.constant 0 : i32
      %dma_wait3A_669 = tpu.memref_slice %arg13[%dma_wait3A_668] : memref<100000xf32, #tpu.memory_space<vmem_shared>> -> memref<100000xf32, #tpu.memory_space<vmem_shared>>
      tpu.wait_indirect_dma semaphore(%arg35 : memref<!tpu.dma_semaphore, #tpu.memory_space<semaphore_mem>>) src(%dma_wait3A_669 : memref<100000xf32, #tpu.memory_space<vmem_shared>>) dst(%dma_wait3A_664 : memref<128xf32, #tpu.memory_space<vmem>>)
      %dma_wait3A_670 = arith.constant 0 : i32
      %dma_wait3A_671 = arith.constant 0 : i32
      %dma_wait3A_672 = tpu.memref_slice %arg27[%dma_wait3A_671] : memref<128xf32, #tpu.memory_space<vmem>> -> memref<128xf32, #tpu.memory_space<vmem>>
      %dma_wait3A_673 = arith.constant 0 : i32
      %dma_wait3A_674 = tpu.memref_slice %arg21[%dma_wait3A_670, %dma_wait3A_673] : memref<2x128xi32, #tpu.memory_space<vmem>> -> memref<1x128xi32, #tpu.memory_space<vmem>>
      %dma_wait3A_675 = tpu.memref_squeeze %dma_wait3A_674 : memref<1x128xi32, #tpu.memory_space<vmem>> -> memref<128xi32, #tpu.memory_space<vmem>>
      %dma_wait3A_676 = arith.constant 0 : i32
      %dma_wait3A_677 = tpu.memref_slice %arg13[%dma_wait3A_676] : memref<100000xf32, #tpu.memory_space<vmem_shared>> -> memref<100000xf32, #tpu.memory_space<vmem_shared>>
      tpu.wait_indirect_dma semaphore(%arg35 : memref<!tpu.dma_semaphore, #tpu.memory_space<semaphore_mem>>) src(%dma_wait3A_677 : memref<100000xf32, #tpu.memory_space<vmem_shared>>) dst(%dma_wait3A_672 : memref<128xf32, #tpu.memory_space<vmem>>)
      %get3A_678 = arith.constant 0 : i32
      %get3A_679 = arith.constant 0 : i32
      %get3A_680 = tpu.memref_slice %arg20[%get3A_678, %get3A_679] : memref<2x128xi32, #tpu.memory_space<vmem>> -> memref<1x128xi32, #tpu.memory_space<vmem>>
      %get3A_681 = tpu.memref_squeeze %get3A_680 : memref<1x128xi32, #tpu.memory_space<vmem>> -> memref<128xi32, #tpu.memory_space<vmem>>
      %get3A_682 = arith.constant 0 : index
      %get3A_683 = tpu.vector_load %get3A_681[%get3A_682] {strides = array<i32>} : memref<128xi32, #tpu.memory_space<vmem>>, vector<16xi32>,
      %get3A_684 = arith.constant 0 : i32
      %get3A_685 = arith.constant 0 : i32
      %get3A_686 = tpu.memref_slice %arg21[%get3A_684, %get3A_685] : memref<2x128xi32, #tpu.memory_space<vmem>> -> memref<1x128xi32, #tpu.memory_space<vmem>>
      %get3A_687 = tpu.memref_squeeze %get3A_686 : memref<1x128xi32, #tpu.memory_space<vmem>> -> memref<128xi32, #tpu.memory_space<vmem>>
      %get3A_688 = arith.constant 0 : index
      %get3A_689 = tpu.vector_load %get3A_687[%get3A_688] {strides = array<i32>} : memref<128xi32, #tpu.memory_space<vmem>>, vector<16xi32>,
      %get3A_690 = arith.constant 0 : index
      %get3A_691 = tpu.vector_load %arg26[%get3A_690] {strides = array<i32>} : memref<128xf32, #tpu.memory_space<vmem>>, vector<16xf32>,
      %bitcast3A_692 = vector.bitcast %get3A_691 : vector<16xf32> to vector<32xbf16>
      %unpack3A_693 = tpu.unpack_subelements %bitcast3A_692, 0 {pack_format = #tpu.pack_format<interleaved>} : vector<32xbf16> -> vector<16xf32>
      %unpack3A_694 = tpu.unpack_subelements %bitcast3A_692, 1 {pack_format = #tpu.pack_format<interleaved>} : vector<32xbf16> -> vector<16xf32>
      %get3A_695 = arith.constant 0 : index
      %get3A_696 = tpu.vector_load %arg27[%get3A_695] {strides = array<i32>} : memref<128xf32, #tpu.memory_space<vmem>>, vector<16xf32>,
      %bitcast3A_697 = vector.bitcast %get3A_696 : vector<16xf32> to vector<32xbf16>
      %unpack3A_698 = tpu.unpack_subelements %bitcast3A_697, 0 {pack_format = #tpu.pack_format<interleaved>} : vector<32xbf16> -> vector<16xf32>
      %unpack3A_699 = tpu.unpack_subelements %bitcast3A_697, 1 {pack_format = #tpu.pack_format<interleaved>} : vector<32xbf16> -> vector<16xf32>
      %get3A_700 = arith.constant 0 : i32
      %get3A_701 = arith.constant 0 : i32
      %get3A_702 = tpu.memref_slice %arg22[%get3A_700, %get3A_701] : memref<2x128xf32, #tpu.memory_space<vmem>> -> memref<1x128xf32, #tpu.memory_space<vmem>>
      %get3A_703 = tpu.memref_squeeze %get3A_702 : memref<1x128xf32, #tpu.memory_space<vmem>> -> memref<128xf32, #tpu.memory_space<vmem>>
      %get3A_704 = arith.constant 0 : index
      %get3A_705 = tpu.vector_load %get3A_703[%get3A_704] {strides = array<i32>} : memref<128xf32, #tpu.memory_space<vmem>>, vector<16xf32>,
      %mul3A_706 = arith.mulf %get3A_705, %gather3A : vector<16xf32>
      %add3A_707 = arith.addf %mul3A_706, %gather3A_26 : vector<16xf32>
      %get3A_708 = arith.constant 0 : i32
      %get3A_709 = arith.constant 0 : i32
      %get3A_710 = tpu.memref_slice %arg23[%get3A_708, %get3A_709] : memref<2x128xf32, #tpu.memory_space<vmem>> -> memref<1x128xf32, #tpu.memory_space<vmem>>
      %get3A_711 = tpu.memref_squeeze %get3A_710 : memref<1x128xf32, #tpu.memory_space<vmem>> -> memref<128xf32, #tpu.memory_space<vmem>>
      %get3A_712 = arith.constant 0 : index
      %get3A_713 = tpu.vector_load %get3A_711[%get3A_712] {strides = array<i32>} : memref<128xf32, #tpu.memory_space<vmem>>, vector<16xf32>,
      %mul3A_714 = arith.mulf %get3A_713, %gather3A_22 : vector<16xf32>
      %add3A_715 = arith.addf %mul3A_714, %gather3A_30 : vector<16xf32>
      %mul3A_716 = arith.mulf %add3A_707, %add3A_707 : vector<16xf32>
      %mul3A_717 = arith.mulf %add3A_715, %add3A_715 : vector<16xf32>
      %add3A_718 = arith.addf %mul3A_716, %mul3A_717 : vector<16xf32>
      %div3A_719 = arith.constant 1.000000e+00 : f32
      %div3A_720 = vector.broadcast %div3A_719 : f32 to vector<16xf32>
      %div3A_721 = arith.divf %div3A_720, %add3A_718 : vector<16xf32>
      %mul3A_722 = arith.mulf %add3A_707, %div3A_721 : vector<16xf32>
      %mul3A_723 = arith.mulf %add3A_715, %div3A_721 : vector<16xf32>
      %neg3A_724 = arith.constant 0.000000e+00 : f32
      %neg3A_725 = vector.broadcast %neg3A_724 : f32 to vector<16xf32>
      %neg3A_726 = arith.subf %neg3A_725, %mul3A_723 : vector<16xf32>
      %mul3A_727 = arith.mulf %unpack3A_693, %unpack3A_698 : vector<16xf32>
      %mul3A_728 = arith.mulf %unpack3A_694, %unpack3A_699 : vector<16xf32>
      %add3A_729 = arith.addf %mul3A_727, %mul3A_728 : vector<16xf32>
      %mul3A_730 = arith.mulf %unpack3A_694, %unpack3A_698 : vector<16xf32>
      %mul3A_731 = arith.mulf %unpack3A_693, %unpack3A_699 : vector<16xf32>
      %sub3A_732 = arith.subf %mul3A_730, %mul3A_731 : vector<16xf32>
      %mul3A_733 = arith.mulf %unpack3A_693, %unpack3A_693 : vector<16xf32>
      %sub3A_734 = arith.subf %add3A_729, %mul3A_733 : vector<16xf32>
      %mul3A_735 = arith.mulf %unpack3A_694, %unpack3A_694 : vector<16xf32>
      %sub3A_736 = arith.subf %sub3A_734, %mul3A_735 : vector<16xf32>
      %mul3A_737 = arith.mulf %unpack3A_698, %unpack3A_698 : vector<16xf32>
      %sub3A_738 = arith.subf %add3A_729, %mul3A_737 : vector<16xf32>
      %mul3A_739 = arith.mulf %unpack3A_699, %unpack3A_699 : vector<16xf32>
      %sub3A_740 = arith.subf %sub3A_738, %mul3A_739 : vector<16xf32>
      %mul3A_741 = arith.mulf %mul3A_722, %sub3A_732 : vector<16xf32>
      %mul3A_742 = arith.mulf %neg3A_726, %sub3A_732 : vector<16xf32>
      %mul3A_743 = arith.mulf %mul3A_722, %sub3A_736 : vector<16xf32>
      %add3A_744 = arith.addf %mul3A_743, %mul3A_742 : vector<16xf32>
      %swap3A_745 = arith.constant 0 : index
      %swap3A_746 = tpu.vector_load %arg28[%swap3A_745] {strides = array<i32>} : memref<128xf32, #tpu.memory_space<vmem>>, vector<16xf32>,
      tpu.vector_store %arg28[%swap3A_745], %add3A_744 {strides = array<i32>} : memref<128xf32, #tpu.memory_space<vmem>>, vector<16xf32>,
      %mul3A_747 = arith.mulf %neg3A_726, %sub3A_736 : vector<16xf32>
      %sub3A_748 = arith.subf %mul3A_741, %mul3A_747 : vector<16xf32>
      %swap3A_749 = arith.constant 0 : index
      %swap3A_750 = tpu.vector_load %arg29[%swap3A_749] {strides = array<i32>} : memref<128xf32, #tpu.memory_space<vmem>>, vector<16xf32>,
      tpu.vector_store %arg29[%swap3A_749], %sub3A_748 {strides = array<i32>} : memref<128xf32, #tpu.memory_space<vmem>>, vector<16xf32>,
      %mul3A_751 = arith.mulf %mul3A_722, %sub3A_740 : vector<16xf32>
      %sub3A_752 = arith.subf %mul3A_751, %mul3A_742 : vector<16xf32>
      %swap3A_753 = arith.constant 0 : index
      %swap3A_754 = tpu.vector_load %arg30[%swap3A_753] {strides = array<i32>} : memref<128xf32, #tpu.memory_space<vmem>>, vector<16xf32>,
      tpu.vector_store %arg30[%swap3A_753], %sub3A_752 {strides = array<i32>} : memref<128xf32, #tpu.memory_space<vmem>>, vector<16xf32>,
      %neg3A_755 = arith.constant 0.000000e+00 : f32
      %neg3A_756 = vector.broadcast %neg3A_755 : f32 to vector<16xf32>
      %neg3A_757 = arith.subf %neg3A_756, %mul3A_741 : vector<16xf32>
      %mul3A_758 = arith.mulf %neg3A_726, %sub3A_740 : vector<16xf32>
      %sub3A_759 = arith.subf %neg3A_757, %mul3A_758 : vector<16xf32>
      %swap3A_760 = arith.constant 0 : index
      %swap3A_761 = tpu.vector_load %arg31[%swap3A_760] {strides = array<i32>} : memref<128xf32, #tpu.memory_space<vmem>>, vector<16xf32>,
      tpu.vector_store %arg31[%swap3A_760], %sub3A_759 {strides = array<i32>} : memref<128xf32, #tpu.memory_space<vmem>>, vector<16xf32>,
      %eq3A_762 = arith.cmpi eq, %get3A_683, %gather3A_35 : vector<16xi32>
      %eq3A_763 = arith.cmpi eq, %get3A_689, %gather3A_31 : vector<16xi32>
      %and3A_764 = arith.andi %eq3A_762, %eq3A_763 : vector<16xi1>
      %get3A_765 = arith.constant 0 : index
      %get3A_766 = tpu.vector_load %arg32[%get3A_765] {strides = array<i32>} : memref<16xi32, #tpu.memory_space<vmem>>, vector<16xi32>,
      %jit3A_767 = arith.constant 1 : i32
      %jit3A_768 = arith.constant 0 : i32
      %broadcast_in_dim3A_769 = vector.broadcast %jit3A_767 : i32 to vector<16xi32>
      %broadcast_in_dim3A_770 = vector.broadcast %jit3A_768 : i32 to vector<16xi32>
      %select_n3A_771 = arith.select %and3A_764, %broadcast_in_dim3A_769, %broadcast_in_dim3A_770 : vector<16xi1>, vector<16xi32>
      %or3A_772 = arith.ori %get3A_766, %select_n3A_771 : vector<16xi32>
      %swap3A_773 = arith.constant 0 : index
      %swap3A_774 = tpu.vector_load %arg32[%swap3A_773] {strides = array<i32>} : memref<16xi32, #tpu.memory_space<vmem>>, vector<16xi32>,
      tpu.vector_store %arg32[%swap3A_773], %or3A_772 {strides = array<i32>} : memref<16xi32, #tpu.memory_space<vmem>>, vector<16xi32>,
      %get3A_775 = arith.constant 0 : i32
      %get3A_776 = arith.constant 0 : i32
      %get3A_777 = tpu.memref_slice %arg20[%get3A_775, %get3A_776] : memref<2x128xi32, #tpu.memory_space<vmem>> -> memref<1x128xi32, #tpu.memory_space<vmem>>
      %get3A_778 = tpu.memref_squeeze %get3A_777 : memref<1x128xi32, #tpu.memory_space<vmem>> -> memref<128xi32, #tpu.memory_space<vmem>>
      %get3A_779 = arith.constant 16 : index
      %get3A_780 = tpu.vector_load %get3A_778[%get3A_779] {strides = array<i32>} : memref<128xi32, #tpu.memory_space<vmem>>, vector<16xi32>,
      %get3A_781 = arith.constant 0 : i32
      %get3A_782 = arith.constant 0 : i32
      %get3A_783 = tpu.memref_slice %arg21[%get3A_781, %get3A_782] : memref<2x128xi32, #tpu.memory_space<vmem>> -> memref<1x128xi32, #tpu.memory_space<vmem>>
      %get3A_784 = tpu.memref_squeeze %get3A_783 : memref<1x128xi32, #tpu.memory_space<vmem>> -> memref<128xi32, #tpu.memory_space<vmem>>
      %get3A_785 = arith.constant 16 : index
      %get3A_786 = tpu.vector_load %get3A_784[%get3A_785] {strides = array<i32>} : memref<128xi32, #tpu.memory_space<vmem>>, vector<16xi32>,
      %get3A_787 = arith.constant 16 : index
      %get3A_788 = tpu.vector_load %arg26[%get3A_787] {strides = array<i32>} : memref<128xf32, #tpu.memory_space<vmem>>, vector<16xf32>,
      %bitcast3A_789 = vector.bitcast %get3A_788 : vector<16xf32> to vector<32xbf16>
      %unpack3A_790 = tpu.unpack_subelements %bitcast3A_789, 0 {pack_format = #tpu.pack_format<interleaved>} : vector<32xbf16> -> vector<16xf32>
      %unpack3A_791 = tpu.unpack_subelements %bitcast3A_789, 1 {pack_format = #tpu.pack_format<interleaved>} : vector<32xbf16> -> vector<16xf32>
      %get3A_792 = arith.constant 16 : index
      %get3A_793 = tpu.vector_load %arg27[%get3A_792] {strides = array<i32>} : memref<128xf32, #tpu.memory_space<vmem>>, vector<16xf32>,
      %bitcast3A_794 = vector.bitcast %get3A_793 : vector<16xf32> to vector<32xbf16>
      %unpack3A_795 = tpu.unpack_subelements %bitcast3A_794, 0 {pack_format = #tpu.pack_format<interleaved>} : vector<32xbf16> -> vector<16xf32>
      %unpack3A_796 = tpu.unpack_subelements %bitcast3A_794, 1 {pack_format = #tpu.pack_format<interleaved>} : vector<32xbf16> -> vector<16xf32>
      %get3A_797 = arith.constant 0 : i32
      %get3A_798 = arith.constant 0 : i32
      %get3A_799 = tpu.memref_slice %arg22[%get3A_797, %get3A_798] : memref<2x128xf32, #tpu.memory_space<vmem>> -> memref<1x128xf32, #tpu.memory_space<vmem>>
      %get3A_800 = tpu.memref_squeeze %get3A_799 : memref<1x128xf32, #tpu.memory_space<vmem>> -> memref<128xf32, #tpu.memory_space<vmem>>
      %get3A_801 = arith.constant 16 : index
      %get3A_802 = tpu.vector_load %get3A_800[%get3A_801] {strides = array<i32>} : memref<128xf32, #tpu.memory_space<vmem>>, vector<16xf32>,
      %mul3A_803 = arith.mulf %get3A_802, %gather3A : vector<16xf32>
      %add3A_804 = arith.addf %mul3A_803, %gather3A_26 : vector<16xf32>
      %get3A_805 = arith.constant 0 : i32
      %get3A_806 = arith.constant 0 : i32
      %get3A_807 = tpu.memref_slice %arg23[%get3A_805, %get3A_806] : memref<2x128xf32, #tpu.memory_space<vmem>> -> memref<1x128xf32, #tpu.memory_space<vmem>>
      %get3A_808 = tpu.memref_squeeze %get3A_807 : memref<1x128xf32, #tpu.memory_space<vmem>> -> memref<128xf32, #tpu.memory_space<vmem>>
      %get3A_809 = arith.constant 16 : index
      %get3A_810 = tpu.vector_load %get3A_808[%get3A_809] {strides = array<i32>} : memref<128xf32, #tpu.memory_space<vmem>>, vector<16xf32>,
      %mul3A_811 = arith.mulf %get3A_810, %gather3A_22 : vector<16xf32>
      %add3A_812 = arith.addf %mul3A_811, %gather3A_30 : vector<16xf32>
      %mul3A_813 = arith.mulf %add3A_804, %add3A_804 : vector<16xf32>
      %mul3A_814 = arith.mulf %add3A_812, %add3A_812 : vector<16xf32>
      %add3A_815 = arith.addf %mul3A_813, %mul3A_814 : vector<16xf32>
      %div3A_816 = arith.constant 1.000000e+00 : f32
      %div3A_817 = vector.broadcast %div3A_816 : f32 to vector<16xf32>
      %div3A_818 = arith.divf %div3A_817, %add3A_815 : vector<16xf32>
      %mul3A_819 = arith.mulf %add3A_804, %div3A_818 : vector<16xf32>
      %mul3A_820 = arith.mulf %add3A_812, %div3A_818 : vector<16xf32>
      %neg3A_821 = arith.constant 0.000000e+00 : f32
      %neg3A_822 = vector.broadcast %neg3A_821 : f32 to vector<16xf32>
      %neg3A_823 = arith.subf %neg3A_822, %mul3A_820 : vector<16xf32>
      %mul3A_824 = arith.mulf %unpack3A_790, %unpack3A_795 : vector<16xf32>
      %mul3A_825 = arith.mulf %unpack3A_791, %unpack3A_796 : vector<16xf32>
      %add3A_826 = arith.addf %mul3A_824, %mul3A_825 : vector<16xf32>
      %mul3A_827 = arith.mulf %unpack3A_791, %unpack3A_795 : vector<16xf32>
      %mul3A_828 = arith.mulf %unpack3A_790, %unpack3A_796 : vector<16xf32>
      %sub3A_829 = arith.subf %mul3A_827, %mul3A_828 : vector<16xf32>
      %mul3A_830 = arith.mulf %unpack3A_790, %unpack3A_790 : vector<16xf32>
      %sub3A_831 = arith.subf %add3A_826, %mul3A_830 : vector<16xf32>
      %mul3A_832 = arith.mulf %unpack3A_791, %unpack3A_791 : vector<16xf32>
      %sub3A_833 = arith.subf %sub3A_831, %mul3A_832 : vector<16xf32>
      %mul3A_834 = arith.mulf %unpack3A_795, %unpack3A_795 : vector<16xf32>
      %sub3A_835 = arith.subf %add3A_826, %mul3A_834 : vector<16xf32>
      %mul3A_836 = arith.mulf %unpack3A_796, %unpack3A_796 : vector<16xf32>
      %sub3A_837 = arith.subf %sub3A_835, %mul3A_836 : vector<16xf32>
      %mul3A_838 = arith.mulf %mul3A_819, %sub3A_829 : vector<16xf32>
      %mul3A_839 = arith.mulf %neg3A_823, %sub3A_829 : vector<16xf32>
      %mul3A_840 = arith.mulf %mul3A_819, %sub3A_833 : vector<16xf32>
      %add3A_841 = arith.addf %mul3A_840, %mul3A_839 : vector<16xf32>
      %swap3A_842 = arith.constant 16 : index
      %swap3A_843 = tpu.vector_load %arg28[%swap3A_842] {strides = array<i32>} : memref<128xf32, #tpu.memory_space<vmem>>, vector<16xf32>,
      tpu.vector_store %arg28[%swap3A_842], %add3A_841 {strides = array<i32>} : memref<128xf32, #tpu.memory_space<vmem>>, vector<16xf32>,
      %mul3A_844 = arith.mulf %neg3A_823, %sub3A_833 : vector<16xf32>
      %sub3A_845 = arith.subf %mul3A_838, %mul3A_844 : vector<16xf32>
      %swap3A_846 = arith.constant 16 : index
      %swap3A_847 = tpu.vector_load %arg29[%swap3A_846] {strides = array<i32>} : memref<128xf32, #tpu.memory_space<vmem>>, vector<16xf32>,
      tpu.vector_store %arg29[%swap3A_846], %sub3A_845 {strides = array<i32>} : memref<128xf32, #tpu.memory_space<vmem>>, vector<16xf32>,
      %mul3A_848 = arith.mulf %mul3A_819, %sub3A_837 : vector<16xf32>
      %sub3A_849 = arith.subf %mul3A_848, %mul3A_839 : vector<16xf32>
      %swap3A_850 = arith.constant 16 : index
      %swap3A_851 = tpu.vector_load %arg30[%swap3A_850] {strides = array<i32>} : memref<128xf32, #tpu.memory_space<vmem>>, vector<16xf32>,
      tpu.vector_store %arg30[%swap3A_850], %sub3A_849 {strides = array<i32>} : memref<128xf32, #tpu.memory_space<vmem>>, vector<16xf32>,
      %neg3A_852 = arith.constant 0.000000e+00 : f32
      %neg3A_853 = vector.broadcast %neg3A_852 : f32 to vector<16xf32>
      %neg3A_854 = arith.subf %neg3A_853, %mul3A_838 : vector<16xf32>
      %mul3A_855 = arith.mulf %neg3A_823, %sub3A_837 : vector<16xf32>
      %sub3A_856 = arith.subf %neg3A_854, %mul3A_855 : vector<16xf32>
      %swap3A_857 = arith.constant 16 : index
      %swap3A_858 = tpu.vector_load %arg31[%swap3A_857] {strides = array<i32>} : memref<128xf32, #tpu.memory_space<vmem>>, vector<16xf32>,
      tpu.vector_store %arg31[%swap3A_857], %sub3A_856 {strides = array<i32>} : memref<128xf32, #tpu.memory_space<vmem>>, vector<16xf32>,
      %eq3A_859 = arith.cmpi eq, %get3A_780, %gather3A_35 : vector<16xi32>
      %eq3A_860 = arith.cmpi eq, %get3A_786, %gather3A_31 : vector<16xi32>
      %and3A_861 = arith.andi %eq3A_859, %eq3A_860 : vector<16xi1>
      %get3A_862 = arith.constant 0 : index
      %get3A_863 = tpu.vector_load %arg32[%get3A_862] {strides = array<i32>} : memref<16xi32, #tpu.memory_space<vmem>>, vector<16xi32>,
      %jit3A_864 = arith.constant 1 : i32
      %jit3A_865 = arith.constant 0 : i32
      %broadcast_in_dim3A_866 = vector.broadcast %jit3A_864 : i32 to vector<16xi32>
      %broadcast_in_dim3A_867 = vector.broadcast %jit3A_865 : i32 to vector<16xi32>
      %select_n3A_868 = arith.select %and3A_861, %broadcast_in_dim3A_866, %broadcast_in_dim3A_867 : vector<16xi1>, vector<16xi32>
      %or3A_869 = arith.ori %get3A_863, %select_n3A_868 : vector<16xi32>
      %swap3A_870 = arith.constant 0 : index
      %swap3A_871 = tpu.vector_load %arg32[%swap3A_870] {strides = array<i32>} : memref<16xi32, #tpu.memory_space<vmem>>, vector<16xi32>,
      tpu.vector_store %arg32[%swap3A_870], %or3A_869 {strides = array<i32>} : memref<16xi32, #tpu.memory_space<vmem>>, vector<16xi32>,
      %get3A_872 = arith.constant 0 : i32
      %get3A_873 = arith.constant 0 : i32
      %get3A_874 = tpu.memref_slice %arg20[%get3A_872, %get3A_873] : memref<2x128xi32, #tpu.memory_space<vmem>> -> memref<1x128xi32, #tpu.memory_space<vmem>>
      %get3A_875 = tpu.memref_squeeze %get3A_874 : memref<1x128xi32, #tpu.memory_space<vmem>> -> memref<128xi32, #tpu.memory_space<vmem>>
      %get3A_876 = arith.constant 32 : index
      %get3A_877 = tpu.vector_load %get3A_875[%get3A_876] {strides = array<i32>} : memref<128xi32, #tpu.memory_space<vmem>>, vector<16xi32>,
      %get3A_878 = arith.constant 0 : i32
      %get3A_879 = arith.constant 0 : i32
      %get3A_880 = tpu.memref_slice %arg21[%get3A_878, %get3A_879] : memref<2x128xi32, #tpu.memory_space<vmem>> -> memref<1x128xi32, #tpu.memory_space<vmem>>
      %get3A_881 = tpu.memref_squeeze %get3A_880 : memref<1x128xi32, #tpu.memory_space<vmem>> -> memref<128xi32, #tpu.memory_space<vmem>>
      %get3A_882 = arith.constant 32 : index
      %get3A_883 = tpu.vector_load %get3A_881[%get3A_882] {strides = array<i32>} : memref<128xi32, #tpu.memory_space<vmem>>, vector<16xi32>,
      %get3A_884 = arith.constant 32 : index
      %get3A_885 = tpu.vector_load %arg26[%get3A_884] {strides = array<i32>} : memref<128xf32, #tpu.memory_space<vmem>>, vector<16xf32>,
      %bitcast3A_886 = vector.bitcast %get3A_885 : vector<16xf32> to vector<32xbf16>
      %unpack3A_887 = tpu.unpack_subelements %bitcast3A_886, 0 {pack_format = #tpu.pack_format<interleaved>} : vector<32xbf16> -> vector<16xf32>
      %unpack3A_888 = tpu.unpack_subelements %bitcast3A_886, 1 {pack_format = #tpu.pack_format<interleaved>} : vector<32xbf16> -> vector<16xf32>
      %get3A_889 = arith.constant 32 : index
      %get3A_890 = tpu.vector_load %arg27[%get3A_889] {strides = array<i32>} : memref<128xf32, #tpu.memory_space<vmem>>, vector<16xf32>,
      %bitcast3A_891 = vector.bitcast %get3A_890 : vector<16xf32> to vector<32xbf16>
      %unpack3A_892 = tpu.unpack_subelements %bitcast3A_891, 0 {pack_format = #tpu.pack_format<interleaved>} : vector<32xbf16> -> vector<16xf32>
      %unpack3A_893 = tpu.unpack_subelements %bitcast3A_891, 1 {pack_format = #tpu.pack_format<interleaved>} : vector<32xbf16> -> vector<16xf32>
      %get3A_894 = arith.constant 0 : i32
      %get3A_895 = arith.constant 0 : i32
      %get3A_896 = tpu.memref_slice %arg22[%get3A_894, %get3A_895] : memref<2x128xf32, #tpu.memory_space<vmem>> -> memref<1x128xf32, #tpu.memory_space<vmem>>
      %get3A_897 = tpu.memref_squeeze %get3A_896 : memref<1x128xf32, #tpu.memory_space<vmem>> -> memref<128xf32, #tpu.memory_space<vmem>>
      %get3A_898 = arith.constant 32 : index
      %get3A_899 = tpu.vector_load %get3A_897[%get3A_898] {strides = array<i32>} : memref<128xf32, #tpu.memory_space<vmem>>, vector<16xf32>,
      %mul3A_900 = arith.mulf %get3A_899, %gather3A : vector<16xf32>
      %add3A_901 = arith.addf %mul3A_900, %gather3A_26 : vector<16xf32>
      %get3A_902 = arith.constant 0 : i32
      %get3A_903 = arith.constant 0 : i32
      %get3A_904 = tpu.memref_slice %arg23[%get3A_902, %get3A_903] : memref<2x128xf32, #tpu.memory_space<vmem>> -> memref<1x128xf32, #tpu.memory_space<vmem>>
      %get3A_905 = tpu.memref_squeeze %get3A_904 : memref<1x128xf32, #tpu.memory_space<vmem>> -> memref<128xf32, #tpu.memory_space<vmem>>
      %get3A_906 = arith.constant 32 : index
      %get3A_907 = tpu.vector_load %get3A_905[%get3A_906] {strides = array<i32>} : memref<128xf32, #tpu.memory_space<vmem>>, vector<16xf32>,
      %mul3A_908 = arith.mulf %get3A_907, %gather3A_22 : vector<16xf32>
      %add3A_909 = arith.addf %mul3A_908, %gather3A_30 : vector<16xf32>
      %mul3A_910 = arith.mulf %add3A_901, %add3A_901 : vector<16xf32>
      %mul3A_911 = arith.mulf %add3A_909, %add3A_909 : vector<16xf32>
      %add3A_912 = arith.addf %mul3A_910, %mul3A_911 : vector<16xf32>
      %div3A_913 = arith.constant 1.000000e+00 : f32
      %div3A_914 = vector.broadcast %div3A_913 : f32 to vector<16xf32>
      %div3A_915 = arith.divf %div3A_914, %add3A_912 : vector<16xf32>
      %mul3A_916 = arith.mulf %add3A_901, %div3A_915 : vector<16xf32>
      %mul3A_917 = arith.mulf %add3A_909, %div3A_915 : vector<16xf32>
      %neg3A_918 = arith.constant 0.000000e+00 : f32
      %neg3A_919 = vector.broadcast %neg3A_918 : f32 to vector<16xf32>
      %neg3A_920 = arith.subf %neg3A_919, %mul3A_917 : vector<16xf32>
      %mul3A_921 = arith.mulf %unpack3A_887, %unpack3A_892 : vector<16xf32>
      %mul3A_922 = arith.mulf %unpack3A_888, %unpack3A_893 : vector<16xf32>
      %add3A_923 = arith.addf %mul3A_921, %mul3A_922 : vector<16xf32>
      %mul3A_924 = arith.mulf %unpack3A_888, %unpack3A_892 : vector<16xf32>
      %mul3A_925 = arith.mulf %unpack3A_887, %unpack3A_893 : vector<16xf32>
      %sub3A_926 = arith.subf %mul3A_924, %mul3A_925 : vector<16xf32>
      %mul3A_927 = arith.mulf %unpack3A_887, %unpack3A_887 : vector<16xf32>
      %sub3A_928 = arith.subf %add3A_923, %mul3A_927 : vector<16xf32>
      %mul3A_929 = arith.mulf %unpack3A_888, %unpack3A_888 : vector<16xf32>
      %sub3A_930 = arith.subf %sub3A_928, %mul3A_929 : vector<16xf32>
      %mul3A_931 = arith.mulf %unpack3A_892, %unpack3A_892 : vector<16xf32>
      %sub3A_932 = arith.subf %add3A_923, %mul3A_931 : vector<16xf32>
      %mul3A_933 = arith.mulf %unpack3A_893, %unpack3A_893 : vector<16xf32>
      %sub3A_934 = arith.subf %sub3A_932, %mul3A_933 : vector<16xf32>
      %mul3A_935 = arith.mulf %mul3A_916, %sub3A_926 : vector<16xf32>
      %mul3A_936 = arith.mulf %neg3A_920, %sub3A_926 : vector<16xf32>
      %mul3A_937 = arith.mulf %mul3A_916, %sub3A_930 : vector<16xf32>
      %add3A_938 = arith.addf %mul3A_937, %mul3A_936 : vector<16xf32>
      %swap3A_939 = arith.constant 32 : index
      %swap3A_940 = tpu.vector_load %arg28[%swap3A_939] {strides = array<i32>} : memref<128xf32, #tpu.memory_space<vmem>>, vector<16xf32>,
      tpu.vector_store %arg28[%swap3A_939], %add3A_938 {strides = array<i32>} : memref<128xf32, #tpu.memory_space<vmem>>, vector<16xf32>,
      %mul3A_941 = arith.mulf %neg3A_920, %sub3A_930 : vector<16xf32>
      %sub3A_942 = arith.subf %mul3A_935, %mul3A_941 : vector<16xf32>
      %swap3A_943 = arith.constant 32 : index
      %swap3A_944 = tpu.vector_load %arg29[%swap3A_943] {strides = array<i32>} : memref<128xf32, #tpu.memory_space<vmem>>, vector<16xf32>,
      tpu.vector_store %arg29[%swap3A_943], %sub3A_942 {strides = array<i32>} : memref<128xf32, #tpu.memory_space<vmem>>, vector<16xf32>,
      %mul3A_945 = arith.mulf %mul3A_916, %sub3A_934 : vector<16xf32>
      %sub3A_946 = arith.subf %mul3A_945, %mul3A_936 : vector<16xf32>
      %swap3A_947 = arith.constant 32 : index
      %swap3A_948 = tpu.vector_load %arg30[%swap3A_947] {strides = array<i32>} : memref<128xf32, #tpu.memory_space<vmem>>, vector<16xf32>,
      tpu.vector_store %arg30[%swap3A_947], %sub3A_946 {strides = array<i32>} : memref<128xf32, #tpu.memory_space<vmem>>, vector<16xf32>,
      %neg3A_949 = arith.constant 0.000000e+00 : f32
      %neg3A_950 = vector.broadcast %neg3A_949 : f32 to vector<16xf32>
      %neg3A_951 = arith.subf %neg3A_950, %mul3A_935 : vector<16xf32>
      %mul3A_952 = arith.mulf %neg3A_920, %sub3A_934 : vector<16xf32>
      %sub3A_953 = arith.subf %neg3A_951, %mul3A_952 : vector<16xf32>
      %swap3A_954 = arith.constant 32 : index
      %swap3A_955 = tpu.vector_load %arg31[%swap3A_954] {strides = array<i32>} : memref<128xf32, #tpu.memory_space<vmem>>, vector<16xf32>,
      tpu.vector_store %arg31[%swap3A_954], %sub3A_953 {strides = array<i32>} : memref<128xf32, #tpu.memory_space<vmem>>, vector<16xf32>,
      %eq3A_956 = arith.cmpi eq, %get3A_877, %gather3A_35 : vector<16xi32>
      %eq3A_957 = arith.cmpi eq, %get3A_883, %gather3A_31 : vector<16xi32>
      %and3A_958 = arith.andi %eq3A_956, %eq3A_957 : vector<16xi1>
      %get3A_959 = arith.constant 0 : index
      %get3A_960 = tpu.vector_load %arg32[%get3A_959] {strides = array<i32>} : memref<16xi32, #tpu.memory_space<vmem>>, vector<16xi32>,
      %jit3A_961 = arith.constant 1 : i32
      %jit3A_962 = arith.constant 0 : i32
      %broadcast_in_dim3A_963 = vector.broadcast %jit3A_961 : i32 to vector<16xi32>
      %broadcast_in_dim3A_964 = vector.broadcast %jit3A_962 : i32 to vector<16xi32>
      %select_n3A_965 = arith.select %and3A_958, %broadcast_in_dim3A_963, %broadcast_in_dim3A_964 : vector<16xi1>, vector<16xi32>
      %or3A_966 = arith.ori %get3A_960, %select_n3A_965 : vector<16xi32>
      %swap3A_967 = arith.constant 0 : index
      %swap3A_968 = tpu.vector_load %arg32[%swap3A_967] {strides = array<i32>} : memref<16xi32, #tpu.memory_space<vmem>>, vector<16xi32>,
      tpu.vector_store %arg32[%swap3A_967], %or3A_966 {strides = array<i32>} : memref<16xi32, #tpu.memory_space<vmem>>, vector<16xi32>,
      %get3A_969 = arith.constant 0 : i32
      %get3A_970 = arith.constant 0 : i32
      %get3A_971 = tpu.memref_slice %arg20[%get3A_969, %get3A_970] : memref<2x128xi32, #tpu.memory_space<vmem>> -> memref<1x128xi32, #tpu.memory_space<vmem>>
      %get3A_972 = tpu.memref_squeeze %get3A_971 : memref<1x128xi32, #tpu.memory_space<vmem>> -> memref<128xi32, #tpu.memory_space<vmem>>
      %get3A_973 = arith.constant 48 : index
      %get3A_974 = tpu.vector_load %get3A_972[%get3A_973] {strides = array<i32>} : memref<128xi32, #tpu.memory_space<vmem>>, vector<16xi32>,
      %get3A_975 = arith.constant 0 : i32
      %get3A_976 = arith.constant 0 : i32
      %get3A_977 = tpu.memref_slice %arg21[%get3A_975, %get3A_976] : memref<2x128xi32, #tpu.memory_space<vmem>> -> memref<1x128xi32, #tpu.memory_space<vmem>>
      %get3A_978 = tpu.memref_squeeze %get3A_977 : memref<1x128xi32, #tpu.memory_space<vmem>> -> memref<128xi32, #tpu.memory_space<vmem>>
      %get3A_979 = arith.constant 48 : index
      %get3A_980 = tpu.vector_load %get3A_978[%get3A_979] {strides = array<i32>} : memref<128xi32, #tpu.memory_space<vmem>>, vector<16xi32>,
      %get3A_981 = arith.constant 48 : index
      %get3A_982 = tpu.vector_load %arg26[%get3A_981] {strides = array<i32>} : memref<128xf32, #tpu.memory_space<vmem>>, vector<16xf32>,
      %bitcast3A_983 = vector.bitcast %get3A_982 : vector<16xf32> to vector<32xbf16>
      %unpack3A_984 = tpu.unpack_subelements %bitcast3A_983, 0 {pack_format = #tpu.pack_format<interleaved>} : vector<32xbf16> -> vector<16xf32>
      %unpack3A_985 = tpu.unpack_subelements %bitcast3A_983, 1 {pack_format = #tpu.pack_format<interleaved>} : vector<32xbf16> -> vector<16xf32>
      %get3A_986 = arith.constant 48 : index
      %get3A_987 = tpu.vector_load %arg27[%get3A_986] {strides = array<i32>} : memref<128xf32, #tpu.memory_space<vmem>>, vector<16xf32>,
      %bitcast3A_988 = vector.bitcast %get3A_987 : vector<16xf32> to vector<32xbf16>
      %unpack3A_989 = tpu.unpack_subelements %bitcast3A_988, 0 {pack_format = #tpu.pack_format<interleaved>} : vector<32xbf16> -> vector<16xf32>
      %unpack3A_990 = tpu.unpack_subelements %bitcast3A_988, 1 {pack_format = #tpu.pack_format<interleaved>} : vector<32xbf16> -> vector<16xf32>
      %get3A_991 = arith.constant 0 : i32
      %get3A_992 = arith.constant 0 : i32
      %get3A_993 = tpu.memref_slice %arg22[%get3A_991, %get3A_992] : memref<2x128xf32, #tpu.memory_space<vmem>> -> memref<1x128xf32, #tpu.memory_space<vmem>>
      %get3A_994 = tpu.memref_squeeze %get3A_993 : memref<1x128xf32, #tpu.memory_space<vmem>> -> memref<128xf32, #tpu.memory_space<vmem>>
      %get3A_995 = arith.constant 48 : index
      %get3A_996 = tpu.vector_load %get3A_994[%get3A_995] {strides = array<i32>} : memref<128xf32, #tpu.memory_space<vmem>>, vector<16xf32>,
      %mul3A_997 = arith.mulf %get3A_996, %gather3A : vector<16xf32>
      %add3A_998 = arith.addf %mul3A_997, %gather3A_26 : vector<16xf32>
      %get3A_999 = arith.constant 0 : i32
      %get3A_1000 = arith.constant 0 : i32
      %get3A_1001 = tpu.memref_slice %arg23[%get3A_999, %get3A_1000] : memref<2x128xf32, #tpu.memory_space<vmem>> -> memref<1x128xf32, #tpu.memory_space<vmem>>
      %get3A_1002 = tpu.memref_squeeze %get3A_1001 : memref<1x128xf32, #tpu.memory_space<vmem>> -> memref<128xf32, #tpu.memory_space<vmem>>
      %get3A_1003 = arith.constant 48 : index
      %get3A_1004 = tpu.vector_load %get3A_1002[%get3A_1003] {strides = array<i32>} : memref<128xf32, #tpu.memory_space<vmem>>, vector<16xf32>,
      %mul3A_1005 = arith.mulf %get3A_1004, %gather3A_22 : vector<16xf32>
      %add3A_1006 = arith.addf %mul3A_1005, %gather3A_30 : vector<16xf32>
      %mul3A_1007 = arith.mulf %add3A_998, %add3A_998 : vector<16xf32>
      %mul3A_1008 = arith.mulf %add3A_1006, %add3A_1006 : vector<16xf32>
      %add3A_1009 = arith.addf %mul3A_1007, %mul3A_1008 : vector<16xf32>
      %div3A_1010 = arith.constant 1.000000e+00 : f32
      %div3A_1011 = vector.broadcast %div3A_1010 : f32 to vector<16xf32>
      %div3A_1012 = arith.divf %div3A_1011, %add3A_1009 : vector<16xf32>
      %mul3A_1013 = arith.mulf %add3A_998, %div3A_1012 : vector<16xf32>
      %mul3A_1014 = arith.mulf %add3A_1006, %div3A_1012 : vector<16xf32>
      %neg3A_1015 = arith.constant 0.000000e+00 : f32
      %neg3A_1016 = vector.broadcast %neg3A_1015 : f32 to vector<16xf32>
      %neg3A_1017 = arith.subf %neg3A_1016, %mul3A_1014 : vector<16xf32>
      %mul3A_1018 = arith.mulf %unpack3A_984, %unpack3A_989 : vector<16xf32>
      %mul3A_1019 = arith.mulf %unpack3A_985, %unpack3A_990 : vector<16xf32>
      %add3A_1020 = arith.addf %mul3A_1018, %mul3A_1019 : vector<16xf32>
      %mul3A_1021 = arith.mulf %unpack3A_985, %unpack3A_989 : vector<16xf32>
      %mul3A_1022 = arith.mulf %unpack3A_984, %unpack3A_990 : vector<16xf32>
      %sub3A_1023 = arith.subf %mul3A_1021, %mul3A_1022 : vector<16xf32>
      %mul3A_1024 = arith.mulf %unpack3A_984, %unpack3A_984 : vector<16xf32>
      %sub3A_1025 = arith.subf %add3A_1020, %mul3A_1024 : vector<16xf32>
      %mul3A_1026 = arith.mulf %unpack3A_985, %unpack3A_985 : vector<16xf32>
      %sub3A_1027 = arith.subf %sub3A_1025, %mul3A_1026 : vector<16xf32>
      %mul3A_1028 = arith.mulf %unpack3A_989, %unpack3A_989 : vector<16xf32>
      %sub3A_1029 = arith.subf %add3A_1020, %mul3A_1028 : vector<16xf32>
      %mul3A_1030 = arith.mulf %unpack3A_990, %unpack3A_990 : vector<16xf32>
      %sub3A_1031 = arith.subf %sub3A_1029, %mul3A_1030 : vector<16xf32>
      %mul3A_1032 = arith.mulf %mul3A_1013, %sub3A_1023 : vector<16xf32>
      %mul3A_1033 = arith.mulf %neg3A_1017, %sub3A_1023 : vector<16xf32>
      %mul3A_1034 = arith.mulf %mul3A_1013, %sub3A_1027 : vector<16xf32>
      %add3A_1035 = arith.addf %mul3A_1034, %mul3A_1033 : vector<16xf32>
      %swap3A_1036 = arith.constant 48 : index
      %swap3A_1037 = tpu.vector_load %arg28[%swap3A_1036] {strides = array<i32>} : memref<128xf32, #tpu.memory_space<vmem>>, vector<16xf32>,
      tpu.vector_store %arg28[%swap3A_1036], %add3A_1035 {strides = array<i32>} : memref<128xf32, #tpu.memory_space<vmem>>, vector<16xf32>,
      %mul3A_1038 = arith.mulf %neg3A_1017, %sub3A_1027 : vector<16xf32>
      %sub3A_1039 = arith.subf %mul3A_1032, %mul3A_1038 : vector<16xf32>
      %swap3A_1040 = arith.constant 48 : index
      %swap3A_1041 = tpu.vector_load %arg29[%swap3A_1040] {strides = array<i32>} : memref<128xf32, #tpu.memory_space<vmem>>, vector<16xf32>,
      tpu.vector_store %arg29[%swap3A_1040], %sub3A_1039 {strides = array<i32>} : memref<128xf32, #tpu.memory_space<vmem>>, vector<16xf32>,
      %mul3A_1042 = arith.mulf %mul3A_1013, %sub3A_1031 : vector<16xf32>
      %sub3A_1043 = arith.subf %mul3A_1042, %mul3A_1033 : vector<16xf32>
      %swap3A_1044 = arith.constant 48 : index
      %swap3A_1045 = tpu.vector_load %arg30[%swap3A_1044] {strides = array<i32>} : memref<128xf32, #tpu.memory_space<vmem>>, vector<16xf32>,
      tpu.vector_store %arg30[%swap3A_1044], %sub3A_1043 {strides = array<i32>} : memref<128xf32, #tpu.memory_space<vmem>>, vector<16xf32>,
      %neg3A_1046 = arith.constant 0.000000e+00 : f32
      %neg3A_1047 = vector.broadcast %neg3A_1046 : f32 to vector<16xf32>
      %neg3A_1048 = arith.subf %neg3A_1047, %mul3A_1032 : vector<16xf32>
      %mul3A_1049 = arith.mulf %neg3A_1017, %sub3A_1031 : vector<16xf32>
      %sub3A_1050 = arith.subf %neg3A_1048, %mul3A_1049 : vector<16xf32>
      %swap3A_1051 = arith.constant 48 : index
      %swap3A_1052 = tpu.vector_load %arg31[%swap3A_1051] {strides = array<i32>} : memref<128xf32, #tpu.memory_space<vmem>>, vector<16xf32>,
      tpu.vector_store %arg31[%swap3A_1051], %sub3A_1050 {strides = array<i32>} : memref<128xf32, #tpu.memory_space<vmem>>, vector<16xf32>,
      %eq3A_1053 = arith.cmpi eq, %get3A_974, %gather3A_35 : vector<16xi32>
      %eq3A_1054 = arith.cmpi eq, %get3A_980, %gather3A_31 : vector<16xi32>
      %and3A_1055 = arith.andi %eq3A_1053, %eq3A_1054 : vector<16xi1>
      %get3A_1056 = arith.constant 0 : index
      %get3A_1057 = tpu.vector_load %arg32[%get3A_1056] {strides = array<i32>} : memref<16xi32, #tpu.memory_space<vmem>>, vector<16xi32>,
      %jit3A_1058 = arith.constant 1 : i32
      %jit3A_1059 = arith.constant 0 : i32
      %broadcast_in_dim3A_1060 = vector.broadcast %jit3A_1058 : i32 to vector<16xi32>
      %broadcast_in_dim3A_1061 = vector.broadcast %jit3A_1059 : i32 to vector<16xi32>
      %select_n3A_1062 = arith.select %and3A_1055, %broadcast_in_dim3A_1060, %broadcast_in_dim3A_1061 : vector<16xi1>, vector<16xi32>
      %or3A_1063 = arith.ori %get3A_1057, %select_n3A_1062 : vector<16xi32>
      %swap3A_1064 = arith.constant 0 : index
      %swap3A_1065 = tpu.vector_load %arg32[%swap3A_1064] {strides = array<i32>} : memref<16xi32, #tpu.memory_space<vmem>>, vector<16xi32>,
      tpu.vector_store %arg32[%swap3A_1064], %or3A_1063 {strides = array<i32>} : memref<16xi32, #tpu.memory_space<vmem>>, vector<16xi32>,
      %get3A_1066 = arith.constant 0 : i32
      %get3A_1067 = arith.constant 0 : i32
      %get3A_1068 = tpu.memref_slice %arg20[%get3A_1066, %get3A_1067] : memref<2x128xi32, #tpu.memory_space<vmem>> -> memref<1x128xi32, #tpu.memory_space<vmem>>
      %get3A_1069 = tpu.memref_squeeze %get3A_1068 : memref<1x128xi32, #tpu.memory_space<vmem>> -> memref<128xi32, #tpu.memory_space<vmem>>
      %get3A_1070 = arith.constant 64 : index
      %get3A_1071 = tpu.vector_load %get3A_1069[%get3A_1070] {strides = array<i32>} : memref<128xi32, #tpu.memory_space<vmem>>, vector<16xi32>,
      %get3A_1072 = arith.constant 0 : i32
      %get3A_1073 = arith.constant 0 : i32
      %get3A_1074 = tpu.memref_slice %arg21[%get3A_1072, %get3A_1073] : memref<2x128xi32, #tpu.memory_space<vmem>> -> memref<1x128xi32, #tpu.memory_space<vmem>>
      %get3A_1075 = tpu.memref_squeeze %get3A_1074 : memref<1x128xi32, #tpu.memory_space<vmem>> -> memref<128xi32, #tpu.memory_space<vmem>>
      %get3A_1076 = arith.constant 64 : index
      %get3A_1077 = tpu.vector_load %get3A_1075[%get3A_1076] {strides = array<i32>} : memref<128xi32, #tpu.memory_space<vmem>>, vector<16xi32>,
      %get3A_1078 = arith.constant 64 : index
      %get3A_1079 = tpu.vector_load %arg26[%get3A_1078] {strides = array<i32>} : memref<128xf32, #tpu.memory_space<vmem>>, vector<16xf32>,
      %bitcast3A_1080 = vector.bitcast %get3A_1079 : vector<16xf32> to vector<32xbf16>
      %unpack3A_1081 = tpu.unpack_subelements %bitcast3A_1080, 0 {pack_format = #tpu.pack_format<interleaved>} : vector<32xbf16> -> vector<16xf32>
      %unpack3A_1082 = tpu.unpack_subelements %bitcast3A_1080, 1 {pack_format = #tpu.pack_format<interleaved>} : vector<32xbf16> -> vector<16xf32>
      %get3A_1083 = arith.constant 64 : index
      %get3A_1084 = tpu.vector_load %arg27[%get3A_1083] {strides = array<i32>} : memref<128xf32, #tpu.memory_space<vmem>>, vector<16xf32>,
      %bitcast3A_1085 = vector.bitcast %get3A_1084 : vector<16xf32> to vector<32xbf16>
      %unpack3A_1086 = tpu.unpack_subelements %bitcast3A_1085, 0 {pack_format = #tpu.pack_format<interleaved>} : vector<32xbf16> -> vector<16xf32>
      %unpack3A_1087 = tpu.unpack_subelements %bitcast3A_1085, 1 {pack_format = #tpu.pack_format<interleaved>} : vector<32xbf16> -> vector<16xf32>
      %get3A_1088 = arith.constant 0 : i32
      %get3A_1089 = arith.constant 0 : i32
      %get3A_1090 = tpu.memref_slice %arg22[%get3A_1088, %get3A_1089] : memref<2x128xf32, #tpu.memory_space<vmem>> -> memref<1x128xf32, #tpu.memory_space<vmem>>
      %get3A_1091 = tpu.memref_squeeze %get3A_1090 : memref<1x128xf32, #tpu.memory_space<vmem>> -> memref<128xf32, #tpu.memory_space<vmem>>
      %get3A_1092 = arith.constant 64 : index
      %get3A_1093 = tpu.vector_load %get3A_1091[%get3A_1092] {strides = array<i32>} : memref<128xf32, #tpu.memory_space<vmem>>, vector<16xf32>,
      %mul3A_1094 = arith.mulf %get3A_1093, %gather3A : vector<16xf32>
      %add3A_1095 = arith.addf %mul3A_1094, %gather3A_26 : vector<16xf32>
      %get3A_1096 = arith.constant 0 : i32
      %get3A_1097 = arith.constant 0 : i32
      %get3A_1098 = tpu.memref_slice %arg23[%get3A_1096, %get3A_1097] : memref<2x128xf32, #tpu.memory_space<vmem>> -> memref<1x128xf32, #tpu.memory_space<vmem>>
      %get3A_1099 = tpu.memref_squeeze %get3A_1098 : memref<1x128xf32, #tpu.memory_space<vmem>> -> memref<128xf32, #tpu.memory_space<vmem>>
      %get3A_1100 = arith.constant 64 : index
      %get3A_1101 = tpu.vector_load %get3A_1099[%get3A_1100] {strides = array<i32>} : memref<128xf32, #tpu.memory_space<vmem>>, vector<16xf32>,
      %mul3A_1102 = arith.mulf %get3A_1101, %gather3A_22 : vector<16xf32>
      %add3A_1103 = arith.addf %mul3A_1102, %gather3A_30 : vector<16xf32>
      %mul3A_1104 = arith.mulf %add3A_1095, %add3A_1095 : vector<16xf32>
      %mul3A_1105 = arith.mulf %add3A_1103, %add3A_1103 : vector<16xf32>
      %add3A_1106 = arith.addf %mul3A_1104, %mul3A_1105 : vector<16xf32>
      %div3A_1107 = arith.constant 1.000000e+00 : f32
      %div3A_1108 = vector.broadcast %div3A_1107 : f32 to vector<16xf32>
      %div3A_1109 = arith.divf %div3A_1108, %add3A_1106 : vector<16xf32>
      %mul3A_1110 = arith.mulf %add3A_1095, %div3A_1109 : vector<16xf32>
      %mul3A_1111 = arith.mulf %add3A_1103, %div3A_1109 : vector<16xf32>
      %neg3A_1112 = arith.constant 0.000000e+00 : f32
      %neg3A_1113 = vector.broadcast %neg3A_1112 : f32 to vector<16xf32>
      %neg3A_1114 = arith.subf %neg3A_1113, %mul3A_1111 : vector<16xf32>
      %mul3A_1115 = arith.mulf %unpack3A_1081, %unpack3A_1086 : vector<16xf32>
      %mul3A_1116 = arith.mulf %unpack3A_1082, %unpack3A_1087 : vector<16xf32>
      %add3A_1117 = arith.addf %mul3A_1115, %mul3A_1116 : vector<16xf32>
      %mul3A_1118 = arith.mulf %unpack3A_1082, %unpack3A_1086 : vector<16xf32>
      %mul3A_1119 = arith.mulf %unpack3A_1081, %unpack3A_1087 : vector<16xf32>
      %sub3A_1120 = arith.subf %mul3A_1118, %mul3A_1119 : vector<16xf32>
      %mul3A_1121 = arith.mulf %unpack3A_1081, %unpack3A_1081 : vector<16xf32>
      %sub3A_1122 = arith.subf %add3A_1117, %mul3A_1121 : vector<16xf32>
      %mul3A_1123 = arith.mulf %unpack3A_1082, %unpack3A_1082 : vector<16xf32>
      %sub3A_1124 = arith.subf %sub3A_1122, %mul3A_1123 : vector<16xf32>
      %mul3A_1125 = arith.mulf %unpack3A_1086, %unpack3A_1086 : vector<16xf32>
      %sub3A_1126 = arith.subf %add3A_1117, %mul3A_1125 : vector<16xf32>
      %mul3A_1127 = arith.mulf %unpack3A_1087, %unpack3A_1087 : vector<16xf32>
      %sub3A_1128 = arith.subf %sub3A_1126, %mul3A_1127 : vector<16xf32>
      %mul3A_1129 = arith.mulf %mul3A_1110, %sub3A_1120 : vector<16xf32>
      %mul3A_1130 = arith.mulf %neg3A_1114, %sub3A_1120 : vector<16xf32>
      %mul3A_1131 = arith.mulf %mul3A_1110, %sub3A_1124 : vector<16xf32>
      %add3A_1132 = arith.addf %mul3A_1131, %mul3A_1130 : vector<16xf32>
      %swap3A_1133 = arith.constant 64 : index
      %swap3A_1134 = tpu.vector_load %arg28[%swap3A_1133] {strides = array<i32>} : memref<128xf32, #tpu.memory_space<vmem>>, vector<16xf32>,
      tpu.vector_store %arg28[%swap3A_1133], %add3A_1132 {strides = array<i32>} : memref<128xf32, #tpu.memory_space<vmem>>, vector<16xf32>,
      %mul3A_1135 = arith.mulf %neg3A_1114, %sub3A_1124 : vector<16xf32>
      %sub3A_1136 = arith.subf %mul3A_1129, %mul3A_1135 : vector<16xf32>
      %swap3A_1137 = arith.constant 64 : index
      %swap3A_1138 = tpu.vector_load %arg29[%swap3A_1137] {strides = array<i32>} : memref<128xf32, #tpu.memory_space<vmem>>, vector<16xf32>,
      tpu.vector_store %arg29[%swap3A_1137], %sub3A_1136 {strides = array<i32>} : memref<128xf32, #tpu.memory_space<vmem>>, vector<16xf32>,
      %mul3A_1139 = arith.mulf %mul3A_1110, %sub3A_1128 : vector<16xf32>
      %sub3A_1140 = arith.subf %mul3A_1139, %mul3A_1130 : vector<16xf32>
      %swap3A_1141 = arith.constant 64 : index
      %swap3A_1142 = tpu.vector_load %arg30[%swap3A_1141] {strides = array<i32>} : memref<128xf32, #tpu.memory_space<vmem>>, vector<16xf32>,
      tpu.vector_store %arg30[%swap3A_1141], %sub3A_1140 {strides = array<i32>} : memref<128xf32, #tpu.memory_space<vmem>>, vector<16xf32>,
      %neg3A_1143 = arith.constant 0.000000e+00 : f32
      %neg3A_1144 = vector.broadcast %neg3A_1143 : f32 to vector<16xf32>
      %neg3A_1145 = arith.subf %neg3A_1144, %mul3A_1129 : vector<16xf32>
      %mul3A_1146 = arith.mulf %neg3A_1114, %sub3A_1128 : vector<16xf32>
      %sub3A_1147 = arith.subf %neg3A_1145, %mul3A_1146 : vector<16xf32>
      %swap3A_1148 = arith.constant 64 : index
      %swap3A_1149 = tpu.vector_load %arg31[%swap3A_1148] {strides = array<i32>} : memref<128xf32, #tpu.memory_space<vmem>>, vector<16xf32>,
      tpu.vector_store %arg31[%swap3A_1148], %sub3A_1147 {strides = array<i32>} : memref<128xf32, #tpu.memory_space<vmem>>, vector<16xf32>,
      %eq3A_1150 = arith.cmpi eq, %get3A_1071, %gather3A_35 : vector<16xi32>
      %eq3A_1151 = arith.cmpi eq, %get3A_1077, %gather3A_31 : vector<16xi32>
      %and3A_1152 = arith.andi %eq3A_1150, %eq3A_1151 : vector<16xi1>
      %get3A_1153 = arith.constant 0 : index
      %get3A_1154 = tpu.vector_load %arg32[%get3A_1153] {strides = array<i32>} : memref<16xi32, #tpu.memory_space<vmem>>, vector<16xi32>,
      %jit3A_1155 = arith.constant 1 : i32
      %jit3A_1156 = arith.constant 0 : i32
      %broadcast_in_dim3A_1157 = vector.broadcast %jit3A_1155 : i32 to vector<16xi32>
      %broadcast_in_dim3A_1158 = vector.broadcast %jit3A_1156 : i32 to vector<16xi32>
      %select_n3A_1159 = arith.select %and3A_1152, %broadcast_in_dim3A_1157, %broadcast_in_dim3A_1158 : vector<16xi1>, vector<16xi32>
      %or3A_1160 = arith.ori %get3A_1154, %select_n3A_1159 : vector<16xi32>
      %swap3A_1161 = arith.constant 0 : index
      %swap3A_1162 = tpu.vector_load %arg32[%swap3A_1161] {strides = array<i32>} : memref<16xi32, #tpu.memory_space<vmem>>, vector<16xi32>,
      tpu.vector_store %arg32[%swap3A_1161], %or3A_1160 {strides = array<i32>} : memref<16xi32, #tpu.memory_space<vmem>>, vector<16xi32>,
      %get3A_1163 = arith.constant 0 : i32
      %get3A_1164 = arith.constant 0 : i32
      %get3A_1165 = tpu.memref_slice %arg20[%get3A_1163, %get3A_1164] : memref<2x128xi32, #tpu.memory_space<vmem>> -> memref<1x128xi32, #tpu.memory_space<vmem>>
      %get3A_1166 = tpu.memref_squeeze %get3A_1165 : memref<1x128xi32, #tpu.memory_space<vmem>> -> memref<128xi32, #tpu.memory_space<vmem>>
      %get3A_1167 = arith.constant 80 : index
      %get3A_1168 = tpu.vector_load %get3A_1166[%get3A_1167] {strides = array<i32>} : memref<128xi32, #tpu.memory_space<vmem>>, vector<16xi32>,
      %get3A_1169 = arith.constant 0 : i32
      %get3A_1170 = arith.constant 0 : i32
      %get3A_1171 = tpu.memref_slice %arg21[%get3A_1169, %get3A_1170] : memref<2x128xi32, #tpu.memory_space<vmem>> -> memref<1x128xi32, #tpu.memory_space<vmem>>
      %get3A_1172 = tpu.memref_squeeze %get3A_1171 : memref<1x128xi32, #tpu.memory_space<vmem>> -> memref<128xi32, #tpu.memory_space<vmem>>
      %get3A_1173 = arith.constant 80 : index
      %get3A_1174 = tpu.vector_load %get3A_1172[%get3A_1173] {strides = array<i32>} : memref<128xi32, #tpu.memory_space<vmem>>, vector<16xi32>,
      %get3A_1175 = arith.constant 80 : index
      %get3A_1176 = tpu.vector_load %arg26[%get3A_1175] {strides = array<i32>} : memref<128xf32, #tpu.memory_space<vmem>>, vector<16xf32>,
      %bitcast3A_1177 = vector.bitcast %get3A_1176 : vector<16xf32> to vector<32xbf16>
      %unpack3A_1178 = tpu.unpack_subelements %bitcast3A_1177, 0 {pack_format = #tpu.pack_format<interleaved>} : vector<32xbf16> -> vector<16xf32>
      %unpack3A_1179 = tpu.unpack_subelements %bitcast3A_1177, 1 {pack_format = #tpu.pack_format<interleaved>} : vector<32xbf16> -> vector<16xf32>
      %get3A_1180 = arith.constant 80 : index
      %get3A_1181 = tpu.vector_load %arg27[%get3A_1180] {strides = array<i32>} : memref<128xf32, #tpu.memory_space<vmem>>, vector<16xf32>,
      %bitcast3A_1182 = vector.bitcast %get3A_1181 : vector<16xf32> to vector<32xbf16>
      %unpack3A_1183 = tpu.unpack_subelements %bitcast3A_1182, 0 {pack_format = #tpu.pack_format<interleaved>} : vector<32xbf16> -> vector<16xf32>
      %unpack3A_1184 = tpu.unpack_subelements %bitcast3A_1182, 1 {pack_format = #tpu.pack_format<interleaved>} : vector<32xbf16> -> vector<16xf32>
      %get3A_1185 = arith.constant 0 : i32
      %get3A_1186 = arith.constant 0 : i32
      %get3A_1187 = tpu.memref_slice %arg22[%get3A_1185, %get3A_1186] : memref<2x128xf32, #tpu.memory_space<vmem>> -> memref<1x128xf32, #tpu.memory_space<vmem>>
      %get3A_1188 = tpu.memref_squeeze %get3A_1187 : memref<1x128xf32, #tpu.memory_space<vmem>> -> memref<128xf32, #tpu.memory_space<vmem>>
      %get3A_1189 = arith.constant 80 : index
      %get3A_1190 = tpu.vector_load %get3A_1188[%get3A_1189] {strides = array<i32>} : memref<128xf32, #tpu.memory_space<vmem>>, vector<16xf32>,
      %mul3A_1191 = arith.mulf %get3A_1190, %gather3A : vector<16xf32>
      %add3A_1192 = arith.addf %mul3A_1191, %gather3A_26 : vector<16xf32>
      %get3A_1193 = arith.constant 0 : i32
      %get3A_1194 = arith.constant 0 : i32
      %get3A_1195 = tpu.memref_slice %arg23[%get3A_1193, %get3A_1194] : memref<2x128xf32, #tpu.memory_space<vmem>> -> memref<1x128xf32, #tpu.memory_space<vmem>>
      %get3A_1196 = tpu.memref_squeeze %get3A_1195 : memref<1x128xf32, #tpu.memory_space<vmem>> -> memref<128xf32, #tpu.memory_space<vmem>>
      %get3A_1197 = arith.constant 80 : index
      %get3A_1198 = tpu.vector_load %get3A_1196[%get3A_1197] {strides = array<i32>} : memref<128xf32, #tpu.memory_space<vmem>>, vector<16xf32>,
      %mul3A_1199 = arith.mulf %get3A_1198, %gather3A_22 : vector<16xf32>
      %add3A_1200 = arith.addf %mul3A_1199, %gather3A_30 : vector<16xf32>
      %mul3A_1201 = arith.mulf %add3A_1192, %add3A_1192 : vector<16xf32>
      %mul3A_1202 = arith.mulf %add3A_1200, %add3A_1200 : vector<16xf32>
      %add3A_1203 = arith.addf %mul3A_1201, %mul3A_1202 : vector<16xf32>
      %div3A_1204 = arith.constant 1.000000e+00 : f32
      %div3A_1205 = vector.broadcast %div3A_1204 : f32 to vector<16xf32>
      %div3A_1206 = arith.divf %div3A_1205, %add3A_1203 : vector<16xf32>
      %mul3A_1207 = arith.mulf %add3A_1192, %div3A_1206 : vector<16xf32>
      %mul3A_1208 = arith.mulf %add3A_1200, %div3A_1206 : vector<16xf32>
      %neg3A_1209 = arith.constant 0.000000e+00 : f32
      %neg3A_1210 = vector.broadcast %neg3A_1209 : f32 to vector<16xf32>
      %neg3A_1211 = arith.subf %neg3A_1210, %mul3A_1208 : vector<16xf32>
      %mul3A_1212 = arith.mulf %unpack3A_1178, %unpack3A_1183 : vector<16xf32>
      %mul3A_1213 = arith.mulf %unpack3A_1179, %unpack3A_1184 : vector<16xf32>
      %add3A_1214 = arith.addf %mul3A_1212, %mul3A_1213 : vector<16xf32>
      %mul3A_1215 = arith.mulf %unpack3A_1179, %unpack3A_1183 : vector<16xf32>
      %mul3A_1216 = arith.mulf %unpack3A_1178, %unpack3A_1184 : vector<16xf32>
      %sub3A_1217 = arith.subf %mul3A_1215, %mul3A_1216 : vector<16xf32>
      %mul3A_1218 = arith.mulf %unpack3A_1178, %unpack3A_1178 : vector<16xf32>
      %sub3A_1219 = arith.subf %add3A_1214, %mul3A_1218 : vector<16xf32>
      %mul3A_1220 = arith.mulf %unpack3A_1179, %unpack3A_1179 : vector<16xf32>
      %sub3A_1221 = arith.subf %sub3A_1219, %mul3A_1220 : vector<16xf32>
      %mul3A_1222 = arith.mulf %unpack3A_1183, %unpack3A_1183 : vector<16xf32>
      %sub3A_1223 = arith.subf %add3A_1214, %mul3A_1222 : vector<16xf32>
      %mul3A_1224 = arith.mulf %unpack3A_1184, %unpack3A_1184 : vector<16xf32>
      %sub3A_1225 = arith.subf %sub3A_1223, %mul3A_1224 : vector<16xf32>
      %mul3A_1226 = arith.mulf %mul3A_1207, %sub3A_1217 : vector<16xf32>
      %mul3A_1227 = arith.mulf %neg3A_1211, %sub3A_1217 : vector<16xf32>
      %mul3A_1228 = arith.mulf %mul3A_1207, %sub3A_1221 : vector<16xf32>
      %add3A_1229 = arith.addf %mul3A_1228, %mul3A_1227 : vector<16xf32>
      %swap3A_1230 = arith.constant 80 : index
      %swap3A_1231 = tpu.vector_load %arg28[%swap3A_1230] {strides = array<i32>} : memref<128xf32, #tpu.memory_space<vmem>>, vector<16xf32>,
      tpu.vector_store %arg28[%swap3A_1230], %add3A_1229 {strides = array<i32>} : memref<128xf32, #tpu.memory_space<vmem>>, vector<16xf32>,
      %mul3A_1232 = arith.mulf %neg3A_1211, %sub3A_1221 : vector<16xf32>
      %sub3A_1233 = arith.subf %mul3A_1226, %mul3A_1232 : vector<16xf32>
      %swap3A_1234 = arith.constant 80 : index
      %swap3A_1235 = tpu.vector_load %arg29[%swap3A_1234] {strides = array<i32>} : memref<128xf32, #tpu.memory_space<vmem>>, vector<16xf32>,
      tpu.vector_store %arg29[%swap3A_1234], %sub3A_1233 {strides = array<i32>} : memref<128xf32, #tpu.memory_space<vmem>>, vector<16xf32>,
      %mul3A_1236 = arith.mulf %mul3A_1207, %sub3A_1225 : vector<16xf32>
      %sub3A_1237 = arith.subf %mul3A_1236, %mul3A_1227 : vector<16xf32>
      %swap3A_1238 = arith.constant 80 : index
      %swap3A_1239 = tpu.vector_load %arg30[%swap3A_1238] {strides = array<i32>} : memref<128xf32, #tpu.memory_space<vmem>>, vector<16xf32>,
      tpu.vector_store %arg30[%swap3A_1238], %sub3A_1237 {strides = array<i32>} : memref<128xf32, #tpu.memory_space<vmem>>, vector<16xf32>,
      %neg3A_1240 = arith.constant 0.000000e+00 : f32
      %neg3A_1241 = vector.broadcast %neg3A_1240 : f32 to vector<16xf32>
      %neg3A_1242 = arith.subf %neg3A_1241, %mul3A_1226 : vector<16xf32>
      %mul3A_1243 = arith.mulf %neg3A_1211, %sub3A_1225 : vector<16xf32>
      %sub3A_1244 = arith.subf %neg3A_1242, %mul3A_1243 : vector<16xf32>
      %swap3A_1245 = arith.constant 80 : index
      %swap3A_1246 = tpu.vector_load %arg31[%swap3A_1245] {strides = array<i32>} : memref<128xf32, #tpu.memory_space<vmem>>, vector<16xf32>,
      tpu.vector_store %arg31[%swap3A_1245], %sub3A_1244 {strides = array<i32>} : memref<128xf32, #tpu.memory_space<vmem>>, vector<16xf32>,
      %eq3A_1247 = arith.cmpi eq, %get3A_1168, %gather3A_35 : vector<16xi32>
      %eq3A_1248 = arith.cmpi eq, %get3A_1174, %gather3A_31 : vector<16xi32>
      %and3A_1249 = arith.andi %eq3A_1247, %eq3A_1248 : vector<16xi1>
      %get3A_1250 = arith.constant 0 : index
      %get3A_1251 = tpu.vector_load %arg32[%get3A_1250] {strides = array<i32>} : memref<16xi32, #tpu.memory_space<vmem>>, vector<16xi32>,
      %jit3A_1252 = arith.constant 1 : i32
      %jit3A_1253 = arith.constant 0 : i32
      %broadcast_in_dim3A_1254 = vector.broadcast %jit3A_1252 : i32 to vector<16xi32>
      %broadcast_in_dim3A_1255 = vector.broadcast %jit3A_1253 : i32 to vector<16xi32>
      %select_n3A_1256 = arith.select %and3A_1249, %broadcast_in_dim3A_1254, %broadcast_in_dim3A_1255 : vector<16xi1>, vector<16xi32>
      %or3A_1257 = arith.ori %get3A_1251, %select_n3A_1256 : vector<16xi32>
      %swap3A_1258 = arith.constant 0 : index
      %swap3A_1259 = tpu.vector_load %arg32[%swap3A_1258] {strides = array<i32>} : memref<16xi32, #tpu.memory_space<vmem>>, vector<16xi32>,
      tpu.vector_store %arg32[%swap3A_1258], %or3A_1257 {strides = array<i32>} : memref<16xi32, #tpu.memory_space<vmem>>, vector<16xi32>,
      %get3A_1260 = arith.constant 0 : i32
      %get3A_1261 = arith.constant 0 : i32
      %get3A_1262 = tpu.memref_slice %arg20[%get3A_1260, %get3A_1261] : memref<2x128xi32, #tpu.memory_space<vmem>> -> memref<1x128xi32, #tpu.memory_space<vmem>>
      %get3A_1263 = tpu.memref_squeeze %get3A_1262 : memref<1x128xi32, #tpu.memory_space<vmem>> -> memref<128xi32, #tpu.memory_space<vmem>>
      %get3A_1264 = arith.constant 96 : index
      %get3A_1265 = tpu.vector_load %get3A_1263[%get3A_1264] {strides = array<i32>} : memref<128xi32, #tpu.memory_space<vmem>>, vector<16xi32>,
      %get3A_1266 = arith.constant 0 : i32
      %get3A_1267 = arith.constant 0 : i32
      %get3A_1268 = tpu.memref_slice %arg21[%get3A_1266, %get3A_1267] : memref<2x128xi32, #tpu.memory_space<vmem>> -> memref<1x128xi32, #tpu.memory_space<vmem>>
      %get3A_1269 = tpu.memref_squeeze %get3A_1268 : memref<1x128xi32, #tpu.memory_space<vmem>> -> memref<128xi32, #tpu.memory_space<vmem>>
      %get3A_1270 = arith.constant 96 : index
      %get3A_1271 = tpu.vector_load %get3A_1269[%get3A_1270] {strides = array<i32>} : memref<128xi32, #tpu.memory_space<vmem>>, vector<16xi32>,
      %get3A_1272 = arith.constant 96 : index
      %get3A_1273 = tpu.vector_load %arg26[%get3A_1272] {strides = array<i32>} : memref<128xf32, #tpu.memory_space<vmem>>, vector<16xf32>,
      %bitcast3A_1274 = vector.bitcast %get3A_1273 : vector<16xf32> to vector<32xbf16>
      %unpack3A_1275 = tpu.unpack_subelements %bitcast3A_1274, 0 {pack_format = #tpu.pack_format<interleaved>} : vector<32xbf16> -> vector<16xf32>
      %unpack3A_1276 = tpu.unpack_subelements %bitcast3A_1274, 1 {pack_format = #tpu.pack_format<interleaved>} : vector<32xbf16> -> vector<16xf32>
      %get3A_1277 = arith.constant 96 : index
      %get3A_1278 = tpu.vector_load %arg27[%get3A_1277] {strides = array<i32>} : memref<128xf32, #tpu.memory_space<vmem>>, vector<16xf32>,
      %bitcast3A_1279 = vector.bitcast %get3A_1278 : vector<16xf32> to vector<32xbf16>
      %unpack3A_1280 = tpu.unpack_subelements %bitcast3A_1279, 0 {pack_format = #tpu.pack_format<interleaved>} : vector<32xbf16> -> vector<16xf32>
      %unpack3A_1281 = tpu.unpack_subelements %bitcast3A_1279, 1 {pack_format = #tpu.pack_format<interleaved>} : vector<32xbf16> -> vector<16xf32>
      %get3A_1282 = arith.constant 0 : i32
      %get3A_1283 = arith.constant 0 : i32
      %get3A_1284 = tpu.memref_slice %arg22[%get3A_1282, %get3A_1283] : memref<2x128xf32, #tpu.memory_space<vmem>> -> memref<1x128xf32, #tpu.memory_space<vmem>>
      %get3A_1285 = tpu.memref_squeeze %get3A_1284 : memref<1x128xf32, #tpu.memory_space<vmem>> -> memref<128xf32, #tpu.memory_space<vmem>>
      %get3A_1286 = arith.constant 96 : index
      %get3A_1287 = tpu.vector_load %get3A_1285[%get3A_1286] {strides = array<i32>} : memref<128xf32, #tpu.memory_space<vmem>>, vector<16xf32>,
      %mul3A_1288 = arith.mulf %get3A_1287, %gather3A : vector<16xf32>
      %add3A_1289 = arith.addf %mul3A_1288, %gather3A_26 : vector<16xf32>
      %get3A_1290 = arith.constant 0 : i32
      %get3A_1291 = arith.constant 0 : i32
      %get3A_1292 = tpu.memref_slice %arg23[%get3A_1290, %get3A_1291] : memref<2x128xf32, #tpu.memory_space<vmem>> -> memref<1x128xf32, #tpu.memory_space<vmem>>
      %get3A_1293 = tpu.memref_squeeze %get3A_1292 : memref<1x128xf32, #tpu.memory_space<vmem>> -> memref<128xf32, #tpu.memory_space<vmem>>
      %get3A_1294 = arith.constant 96 : index
      %get3A_1295 = tpu.vector_load %get3A_1293[%get3A_1294] {strides = array<i32>} : memref<128xf32, #tpu.memory_space<vmem>>, vector<16xf32>,
      %mul3A_1296 = arith.mulf %get3A_1295, %gather3A_22 : vector<16xf32>
      %add3A_1297 = arith.addf %mul3A_1296, %gather3A_30 : vector<16xf32>
      %mul3A_1298 = arith.mulf %add3A_1289, %add3A_1289 : vector<16xf32>
      %mul3A_1299 = arith.mulf %add3A_1297, %add3A_1297 : vector<16xf32>
      %add3A_1300 = arith.addf %mul3A_1298, %mul3A_1299 : vector<16xf32>
      %div3A_1301 = arith.constant 1.000000e+00 : f32
      %div3A_1302 = vector.broadcast %div3A_1301 : f32 to vector<16xf32>
      %div3A_1303 = arith.divf %div3A_1302, %add3A_1300 : vector<16xf32>
      %mul3A_1304 = arith.mulf %add3A_1289, %div3A_1303 : vector<16xf32>
      %mul3A_1305 = arith.mulf %add3A_1297, %div3A_1303 : vector<16xf32>
      %neg3A_1306 = arith.constant 0.000000e+00 : f32
      %neg3A_1307 = vector.broadcast %neg3A_1306 : f32 to vector<16xf32>
      %neg3A_1308 = arith.subf %neg3A_1307, %mul3A_1305 : vector<16xf32>
      %mul3A_1309 = arith.mulf %unpack3A_1275, %unpack3A_1280 : vector<16xf32>
      %mul3A_1310 = arith.mulf %unpack3A_1276, %unpack3A_1281 : vector<16xf32>
      %add3A_1311 = arith.addf %mul3A_1309, %mul3A_1310 : vector<16xf32>
      %mul3A_1312 = arith.mulf %unpack3A_1276, %unpack3A_1280 : vector<16xf32>
      %mul3A_1313 = arith.mulf %unpack3A_1275, %unpack3A_1281 : vector<16xf32>
      %sub3A_1314 = arith.subf %mul3A_1312, %mul3A_1313 : vector<16xf32>
      %mul3A_1315 = arith.mulf %unpack3A_1275, %unpack3A_1275 : vector<16xf32>
      %sub3A_1316 = arith.subf %add3A_1311, %mul3A_1315 : vector<16xf32>
      %mul3A_1317 = arith.mulf %unpack3A_1276, %unpack3A_1276 : vector<16xf32>
      %sub3A_1318 = arith.subf %sub3A_1316, %mul3A_1317 : vector<16xf32>
      %mul3A_1319 = arith.mulf %unpack3A_1280, %unpack3A_1280 : vector<16xf32>
      %sub3A_1320 = arith.subf %add3A_1311, %mul3A_1319 : vector<16xf32>
      %mul3A_1321 = arith.mulf %unpack3A_1281, %unpack3A_1281 : vector<16xf32>
      %sub3A_1322 = arith.subf %sub3A_1320, %mul3A_1321 : vector<16xf32>
      %mul3A_1323 = arith.mulf %mul3A_1304, %sub3A_1314 : vector<16xf32>
      %mul3A_1324 = arith.mulf %neg3A_1308, %sub3A_1314 : vector<16xf32>
      %mul3A_1325 = arith.mulf %mul3A_1304, %sub3A_1318 : vector<16xf32>
      %add3A_1326 = arith.addf %mul3A_1325, %mul3A_1324 : vector<16xf32>
      %swap3A_1327 = arith.constant 96 : index
      %swap3A_1328 = tpu.vector_load %arg28[%swap3A_1327] {strides = array<i32>} : memref<128xf32, #tpu.memory_space<vmem>>, vector<16xf32>,
      tpu.vector_store %arg28[%swap3A_1327], %add3A_1326 {strides = array<i32>} : memref<128xf32, #tpu.memory_space<vmem>>, vector<16xf32>,
      %mul3A_1329 = arith.mulf %neg3A_1308, %sub3A_1318 : vector<16xf32>
      %sub3A_1330 = arith.subf %mul3A_1323, %mul3A_1329 : vector<16xf32>
      %swap3A_1331 = arith.constant 96 : index
      %swap3A_1332 = tpu.vector_load %arg29[%swap3A_1331] {strides = array<i32>} : memref<128xf32, #tpu.memory_space<vmem>>, vector<16xf32>,
      tpu.vector_store %arg29[%swap3A_1331], %sub3A_1330 {strides = array<i32>} : memref<128xf32, #tpu.memory_space<vmem>>, vector<16xf32>,
      %mul3A_1333 = arith.mulf %mul3A_1304, %sub3A_1322 : vector<16xf32>
      %sub3A_1334 = arith.subf %mul3A_1333, %mul3A_1324 : vector<16xf32>
      %swap3A_1335 = arith.constant 96 : index
      %swap3A_1336 = tpu.vector_load %arg30[%swap3A_1335] {strides = array<i32>} : memref<128xf32, #tpu.memory_space<vmem>>, vector<16xf32>,
      tpu.vector_store %arg30[%swap3A_1335], %sub3A_1334 {strides = array<i32>} : memref<128xf32, #tpu.memory_space<vmem>>, vector<16xf32>,
      %neg3A_1337 = arith.constant 0.000000e+00 : f32
      %neg3A_1338 = vector.broadcast %neg3A_1337 : f32 to vector<16xf32>
      %neg3A_1339 = arith.subf %neg3A_1338, %mul3A_1323 : vector<16xf32>
      %mul3A_1340 = arith.mulf %neg3A_1308, %sub3A_1322 : vector<16xf32>
      %sub3A_1341 = arith.subf %neg3A_1339, %mul3A_1340 : vector<16xf32>
      %swap3A_1342 = arith.constant 96 : index
      %swap3A_1343 = tpu.vector_load %arg31[%swap3A_1342] {strides = array<i32>} : memref<128xf32, #tpu.memory_space<vmem>>, vector<16xf32>,
      tpu.vector_store %arg31[%swap3A_1342], %sub3A_1341 {strides = array<i32>} : memref<128xf32, #tpu.memory_space<vmem>>, vector<16xf32>,
      %eq3A_1344 = arith.cmpi eq, %get3A_1265, %gather3A_35 : vector<16xi32>
      %eq3A_1345 = arith.cmpi eq, %get3A_1271, %gather3A_31 : vector<16xi32>
      %and3A_1346 = arith.andi %eq3A_1344, %eq3A_1345 : vector<16xi1>
      %get3A_1347 = arith.constant 0 : index
      %get3A_1348 = tpu.vector_load %arg32[%get3A_1347] {strides = array<i32>} : memref<16xi32, #tpu.memory_space<vmem>>, vector<16xi32>,
      %jit3A_1349 = arith.constant 1 : i32
      %jit3A_1350 = arith.constant 0 : i32
      %broadcast_in_dim3A_1351 = vector.broadcast %jit3A_1349 : i32 to vector<16xi32>
      %broadcast_in_dim3A_1352 = vector.broadcast %jit3A_1350 : i32 to vector<16xi32>
      %select_n3A_1353 = arith.select %and3A_1346, %broadcast_in_dim3A_1351, %broadcast_in_dim3A_1352 : vector<16xi1>, vector<16xi32>
      %or3A_1354 = arith.ori %get3A_1348, %select_n3A_1353 : vector<16xi32>
      %swap3A_1355 = arith.constant 0 : index
      %swap3A_1356 = tpu.vector_load %arg32[%swap3A_1355] {strides = array<i32>} : memref<16xi32, #tpu.memory_space<vmem>>, vector<16xi32>,
      tpu.vector_store %arg32[%swap3A_1355], %or3A_1354 {strides = array<i32>} : memref<16xi32, #tpu.memory_space<vmem>>, vector<16xi32>,
      %get3A_1357 = arith.constant 0 : i32
      %get3A_1358 = arith.constant 0 : i32
      %get3A_1359 = tpu.memref_slice %arg20[%get3A_1357, %get3A_1358] : memref<2x128xi32, #tpu.memory_space<vmem>> -> memref<1x128xi32, #tpu.memory_space<vmem>>
      %get3A_1360 = tpu.memref_squeeze %get3A_1359 : memref<1x128xi32, #tpu.memory_space<vmem>> -> memref<128xi32, #tpu.memory_space<vmem>>
      %get3A_1361 = arith.constant 112 : index
      %get3A_1362 = tpu.vector_load %get3A_1360[%get3A_1361] {strides = array<i32>} : memref<128xi32, #tpu.memory_space<vmem>>, vector<16xi32>,
      %get3A_1363 = arith.constant 0 : i32
      %get3A_1364 = arith.constant 0 : i32
      %get3A_1365 = tpu.memref_slice %arg21[%get3A_1363, %get3A_1364] : memref<2x128xi32, #tpu.memory_space<vmem>> -> memref<1x128xi32, #tpu.memory_space<vmem>>
      %get3A_1366 = tpu.memref_squeeze %get3A_1365 : memref<1x128xi32, #tpu.memory_space<vmem>> -> memref<128xi32, #tpu.memory_space<vmem>>
      %get3A_1367 = arith.constant 112 : index
      %get3A_1368 = tpu.vector_load %get3A_1366[%get3A_1367] {strides = array<i32>} : memref<128xi32, #tpu.memory_space<vmem>>, vector<16xi32>,
      %get3A_1369 = arith.constant 112 : index
      %get3A_1370 = tpu.vector_load %arg26[%get3A_1369] {strides = array<i32>} : memref<128xf32, #tpu.memory_space<vmem>>, vector<16xf32>,
      %bitcast3A_1371 = vector.bitcast %get3A_1370 : vector<16xf32> to vector<32xbf16>
      %unpack3A_1372 = tpu.unpack_subelements %bitcast3A_1371, 0 {pack_format = #tpu.pack_format<interleaved>} : vector<32xbf16> -> vector<16xf32>
      %unpack3A_1373 = tpu.unpack_subelements %bitcast3A_1371, 1 {pack_format = #tpu.pack_format<interleaved>} : vector<32xbf16> -> vector<16xf32>
      %get3A_1374 = arith.constant 112 : index
      %get3A_1375 = tpu.vector_load %arg27[%get3A_1374] {strides = array<i32>} : memref<128xf32, #tpu.memory_space<vmem>>, vector<16xf32>,
      %bitcast3A_1376 = vector.bitcast %get3A_1375 : vector<16xf32> to vector<32xbf16>
      %unpack3A_1377 = tpu.unpack_subelements %bitcast3A_1376, 0 {pack_format = #tpu.pack_format<interleaved>} : vector<32xbf16> -> vector<16xf32>
      %unpack3A_1378 = tpu.unpack_subelements %bitcast3A_1376, 1 {pack_format = #tpu.pack_format<interleaved>} : vector<32xbf16> -> vector<16xf32>
      %get3A_1379 = arith.constant 0 : i32
      %get3A_1380 = arith.constant 0 : i32
      %get3A_1381 = tpu.memref_slice %arg22[%get3A_1379, %get3A_1380] : memref<2x128xf32, #tpu.memory_space<vmem>> -> memref<1x128xf32, #tpu.memory_space<vmem>>
      %get3A_1382 = tpu.memref_squeeze %get3A_1381 : memref<1x128xf32, #tpu.memory_space<vmem>> -> memref<128xf32, #tpu.memory_space<vmem>>
      %get3A_1383 = arith.constant 112 : index
      %get3A_1384 = tpu.vector_load %get3A_1382[%get3A_1383] {strides = array<i32>} : memref<128xf32, #tpu.memory_space<vmem>>, vector<16xf32>,
      %mul3A_1385 = arith.mulf %get3A_1384, %gather3A : vector<16xf32>
      %add3A_1386 = arith.addf %mul3A_1385, %gather3A_26 : vector<16xf32>
      %get3A_1387 = arith.constant 0 : i32
      %get3A_1388 = arith.constant 0 : i32
      %get3A_1389 = tpu.memref_slice %arg23[%get3A_1387, %get3A_1388] : memref<2x128xf32, #tpu.memory_space<vmem>> -> memref<1x128xf32, #tpu.memory_space<vmem>>
      %get3A_1390 = tpu.memref_squeeze %get3A_1389 : memref<1x128xf32, #tpu.memory_space<vmem>> -> memref<128xf32, #tpu.memory_space<vmem>>
      %get3A_1391 = arith.constant 112 : index
      %get3A_1392 = tpu.vector_load %get3A_1390[%get3A_1391] {strides = array<i32>} : memref<128xf32, #tpu.memory_space<vmem>>, vector<16xf32>,
      %mul3A_1393 = arith.mulf %get3A_1392, %gather3A_22 : vector<16xf32>
      %add3A_1394 = arith.addf %mul3A_1393, %gather3A_30 : vector<16xf32>
      %mul3A_1395 = arith.mulf %add3A_1386, %add3A_1386 : vector<16xf32>
      %mul3A_1396 = arith.mulf %add3A_1394, %add3A_1394 : vector<16xf32>
      %add3A_1397 = arith.addf %mul3A_1395, %mul3A_1396 : vector<16xf32>
      %div3A_1398 = arith.constant 1.000000e+00 : f32
      %div3A_1399 = vector.broadcast %div3A_1398 : f32 to vector<16xf32>
      %div3A_1400 = arith.divf %div3A_1399, %add3A_1397 : vector<16xf32>
      %mul3A_1401 = arith.mulf %add3A_1386, %div3A_1400 : vector<16xf32>
      %mul3A_1402 = arith.mulf %add3A_1394, %div3A_1400 : vector<16xf32>
      %neg3A_1403 = arith.constant 0.000000e+00 : f32
      %neg3A_1404 = vector.broadcast %neg3A_1403 : f32 to vector<16xf32>
      %neg3A_1405 = arith.subf %neg3A_1404, %mul3A_1402 : vector<16xf32>
      %mul3A_1406 = arith.mulf %unpack3A_1372, %unpack3A_1377 : vector<16xf32>
      %mul3A_1407 = arith.mulf %unpack3A_1373, %unpack3A_1378 : vector<16xf32>
      %add3A_1408 = arith.addf %mul3A_1406, %mul3A_1407 : vector<16xf32>
      %mul3A_1409 = arith.mulf %unpack3A_1373, %unpack3A_1377 : vector<16xf32>
      %mul3A_1410 = arith.mulf %unpack3A_1372, %unpack3A_1378 : vector<16xf32>
      %sub3A_1411 = arith.subf %mul3A_1409, %mul3A_1410 : vector<16xf32>
      %mul3A_1412 = arith.mulf %unpack3A_1372, %unpack3A_1372 : vector<16xf32>
      %sub3A_1413 = arith.subf %add3A_1408, %mul3A_1412 : vector<16xf32>
      %mul3A_1414 = arith.mulf %unpack3A_1373, %unpack3A_1373 : vector<16xf32>
      %sub3A_1415 = arith.subf %sub3A_1413, %mul3A_1414 : vector<16xf32>
      %mul3A_1416 = arith.mulf %unpack3A_1377, %unpack3A_1377 : vector<16xf32>
      %sub3A_1417 = arith.subf %add3A_1408, %mul3A_1416 : vector<16xf32>
      %mul3A_1418 = arith.mulf %unpack3A_1378, %unpack3A_1378 : vector<16xf32>
      %sub3A_1419 = arith.subf %sub3A_1417, %mul3A_1418 : vector<16xf32>
      %mul3A_1420 = arith.mulf %mul3A_1401, %sub3A_1411 : vector<16xf32>
      %mul3A_1421 = arith.mulf %neg3A_1405, %sub3A_1411 : vector<16xf32>
      %mul3A_1422 = arith.mulf %mul3A_1401, %sub3A_1415 : vector<16xf32>
      %add3A_1423 = arith.addf %mul3A_1422, %mul3A_1421 : vector<16xf32>
      %swap3A_1424 = arith.constant 112 : index
      %swap3A_1425 = tpu.vector_load %arg28[%swap3A_1424] {strides = array<i32>} : memref<128xf32, #tpu.memory_space<vmem>>, vector<16xf32>,
      tpu.vector_store %arg28[%swap3A_1424], %add3A_1423 {strides = array<i32>} : memref<128xf32, #tpu.memory_space<vmem>>, vector<16xf32>,
      %mul3A_1426 = arith.mulf %neg3A_1405, %sub3A_1415 : vector<16xf32>
      %sub3A_1427 = arith.subf %mul3A_1420, %mul3A_1426 : vector<16xf32>
      %swap3A_1428 = arith.constant 112 : index
      %swap3A_1429 = tpu.vector_load %arg29[%swap3A_1428] {strides = array<i32>} : memref<128xf32, #tpu.memory_space<vmem>>, vector<16xf32>,
      tpu.vector_store %arg29[%swap3A_1428], %sub3A_1427 {strides = array<i32>} : memref<128xf32, #tpu.memory_space<vmem>>, vector<16xf32>,
      %mul3A_1430 = arith.mulf %mul3A_1401, %sub3A_1419 : vector<16xf32>
      %sub3A_1431 = arith.subf %mul3A_1430, %mul3A_1421 : vector<16xf32>
      %swap3A_1432 = arith.constant 112 : index
      %swap3A_1433 = tpu.vector_load %arg30[%swap3A_1432] {strides = array<i32>} : memref<128xf32, #tpu.memory_space<vmem>>, vector<16xf32>,
      tpu.vector_store %arg30[%swap3A_1432], %sub3A_1431 {strides = array<i32>} : memref<128xf32, #tpu.memory_space<vmem>>, vector<16xf32>,
      %neg3A_1434 = arith.constant 0.000000e+00 : f32
      %neg3A_1435 = vector.broadcast %neg3A_1434 : f32 to vector<16xf32>
      %neg3A_1436 = arith.subf %neg3A_1435, %mul3A_1420 : vector<16xf32>
      %mul3A_1437 = arith.mulf %neg3A_1405, %sub3A_1419 : vector<16xf32>
      %sub3A_1438 = arith.subf %neg3A_1436, %mul3A_1437 : vector<16xf32>
      %swap3A_1439 = arith.constant 112 : index
      %swap3A_1440 = tpu.vector_load %arg31[%swap3A_1439] {strides = array<i32>} : memref<128xf32, #tpu.memory_space<vmem>>, vector<16xf32>,
      tpu.vector_store %arg31[%swap3A_1439], %sub3A_1438 {strides = array<i32>} : memref<128xf32, #tpu.memory_space<vmem>>, vector<16xf32>,
      %eq3A_1441 = arith.cmpi eq, %get3A_1362, %gather3A_35 : vector<16xi32>
      %eq3A_1442 = arith.cmpi eq, %get3A_1368, %gather3A_31 : vector<16xi32>
      %and3A_1443 = arith.andi %eq3A_1441, %eq3A_1442 : vector<16xi1>
      %get3A_1444 = arith.constant 0 : index
      %get3A_1445 = tpu.vector_load %arg32[%get3A_1444] {strides = array<i32>} : memref<16xi32, #tpu.memory_space<vmem>>, vector<16xi32>,
      %jit3A_1446 = arith.constant 1 : i32
      %jit3A_1447 = arith.constant 0 : i32
      %broadcast_in_dim3A_1448 = vector.broadcast %jit3A_1446 : i32 to vector<16xi32>
      %broadcast_in_dim3A_1449 = vector.broadcast %jit3A_1447 : i32 to vector<16xi32>
      %select_n3A_1450 = arith.select %and3A_1443, %broadcast_in_dim3A_1448, %broadcast_in_dim3A_1449 : vector<16xi1>, vector<16xi32>
      %or3A_1451 = arith.ori %get3A_1445, %select_n3A_1450 : vector<16xi32>
      %swap3A_1452 = arith.constant 0 : index
      %swap3A_1453 = tpu.vector_load %arg32[%swap3A_1452] {strides = array<i32>} : memref<16xi32, #tpu.memory_space<vmem>>, vector<16xi32>,
      tpu.vector_store %arg32[%swap3A_1452], %or3A_1451 {strides = array<i32>} : memref<16xi32, #tpu.memory_space<vmem>>, vector<16xi32>,
      %dma_start3A_1454 = arith.constant 0 : i32
      %dma_start3A_1455 = arith.constant 0 : i32
      %dma_start3A_1456 = tpu.memref_slice %arg28[%dma_start3A_1455] : memref<128xf32, #tpu.memory_space<vmem>> -> memref<128xf32, #tpu.memory_space<vmem>>
      %dma_start3A_1457 = arith.constant 0 : i32
      %dma_start3A_1458 = tpu.memref_slice %arg20[%dma_start3A_1454, %dma_start3A_1457] : memref<2x128xi32, #tpu.memory_space<vmem>> -> memref<1x128xi32, #tpu.memory_space<vmem>>
      %dma_start3A_1459 = tpu.memref_squeeze %dma_start3A_1458 : memref<1x128xi32, #tpu.memory_space<vmem>> -> memref<128xi32, #tpu.memory_space<vmem>>
      %dma_start3A_1460 = arith.constant 0 : i32
      %dma_start3A_1461 = tpu.memref_slice %arg14[%dma_start3A_1460] : memref<100000xf32, #tpu.memory_space<vmem_shared>> -> memref<100000xf32, #tpu.memory_space<vmem_shared>>
      tpu.enqueue_indirect_dma source(%dma_start3A_1456 : memref<128xf32, #tpu.memory_space<vmem>>) target(%dma_start3A_1461 : memref<100000xf32, #tpu.memory_space<vmem_shared>>) offsets(%dma_start3A_1459 : memref<128xi32, #tpu.memory_space<vmem>>) semaphore(%arg35 : memref<!tpu.dma_semaphore, #tpu.memory_space<semaphore_mem>>) {add = true}
      %dma_start3A_1462 = arith.constant 0 : i32
      %dma_start3A_1463 = arith.constant 0 : i32
      %dma_start3A_1464 = tpu.memref_slice %arg29[%dma_start3A_1463] : memref<128xf32, #tpu.memory_space<vmem>> -> memref<128xf32, #tpu.memory_space<vmem>>
      %dma_start3A_1465 = arith.constant 0 : i32
      %dma_start3A_1466 = tpu.memref_slice %arg20[%dma_start3A_1462, %dma_start3A_1465] : memref<2x128xi32, #tpu.memory_space<vmem>> -> memref<1x128xi32, #tpu.memory_space<vmem>>
      %dma_start3A_1467 = tpu.memref_squeeze %dma_start3A_1466 : memref<1x128xi32, #tpu.memory_space<vmem>> -> memref<128xi32, #tpu.memory_space<vmem>>
      %dma_start3A_1468 = arith.constant 0 : i32
      %dma_start3A_1469 = tpu.memref_slice %arg15[%dma_start3A_1468] : memref<100000xf32, #tpu.memory_space<vmem_shared>> -> memref<100000xf32, #tpu.memory_space<vmem_shared>>
      tpu.enqueue_indirect_dma source(%dma_start3A_1464 : memref<128xf32, #tpu.memory_space<vmem>>) target(%dma_start3A_1469 : memref<100000xf32, #tpu.memory_space<vmem_shared>>) offsets(%dma_start3A_1467 : memref<128xi32, #tpu.memory_space<vmem>>) semaphore(%arg35 : memref<!tpu.dma_semaphore, #tpu.memory_space<semaphore_mem>>) {add = true}
      %dma_start3A_1470 = arith.constant 0 : i32
      %dma_start3A_1471 = arith.constant 0 : i32
      %dma_start3A_1472 = tpu.memref_slice %arg30[%dma_start3A_1471] : memref<128xf32, #tpu.memory_space<vmem>> -> memref<128xf32, #tpu.memory_space<vmem>>
      %dma_start3A_1473 = arith.constant 0 : i32
      %dma_start3A_1474 = tpu.memref_slice %arg21[%dma_start3A_1470, %dma_start3A_1473] : memref<2x128xi32, #tpu.memory_space<vmem>> -> memref<1x128xi32, #tpu.memory_space<vmem>>
      %dma_start3A_1475 = tpu.memref_squeeze %dma_start3A_1474 : memref<1x128xi32, #tpu.memory_space<vmem>> -> memref<128xi32, #tpu.memory_space<vmem>>
      %dma_start3A_1476 = arith.constant 0 : i32
      %dma_start3A_1477 = tpu.memref_slice %arg16[%dma_start3A_1476] : memref<100000xf32, #tpu.memory_space<vmem_shared>> -> memref<100000xf32, #tpu.memory_space<vmem_shared>>
      tpu.enqueue_indirect_dma source(%dma_start3A_1472 : memref<128xf32, #tpu.memory_space<vmem>>) target(%dma_start3A_1477 : memref<100000xf32, #tpu.memory_space<vmem_shared>>) offsets(%dma_start3A_1475 : memref<128xi32, #tpu.memory_space<vmem>>) semaphore(%arg35 : memref<!tpu.dma_semaphore, #tpu.memory_space<semaphore_mem>>) {add = true}
      %dma_start3A_1478 = arith.constant 0 : i32
      %dma_start3A_1479 = arith.constant 0 : i32
      %dma_start3A_1480 = tpu.memref_slice %arg31[%dma_start3A_1479] : memref<128xf32, #tpu.memory_space<vmem>> -> memref<128xf32, #tpu.memory_space<vmem>>
      %dma_start3A_1481 = arith.constant 0 : i32
      %dma_start3A_1482 = tpu.memref_slice %arg21[%dma_start3A_1478, %dma_start3A_1481] : memref<2x128xi32, #tpu.memory_space<vmem>> -> memref<1x128xi32, #tpu.memory_space<vmem>>
      %dma_start3A_1483 = tpu.memref_squeeze %dma_start3A_1482 : memref<1x128xi32, #tpu.memory_space<vmem>> -> memref<128xi32, #tpu.memory_space<vmem>>
      %dma_start3A_1484 = arith.constant 0 : i32
      %dma_start3A_1485 = tpu.memref_slice %arg17[%dma_start3A_1484] : memref<100000xf32, #tpu.memory_space<vmem_shared>> -> memref<100000xf32, #tpu.memory_space<vmem_shared>>
      tpu.enqueue_indirect_dma source(%dma_start3A_1480 : memref<128xf32, #tpu.memory_space<vmem>>) target(%dma_start3A_1485 : memref<100000xf32, #tpu.memory_space<vmem_shared>>) offsets(%dma_start3A_1483 : memref<128xi32, #tpu.memory_space<vmem>>) semaphore(%arg35 : memref<!tpu.dma_semaphore, #tpu.memory_space<semaphore_mem>>) {add = true}
      %dma_wait3A_1486 = arith.constant 0 : i32
      %dma_wait3A_1487 = arith.constant 0 : i32
      %dma_wait3A_1488 = tpu.memref_slice %arg28[%dma_wait3A_1487] : memref<128xf32, #tpu.memory_space<vmem>> -> memref<128xf32, #tpu.memory_space<vmem>>
      %dma_wait3A_1489 = arith.constant 0 : i32
      %dma_wait3A_1490 = tpu.memref_slice %arg20[%dma_wait3A_1486, %dma_wait3A_1489] : memref<2x128xi32, #tpu.memory_space<vmem>> -> memref<1x128xi32, #tpu.memory_space<vmem>>
      %dma_wait3A_1491 = tpu.memref_squeeze %dma_wait3A_1490 : memref<1x128xi32, #tpu.memory_space<vmem>> -> memref<128xi32, #tpu.memory_space<vmem>>
      %dma_wait3A_1492 = arith.constant 0 : i32
      %dma_wait3A_1493 = tpu.memref_slice %arg14[%dma_wait3A_1492] : memref<100000xf32, #tpu.memory_space<vmem_shared>> -> memref<100000xf32, #tpu.memory_space<vmem_shared>>
      tpu.wait_indirect_dma semaphore(%arg35 : memref<!tpu.dma_semaphore, #tpu.memory_space<semaphore_mem>>) src(%dma_wait3A_1488 : memref<128xf32, #tpu.memory_space<vmem>>) dst(%dma_wait3A_1493 : memref<100000xf32, #tpu.memory_space<vmem_shared>>)
      %dma_wait3A_1494 = arith.constant 0 : i32
      %dma_wait3A_1495 = arith.constant 0 : i32
      %dma_wait3A_1496 = tpu.memref_slice %arg29[%dma_wait3A_1495] : memref<128xf32, #tpu.memory_space<vmem>> -> memref<128xf32, #tpu.memory_space<vmem>>
      %dma_wait3A_1497 = arith.constant 0 : i32
      %dma_wait3A_1498 = tpu.memref_slice %arg20[%dma_wait3A_1494, %dma_wait3A_1497] : memref<2x128xi32, #tpu.memory_space<vmem>> -> memref<1x128xi32, #tpu.memory_space<vmem>>
      %dma_wait3A_1499 = tpu.memref_squeeze %dma_wait3A_1498 : memref<1x128xi32, #tpu.memory_space<vmem>> -> memref<128xi32, #tpu.memory_space<vmem>>
      %dma_wait3A_1500 = arith.constant 0 : i32
      %dma_wait3A_1501 = tpu.memref_slice %arg15[%dma_wait3A_1500] : memref<100000xf32, #tpu.memory_space<vmem_shared>> -> memref<100000xf32, #tpu.memory_space<vmem_shared>>
      tpu.wait_indirect_dma semaphore(%arg35 : memref<!tpu.dma_semaphore, #tpu.memory_space<semaphore_mem>>) src(%dma_wait3A_1496 : memref<128xf32, #tpu.memory_space<vmem>>) dst(%dma_wait3A_1501 : memref<100000xf32, #tpu.memory_space<vmem_shared>>)
      %dma_wait3A_1502 = arith.constant 0 : i32
      %dma_wait3A_1503 = arith.constant 0 : i32
      %dma_wait3A_1504 = tpu.memref_slice %arg30[%dma_wait3A_1503] : memref<128xf32, #tpu.memory_space<vmem>> -> memref<128xf32, #tpu.memory_space<vmem>>
      %dma_wait3A_1505 = arith.constant 0 : i32
      %dma_wait3A_1506 = tpu.memref_slice %arg21[%dma_wait3A_1502, %dma_wait3A_1505] : memref<2x128xi32, #tpu.memory_space<vmem>> -> memref<1x128xi32, #tpu.memory_space<vmem>>
      %dma_wait3A_1507 = tpu.memref_squeeze %dma_wait3A_1506 : memref<1x128xi32, #tpu.memory_space<vmem>> -> memref<128xi32, #tpu.memory_space<vmem>>
      %dma_wait3A_1508 = arith.constant 0 : i32
      %dma_wait3A_1509 = tpu.memref_slice %arg16[%dma_wait3A_1508] : memref<100000xf32, #tpu.memory_space<vmem_shared>> -> memref<100000xf32, #tpu.memory_space<vmem_shared>>
      tpu.wait_indirect_dma semaphore(%arg35 : memref<!tpu.dma_semaphore, #tpu.memory_space<semaphore_mem>>) src(%dma_wait3A_1504 : memref<128xf32, #tpu.memory_space<vmem>>) dst(%dma_wait3A_1509 : memref<100000xf32, #tpu.memory_space<vmem_shared>>)
      %dma_wait3A_1510 = arith.constant 0 : i32
      %dma_wait3A_1511 = arith.constant 0 : i32
      %dma_wait3A_1512 = tpu.memref_slice %arg31[%dma_wait3A_1511] : memref<128xf32, #tpu.memory_space<vmem>> -> memref<128xf32, #tpu.memory_space<vmem>>
      %dma_wait3A_1513 = arith.constant 0 : i32
      %dma_wait3A_1514 = tpu.memref_slice %arg21[%dma_wait3A_1510, %dma_wait3A_1513] : memref<2x128xi32, #tpu.memory_space<vmem>> -> memref<1x128xi32, #tpu.memory_space<vmem>>
      %dma_wait3A_1515 = tpu.memref_squeeze %dma_wait3A_1514 : memref<1x128xi32, #tpu.memory_space<vmem>> -> memref<128xi32, #tpu.memory_space<vmem>>
      %dma_wait3A_1516 = arith.constant 0 : i32
      %dma_wait3A_1517 = tpu.memref_slice %arg17[%dma_wait3A_1516] : memref<100000xf32, #tpu.memory_space<vmem_shared>> -> memref<100000xf32, #tpu.memory_space<vmem_shared>>
      tpu.wait_indirect_dma semaphore(%arg35 : memref<!tpu.dma_semaphore, #tpu.memory_space<semaphore_mem>>) src(%dma_wait3A_1512 : memref<128xf32, #tpu.memory_space<vmem>>) dst(%dma_wait3A_1517 : memref<100000xf32, #tpu.memory_space<vmem_shared>>)
      %mul3A_1518 = arith.constant 2 : i32
      %mul3A_1519 = arith.muli %add3A_590, %mul3A_1518 : i32
      %add3A_1520 = arith.constant 1 : i32
      %add3A_1521 = arith.addi %mul3A_1519, %add3A_1520 : i32
      %dma_wait3A_1522 = arith.constant 1 : i32
      %dma_wait3A_1523 = arith.constant 0 : i32
      %dma_wait3A_1524 = tpu.memref_slice %arg20[%dma_wait3A_1522, %dma_wait3A_1523] : memref<2x128xi32, #tpu.memory_space<vmem>> -> memref<1x128xi32, #tpu.memory_space<vmem>>
      %dma_wait3A_1525 = tpu.memref_squeeze %dma_wait3A_1524 : memref<1x128xi32, #tpu.memory_space<vmem>> -> memref<128xi32, #tpu.memory_space<vmem>>
      %dma_wait3A_1526 = arith.constant 0 : i32
      %dma_wait3A_1527 = tpu.memref_slice %arg3[%dma_wait3A_1526] : memref<3200000xi32, #tpu.memory_space<hbm>> -> memref<128xi32, #tpu.memory_space<hbm>>
      %dma_wait3A_1528 = arith.constant 0 : i32
      %dma_wait3A_1529 = tpu.memref_slice %arg20[%dma_wait3A_1522, %dma_wait3A_1528] : memref<2x128xi32, #tpu.memory_space<vmem>> -> memref<1x128xi32, #tpu.memory_space<vmem>>
      %dma_wait3A_1530 = tpu.memref_squeeze %dma_wait3A_1529 : memref<1x128xi32, #tpu.memory_space<vmem>> -> memref<128xi32, #tpu.memory_space<vmem>>
      %dma_wait3A_1531 = arith.constant 0 : i32
      %dma_wait3A_1532 = tpu.memref_slice %arg3[%dma_wait3A_1531] : memref<3200000xi32, #tpu.memory_space<hbm>> -> memref<128xi32, #tpu.memory_space<hbm>>
      tpu.wait_dma2 semaphore(%arg37 : memref<!tpu.dma_semaphore, #tpu.memory_space<semaphore_mem>>) src(%dma_wait3A_1532 : memref<128xi32, #tpu.memory_space<hbm>>) dst(%dma_wait3A_1530 : memref<128xi32, #tpu.memory_space<vmem>>)
      %dma_wait3A_1533 = arith.constant 1 : i32
      %dma_wait3A_1534 = arith.constant 0 : i32
      %dma_wait3A_1535 = tpu.memref_slice %arg21[%dma_wait3A_1533, %dma_wait3A_1534] : memref<2x128xi32, #tpu.memory_space<vmem>> -> memref<1x128xi32, #tpu.memory_space<vmem>>
      %dma_wait3A_1536 = tpu.memref_squeeze %dma_wait3A_1535 : memref<1x128xi32, #tpu.memory_space<vmem>> -> memref<128xi32, #tpu.memory_space<vmem>>
      %dma_wait3A_1537 = arith.constant 0 : i32
      %dma_wait3A_1538 = tpu.memref_slice %arg3[%dma_wait3A_1537] : memref<3200000xi32, #tpu.memory_space<hbm>> -> memref<128xi32, #tpu.memory_space<hbm>>
      %dma_wait3A_1539 = arith.constant 0 : i32
      %dma_wait3A_1540 = tpu.memref_slice %arg21[%dma_wait3A_1533, %dma_wait3A_1539] : memref<2x128xi32, #tpu.memory_space<vmem>> -> memref<1x128xi32, #tpu.memory_space<vmem>>
      %dma_wait3A_1541 = tpu.memref_squeeze %dma_wait3A_1540 : memref<1x128xi32, #tpu.memory_space<vmem>> -> memref<128xi32, #tpu.memory_space<vmem>>
      %dma_wait3A_1542 = arith.constant 0 : i32
      %dma_wait3A_1543 = tpu.memref_slice %arg3[%dma_wait3A_1542] : memref<3200000xi32, #tpu.memory_space<hbm>> -> memref<128xi32, #tpu.memory_space<hbm>>
      tpu.wait_dma2 semaphore(%arg37 : memref<!tpu.dma_semaphore, #tpu.memory_space<semaphore_mem>>) src(%dma_wait3A_1543 : memref<128xi32, #tpu.memory_space<hbm>>) dst(%dma_wait3A_1541 : memref<128xi32, #tpu.memory_space<vmem>>)
      %dma_wait3A_1544 = arith.constant 1 : i32
      %dma_wait3A_1545 = arith.constant 0 : i32
      %dma_wait3A_1546 = tpu.memref_slice %arg22[%dma_wait3A_1544, %dma_wait3A_1545] : memref<2x128xf32, #tpu.memory_space<vmem>> -> memref<1x128xf32, #tpu.memory_space<vmem>>
      %dma_wait3A_1547 = tpu.memref_squeeze %dma_wait3A_1546 : memref<1x128xf32, #tpu.memory_space<vmem>> -> memref<128xf32, #tpu.memory_space<vmem>>
      %dma_wait3A_1548 = arith.constant 0 : i32
      %dma_wait3A_1549 = tpu.memref_slice %arg4[%dma_wait3A_1548] : memref<1600000xf32, #tpu.memory_space<hbm>> -> memref<128xf32, #tpu.memory_space<hbm>>
      %dma_wait3A_1550 = arith.constant 0 : i32
      %dma_wait3A_1551 = tpu.memref_slice %arg22[%dma_wait3A_1544, %dma_wait3A_1550] : memref<2x128xf32, #tpu.memory_space<vmem>> -> memref<1x128xf32, #tpu.memory_space<vmem>>
      %dma_wait3A_1552 = tpu.memref_squeeze %dma_wait3A_1551 : memref<1x128xf32, #tpu.memory_space<vmem>> -> memref<128xf32, #tpu.memory_space<vmem>>
      %dma_wait3A_1553 = arith.constant 0 : i32
      %dma_wait3A_1554 = tpu.memref_slice %arg4[%dma_wait3A_1553] : memref<1600000xf32, #tpu.memory_space<hbm>> -> memref<128xf32, #tpu.memory_space<hbm>>
      tpu.wait_dma2 semaphore(%arg37 : memref<!tpu.dma_semaphore, #tpu.memory_space<semaphore_mem>>) src(%dma_wait3A_1554 : memref<128xf32, #tpu.memory_space<hbm>>) dst(%dma_wait3A_1552 : memref<128xf32, #tpu.memory_space<vmem>>)
      %dma_wait3A_1555 = arith.constant 1 : i32
      %dma_wait3A_1556 = arith.constant 0 : i32
      %dma_wait3A_1557 = tpu.memref_slice %arg23[%dma_wait3A_1555, %dma_wait3A_1556] : memref<2x128xf32, #tpu.memory_space<vmem>> -> memref<1x128xf32, #tpu.memory_space<vmem>>
      %dma_wait3A_1558 = tpu.memref_squeeze %dma_wait3A_1557 : memref<1x128xf32, #tpu.memory_space<vmem>> -> memref<128xf32, #tpu.memory_space<vmem>>
      %dma_wait3A_1559 = arith.constant 0 : i32
      %dma_wait3A_1560 = tpu.memref_slice %arg4[%dma_wait3A_1559] : memref<1600000xf32, #tpu.memory_space<hbm>> -> memref<128xf32, #tpu.memory_space<hbm>>
      %dma_wait3A_1561 = arith.constant 0 : i32
      %dma_wait3A_1562 = tpu.memref_slice %arg23[%dma_wait3A_1555, %dma_wait3A_1561] : memref<2x128xf32, #tpu.memory_space<vmem>> -> memref<1x128xf32, #tpu.memory_space<vmem>>
      %dma_wait3A_1563 = tpu.memref_squeeze %dma_wait3A_1562 : memref<1x128xf32, #tpu.memory_space<vmem>> -> memref<128xf32, #tpu.memory_space<vmem>>
      %dma_wait3A_1564 = arith.constant 0 : i32
      %dma_wait3A_1565 = tpu.memref_slice %arg4[%dma_wait3A_1564] : memref<1600000xf32, #tpu.memory_space<hbm>> -> memref<128xf32, #tpu.memory_space<hbm>>
      tpu.wait_dma2 semaphore(%arg37 : memref<!tpu.dma_semaphore, #tpu.memory_space<semaphore_mem>>) src(%dma_wait3A_1565 : memref<128xf32, #tpu.memory_space<hbm>>) dst(%dma_wait3A_1563 : memref<128xf32, #tpu.memory_space<vmem>>)
      %add3A_1566 = arith.constant 1 : i32
      %add3A_1567 = arith.addi %add3A_1521, %add3A_1566 : i32
      %lt3A_1568 = arith.constant 390 : i32
      %lt3A_1569 = arith.cmpi slt, %add3A_1567, %lt3A_1568 : i32
      %convert_element_type3A_1570 = arith.extui %lt3A_1569 : i1 to i32
      %cond3A_1571 = arith.constant 0 : i32
      %cond3A_1572 = arith.cmpi ne, %convert_element_type3A_1570, %cond3A_1571 : i32
      scf.if %cond3A_1572 {
        %add3A_2445 = arith.constant 1 : i32
        %add3A_2446 = arith.addi %add3A_1521, %add3A_2445 : i32
        %mul3A_2447 = arith.constant 128 : i32
        %mul3A_2448 = arith.muli %add3A_2446, %mul3A_2447 : i32
        %add3A_2449 = arith.addi %add3A_524, %mul3A_2448 : i32
        %dma_start3A_2450 = arith.constant 0 : i32
        %dma_start3A_2451 = arith.constant 0 : i32
        %dma_start3A_2452 = tpu.memref_slice %arg20[%dma_start3A_2450, %dma_start3A_2451] : memref<2x128xi32, #tpu.memory_space<vmem>> -> memref<1x128xi32, #tpu.memory_space<vmem>>
        %dma_start3A_2453 = tpu.memref_squeeze %dma_start3A_2452 : memref<1x128xi32, #tpu.memory_space<vmem>> -> memref<128xi32, #tpu.memory_space<vmem>>
        %dma_start3A_2454 = tpu.memref_slice %arg3[%add3A_2449] : memref<3200000xi32, #tpu.memory_space<hbm>> -> memref<128xi32, #tpu.memory_space<hbm>>
        %dma_start3A_2455 = arith.constant 0 : i32
        %dma_start3A_2456 = tpu.memref_slice %arg20[%dma_start3A_2450, %dma_start3A_2455] : memref<2x128xi32, #tpu.memory_space<vmem>> -> memref<1x128xi32, #tpu.memory_space<vmem>>
        %dma_start3A_2457 = tpu.memref_squeeze %dma_start3A_2456 : memref<1x128xi32, #tpu.memory_space<vmem>> -> memref<128xi32, #tpu.memory_space<vmem>>
        %dma_start3A_2458 = tpu.memref_slice %arg3[%add3A_2449] : memref<3200000xi32, #tpu.memory_space<hbm>> -> memref<128xi32, #tpu.memory_space<hbm>>
        tpu.enqueue_dma source(%dma_start3A_2458 : memref<128xi32, #tpu.memory_space<hbm>>) target(%dma_start3A_2457 : memref<128xi32, #tpu.memory_space<vmem>>) target_semaphore(%arg36 : memref<!tpu.dma_semaphore, #tpu.memory_space<semaphore_mem>>)
        %add3A_2459 = arith.constant 1600000 : i32
        %add3A_2460 = arith.addi %add3A_2459, %add3A_2449 : i32
        %dma_start3A_2461 = arith.constant 0 : i32
        %dma_start3A_2462 = arith.constant 0 : i32
        %dma_start3A_2463 = tpu.memref_slice %arg21[%dma_start3A_2461, %dma_start3A_2462] : memref<2x128xi32, #tpu.memory_space<vmem>> -> memref<1x128xi32, #tpu.memory_space<vmem>>
        %dma_start3A_2464 = tpu.memref_squeeze %dma_start3A_2463 : memref<1x128xi32, #tpu.memory_space<vmem>> -> memref<128xi32, #tpu.memory_space<vmem>>
        %dma_start3A_2465 = tpu.memref_slice %arg3[%add3A_2460] : memref<3200000xi32, #tpu.memory_space<hbm>> -> memref<128xi32, #tpu.memory_space<hbm>>
        %dma_start3A_2466 = arith.constant 0 : i32
        %dma_start3A_2467 = tpu.memref_slice %arg21[%dma_start3A_2461, %dma_start3A_2466] : memref<2x128xi32, #tpu.memory_space<vmem>> -> memref<1x128xi32, #tpu.memory_space<vmem>>
        %dma_start3A_2468 = tpu.memref_squeeze %dma_start3A_2467 : memref<1x128xi32, #tpu.memory_space<vmem>> -> memref<128xi32, #tpu.memory_space<vmem>>
        %dma_start3A_2469 = tpu.memref_slice %arg3[%add3A_2460] : memref<3200000xi32, #tpu.memory_space<hbm>> -> memref<128xi32, #tpu.memory_space<hbm>>
        tpu.enqueue_dma source(%dma_start3A_2469 : memref<128xi32, #tpu.memory_space<hbm>>) target(%dma_start3A_2468 : memref<128xi32, #tpu.memory_space<vmem>>) target_semaphore(%arg36 : memref<!tpu.dma_semaphore, #tpu.memory_space<semaphore_mem>>)
        %dma_start3A_2470 = arith.constant 0 : i32
        %dma_start3A_2471 = arith.constant 0 : i32
        %dma_start3A_2472 = tpu.memref_slice %arg22[%dma_start3A_2470, %dma_start3A_2471] : memref<2x128xf32, #tpu.memory_space<vmem>> -> memref<1x128xf32, #tpu.memory_space<vmem>>
        %dma_start3A_2473 = tpu.memref_squeeze %dma_start3A_2472 : memref<1x128xf32, #tpu.memory_space<vmem>> -> memref<128xf32, #tpu.memory_space<vmem>>
        %dma_start3A_2474 = tpu.memref_slice %arg4[%add3A_2449] : memref<1600000xf32, #tpu.memory_space<hbm>> -> memref<128xf32, #tpu.memory_space<hbm>>
        %dma_start3A_2475 = arith.constant 0 : i32
        %dma_start3A_2476 = tpu.memref_slice %arg22[%dma_start3A_2470, %dma_start3A_2475] : memref<2x128xf32, #tpu.memory_space<vmem>> -> memref<1x128xf32, #tpu.memory_space<vmem>>
        %dma_start3A_2477 = tpu.memref_squeeze %dma_start3A_2476 : memref<1x128xf32, #tpu.memory_space<vmem>> -> memref<128xf32, #tpu.memory_space<vmem>>
        %dma_start3A_2478 = tpu.memref_slice %arg4[%add3A_2449] : memref<1600000xf32, #tpu.memory_space<hbm>> -> memref<128xf32, #tpu.memory_space<hbm>>
        tpu.enqueue_dma source(%dma_start3A_2478 : memref<128xf32, #tpu.memory_space<hbm>>) target(%dma_start3A_2477 : memref<128xf32, #tpu.memory_space<vmem>>) target_semaphore(%arg36 : memref<!tpu.dma_semaphore, #tpu.memory_space<semaphore_mem>>)
        %dma_start3A_2479 = arith.constant 0 : i32
        %dma_start3A_2480 = arith.constant 0 : i32
        %dma_start3A_2481 = tpu.memref_slice %arg23[%dma_start3A_2479, %dma_start3A_2480] : memref<2x128xf32, #tpu.memory_space<vmem>> -> memref<1x128xf32, #tpu.memory_space<vmem>>
        %dma_start3A_2482 = tpu.memref_squeeze %dma_start3A_2481 : memref<1x128xf32, #tpu.memory_space<vmem>> -> memref<128xf32, #tpu.memory_space<vmem>>
        %dma_start3A_2483 = tpu.memref_slice %arg5[%add3A_2449] : memref<1600000xf32, #tpu.memory_space<hbm>> -> memref<128xf32, #tpu.memory_space<hbm>>
        %dma_start3A_2484 = arith.constant 0 : i32
        %dma_start3A_2485 = tpu.memref_slice %arg23[%dma_start3A_2479, %dma_start3A_2484] : memref<2x128xf32, #tpu.memory_space<vmem>> -> memref<1x128xf32, #tpu.memory_space<vmem>>
        %dma_start3A_2486 = tpu.memref_squeeze %dma_start3A_2485 : memref<1x128xf32, #tpu.memory_space<vmem>> -> memref<128xf32, #tpu.memory_space<vmem>>
        %dma_start3A_2487 = tpu.memref_slice %arg5[%add3A_2449] : memref<1600000xf32, #tpu.memory_space<hbm>> -> memref<128xf32, #tpu.memory_space<hbm>>
        tpu.enqueue_dma source(%dma_start3A_2487 : memref<128xf32, #tpu.memory_space<hbm>>) target(%dma_start3A_2486 : memref<128xf32, #tpu.memory_space<vmem>>) target_semaphore(%arg36 : memref<!tpu.dma_semaphore, #tpu.memory_space<semaphore_mem>>)
      } else {
      }
      %dma_start3A_1573 = arith.constant 1 : i32
      %dma_start3A_1574 = arith.constant 0 : i32
      %dma_start3A_1575 = tpu.memref_slice %arg26[%dma_start3A_1574] : memref<128xf32, #tpu.memory_space<vmem>> -> memref<128xf32, #tpu.memory_space<vmem>>
      %dma_start3A_1576 = arith.constant 0 : i32
      %dma_start3A_1577 = tpu.memref_slice %arg20[%dma_start3A_1573, %dma_start3A_1576] : memref<2x128xi32, #tpu.memory_space<vmem>> -> memref<1x128xi32, #tpu.memory_space<vmem>>
      %dma_start3A_1578 = tpu.memref_squeeze %dma_start3A_1577 : memref<1x128xi32, #tpu.memory_space<vmem>> -> memref<128xi32, #tpu.memory_space<vmem>>
      %dma_start3A_1579 = arith.constant 0 : i32
      %dma_start3A_1580 = tpu.memref_slice %arg13[%dma_start3A_1579] : memref<100000xf32, #tpu.memory_space<vmem_shared>> -> memref<100000xf32, #tpu.memory_space<vmem_shared>>
      tpu.enqueue_indirect_dma source(%dma_start3A_1580 : memref<100000xf32, #tpu.memory_space<vmem_shared>>) target(%dma_start3A_1575 : memref<128xf32, #tpu.memory_space<vmem>>) offsets(%dma_start3A_1578 : memref<128xi32, #tpu.memory_space<vmem>>) semaphore(%arg35 : memref<!tpu.dma_semaphore, #tpu.memory_space<semaphore_mem>>)
      %dma_start3A_1581 = arith.constant 1 : i32
      %dma_start3A_1582 = arith.constant 0 : i32
      %dma_start3A_1583 = tpu.memref_slice %arg27[%dma_start3A_1582] : memref<128xf32, #tpu.memory_space<vmem>> -> memref<128xf32, #tpu.memory_space<vmem>>
      %dma_start3A_1584 = arith.constant 0 : i32
      %dma_start3A_1585 = tpu.memref_slice %arg21[%dma_start3A_1581, %dma_start3A_1584] : memref<2x128xi32, #tpu.memory_space<vmem>> -> memref<1x128xi32, #tpu.memory_space<vmem>>
      %dma_start3A_1586 = tpu.memref_squeeze %dma_start3A_1585 : memref<1x128xi32, #tpu.memory_space<vmem>> -> memref<128xi32, #tpu.memory_space<vmem>>
      %dma_start3A_1587 = arith.constant 0 : i32
      %dma_start3A_1588 = tpu.memref_slice %arg13[%dma_start3A_1587] : memref<100000xf32, #tpu.memory_space<vmem_shared>> -> memref<100000xf32, #tpu.memory_space<vmem_shared>>
      tpu.enqueue_indirect_dma source(%dma_start3A_1588 : memref<100000xf32, #tpu.memory_space<vmem_shared>>) target(%dma_start3A_1583 : memref<128xf32, #tpu.memory_space<vmem>>) offsets(%dma_start3A_1586 : memref<128xi32, #tpu.memory_space<vmem>>) semaphore(%arg35 : memref<!tpu.dma_semaphore, #tpu.memory_space<semaphore_mem>>)
      %dma_wait3A_1589 = arith.constant 1 : i32
      %dma_wait3A_1590 = arith.constant 0 : i32
      %dma_wait3A_1591 = tpu.memref_slice %arg26[%dma_wait3A_1590] : memref<128xf32, #tpu.memory_space<vmem>> -> memref<128xf32, #tpu.memory_space<vmem>>
      %dma_wait3A_1592 = arith.constant 0 : i32
      %dma_wait3A_1593 = tpu.memref_slice %arg20[%dma_wait3A_1589, %dma_wait3A_1592] : memref<2x128xi32, #tpu.memory_space<vmem>> -> memref<1x128xi32, #tpu.memory_space<vmem>>
      %dma_wait3A_1594 = tpu.memref_squeeze %dma_wait3A_1593 : memref<1x128xi32, #tpu.memory_space<vmem>> -> memref<128xi32, #tpu.memory_space<vmem>>
      %dma_wait3A_1595 = arith.constant 0 : i32
      %dma_wait3A_1596 = tpu.memref_slice %arg13[%dma_wait3A_1595] : memref<100000xf32, #tpu.memory_space<vmem_shared>> -> memref<100000xf32, #tpu.memory_space<vmem_shared>>
      tpu.wait_indirect_dma semaphore(%arg35 : memref<!tpu.dma_semaphore, #tpu.memory_space<semaphore_mem>>) src(%dma_wait3A_1596 : memref<100000xf32, #tpu.memory_space<vmem_shared>>) dst(%dma_wait3A_1591 : memref<128xf32, #tpu.memory_space<vmem>>)
      %dma_wait3A_1597 = arith.constant 1 : i32
      %dma_wait3A_1598 = arith.constant 0 : i32
      %dma_wait3A_1599 = tpu.memref_slice %arg27[%dma_wait3A_1598] : memref<128xf32, #tpu.memory_space<vmem>> -> memref<128xf32, #tpu.memory_space<vmem>>
      %dma_wait3A_1600 = arith.constant 0 : i32
      %dma_wait3A_1601 = tpu.memref_slice %arg21[%dma_wait3A_1597, %dma_wait3A_1600] : memref<2x128xi32, #tpu.memory_space<vmem>> -> memref<1x128xi32, #tpu.memory_space<vmem>>
      %dma_wait3A_1602 = tpu.memref_squeeze %dma_wait3A_1601 : memref<1x128xi32, #tpu.memory_space<vmem>> -> memref<128xi32, #tpu.memory_space<vmem>>
      %dma_wait3A_1603 = arith.constant 0 : i32
      %dma_wait3A_1604 = tpu.memref_slice %arg13[%dma_wait3A_1603] : memref<100000xf32, #tpu.memory_space<vmem_shared>> -> memref<100000xf32, #tpu.memory_space<vmem_shared>>
      tpu.wait_indirect_dma semaphore(%arg35 : memref<!tpu.dma_semaphore, #tpu.memory_space<semaphore_mem>>) src(%dma_wait3A_1604 : memref<100000xf32, #tpu.memory_space<vmem_shared>>) dst(%dma_wait3A_1599 : memref<128xf32, #tpu.memory_space<vmem>>)
      %get3A_1605 = arith.constant 1 : i32
      %get3A_1606 = arith.constant 0 : i32
      %get3A_1607 = tpu.memref_slice %arg20[%get3A_1605, %get3A_1606] : memref<2x128xi32, #tpu.memory_space<vmem>> -> memref<1x128xi32, #tpu.memory_space<vmem>>
      %get3A_1608 = tpu.memref_squeeze %get3A_1607 : memref<1x128xi32, #tpu.memory_space<vmem>> -> memref<128xi32, #tpu.memory_space<vmem>>
      %get3A_1609 = arith.constant 0 : index
      %get3A_1610 = tpu.vector_load %get3A_1608[%get3A_1609] {strides = array<i32>} : memref<128xi32, #tpu.memory_space<vmem>>, vector<16xi32>,
      %get3A_1611 = arith.constant 1 : i32
      %get3A_1612 = arith.constant 0 : i32
      %get3A_1613 = tpu.memref_slice %arg21[%get3A_1611, %get3A_1612] : memref<2x128xi32, #tpu.memory_space<vmem>> -> memref<1x128xi32, #tpu.memory_space<vmem>>
      %get3A_1614 = tpu.memref_squeeze %get3A_1613 : memref<1x128xi32, #tpu.memory_space<vmem>> -> memref<128xi32, #tpu.memory_space<vmem>>
      %get3A_1615 = arith.constant 0 : index
      %get3A_1616 = tpu.vector_load %get3A_1614[%get3A_1615] {strides = array<i32>} : memref<128xi32, #tpu.memory_space<vmem>>, vector<16xi32>,
      %get3A_1617 = arith.constant 0 : index
      %get3A_1618 = tpu.vector_load %arg26[%get3A_1617] {strides = array<i32>} : memref<128xf32, #tpu.memory_space<vmem>>, vector<16xf32>,
      %bitcast3A_1619 = vector.bitcast %get3A_1618 : vector<16xf32> to vector<32xbf16>
      %unpack3A_1620 = tpu.unpack_subelements %bitcast3A_1619, 0 {pack_format = #tpu.pack_format<interleaved>} : vector<32xbf16> -> vector<16xf32>
      %unpack3A_1621 = tpu.unpack_subelements %bitcast3A_1619, 1 {pack_format = #tpu.pack_format<interleaved>} : vector<32xbf16> -> vector<16xf32>
      %get3A_1622 = arith.constant 0 : index
      %get3A_1623 = tpu.vector_load %arg27[%get3A_1622] {strides = array<i32>} : memref<128xf32, #tpu.memory_space<vmem>>, vector<16xf32>,
      %bitcast3A_1624 = vector.bitcast %get3A_1623 : vector<16xf32> to vector<32xbf16>
      %unpack3A_1625 = tpu.unpack_subelements %bitcast3A_1624, 0 {pack_format = #tpu.pack_format<interleaved>} : vector<32xbf16> -> vector<16xf32>
      %unpack3A_1626 = tpu.unpack_subelements %bitcast3A_1624, 1 {pack_format = #tpu.pack_format<interleaved>} : vector<32xbf16> -> vector<16xf32>
      %get3A_1627 = arith.constant 1 : i32
      %get3A_1628 = arith.constant 0 : i32
      %get3A_1629 = tpu.memref_slice %arg22[%get3A_1627, %get3A_1628] : memref<2x128xf32, #tpu.memory_space<vmem>> -> memref<1x128xf32, #tpu.memory_space<vmem>>
      %get3A_1630 = tpu.memref_squeeze %get3A_1629 : memref<1x128xf32, #tpu.memory_space<vmem>> -> memref<128xf32, #tpu.memory_space<vmem>>
      %get3A_1631 = arith.constant 0 : index
      %get3A_1632 = tpu.vector_load %get3A_1630[%get3A_1631] {strides = array<i32>} : memref<128xf32, #tpu.memory_space<vmem>>, vector<16xf32>,
      %mul3A_1633 = arith.mulf %get3A_1632, %gather3A : vector<16xf32>
      %add3A_1634 = arith.addf %mul3A_1633, %gather3A_26 : vector<16xf32>
      %get3A_1635 = arith.constant 1 : i32
      %get3A_1636 = arith.constant 0 : i32
      %get3A_1637 = tpu.memref_slice %arg23[%get3A_1635, %get3A_1636] : memref<2x128xf32, #tpu.memory_space<vmem>> -> memref<1x128xf32, #tpu.memory_space<vmem>>
      %get3A_1638 = tpu.memref_squeeze %get3A_1637 : memref<1x128xf32, #tpu.memory_space<vmem>> -> memref<128xf32, #tpu.memory_space<vmem>>
      %get3A_1639 = arith.constant 0 : index
      %get3A_1640 = tpu.vector_load %get3A_1638[%get3A_1639] {strides = array<i32>} : memref<128xf32, #tpu.memory_space<vmem>>, vector<16xf32>,
      %mul3A_1641 = arith.mulf %get3A_1640, %gather3A_22 : vector<16xf32>
      %add3A_1642 = arith.addf %mul3A_1641, %gather3A_30 : vector<16xf32>
      %mul3A_1643 = arith.mulf %add3A_1634, %add3A_1634 : vector<16xf32>
      %mul3A_1644 = arith.mulf %add3A_1642, %add3A_1642 : vector<16xf32>
      %add3A_1645 = arith.addf %mul3A_1643, %mul3A_1644 : vector<16xf32>
      %div3A_1646 = arith.constant 1.000000e+00 : f32
      %div3A_1647 = vector.broadcast %div3A_1646 : f32 to vector<16xf32>
      %div3A_1648 = arith.divf %div3A_1647, %add3A_1645 : vector<16xf32>
      %mul3A_1649 = arith.mulf %add3A_1634, %div3A_1648 : vector<16xf32>
      %mul3A_1650 = arith.mulf %add3A_1642, %div3A_1648 : vector<16xf32>
      %neg3A_1651 = arith.constant 0.000000e+00 : f32
      %neg3A_1652 = vector.broadcast %neg3A_1651 : f32 to vector<16xf32>
      %neg3A_1653 = arith.subf %neg3A_1652, %mul3A_1650 : vector<16xf32>
      %mul3A_1654 = arith.mulf %unpack3A_1620, %unpack3A_1625 : vector<16xf32>
      %mul3A_1655 = arith.mulf %unpack3A_1621, %unpack3A_1626 : vector<16xf32>
      %add3A_1656 = arith.addf %mul3A_1654, %mul3A_1655 : vector<16xf32>
      %mul3A_1657 = arith.mulf %unpack3A_1621, %unpack3A_1625 : vector<16xf32>
      %mul3A_1658 = arith.mulf %unpack3A_1620, %unpack3A_1626 : vector<16xf32>
      %sub3A_1659 = arith.subf %mul3A_1657, %mul3A_1658 : vector<16xf32>
      %mul3A_1660 = arith.mulf %unpack3A_1620, %unpack3A_1620 : vector<16xf32>
      %sub3A_1661 = arith.subf %add3A_1656, %mul3A_1660 : vector<16xf32>
      %mul3A_1662 = arith.mulf %unpack3A_1621, %unpack3A_1621 : vector<16xf32>
      %sub3A_1663 = arith.subf %sub3A_1661, %mul3A_1662 : vector<16xf32>
      %mul3A_1664 = arith.mulf %unpack3A_1625, %unpack3A_1625 : vector<16xf32>
      %sub3A_1665 = arith.subf %add3A_1656, %mul3A_1664 : vector<16xf32>
      %mul3A_1666 = arith.mulf %unpack3A_1626, %unpack3A_1626 : vector<16xf32>
      %sub3A_1667 = arith.subf %sub3A_1665, %mul3A_1666 : vector<16xf32>
      %mul3A_1668 = arith.mulf %mul3A_1649, %sub3A_1659 : vector<16xf32>
      %mul3A_1669 = arith.mulf %neg3A_1653, %sub3A_1659 : vector<16xf32>
      %mul3A_1670 = arith.mulf %mul3A_1649, %sub3A_1663 : vector<16xf32>
      %add3A_1671 = arith.addf %mul3A_1670, %mul3A_1669 : vector<16xf32>
      %swap3A_1672 = arith.constant 0 : index
      %swap3A_1673 = tpu.vector_load %arg28[%swap3A_1672] {strides = array<i32>} : memref<128xf32, #tpu.memory_space<vmem>>, vector<16xf32>,
      tpu.vector_store %arg28[%swap3A_1672], %add3A_1671 {strides = array<i32>} : memref<128xf32, #tpu.memory_space<vmem>>, vector<16xf32>,
      %mul3A_1674 = arith.mulf %neg3A_1653, %sub3A_1663 : vector<16xf32>
      %sub3A_1675 = arith.subf %mul3A_1668, %mul3A_1674 : vector<16xf32>
      %swap3A_1676 = arith.constant 0 : index
      %swap3A_1677 = tpu.vector_load %arg29[%swap3A_1676] {strides = array<i32>} : memref<128xf32, #tpu.memory_space<vmem>>, vector<16xf32>,
      tpu.vector_store %arg29[%swap3A_1676], %sub3A_1675 {strides = array<i32>} : memref<128xf32, #tpu.memory_space<vmem>>, vector<16xf32>,
      %mul3A_1678 = arith.mulf %mul3A_1649, %sub3A_1667 : vector<16xf32>
      %sub3A_1679 = arith.subf %mul3A_1678, %mul3A_1669 : vector<16xf32>
      %swap3A_1680 = arith.constant 0 : index
      %swap3A_1681 = tpu.vector_load %arg30[%swap3A_1680] {strides = array<i32>} : memref<128xf32, #tpu.memory_space<vmem>>, vector<16xf32>,
      tpu.vector_store %arg30[%swap3A_1680], %sub3A_1679 {strides = array<i32>} : memref<128xf32, #tpu.memory_space<vmem>>, vector<16xf32>,
      %neg3A_1682 = arith.constant 0.000000e+00 : f32
      %neg3A_1683 = vector.broadcast %neg3A_1682 : f32 to vector<16xf32>
      %neg3A_1684 = arith.subf %neg3A_1683, %mul3A_1668 : vector<16xf32>
      %mul3A_1685 = arith.mulf %neg3A_1653, %sub3A_1667 : vector<16xf32>
      %sub3A_1686 = arith.subf %neg3A_1684, %mul3A_1685 : vector<16xf32>
      %swap3A_1687 = arith.constant 0 : index
      %swap3A_1688 = tpu.vector_load %arg31[%swap3A_1687] {strides = array<i32>} : memref<128xf32, #tpu.memory_space<vmem>>, vector<16xf32>,
      tpu.vector_store %arg31[%swap3A_1687], %sub3A_1686 {strides = array<i32>} : memref<128xf32, #tpu.memory_space<vmem>>, vector<16xf32>,
      %eq3A_1689 = arith.cmpi eq, %get3A_1610, %gather3A_35 : vector<16xi32>
      %eq3A_1690 = arith.cmpi eq, %get3A_1616, %gather3A_31 : vector<16xi32>
      %and3A_1691 = arith.andi %eq3A_1689, %eq3A_1690 : vector<16xi1>
      %get3A_1692 = arith.constant 0 : index
      %get3A_1693 = tpu.vector_load %arg32[%get3A_1692] {strides = array<i32>} : memref<16xi32, #tpu.memory_space<vmem>>, vector<16xi32>,
      %jit3A_1694 = arith.constant 1 : i32
      %jit3A_1695 = arith.constant 0 : i32
      %broadcast_in_dim3A_1696 = vector.broadcast %jit3A_1694 : i32 to vector<16xi32>
      %broadcast_in_dim3A_1697 = vector.broadcast %jit3A_1695 : i32 to vector<16xi32>
      %select_n3A_1698 = arith.select %and3A_1691, %broadcast_in_dim3A_1696, %broadcast_in_dim3A_1697 : vector<16xi1>, vector<16xi32>
      %or3A_1699 = arith.ori %get3A_1693, %select_n3A_1698 : vector<16xi32>
      %swap3A_1700 = arith.constant 0 : index
      %swap3A_1701 = tpu.vector_load %arg32[%swap3A_1700] {strides = array<i32>} : memref<16xi32, #tpu.memory_space<vmem>>, vector<16xi32>,
      tpu.vector_store %arg32[%swap3A_1700], %or3A_1699 {strides = array<i32>} : memref<16xi32, #tpu.memory_space<vmem>>, vector<16xi32>,
      %get3A_1702 = arith.constant 1 : i32
      %get3A_1703 = arith.constant 0 : i32
      %get3A_1704 = tpu.memref_slice %arg20[%get3A_1702, %get3A_1703] : memref<2x128xi32, #tpu.memory_space<vmem>> -> memref<1x128xi32, #tpu.memory_space<vmem>>
      %get3A_1705 = tpu.memref_squeeze %get3A_1704 : memref<1x128xi32, #tpu.memory_space<vmem>> -> memref<128xi32, #tpu.memory_space<vmem>>
      %get3A_1706 = arith.constant 16 : index
      %get3A_1707 = tpu.vector_load %get3A_1705[%get3A_1706] {strides = array<i32>} : memref<128xi32, #tpu.memory_space<vmem>>, vector<16xi32>,
      %get3A_1708 = arith.constant 1 : i32
      %get3A_1709 = arith.constant 0 : i32
      %get3A_1710 = tpu.memref_slice %arg21[%get3A_1708, %get3A_1709] : memref<2x128xi32, #tpu.memory_space<vmem>> -> memref<1x128xi32, #tpu.memory_space<vmem>>
      %get3A_1711 = tpu.memref_squeeze %get3A_1710 : memref<1x128xi32, #tpu.memory_space<vmem>> -> memref<128xi32, #tpu.memory_space<vmem>>
      %get3A_1712 = arith.constant 16 : index
      %get3A_1713 = tpu.vector_load %get3A_1711[%get3A_1712] {strides = array<i32>} : memref<128xi32, #tpu.memory_space<vmem>>, vector<16xi32>,
      %get3A_1714 = arith.constant 16 : index
      %get3A_1715 = tpu.vector_load %arg26[%get3A_1714] {strides = array<i32>} : memref<128xf32, #tpu.memory_space<vmem>>, vector<16xf32>,
      %bitcast3A_1716 = vector.bitcast %get3A_1715 : vector<16xf32> to vector<32xbf16>
      %unpack3A_1717 = tpu.unpack_subelements %bitcast3A_1716, 0 {pack_format = #tpu.pack_format<interleaved>} : vector<32xbf16> -> vector<16xf32>
      %unpack3A_1718 = tpu.unpack_subelements %bitcast3A_1716, 1 {pack_format = #tpu.pack_format<interleaved>} : vector<32xbf16> -> vector<16xf32>
      %get3A_1719 = arith.constant 16 : index
      %get3A_1720 = tpu.vector_load %arg27[%get3A_1719] {strides = array<i32>} : memref<128xf32, #tpu.memory_space<vmem>>, vector<16xf32>,
      %bitcast3A_1721 = vector.bitcast %get3A_1720 : vector<16xf32> to vector<32xbf16>
      %unpack3A_1722 = tpu.unpack_subelements %bitcast3A_1721, 0 {pack_format = #tpu.pack_format<interleaved>} : vector<32xbf16> -> vector<16xf32>
      %unpack3A_1723 = tpu.unpack_subelements %bitcast3A_1721, 1 {pack_format = #tpu.pack_format<interleaved>} : vector<32xbf16> -> vector<16xf32>
      %get3A_1724 = arith.constant 1 : i32
      %get3A_1725 = arith.constant 0 : i32
      %get3A_1726 = tpu.memref_slice %arg22[%get3A_1724, %get3A_1725] : memref<2x128xf32, #tpu.memory_space<vmem>> -> memref<1x128xf32, #tpu.memory_space<vmem>>
      %get3A_1727 = tpu.memref_squeeze %get3A_1726 : memref<1x128xf32, #tpu.memory_space<vmem>> -> memref<128xf32, #tpu.memory_space<vmem>>
      %get3A_1728 = arith.constant 16 : index
      %get3A_1729 = tpu.vector_load %get3A_1727[%get3A_1728] {strides = array<i32>} : memref<128xf32, #tpu.memory_space<vmem>>, vector<16xf32>,
      %mul3A_1730 = arith.mulf %get3A_1729, %gather3A : vector<16xf32>
      %add3A_1731 = arith.addf %mul3A_1730, %gather3A_26 : vector<16xf32>
      %get3A_1732 = arith.constant 1 : i32
      %get3A_1733 = arith.constant 0 : i32
      %get3A_1734 = tpu.memref_slice %arg23[%get3A_1732, %get3A_1733] : memref<2x128xf32, #tpu.memory_space<vmem>> -> memref<1x128xf32, #tpu.memory_space<vmem>>
      %get3A_1735 = tpu.memref_squeeze %get3A_1734 : memref<1x128xf32, #tpu.memory_space<vmem>> -> memref<128xf32, #tpu.memory_space<vmem>>
      %get3A_1736 = arith.constant 16 : index
      %get3A_1737 = tpu.vector_load %get3A_1735[%get3A_1736] {strides = array<i32>} : memref<128xf32, #tpu.memory_space<vmem>>, vector<16xf32>,
      %mul3A_1738 = arith.mulf %get3A_1737, %gather3A_22 : vector<16xf32>
      %add3A_1739 = arith.addf %mul3A_1738, %gather3A_30 : vector<16xf32>
      %mul3A_1740 = arith.mulf %add3A_1731, %add3A_1731 : vector<16xf32>
      %mul3A_1741 = arith.mulf %add3A_1739, %add3A_1739 : vector<16xf32>
      %add3A_1742 = arith.addf %mul3A_1740, %mul3A_1741 : vector<16xf32>
      %div3A_1743 = arith.constant 1.000000e+00 : f32
      %div3A_1744 = vector.broadcast %div3A_1743 : f32 to vector<16xf32>
      %div3A_1745 = arith.divf %div3A_1744, %add3A_1742 : vector<16xf32>
      %mul3A_1746 = arith.mulf %add3A_1731, %div3A_1745 : vector<16xf32>
      %mul3A_1747 = arith.mulf %add3A_1739, %div3A_1745 : vector<16xf32>
      %neg3A_1748 = arith.constant 0.000000e+00 : f32
      %neg3A_1749 = vector.broadcast %neg3A_1748 : f32 to vector<16xf32>
      %neg3A_1750 = arith.subf %neg3A_1749, %mul3A_1747 : vector<16xf32>
      %mul3A_1751 = arith.mulf %unpack3A_1717, %unpack3A_1722 : vector<16xf32>
      %mul3A_1752 = arith.mulf %unpack3A_1718, %unpack3A_1723 : vector<16xf32>
      %add3A_1753 = arith.addf %mul3A_1751, %mul3A_1752 : vector<16xf32>
      %mul3A_1754 = arith.mulf %unpack3A_1718, %unpack3A_1722 : vector<16xf32>
      %mul3A_1755 = arith.mulf %unpack3A_1717, %unpack3A_1723 : vector<16xf32>
      %sub3A_1756 = arith.subf %mul3A_1754, %mul3A_1755 : vector<16xf32>
      %mul3A_1757 = arith.mulf %unpack3A_1717, %unpack3A_1717 : vector<16xf32>
      %sub3A_1758 = arith.subf %add3A_1753, %mul3A_1757 : vector<16xf32>
      %mul3A_1759 = arith.mulf %unpack3A_1718, %unpack3A_1718 : vector<16xf32>
      %sub3A_1760 = arith.subf %sub3A_1758, %mul3A_1759 : vector<16xf32>
      %mul3A_1761 = arith.mulf %unpack3A_1722, %unpack3A_1722 : vector<16xf32>
      %sub3A_1762 = arith.subf %add3A_1753, %mul3A_1761 : vector<16xf32>
      %mul3A_1763 = arith.mulf %unpack3A_1723, %unpack3A_1723 : vector<16xf32>
      %sub3A_1764 = arith.subf %sub3A_1762, %mul3A_1763 : vector<16xf32>
      %mul3A_1765 = arith.mulf %mul3A_1746, %sub3A_1756 : vector<16xf32>
      %mul3A_1766 = arith.mulf %neg3A_1750, %sub3A_1756 : vector<16xf32>
      %mul3A_1767 = arith.mulf %mul3A_1746, %sub3A_1760 : vector<16xf32>
      %add3A_1768 = arith.addf %mul3A_1767, %mul3A_1766 : vector<16xf32>
      %swap3A_1769 = arith.constant 16 : index
      %swap3A_1770 = tpu.vector_load %arg28[%swap3A_1769] {strides = array<i32>} : memref<128xf32, #tpu.memory_space<vmem>>, vector<16xf32>,
      tpu.vector_store %arg28[%swap3A_1769], %add3A_1768 {strides = array<i32>} : memref<128xf32, #tpu.memory_space<vmem>>, vector<16xf32>,
      %mul3A_1771 = arith.mulf %neg3A_1750, %sub3A_1760 : vector<16xf32>
      %sub3A_1772 = arith.subf %mul3A_1765, %mul3A_1771 : vector<16xf32>
      %swap3A_1773 = arith.constant 16 : index
      %swap3A_1774 = tpu.vector_load %arg29[%swap3A_1773] {strides = array<i32>} : memref<128xf32, #tpu.memory_space<vmem>>, vector<16xf32>,
      tpu.vector_store %arg29[%swap3A_1773], %sub3A_1772 {strides = array<i32>} : memref<128xf32, #tpu.memory_space<vmem>>, vector<16xf32>,
      %mul3A_1775 = arith.mulf %mul3A_1746, %sub3A_1764 : vector<16xf32>
      %sub3A_1776 = arith.subf %mul3A_1775, %mul3A_1766 : vector<16xf32>
      %swap3A_1777 = arith.constant 16 : index
      %swap3A_1778 = tpu.vector_load %arg30[%swap3A_1777] {strides = array<i32>} : memref<128xf32, #tpu.memory_space<vmem>>, vector<16xf32>,
      tpu.vector_store %arg30[%swap3A_1777], %sub3A_1776 {strides = array<i32>} : memref<128xf32, #tpu.memory_space<vmem>>, vector<16xf32>,
      %neg3A_1779 = arith.constant 0.000000e+00 : f32
      %neg3A_1780 = vector.broadcast %neg3A_1779 : f32 to vector<16xf32>
      %neg3A_1781 = arith.subf %neg3A_1780, %mul3A_1765 : vector<16xf32>
      %mul3A_1782 = arith.mulf %neg3A_1750, %sub3A_1764 : vector<16xf32>
      %sub3A_1783 = arith.subf %neg3A_1781, %mul3A_1782 : vector<16xf32>
      %swap3A_1784 = arith.constant 16 : index
      %swap3A_1785 = tpu.vector_load %arg31[%swap3A_1784] {strides = array<i32>} : memref<128xf32, #tpu.memory_space<vmem>>, vector<16xf32>,
      tpu.vector_store %arg31[%swap3A_1784], %sub3A_1783 {strides = array<i32>} : memref<128xf32, #tpu.memory_space<vmem>>, vector<16xf32>,
      %eq3A_1786 = arith.cmpi eq, %get3A_1707, %gather3A_35 : vector<16xi32>
      %eq3A_1787 = arith.cmpi eq, %get3A_1713, %gather3A_31 : vector<16xi32>
      %and3A_1788 = arith.andi %eq3A_1786, %eq3A_1787 : vector<16xi1>
      %get3A_1789 = arith.constant 0 : index
      %get3A_1790 = tpu.vector_load %arg32[%get3A_1789] {strides = array<i32>} : memref<16xi32, #tpu.memory_space<vmem>>, vector<16xi32>,
      %jit3A_1791 = arith.constant 1 : i32
      %jit3A_1792 = arith.constant 0 : i32
      %broadcast_in_dim3A_1793 = vector.broadcast %jit3A_1791 : i32 to vector<16xi32>
      %broadcast_in_dim3A_1794 = vector.broadcast %jit3A_1792 : i32 to vector<16xi32>
      %select_n3A_1795 = arith.select %and3A_1788, %broadcast_in_dim3A_1793, %broadcast_in_dim3A_1794 : vector<16xi1>, vector<16xi32>
      %or3A_1796 = arith.ori %get3A_1790, %select_n3A_1795 : vector<16xi32>
      %swap3A_1797 = arith.constant 0 : index
      %swap3A_1798 = tpu.vector_load %arg32[%swap3A_1797] {strides = array<i32>} : memref<16xi32, #tpu.memory_space<vmem>>, vector<16xi32>,
      tpu.vector_store %arg32[%swap3A_1797], %or3A_1796 {strides = array<i32>} : memref<16xi32, #tpu.memory_space<vmem>>, vector<16xi32>,
      %get3A_1799 = arith.constant 1 : i32
      %get3A_1800 = arith.constant 0 : i32
      %get3A_1801 = tpu.memref_slice %arg20[%get3A_1799, %get3A_1800] : memref<2x128xi32, #tpu.memory_space<vmem>> -> memref<1x128xi32, #tpu.memory_space<vmem>>
      %get3A_1802 = tpu.memref_squeeze %get3A_1801 : memref<1x128xi32, #tpu.memory_space<vmem>> -> memref<128xi32, #tpu.memory_space<vmem>>
      %get3A_1803 = arith.constant 32 : index
      %get3A_1804 = tpu.vector_load %get3A_1802[%get3A_1803] {strides = array<i32>} : memref<128xi32, #tpu.memory_space<vmem>>, vector<16xi32>,
      %get3A_1805 = arith.constant 1 : i32
      %get3A_1806 = arith.constant 0 : i32
      %get3A_1807 = tpu.memref_slice %arg21[%get3A_1805, %get3A_1806] : memref<2x128xi32, #tpu.memory_space<vmem>> -> memref<1x128xi32, #tpu.memory_space<vmem>>
      %get3A_1808 = tpu.memref_squeeze %get3A_1807 : memref<1x128xi32, #tpu.memory_space<vmem>> -> memref<128xi32, #tpu.memory_space<vmem>>
      %get3A_1809 = arith.constant 32 : index
      %get3A_1810 = tpu.vector_load %get3A_1808[%get3A_1809] {strides = array<i32>} : memref<128xi32, #tpu.memory_space<vmem>>, vector<16xi32>,
      %get3A_1811 = arith.constant 32 : index
      %get3A_1812 = tpu.vector_load %arg26[%get3A_1811] {strides = array<i32>} : memref<128xf32, #tpu.memory_space<vmem>>, vector<16xf32>,
      %bitcast3A_1813 = vector.bitcast %get3A_1812 : vector<16xf32> to vector<32xbf16>
      %unpack3A_1814 = tpu.unpack_subelements %bitcast3A_1813, 0 {pack_format = #tpu.pack_format<interleaved>} : vector<32xbf16> -> vector<16xf32>
      %unpack3A_1815 = tpu.unpack_subelements %bitcast3A_1813, 1 {pack_format = #tpu.pack_format<interleaved>} : vector<32xbf16> -> vector<16xf32>
      %get3A_1816 = arith.constant 32 : index
      %get3A_1817 = tpu.vector_load %arg27[%get3A_1816] {strides = array<i32>} : memref<128xf32, #tpu.memory_space<vmem>>, vector<16xf32>,
      %bitcast3A_1818 = vector.bitcast %get3A_1817 : vector<16xf32> to vector<32xbf16>
      %unpack3A_1819 = tpu.unpack_subelements %bitcast3A_1818, 0 {pack_format = #tpu.pack_format<interleaved>} : vector<32xbf16> -> vector<16xf32>
      %unpack3A_1820 = tpu.unpack_subelements %bitcast3A_1818, 1 {pack_format = #tpu.pack_format<interleaved>} : vector<32xbf16> -> vector<16xf32>
      %get3A_1821 = arith.constant 1 : i32
      %get3A_1822 = arith.constant 0 : i32
      %get3A_1823 = tpu.memref_slice %arg22[%get3A_1821, %get3A_1822] : memref<2x128xf32, #tpu.memory_space<vmem>> -> memref<1x128xf32, #tpu.memory_space<vmem>>
      %get3A_1824 = tpu.memref_squeeze %get3A_1823 : memref<1x128xf32, #tpu.memory_space<vmem>> -> memref<128xf32, #tpu.memory_space<vmem>>
      %get3A_1825 = arith.constant 32 : index
      %get3A_1826 = tpu.vector_load %get3A_1824[%get3A_1825] {strides = array<i32>} : memref<128xf32, #tpu.memory_space<vmem>>, vector<16xf32>,
      %mul3A_1827 = arith.mulf %get3A_1826, %gather3A : vector<16xf32>
      %add3A_1828 = arith.addf %mul3A_1827, %gather3A_26 : vector<16xf32>
      %get3A_1829 = arith.constant 1 : i32
      %get3A_1830 = arith.constant 0 : i32
      %get3A_1831 = tpu.memref_slice %arg23[%get3A_1829, %get3A_1830] : memref<2x128xf32, #tpu.memory_space<vmem>> -> memref<1x128xf32, #tpu.memory_space<vmem>>
      %get3A_1832 = tpu.memref_squeeze %get3A_1831 : memref<1x128xf32, #tpu.memory_space<vmem>> -> memref<128xf32, #tpu.memory_space<vmem>>
      %get3A_1833 = arith.constant 32 : index
      %get3A_1834 = tpu.vector_load %get3A_1832[%get3A_1833] {strides = array<i32>} : memref<128xf32, #tpu.memory_space<vmem>>, vector<16xf32>,
      %mul3A_1835 = arith.mulf %get3A_1834, %gather3A_22 : vector<16xf32>
      %add3A_1836 = arith.addf %mul3A_1835, %gather3A_30 : vector<16xf32>
      %mul3A_1837 = arith.mulf %add3A_1828, %add3A_1828 : vector<16xf32>
      %mul3A_1838 = arith.mulf %add3A_1836, %add3A_1836 : vector<16xf32>
      %add3A_1839 = arith.addf %mul3A_1837, %mul3A_1838 : vector<16xf32>
      %div3A_1840 = arith.constant 1.000000e+00 : f32
      %div3A_1841 = vector.broadcast %div3A_1840 : f32 to vector<16xf32>
      %div3A_1842 = arith.divf %div3A_1841, %add3A_1839 : vector<16xf32>
      %mul3A_1843 = arith.mulf %add3A_1828, %div3A_1842 : vector<16xf32>
      %mul3A_1844 = arith.mulf %add3A_1836, %div3A_1842 : vector<16xf32>
      %neg3A_1845 = arith.constant 0.000000e+00 : f32
      %neg3A_1846 = vector.broadcast %neg3A_1845 : f32 to vector<16xf32>
      %neg3A_1847 = arith.subf %neg3A_1846, %mul3A_1844 : vector<16xf32>
      %mul3A_1848 = arith.mulf %unpack3A_1814, %unpack3A_1819 : vector<16xf32>
      %mul3A_1849 = arith.mulf %unpack3A_1815, %unpack3A_1820 : vector<16xf32>
      %add3A_1850 = arith.addf %mul3A_1848, %mul3A_1849 : vector<16xf32>
      %mul3A_1851 = arith.mulf %unpack3A_1815, %unpack3A_1819 : vector<16xf32>
      %mul3A_1852 = arith.mulf %unpack3A_1814, %unpack3A_1820 : vector<16xf32>
      %sub3A_1853 = arith.subf %mul3A_1851, %mul3A_1852 : vector<16xf32>
      %mul3A_1854 = arith.mulf %unpack3A_1814, %unpack3A_1814 : vector<16xf32>
      %sub3A_1855 = arith.subf %add3A_1850, %mul3A_1854 : vector<16xf32>
      %mul3A_1856 = arith.mulf %unpack3A_1815, %unpack3A_1815 : vector<16xf32>
      %sub3A_1857 = arith.subf %sub3A_1855, %mul3A_1856 : vector<16xf32>
      %mul3A_1858 = arith.mulf %unpack3A_1819, %unpack3A_1819 : vector<16xf32>
      %sub3A_1859 = arith.subf %add3A_1850, %mul3A_1858 : vector<16xf32>
      %mul3A_1860 = arith.mulf %unpack3A_1820, %unpack3A_1820 : vector<16xf32>
      %sub3A_1861 = arith.subf %sub3A_1859, %mul3A_1860 : vector<16xf32>
      %mul3A_1862 = arith.mulf %mul3A_1843, %sub3A_1853 : vector<16xf32>
      %mul3A_1863 = arith.mulf %neg3A_1847, %sub3A_1853 : vector<16xf32>
      %mul3A_1864 = arith.mulf %mul3A_1843, %sub3A_1857 : vector<16xf32>
      %add3A_1865 = arith.addf %mul3A_1864, %mul3A_1863 : vector<16xf32>
      %swap3A_1866 = arith.constant 32 : index
      %swap3A_1867 = tpu.vector_load %arg28[%swap3A_1866] {strides = array<i32>} : memref<128xf32, #tpu.memory_space<vmem>>, vector<16xf32>,
      tpu.vector_store %arg28[%swap3A_1866], %add3A_1865 {strides = array<i32>} : memref<128xf32, #tpu.memory_space<vmem>>, vector<16xf32>,
      %mul3A_1868 = arith.mulf %neg3A_1847, %sub3A_1857 : vector<16xf32>
      %sub3A_1869 = arith.subf %mul3A_1862, %mul3A_1868 : vector<16xf32>
      %swap3A_1870 = arith.constant 32 : index
      %swap3A_1871 = tpu.vector_load %arg29[%swap3A_1870] {strides = array<i32>} : memref<128xf32, #tpu.memory_space<vmem>>, vector<16xf32>,
      tpu.vector_store %arg29[%swap3A_1870], %sub3A_1869 {strides = array<i32>} : memref<128xf32, #tpu.memory_space<vmem>>, vector<16xf32>,
      %mul3A_1872 = arith.mulf %mul3A_1843, %sub3A_1861 : vector<16xf32>
      %sub3A_1873 = arith.subf %mul3A_1872, %mul3A_1863 : vector<16xf32>
      %swap3A_1874 = arith.constant 32 : index
      %swap3A_1875 = tpu.vector_load %arg30[%swap3A_1874] {strides = array<i32>} : memref<128xf32, #tpu.memory_space<vmem>>, vector<16xf32>,
      tpu.vector_store %arg30[%swap3A_1874], %sub3A_1873 {strides = array<i32>} : memref<128xf32, #tpu.memory_space<vmem>>, vector<16xf32>,
      %neg3A_1876 = arith.constant 0.000000e+00 : f32
      %neg3A_1877 = vector.broadcast %neg3A_1876 : f32 to vector<16xf32>
      %neg3A_1878 = arith.subf %neg3A_1877, %mul3A_1862 : vector<16xf32>
      %mul3A_1879 = arith.mulf %neg3A_1847, %sub3A_1861 : vector<16xf32>
      %sub3A_1880 = arith.subf %neg3A_1878, %mul3A_1879 : vector<16xf32>
      %swap3A_1881 = arith.constant 32 : index
      %swap3A_1882 = tpu.vector_load %arg31[%swap3A_1881] {strides = array<i32>} : memref<128xf32, #tpu.memory_space<vmem>>, vector<16xf32>,
      tpu.vector_store %arg31[%swap3A_1881], %sub3A_1880 {strides = array<i32>} : memref<128xf32, #tpu.memory_space<vmem>>, vector<16xf32>,
      %eq3A_1883 = arith.cmpi eq, %get3A_1804, %gather3A_35 : vector<16xi32>
      %eq3A_1884 = arith.cmpi eq, %get3A_1810, %gather3A_31 : vector<16xi32>
      %and3A_1885 = arith.andi %eq3A_1883, %eq3A_1884 : vector<16xi1>
      %get3A_1886 = arith.constant 0 : index
      %get3A_1887 = tpu.vector_load %arg32[%get3A_1886] {strides = array<i32>} : memref<16xi32, #tpu.memory_space<vmem>>, vector<16xi32>,
      %jit3A_1888 = arith.constant 1 : i32
      %jit3A_1889 = arith.constant 0 : i32
      %broadcast_in_dim3A_1890 = vector.broadcast %jit3A_1888 : i32 to vector<16xi32>
      %broadcast_in_dim3A_1891 = vector.broadcast %jit3A_1889 : i32 to vector<16xi32>
      %select_n3A_1892 = arith.select %and3A_1885, %broadcast_in_dim3A_1890, %broadcast_in_dim3A_1891 : vector<16xi1>, vector<16xi32>
      %or3A_1893 = arith.ori %get3A_1887, %select_n3A_1892 : vector<16xi32>
      %swap3A_1894 = arith.constant 0 : index
      %swap3A_1895 = tpu.vector_load %arg32[%swap3A_1894] {strides = array<i32>} : memref<16xi32, #tpu.memory_space<vmem>>, vector<16xi32>,
      tpu.vector_store %arg32[%swap3A_1894], %or3A_1893 {strides = array<i32>} : memref<16xi32, #tpu.memory_space<vmem>>, vector<16xi32>,
      %get3A_1896 = arith.constant 1 : i32
      %get3A_1897 = arith.constant 0 : i32
      %get3A_1898 = tpu.memref_slice %arg20[%get3A_1896, %get3A_1897] : memref<2x128xi32, #tpu.memory_space<vmem>> -> memref<1x128xi32, #tpu.memory_space<vmem>>
      %get3A_1899 = tpu.memref_squeeze %get3A_1898 : memref<1x128xi32, #tpu.memory_space<vmem>> -> memref<128xi32, #tpu.memory_space<vmem>>
      %get3A_1900 = arith.constant 48 : index
      %get3A_1901 = tpu.vector_load %get3A_1899[%get3A_1900] {strides = array<i32>} : memref<128xi32, #tpu.memory_space<vmem>>, vector<16xi32>,
      %get3A_1902 = arith.constant 1 : i32
      %get3A_1903 = arith.constant 0 : i32
      %get3A_1904 = tpu.memref_slice %arg21[%get3A_1902, %get3A_1903] : memref<2x128xi32, #tpu.memory_space<vmem>> -> memref<1x128xi32, #tpu.memory_space<vmem>>
      %get3A_1905 = tpu.memref_squeeze %get3A_1904 : memref<1x128xi32, #tpu.memory_space<vmem>> -> memref<128xi32, #tpu.memory_space<vmem>>
      %get3A_1906 = arith.constant 48 : index
      %get3A_1907 = tpu.vector_load %get3A_1905[%get3A_1906] {strides = array<i32>} : memref<128xi32, #tpu.memory_space<vmem>>, vector<16xi32>,
      %get3A_1908 = arith.constant 48 : index
      %get3A_1909 = tpu.vector_load %arg26[%get3A_1908] {strides = array<i32>} : memref<128xf32, #tpu.memory_space<vmem>>, vector<16xf32>,
      %bitcast3A_1910 = vector.bitcast %get3A_1909 : vector<16xf32> to vector<32xbf16>
      %unpack3A_1911 = tpu.unpack_subelements %bitcast3A_1910, 0 {pack_format = #tpu.pack_format<interleaved>} : vector<32xbf16> -> vector<16xf32>
      %unpack3A_1912 = tpu.unpack_subelements %bitcast3A_1910, 1 {pack_format = #tpu.pack_format<interleaved>} : vector<32xbf16> -> vector<16xf32>
      %get3A_1913 = arith.constant 48 : index
      %get3A_1914 = tpu.vector_load %arg27[%get3A_1913] {strides = array<i32>} : memref<128xf32, #tpu.memory_space<vmem>>, vector<16xf32>,
      %bitcast3A_1915 = vector.bitcast %get3A_1914 : vector<16xf32> to vector<32xbf16>
      %unpack3A_1916 = tpu.unpack_subelements %bitcast3A_1915, 0 {pack_format = #tpu.pack_format<interleaved>} : vector<32xbf16> -> vector<16xf32>
      %unpack3A_1917 = tpu.unpack_subelements %bitcast3A_1915, 1 {pack_format = #tpu.pack_format<interleaved>} : vector<32xbf16> -> vector<16xf32>
      %get3A_1918 = arith.constant 1 : i32
      %get3A_1919 = arith.constant 0 : i32
      %get3A_1920 = tpu.memref_slice %arg22[%get3A_1918, %get3A_1919] : memref<2x128xf32, #tpu.memory_space<vmem>> -> memref<1x128xf32, #tpu.memory_space<vmem>>
      %get3A_1921 = tpu.memref_squeeze %get3A_1920 : memref<1x128xf32, #tpu.memory_space<vmem>> -> memref<128xf32, #tpu.memory_space<vmem>>
      %get3A_1922 = arith.constant 48 : index
      %get3A_1923 = tpu.vector_load %get3A_1921[%get3A_1922] {strides = array<i32>} : memref<128xf32, #tpu.memory_space<vmem>>, vector<16xf32>,
      %mul3A_1924 = arith.mulf %get3A_1923, %gather3A : vector<16xf32>
      %add3A_1925 = arith.addf %mul3A_1924, %gather3A_26 : vector<16xf32>
      %get3A_1926 = arith.constant 1 : i32
      %get3A_1927 = arith.constant 0 : i32
      %get3A_1928 = tpu.memref_slice %arg23[%get3A_1926, %get3A_1927] : memref<2x128xf32, #tpu.memory_space<vmem>> -> memref<1x128xf32, #tpu.memory_space<vmem>>
      %get3A_1929 = tpu.memref_squeeze %get3A_1928 : memref<1x128xf32, #tpu.memory_space<vmem>> -> memref<128xf32, #tpu.memory_space<vmem>>
      %get3A_1930 = arith.constant 48 : index
      %get3A_1931 = tpu.vector_load %get3A_1929[%get3A_1930] {strides = array<i32>} : memref<128xf32, #tpu.memory_space<vmem>>, vector<16xf32>,
      %mul3A_1932 = arith.mulf %get3A_1931, %gather3A_22 : vector<16xf32>
      %add3A_1933 = arith.addf %mul3A_1932, %gather3A_30 : vector<16xf32>
      %mul3A_1934 = arith.mulf %add3A_1925, %add3A_1925 : vector<16xf32>
      %mul3A_1935 = arith.mulf %add3A_1933, %add3A_1933 : vector<16xf32>
      %add3A_1936 = arith.addf %mul3A_1934, %mul3A_1935 : vector<16xf32>
      %div3A_1937 = arith.constant 1.000000e+00 : f32
      %div3A_1938 = vector.broadcast %div3A_1937 : f32 to vector<16xf32>
      %div3A_1939 = arith.divf %div3A_1938, %add3A_1936 : vector<16xf32>
      %mul3A_1940 = arith.mulf %add3A_1925, %div3A_1939 : vector<16xf32>
      %mul3A_1941 = arith.mulf %add3A_1933, %div3A_1939 : vector<16xf32>
      %neg3A_1942 = arith.constant 0.000000e+00 : f32
      %neg3A_1943 = vector.broadcast %neg3A_1942 : f32 to vector<16xf32>
      %neg3A_1944 = arith.subf %neg3A_1943, %mul3A_1941 : vector<16xf32>
      %mul3A_1945 = arith.mulf %unpack3A_1911, %unpack3A_1916 : vector<16xf32>
      %mul3A_1946 = arith.mulf %unpack3A_1912, %unpack3A_1917 : vector<16xf32>
      %add3A_1947 = arith.addf %mul3A_1945, %mul3A_1946 : vector<16xf32>
      %mul3A_1948 = arith.mulf %unpack3A_1912, %unpack3A_1916 : vector<16xf32>
      %mul3A_1949 = arith.mulf %unpack3A_1911, %unpack3A_1917 : vector<16xf32>
      %sub3A_1950 = arith.subf %mul3A_1948, %mul3A_1949 : vector<16xf32>
      %mul3A_1951 = arith.mulf %unpack3A_1911, %unpack3A_1911 : vector<16xf32>
      %sub3A_1952 = arith.subf %add3A_1947, %mul3A_1951 : vector<16xf32>
      %mul3A_1953 = arith.mulf %unpack3A_1912, %unpack3A_1912 : vector<16xf32>
      %sub3A_1954 = arith.subf %sub3A_1952, %mul3A_1953 : vector<16xf32>
      %mul3A_1955 = arith.mulf %unpack3A_1916, %unpack3A_1916 : vector<16xf32>
      %sub3A_1956 = arith.subf %add3A_1947, %mul3A_1955 : vector<16xf32>
      %mul3A_1957 = arith.mulf %unpack3A_1917, %unpack3A_1917 : vector<16xf32>
      %sub3A_1958 = arith.subf %sub3A_1956, %mul3A_1957 : vector<16xf32>
      %mul3A_1959 = arith.mulf %mul3A_1940, %sub3A_1950 : vector<16xf32>
      %mul3A_1960 = arith.mulf %neg3A_1944, %sub3A_1950 : vector<16xf32>
      %mul3A_1961 = arith.mulf %mul3A_1940, %sub3A_1954 : vector<16xf32>
      %add3A_1962 = arith.addf %mul3A_1961, %mul3A_1960 : vector<16xf32>
      %swap3A_1963 = arith.constant 48 : index
      %swap3A_1964 = tpu.vector_load %arg28[%swap3A_1963] {strides = array<i32>} : memref<128xf32, #tpu.memory_space<vmem>>, vector<16xf32>,
      tpu.vector_store %arg28[%swap3A_1963], %add3A_1962 {strides = array<i32>} : memref<128xf32, #tpu.memory_space<vmem>>, vector<16xf32>,
      %mul3A_1965 = arith.mulf %neg3A_1944, %sub3A_1954 : vector<16xf32>
      %sub3A_1966 = arith.subf %mul3A_1959, %mul3A_1965 : vector<16xf32>
      %swap3A_1967 = arith.constant 48 : index
      %swap3A_1968 = tpu.vector_load %arg29[%swap3A_1967] {strides = array<i32>} : memref<128xf32, #tpu.memory_space<vmem>>, vector<16xf32>,
      tpu.vector_store %arg29[%swap3A_1967], %sub3A_1966 {strides = array<i32>} : memref<128xf32, #tpu.memory_space<vmem>>, vector<16xf32>,
      %mul3A_1969 = arith.mulf %mul3A_1940, %sub3A_1958 : vector<16xf32>
      %sub3A_1970 = arith.subf %mul3A_1969, %mul3A_1960 : vector<16xf32>
      %swap3A_1971 = arith.constant 48 : index
      %swap3A_1972 = tpu.vector_load %arg30[%swap3A_1971] {strides = array<i32>} : memref<128xf32, #tpu.memory_space<vmem>>, vector<16xf32>,
      tpu.vector_store %arg30[%swap3A_1971], %sub3A_1970 {strides = array<i32>} : memref<128xf32, #tpu.memory_space<vmem>>, vector<16xf32>,
      %neg3A_1973 = arith.constant 0.000000e+00 : f32
      %neg3A_1974 = vector.broadcast %neg3A_1973 : f32 to vector<16xf32>
      %neg3A_1975 = arith.subf %neg3A_1974, %mul3A_1959 : vector<16xf32>
      %mul3A_1976 = arith.mulf %neg3A_1944, %sub3A_1958 : vector<16xf32>
      %sub3A_1977 = arith.subf %neg3A_1975, %mul3A_1976 : vector<16xf32>
      %swap3A_1978 = arith.constant 48 : index
      %swap3A_1979 = tpu.vector_load %arg31[%swap3A_1978] {strides = array<i32>} : memref<128xf32, #tpu.memory_space<vmem>>, vector<16xf32>,
      tpu.vector_store %arg31[%swap3A_1978], %sub3A_1977 {strides = array<i32>} : memref<128xf32, #tpu.memory_space<vmem>>, vector<16xf32>,
      %eq3A_1980 = arith.cmpi eq, %get3A_1901, %gather3A_35 : vector<16xi32>
      %eq3A_1981 = arith.cmpi eq, %get3A_1907, %gather3A_31 : vector<16xi32>
      %and3A_1982 = arith.andi %eq3A_1980, %eq3A_1981 : vector<16xi1>
      %get3A_1983 = arith.constant 0 : index
      %get3A_1984 = tpu.vector_load %arg32[%get3A_1983] {strides = array<i32>} : memref<16xi32, #tpu.memory_space<vmem>>, vector<16xi32>,
      %jit3A_1985 = arith.constant 1 : i32
      %jit3A_1986 = arith.constant 0 : i32
      %broadcast_in_dim3A_1987 = vector.broadcast %jit3A_1985 : i32 to vector<16xi32>
      %broadcast_in_dim3A_1988 = vector.broadcast %jit3A_1986 : i32 to vector<16xi32>
      %select_n3A_1989 = arith.select %and3A_1982, %broadcast_in_dim3A_1987, %broadcast_in_dim3A_1988 : vector<16xi1>, vector<16xi32>
      %or3A_1990 = arith.ori %get3A_1984, %select_n3A_1989 : vector<16xi32>
      %swap3A_1991 = arith.constant 0 : index
      %swap3A_1992 = tpu.vector_load %arg32[%swap3A_1991] {strides = array<i32>} : memref<16xi32, #tpu.memory_space<vmem>>, vector<16xi32>,
      tpu.vector_store %arg32[%swap3A_1991], %or3A_1990 {strides = array<i32>} : memref<16xi32, #tpu.memory_space<vmem>>, vector<16xi32>,
      %get3A_1993 = arith.constant 1 : i32
      %get3A_1994 = arith.constant 0 : i32
      %get3A_1995 = tpu.memref_slice %arg20[%get3A_1993, %get3A_1994] : memref<2x128xi32, #tpu.memory_space<vmem>> -> memref<1x128xi32, #tpu.memory_space<vmem>>
      %get3A_1996 = tpu.memref_squeeze %get3A_1995 : memref<1x128xi32, #tpu.memory_space<vmem>> -> memref<128xi32, #tpu.memory_space<vmem>>
      %get3A_1997 = arith.constant 64 : index
      %get3A_1998 = tpu.vector_load %get3A_1996[%get3A_1997] {strides = array<i32>} : memref<128xi32, #tpu.memory_space<vmem>>, vector<16xi32>,
      %get3A_1999 = arith.constant 1 : i32
      %get3A_2000 = arith.constant 0 : i32
      %get3A_2001 = tpu.memref_slice %arg21[%get3A_1999, %get3A_2000] : memref<2x128xi32, #tpu.memory_space<vmem>> -> memref<1x128xi32, #tpu.memory_space<vmem>>
      %get3A_2002 = tpu.memref_squeeze %get3A_2001 : memref<1x128xi32, #tpu.memory_space<vmem>> -> memref<128xi32, #tpu.memory_space<vmem>>
      %get3A_2003 = arith.constant 64 : index
      %get3A_2004 = tpu.vector_load %get3A_2002[%get3A_2003] {strides = array<i32>} : memref<128xi32, #tpu.memory_space<vmem>>, vector<16xi32>,
      %get3A_2005 = arith.constant 64 : index
      %get3A_2006 = tpu.vector_load %arg26[%get3A_2005] {strides = array<i32>} : memref<128xf32, #tpu.memory_space<vmem>>, vector<16xf32>,
      %bitcast3A_2007 = vector.bitcast %get3A_2006 : vector<16xf32> to vector<32xbf16>
      %unpack3A_2008 = tpu.unpack_subelements %bitcast3A_2007, 0 {pack_format = #tpu.pack_format<interleaved>} : vector<32xbf16> -> vector<16xf32>
      %unpack3A_2009 = tpu.unpack_subelements %bitcast3A_2007, 1 {pack_format = #tpu.pack_format<interleaved>} : vector<32xbf16> -> vector<16xf32>
      %get3A_2010 = arith.constant 64 : index
      %get3A_2011 = tpu.vector_load %arg27[%get3A_2010] {strides = array<i32>} : memref<128xf32, #tpu.memory_space<vmem>>, vector<16xf32>,
      %bitcast3A_2012 = vector.bitcast %get3A_2011 : vector<16xf32> to vector<32xbf16>
      %unpack3A_2013 = tpu.unpack_subelements %bitcast3A_2012, 0 {pack_format = #tpu.pack_format<interleaved>} : vector<32xbf16> -> vector<16xf32>
      %unpack3A_2014 = tpu.unpack_subelements %bitcast3A_2012, 1 {pack_format = #tpu.pack_format<interleaved>} : vector<32xbf16> -> vector<16xf32>
      %get3A_2015 = arith.constant 1 : i32
      %get3A_2016 = arith.constant 0 : i32
      %get3A_2017 = tpu.memref_slice %arg22[%get3A_2015, %get3A_2016] : memref<2x128xf32, #tpu.memory_space<vmem>> -> memref<1x128xf32, #tpu.memory_space<vmem>>
      %get3A_2018 = tpu.memref_squeeze %get3A_2017 : memref<1x128xf32, #tpu.memory_space<vmem>> -> memref<128xf32, #tpu.memory_space<vmem>>
      %get3A_2019 = arith.constant 64 : index
      %get3A_2020 = tpu.vector_load %get3A_2018[%get3A_2019] {strides = array<i32>} : memref<128xf32, #tpu.memory_space<vmem>>, vector<16xf32>,
      %mul3A_2021 = arith.mulf %get3A_2020, %gather3A : vector<16xf32>
      %add3A_2022 = arith.addf %mul3A_2021, %gather3A_26 : vector<16xf32>
      %get3A_2023 = arith.constant 1 : i32
      %get3A_2024 = arith.constant 0 : i32
      %get3A_2025 = tpu.memref_slice %arg23[%get3A_2023, %get3A_2024] : memref<2x128xf32, #tpu.memory_space<vmem>> -> memref<1x128xf32, #tpu.memory_space<vmem>>
      %get3A_2026 = tpu.memref_squeeze %get3A_2025 : memref<1x128xf32, #tpu.memory_space<vmem>> -> memref<128xf32, #tpu.memory_space<vmem>>
      %get3A_2027 = arith.constant 64 : index
      %get3A_2028 = tpu.vector_load %get3A_2026[%get3A_2027] {strides = array<i32>} : memref<128xf32, #tpu.memory_space<vmem>>, vector<16xf32>,
      %mul3A_2029 = arith.mulf %get3A_2028, %gather3A_22 : vector<16xf32>
      %add3A_2030 = arith.addf %mul3A_2029, %gather3A_30 : vector<16xf32>
      %mul3A_2031 = arith.mulf %add3A_2022, %add3A_2022 : vector<16xf32>
      %mul3A_2032 = arith.mulf %add3A_2030, %add3A_2030 : vector<16xf32>
      %add3A_2033 = arith.addf %mul3A_2031, %mul3A_2032 : vector<16xf32>
      %div3A_2034 = arith.constant 1.000000e+00 : f32
      %div3A_2035 = vector.broadcast %div3A_2034 : f32 to vector<16xf32>
      %div3A_2036 = arith.divf %div3A_2035, %add3A_2033 : vector<16xf32>
      %mul3A_2037 = arith.mulf %add3A_2022, %div3A_2036 : vector<16xf32>
      %mul3A_2038 = arith.mulf %add3A_2030, %div3A_2036 : vector<16xf32>
      %neg3A_2039 = arith.constant 0.000000e+00 : f32
      %neg3A_2040 = vector.broadcast %neg3A_2039 : f32 to vector<16xf32>
      %neg3A_2041 = arith.subf %neg3A_2040, %mul3A_2038 : vector<16xf32>
      %mul3A_2042 = arith.mulf %unpack3A_2008, %unpack3A_2013 : vector<16xf32>
      %mul3A_2043 = arith.mulf %unpack3A_2009, %unpack3A_2014 : vector<16xf32>
      %add3A_2044 = arith.addf %mul3A_2042, %mul3A_2043 : vector<16xf32>
      %mul3A_2045 = arith.mulf %unpack3A_2009, %unpack3A_2013 : vector<16xf32>
      %mul3A_2046 = arith.mulf %unpack3A_2008, %unpack3A_2014 : vector<16xf32>
      %sub3A_2047 = arith.subf %mul3A_2045, %mul3A_2046 : vector<16xf32>
      %mul3A_2048 = arith.mulf %unpack3A_2008, %unpack3A_2008 : vector<16xf32>
      %sub3A_2049 = arith.subf %add3A_2044, %mul3A_2048 : vector<16xf32>
      %mul3A_2050 = arith.mulf %unpack3A_2009, %unpack3A_2009 : vector<16xf32>
      %sub3A_2051 = arith.subf %sub3A_2049, %mul3A_2050 : vector<16xf32>
      %mul3A_2052 = arith.mulf %unpack3A_2013, %unpack3A_2013 : vector<16xf32>
      %sub3A_2053 = arith.subf %add3A_2044, %mul3A_2052 : vector<16xf32>
      %mul3A_2054 = arith.mulf %unpack3A_2014, %unpack3A_2014 : vector<16xf32>
      %sub3A_2055 = arith.subf %sub3A_2053, %mul3A_2054 : vector<16xf32>
      %mul3A_2056 = arith.mulf %mul3A_2037, %sub3A_2047 : vector<16xf32>
      %mul3A_2057 = arith.mulf %neg3A_2041, %sub3A_2047 : vector<16xf32>
      %mul3A_2058 = arith.mulf %mul3A_2037, %sub3A_2051 : vector<16xf32>
      %add3A_2059 = arith.addf %mul3A_2058, %mul3A_2057 : vector<16xf32>
      %swap3A_2060 = arith.constant 64 : index
      %swap3A_2061 = tpu.vector_load %arg28[%swap3A_2060] {strides = array<i32>} : memref<128xf32, #tpu.memory_space<vmem>>, vector<16xf32>,
      tpu.vector_store %arg28[%swap3A_2060], %add3A_2059 {strides = array<i32>} : memref<128xf32, #tpu.memory_space<vmem>>, vector<16xf32>,
      %mul3A_2062 = arith.mulf %neg3A_2041, %sub3A_2051 : vector<16xf32>
      %sub3A_2063 = arith.subf %mul3A_2056, %mul3A_2062 : vector<16xf32>
      %swap3A_2064 = arith.constant 64 : index
      %swap3A_2065 = tpu.vector_load %arg29[%swap3A_2064] {strides = array<i32>} : memref<128xf32, #tpu.memory_space<vmem>>, vector<16xf32>,
      tpu.vector_store %arg29[%swap3A_2064], %sub3A_2063 {strides = array<i32>} : memref<128xf32, #tpu.memory_space<vmem>>, vector<16xf32>,
      %mul3A_2066 = arith.mulf %mul3A_2037, %sub3A_2055 : vector<16xf32>
      %sub3A_2067 = arith.subf %mul3A_2066, %mul3A_2057 : vector<16xf32>
      %swap3A_2068 = arith.constant 64 : index
      %swap3A_2069 = tpu.vector_load %arg30[%swap3A_2068] {strides = array<i32>} : memref<128xf32, #tpu.memory_space<vmem>>, vector<16xf32>,
      tpu.vector_store %arg30[%swap3A_2068], %sub3A_2067 {strides = array<i32>} : memref<128xf32, #tpu.memory_space<vmem>>, vector<16xf32>,
      %neg3A_2070 = arith.constant 0.000000e+00 : f32
      %neg3A_2071 = vector.broadcast %neg3A_2070 : f32 to vector<16xf32>
      %neg3A_2072 = arith.subf %neg3A_2071, %mul3A_2056 : vector<16xf32>
      %mul3A_2073 = arith.mulf %neg3A_2041, %sub3A_2055 : vector<16xf32>
      %sub3A_2074 = arith.subf %neg3A_2072, %mul3A_2073 : vector<16xf32>
      %swap3A_2075 = arith.constant 64 : index
      %swap3A_2076 = tpu.vector_load %arg31[%swap3A_2075] {strides = array<i32>} : memref<128xf32, #tpu.memory_space<vmem>>, vector<16xf32>,
      tpu.vector_store %arg31[%swap3A_2075], %sub3A_2074 {strides = array<i32>} : memref<128xf32, #tpu.memory_space<vmem>>, vector<16xf32>,
      %eq3A_2077 = arith.cmpi eq, %get3A_1998, %gather3A_35 : vector<16xi32>
      %eq3A_2078 = arith.cmpi eq, %get3A_2004, %gather3A_31 : vector<16xi32>
      %and3A_2079 = arith.andi %eq3A_2077, %eq3A_2078 : vector<16xi1>
      %get3A_2080 = arith.constant 0 : index
      %get3A_2081 = tpu.vector_load %arg32[%get3A_2080] {strides = array<i32>} : memref<16xi32, #tpu.memory_space<vmem>>, vector<16xi32>,
      %jit3A_2082 = arith.constant 1 : i32
      %jit3A_2083 = arith.constant 0 : i32
      %broadcast_in_dim3A_2084 = vector.broadcast %jit3A_2082 : i32 to vector<16xi32>
      %broadcast_in_dim3A_2085 = vector.broadcast %jit3A_2083 : i32 to vector<16xi32>
      %select_n3A_2086 = arith.select %and3A_2079, %broadcast_in_dim3A_2084, %broadcast_in_dim3A_2085 : vector<16xi1>, vector<16xi32>
      %or3A_2087 = arith.ori %get3A_2081, %select_n3A_2086 : vector<16xi32>
      %swap3A_2088 = arith.constant 0 : index
      %swap3A_2089 = tpu.vector_load %arg32[%swap3A_2088] {strides = array<i32>} : memref<16xi32, #tpu.memory_space<vmem>>, vector<16xi32>,
      tpu.vector_store %arg32[%swap3A_2088], %or3A_2087 {strides = array<i32>} : memref<16xi32, #tpu.memory_space<vmem>>, vector<16xi32>,
      %get3A_2090 = arith.constant 1 : i32
      %get3A_2091 = arith.constant 0 : i32
      %get3A_2092 = tpu.memref_slice %arg20[%get3A_2090, %get3A_2091] : memref<2x128xi32, #tpu.memory_space<vmem>> -> memref<1x128xi32, #tpu.memory_space<vmem>>
      %get3A_2093 = tpu.memref_squeeze %get3A_2092 : memref<1x128xi32, #tpu.memory_space<vmem>> -> memref<128xi32, #tpu.memory_space<vmem>>
      %get3A_2094 = arith.constant 80 : index
      %get3A_2095 = tpu.vector_load %get3A_2093[%get3A_2094] {strides = array<i32>} : memref<128xi32, #tpu.memory_space<vmem>>, vector<16xi32>,
      %get3A_2096 = arith.constant 1 : i32
      %get3A_2097 = arith.constant 0 : i32
      %get3A_2098 = tpu.memref_slice %arg21[%get3A_2096, %get3A_2097] : memref<2x128xi32, #tpu.memory_space<vmem>> -> memref<1x128xi32, #tpu.memory_space<vmem>>
      %get3A_2099 = tpu.memref_squeeze %get3A_2098 : memref<1x128xi32, #tpu.memory_space<vmem>> -> memref<128xi32, #tpu.memory_space<vmem>>
      %get3A_2100 = arith.constant 80 : index
      %get3A_2101 = tpu.vector_load %get3A_2099[%get3A_2100] {strides = array<i32>} : memref<128xi32, #tpu.memory_space<vmem>>, vector<16xi32>,
      %get3A_2102 = arith.constant 80 : index
      %get3A_2103 = tpu.vector_load %arg26[%get3A_2102] {strides = array<i32>} : memref<128xf32, #tpu.memory_space<vmem>>, vector<16xf32>,
      %bitcast3A_2104 = vector.bitcast %get3A_2103 : vector<16xf32> to vector<32xbf16>
      %unpack3A_2105 = tpu.unpack_subelements %bitcast3A_2104, 0 {pack_format = #tpu.pack_format<interleaved>} : vector<32xbf16> -> vector<16xf32>
      %unpack3A_2106 = tpu.unpack_subelements %bitcast3A_2104, 1 {pack_format = #tpu.pack_format<interleaved>} : vector<32xbf16> -> vector<16xf32>
      %get3A_2107 = arith.constant 80 : index
      %get3A_2108 = tpu.vector_load %arg27[%get3A_2107] {strides = array<i32>} : memref<128xf32, #tpu.memory_space<vmem>>, vector<16xf32>,
      %bitcast3A_2109 = vector.bitcast %get3A_2108 : vector<16xf32> to vector<32xbf16>
      %unpack3A_2110 = tpu.unpack_subelements %bitcast3A_2109, 0 {pack_format = #tpu.pack_format<interleaved>} : vector<32xbf16> -> vector<16xf32>
      %unpack3A_2111 = tpu.unpack_subelements %bitcast3A_2109, 1 {pack_format = #tpu.pack_format<interleaved>} : vector<32xbf16> -> vector<16xf32>
      %get3A_2112 = arith.constant 1 : i32
      %get3A_2113 = arith.constant 0 : i32
      %get3A_2114 = tpu.memref_slice %arg22[%get3A_2112, %get3A_2113] : memref<2x128xf32, #tpu.memory_space<vmem>> -> memref<1x128xf32, #tpu.memory_space<vmem>>
      %get3A_2115 = tpu.memref_squeeze %get3A_2114 : memref<1x128xf32, #tpu.memory_space<vmem>> -> memref<128xf32, #tpu.memory_space<vmem>>
      %get3A_2116 = arith.constant 80 : index
      %get3A_2117 = tpu.vector_load %get3A_2115[%get3A_2116] {strides = array<i32>} : memref<128xf32, #tpu.memory_space<vmem>>, vector<16xf32>,
      %mul3A_2118 = arith.mulf %get3A_2117, %gather3A : vector<16xf32>
      %add3A_2119 = arith.addf %mul3A_2118, %gather3A_26 : vector<16xf32>
      %get3A_2120 = arith.constant 1 : i32
      %get3A_2121 = arith.constant 0 : i32
      %get3A_2122 = tpu.memref_slice %arg23[%get3A_2120, %get3A_2121] : memref<2x128xf32, #tpu.memory_space<vmem>> -> memref<1x128xf32, #tpu.memory_space<vmem>>
      %get3A_2123 = tpu.memref_squeeze %get3A_2122 : memref<1x128xf32, #tpu.memory_space<vmem>> -> memref<128xf32, #tpu.memory_space<vmem>>
      %get3A_2124 = arith.constant 80 : index
      %get3A_2125 = tpu.vector_load %get3A_2123[%get3A_2124] {strides = array<i32>} : memref<128xf32, #tpu.memory_space<vmem>>, vector<16xf32>,
      %mul3A_2126 = arith.mulf %get3A_2125, %gather3A_22 : vector<16xf32>
      %add3A_2127 = arith.addf %mul3A_2126, %gather3A_30 : vector<16xf32>
      %mul3A_2128 = arith.mulf %add3A_2119, %add3A_2119 : vector<16xf32>
      %mul3A_2129 = arith.mulf %add3A_2127, %add3A_2127 : vector<16xf32>
      %add3A_2130 = arith.addf %mul3A_2128, %mul3A_2129 : vector<16xf32>
      %div3A_2131 = arith.constant 1.000000e+00 : f32
      %div3A_2132 = vector.broadcast %div3A_2131 : f32 to vector<16xf32>
      %div3A_2133 = arith.divf %div3A_2132, %add3A_2130 : vector<16xf32>
      %mul3A_2134 = arith.mulf %add3A_2119, %div3A_2133 : vector<16xf32>
      %mul3A_2135 = arith.mulf %add3A_2127, %div3A_2133 : vector<16xf32>
      %neg3A_2136 = arith.constant 0.000000e+00 : f32
      %neg3A_2137 = vector.broadcast %neg3A_2136 : f32 to vector<16xf32>
      %neg3A_2138 = arith.subf %neg3A_2137, %mul3A_2135 : vector<16xf32>
      %mul3A_2139 = arith.mulf %unpack3A_2105, %unpack3A_2110 : vector<16xf32>
      %mul3A_2140 = arith.mulf %unpack3A_2106, %unpack3A_2111 : vector<16xf32>
      %add3A_2141 = arith.addf %mul3A_2139, %mul3A_2140 : vector<16xf32>
      %mul3A_2142 = arith.mulf %unpack3A_2106, %unpack3A_2110 : vector<16xf32>
      %mul3A_2143 = arith.mulf %unpack3A_2105, %unpack3A_2111 : vector<16xf32>
      %sub3A_2144 = arith.subf %mul3A_2142, %mul3A_2143 : vector<16xf32>
      %mul3A_2145 = arith.mulf %unpack3A_2105, %unpack3A_2105 : vector<16xf32>
      %sub3A_2146 = arith.subf %add3A_2141, %mul3A_2145 : vector<16xf32>
      %mul3A_2147 = arith.mulf %unpack3A_2106, %unpack3A_2106 : vector<16xf32>
      %sub3A_2148 = arith.subf %sub3A_2146, %mul3A_2147 : vector<16xf32>
      %mul3A_2149 = arith.mulf %unpack3A_2110, %unpack3A_2110 : vector<16xf32>
      %sub3A_2150 = arith.subf %add3A_2141, %mul3A_2149 : vector<16xf32>
      %mul3A_2151 = arith.mulf %unpack3A_2111, %unpack3A_2111 : vector<16xf32>
      %sub3A_2152 = arith.subf %sub3A_2150, %mul3A_2151 : vector<16xf32>
      %mul3A_2153 = arith.mulf %mul3A_2134, %sub3A_2144 : vector<16xf32>
      %mul3A_2154 = arith.mulf %neg3A_2138, %sub3A_2144 : vector<16xf32>
      %mul3A_2155 = arith.mulf %mul3A_2134, %sub3A_2148 : vector<16xf32>
      %add3A_2156 = arith.addf %mul3A_2155, %mul3A_2154 : vector<16xf32>
      %swap3A_2157 = arith.constant 80 : index
      %swap3A_2158 = tpu.vector_load %arg28[%swap3A_2157] {strides = array<i32>} : memref<128xf32, #tpu.memory_space<vmem>>, vector<16xf32>,
      tpu.vector_store %arg28[%swap3A_2157], %add3A_2156 {strides = array<i32>} : memref<128xf32, #tpu.memory_space<vmem>>, vector<16xf32>,
      %mul3A_2159 = arith.mulf %neg3A_2138, %sub3A_2148 : vector<16xf32>
      %sub3A_2160 = arith.subf %mul3A_2153, %mul3A_2159 : vector<16xf32>
      %swap3A_2161 = arith.constant 80 : index
      %swap3A_2162 = tpu.vector_load %arg29[%swap3A_2161] {strides = array<i32>} : memref<128xf32, #tpu.memory_space<vmem>>, vector<16xf32>,
      tpu.vector_store %arg29[%swap3A_2161], %sub3A_2160 {strides = array<i32>} : memref<128xf32, #tpu.memory_space<vmem>>, vector<16xf32>,
      %mul3A_2163 = arith.mulf %mul3A_2134, %sub3A_2152 : vector<16xf32>
      %sub3A_2164 = arith.subf %mul3A_2163, %mul3A_2154 : vector<16xf32>
      %swap3A_2165 = arith.constant 80 : index
      %swap3A_2166 = tpu.vector_load %arg30[%swap3A_2165] {strides = array<i32>} : memref<128xf32, #tpu.memory_space<vmem>>, vector<16xf32>,
      tpu.vector_store %arg30[%swap3A_2165], %sub3A_2164 {strides = array<i32>} : memref<128xf32, #tpu.memory_space<vmem>>, vector<16xf32>,
      %neg3A_2167 = arith.constant 0.000000e+00 : f32
      %neg3A_2168 = vector.broadcast %neg3A_2167 : f32 to vector<16xf32>
      %neg3A_2169 = arith.subf %neg3A_2168, %mul3A_2153 : vector<16xf32>
      %mul3A_2170 = arith.mulf %neg3A_2138, %sub3A_2152 : vector<16xf32>
      %sub3A_2171 = arith.subf %neg3A_2169, %mul3A_2170 : vector<16xf32>
      %swap3A_2172 = arith.constant 80 : index
      %swap3A_2173 = tpu.vector_load %arg31[%swap3A_2172] {strides = array<i32>} : memref<128xf32, #tpu.memory_space<vmem>>, vector<16xf32>,
      tpu.vector_store %arg31[%swap3A_2172], %sub3A_2171 {strides = array<i32>} : memref<128xf32, #tpu.memory_space<vmem>>, vector<16xf32>,
      %eq3A_2174 = arith.cmpi eq, %get3A_2095, %gather3A_35 : vector<16xi32>
      %eq3A_2175 = arith.cmpi eq, %get3A_2101, %gather3A_31 : vector<16xi32>
      %and3A_2176 = arith.andi %eq3A_2174, %eq3A_2175 : vector<16xi1>
      %get3A_2177 = arith.constant 0 : index
      %get3A_2178 = tpu.vector_load %arg32[%get3A_2177] {strides = array<i32>} : memref<16xi32, #tpu.memory_space<vmem>>, vector<16xi32>,
      %jit3A_2179 = arith.constant 1 : i32
      %jit3A_2180 = arith.constant 0 : i32
      %broadcast_in_dim3A_2181 = vector.broadcast %jit3A_2179 : i32 to vector<16xi32>
      %broadcast_in_dim3A_2182 = vector.broadcast %jit3A_2180 : i32 to vector<16xi32>
      %select_n3A_2183 = arith.select %and3A_2176, %broadcast_in_dim3A_2181, %broadcast_in_dim3A_2182 : vector<16xi1>, vector<16xi32>
      %or3A_2184 = arith.ori %get3A_2178, %select_n3A_2183 : vector<16xi32>
      %swap3A_2185 = arith.constant 0 : index
      %swap3A_2186 = tpu.vector_load %arg32[%swap3A_2185] {strides = array<i32>} : memref<16xi32, #tpu.memory_space<vmem>>, vector<16xi32>,
      tpu.vector_store %arg32[%swap3A_2185], %or3A_2184 {strides = array<i32>} : memref<16xi32, #tpu.memory_space<vmem>>, vector<16xi32>,
      %get3A_2187 = arith.constant 1 : i32
      %get3A_2188 = arith.constant 0 : i32
      %get3A_2189 = tpu.memref_slice %arg20[%get3A_2187, %get3A_2188] : memref<2x128xi32, #tpu.memory_space<vmem>> -> memref<1x128xi32, #tpu.memory_space<vmem>>
      %get3A_2190 = tpu.memref_squeeze %get3A_2189 : memref<1x128xi32, #tpu.memory_space<vmem>> -> memref<128xi32, #tpu.memory_space<vmem>>
      %get3A_2191 = arith.constant 96 : index
      %get3A_2192 = tpu.vector_load %get3A_2190[%get3A_2191] {strides = array<i32>} : memref<128xi32, #tpu.memory_space<vmem>>, vector<16xi32>,
      %get3A_2193 = arith.constant 1 : i32
      %get3A_2194 = arith.constant 0 : i32
      %get3A_2195 = tpu.memref_slice %arg21[%get3A_2193, %get3A_2194] : memref<2x128xi32, #tpu.memory_space<vmem>> -> memref<1x128xi32, #tpu.memory_space<vmem>>
      %get3A_2196 = tpu.memref_squeeze %get3A_2195 : memref<1x128xi32, #tpu.memory_space<vmem>> -> memref<128xi32, #tpu.memory_space<vmem>>
      %get3A_2197 = arith.constant 96 : index
      %get3A_2198 = tpu.vector_load %get3A_2196[%get3A_2197] {strides = array<i32>} : memref<128xi32, #tpu.memory_space<vmem>>, vector<16xi32>,
      %get3A_2199 = arith.constant 96 : index
      %get3A_2200 = tpu.vector_load %arg26[%get3A_2199] {strides = array<i32>} : memref<128xf32, #tpu.memory_space<vmem>>, vector<16xf32>,
      %bitcast3A_2201 = vector.bitcast %get3A_2200 : vector<16xf32> to vector<32xbf16>
      %unpack3A_2202 = tpu.unpack_subelements %bitcast3A_2201, 0 {pack_format = #tpu.pack_format<interleaved>} : vector<32xbf16> -> vector<16xf32>
      %unpack3A_2203 = tpu.unpack_subelements %bitcast3A_2201, 1 {pack_format = #tpu.pack_format<interleaved>} : vector<32xbf16> -> vector<16xf32>
      %get3A_2204 = arith.constant 96 : index
      %get3A_2205 = tpu.vector_load %arg27[%get3A_2204] {strides = array<i32>} : memref<128xf32, #tpu.memory_space<vmem>>, vector<16xf32>,
      %bitcast3A_2206 = vector.bitcast %get3A_2205 : vector<16xf32> to vector<32xbf16>
      %unpack3A_2207 = tpu.unpack_subelements %bitcast3A_2206, 0 {pack_format = #tpu.pack_format<interleaved>} : vector<32xbf16> -> vector<16xf32>
      %unpack3A_2208 = tpu.unpack_subelements %bitcast3A_2206, 1 {pack_format = #tpu.pack_format<interleaved>} : vector<32xbf16> -> vector<16xf32>
      %get3A_2209 = arith.constant 1 : i32
      %get3A_2210 = arith.constant 0 : i32
      %get3A_2211 = tpu.memref_slice %arg22[%get3A_2209, %get3A_2210] : memref<2x128xf32, #tpu.memory_space<vmem>> -> memref<1x128xf32, #tpu.memory_space<vmem>>
      %get3A_2212 = tpu.memref_squeeze %get3A_2211 : memref<1x128xf32, #tpu.memory_space<vmem>> -> memref<128xf32, #tpu.memory_space<vmem>>
      %get3A_2213 = arith.constant 96 : index
      %get3A_2214 = tpu.vector_load %get3A_2212[%get3A_2213] {strides = array<i32>} : memref<128xf32, #tpu.memory_space<vmem>>, vector<16xf32>,
      %mul3A_2215 = arith.mulf %get3A_2214, %gather3A : vector<16xf32>
      %add3A_2216 = arith.addf %mul3A_2215, %gather3A_26 : vector<16xf32>
      %get3A_2217 = arith.constant 1 : i32
      %get3A_2218 = arith.constant 0 : i32
      %get3A_2219 = tpu.memref_slice %arg23[%get3A_2217, %get3A_2218] : memref<2x128xf32, #tpu.memory_space<vmem>> -> memref<1x128xf32, #tpu.memory_space<vmem>>
      %get3A_2220 = tpu.memref_squeeze %get3A_2219 : memref<1x128xf32, #tpu.memory_space<vmem>> -> memref<128xf32, #tpu.memory_space<vmem>>
      %get3A_2221 = arith.constant 96 : index
      %get3A_2222 = tpu.vector_load %get3A_2220[%get3A_2221] {strides = array<i32>} : memref<128xf32, #tpu.memory_space<vmem>>, vector<16xf32>,
      %mul3A_2223 = arith.mulf %get3A_2222, %gather3A_22 : vector<16xf32>
      %add3A_2224 = arith.addf %mul3A_2223, %gather3A_30 : vector<16xf32>
      %mul3A_2225 = arith.mulf %add3A_2216, %add3A_2216 : vector<16xf32>
      %mul3A_2226 = arith.mulf %add3A_2224, %add3A_2224 : vector<16xf32>
      %add3A_2227 = arith.addf %mul3A_2225, %mul3A_2226 : vector<16xf32>
      %div3A_2228 = arith.constant 1.000000e+00 : f32
      %div3A_2229 = vector.broadcast %div3A_2228 : f32 to vector<16xf32>
      %div3A_2230 = arith.divf %div3A_2229, %add3A_2227 : vector<16xf32>
      %mul3A_2231 = arith.mulf %add3A_2216, %div3A_2230 : vector<16xf32>
      %mul3A_2232 = arith.mulf %add3A_2224, %div3A_2230 : vector<16xf32>
      %neg3A_2233 = arith.constant 0.000000e+00 : f32
      %neg3A_2234 = vector.broadcast %neg3A_2233 : f32 to vector<16xf32>
      %neg3A_2235 = arith.subf %neg3A_2234, %mul3A_2232 : vector<16xf32>
      %mul3A_2236 = arith.mulf %unpack3A_2202, %unpack3A_2207 : vector<16xf32>
      %mul3A_2237 = arith.mulf %unpack3A_2203, %unpack3A_2208 : vector<16xf32>
      %add3A_2238 = arith.addf %mul3A_2236, %mul3A_2237 : vector<16xf32>
      %mul3A_2239 = arith.mulf %unpack3A_2203, %unpack3A_2207 : vector<16xf32>
      %mul3A_2240 = arith.mulf %unpack3A_2202, %unpack3A_2208 : vector<16xf32>
      %sub3A_2241 = arith.subf %mul3A_2239, %mul3A_2240 : vector<16xf32>
      %mul3A_2242 = arith.mulf %unpack3A_2202, %unpack3A_2202 : vector<16xf32>
      %sub3A_2243 = arith.subf %add3A_2238, %mul3A_2242 : vector<16xf32>
      %mul3A_2244 = arith.mulf %unpack3A_2203, %unpack3A_2203 : vector<16xf32>
      %sub3A_2245 = arith.subf %sub3A_2243, %mul3A_2244 : vector<16xf32>
      %mul3A_2246 = arith.mulf %unpack3A_2207, %unpack3A_2207 : vector<16xf32>
      %sub3A_2247 = arith.subf %add3A_2238, %mul3A_2246 : vector<16xf32>
      %mul3A_2248 = arith.mulf %unpack3A_2208, %unpack3A_2208 : vector<16xf32>
      %sub3A_2249 = arith.subf %sub3A_2247, %mul3A_2248 : vector<16xf32>
      %mul3A_2250 = arith.mulf %mul3A_2231, %sub3A_2241 : vector<16xf32>
      %mul3A_2251 = arith.mulf %neg3A_2235, %sub3A_2241 : vector<16xf32>
      %mul3A_2252 = arith.mulf %mul3A_2231, %sub3A_2245 : vector<16xf32>
      %add3A_2253 = arith.addf %mul3A_2252, %mul3A_2251 : vector<16xf32>
      %swap3A_2254 = arith.constant 96 : index
      %swap3A_2255 = tpu.vector_load %arg28[%swap3A_2254] {strides = array<i32>} : memref<128xf32, #tpu.memory_space<vmem>>, vector<16xf32>,
      tpu.vector_store %arg28[%swap3A_2254], %add3A_2253 {strides = array<i32>} : memref<128xf32, #tpu.memory_space<vmem>>, vector<16xf32>,
      %mul3A_2256 = arith.mulf %neg3A_2235, %sub3A_2245 : vector<16xf32>
      %sub3A_2257 = arith.subf %mul3A_2250, %mul3A_2256 : vector<16xf32>
      %swap3A_2258 = arith.constant 96 : index
      %swap3A_2259 = tpu.vector_load %arg29[%swap3A_2258] {strides = array<i32>} : memref<128xf32, #tpu.memory_space<vmem>>, vector<16xf32>,
      tpu.vector_store %arg29[%swap3A_2258], %sub3A_2257 {strides = array<i32>} : memref<128xf32, #tpu.memory_space<vmem>>, vector<16xf32>,
      %mul3A_2260 = arith.mulf %mul3A_2231, %sub3A_2249 : vector<16xf32>
      %sub3A_2261 = arith.subf %mul3A_2260, %mul3A_2251 : vector<16xf32>
      %swap3A_2262 = arith.constant 96 : index
      %swap3A_2263 = tpu.vector_load %arg30[%swap3A_2262] {strides = array<i32>} : memref<128xf32, #tpu.memory_space<vmem>>, vector<16xf32>,
      tpu.vector_store %arg30[%swap3A_2262], %sub3A_2261 {strides = array<i32>} : memref<128xf32, #tpu.memory_space<vmem>>, vector<16xf32>,
      %neg3A_2264 = arith.constant 0.000000e+00 : f32
      %neg3A_2265 = vector.broadcast %neg3A_2264 : f32 to vector<16xf32>
      %neg3A_2266 = arith.subf %neg3A_2265, %mul3A_2250 : vector<16xf32>
      %mul3A_2267 = arith.mulf %neg3A_2235, %sub3A_2249 : vector<16xf32>
      %sub3A_2268 = arith.subf %neg3A_2266, %mul3A_2267 : vector<16xf32>
      %swap3A_2269 = arith.constant 96 : index
      %swap3A_2270 = tpu.vector_load %arg31[%swap3A_2269] {strides = array<i32>} : memref<128xf32, #tpu.memory_space<vmem>>, vector<16xf32>,
      tpu.vector_store %arg31[%swap3A_2269], %sub3A_2268 {strides = array<i32>} : memref<128xf32, #tpu.memory_space<vmem>>, vector<16xf32>,
      %eq3A_2271 = arith.cmpi eq, %get3A_2192, %gather3A_35 : vector<16xi32>
      %eq3A_2272 = arith.cmpi eq, %get3A_2198, %gather3A_31 : vector<16xi32>
      %and3A_2273 = arith.andi %eq3A_2271, %eq3A_2272 : vector<16xi1>
      %get3A_2274 = arith.constant 0 : index
      %get3A_2275 = tpu.vector_load %arg32[%get3A_2274] {strides = array<i32>} : memref<16xi32, #tpu.memory_space<vmem>>, vector<16xi32>,
      %jit3A_2276 = arith.constant 1 : i32
      %jit3A_2277 = arith.constant 0 : i32
      %broadcast_in_dim3A_2278 = vector.broadcast %jit3A_2276 : i32 to vector<16xi32>
      %broadcast_in_dim3A_2279 = vector.broadcast %jit3A_2277 : i32 to vector<16xi32>
      %select_n3A_2280 = arith.select %and3A_2273, %broadcast_in_dim3A_2278, %broadcast_in_dim3A_2279 : vector<16xi1>, vector<16xi32>
      %or3A_2281 = arith.ori %get3A_2275, %select_n3A_2280 : vector<16xi32>
      %swap3A_2282 = arith.constant 0 : index
      %swap3A_2283 = tpu.vector_load %arg32[%swap3A_2282] {strides = array<i32>} : memref<16xi32, #tpu.memory_space<vmem>>, vector<16xi32>,
      tpu.vector_store %arg32[%swap3A_2282], %or3A_2281 {strides = array<i32>} : memref<16xi32, #tpu.memory_space<vmem>>, vector<16xi32>,
      %get3A_2284 = arith.constant 1 : i32
      %get3A_2285 = arith.constant 0 : i32
      %get3A_2286 = tpu.memref_slice %arg20[%get3A_2284, %get3A_2285] : memref<2x128xi32, #tpu.memory_space<vmem>> -> memref<1x128xi32, #tpu.memory_space<vmem>>
      %get3A_2287 = tpu.memref_squeeze %get3A_2286 : memref<1x128xi32, #tpu.memory_space<vmem>> -> memref<128xi32, #tpu.memory_space<vmem>>
      %get3A_2288 = arith.constant 112 : index
      %get3A_2289 = tpu.vector_load %get3A_2287[%get3A_2288] {strides = array<i32>} : memref<128xi32, #tpu.memory_space<vmem>>, vector<16xi32>,
      %get3A_2290 = arith.constant 1 : i32
      %get3A_2291 = arith.constant 0 : i32
      %get3A_2292 = tpu.memref_slice %arg21[%get3A_2290, %get3A_2291] : memref<2x128xi32, #tpu.memory_space<vmem>> -> memref<1x128xi32, #tpu.memory_space<vmem>>
      %get3A_2293 = tpu.memref_squeeze %get3A_2292 : memref<1x128xi32, #tpu.memory_space<vmem>> -> memref<128xi32, #tpu.memory_space<vmem>>
      %get3A_2294 = arith.constant 112 : index
      %get3A_2295 = tpu.vector_load %get3A_2293[%get3A_2294] {strides = array<i32>} : memref<128xi32, #tpu.memory_space<vmem>>, vector<16xi32>,
      %get3A_2296 = arith.constant 112 : index
      %get3A_2297 = tpu.vector_load %arg26[%get3A_2296] {strides = array<i32>} : memref<128xf32, #tpu.memory_space<vmem>>, vector<16xf32>,
      %bitcast3A_2298 = vector.bitcast %get3A_2297 : vector<16xf32> to vector<32xbf16>
      %unpack3A_2299 = tpu.unpack_subelements %bitcast3A_2298, 0 {pack_format = #tpu.pack_format<interleaved>} : vector<32xbf16> -> vector<16xf32>
      %unpack3A_2300 = tpu.unpack_subelements %bitcast3A_2298, 1 {pack_format = #tpu.pack_format<interleaved>} : vector<32xbf16> -> vector<16xf32>
      %get3A_2301 = arith.constant 112 : index
      %get3A_2302 = tpu.vector_load %arg27[%get3A_2301] {strides = array<i32>} : memref<128xf32, #tpu.memory_space<vmem>>, vector<16xf32>,
      %bitcast3A_2303 = vector.bitcast %get3A_2302 : vector<16xf32> to vector<32xbf16>
      %unpack3A_2304 = tpu.unpack_subelements %bitcast3A_2303, 0 {pack_format = #tpu.pack_format<interleaved>} : vector<32xbf16> -> vector<16xf32>
      %unpack3A_2305 = tpu.unpack_subelements %bitcast3A_2303, 1 {pack_format = #tpu.pack_format<interleaved>} : vector<32xbf16> -> vector<16xf32>
      %get3A_2306 = arith.constant 1 : i32
      %get3A_2307 = arith.constant 0 : i32
      %get3A_2308 = tpu.memref_slice %arg22[%get3A_2306, %get3A_2307] : memref<2x128xf32, #tpu.memory_space<vmem>> -> memref<1x128xf32, #tpu.memory_space<vmem>>
      %get3A_2309 = tpu.memref_squeeze %get3A_2308 : memref<1x128xf32, #tpu.memory_space<vmem>> -> memref<128xf32, #tpu.memory_space<vmem>>
      %get3A_2310 = arith.constant 112 : index
      %get3A_2311 = tpu.vector_load %get3A_2309[%get3A_2310] {strides = array<i32>} : memref<128xf32, #tpu.memory_space<vmem>>, vector<16xf32>,
      %mul3A_2312 = arith.mulf %get3A_2311, %gather3A : vector<16xf32>
      %add3A_2313 = arith.addf %mul3A_2312, %gather3A_26 : vector<16xf32>
      %get3A_2314 = arith.constant 1 : i32
      %get3A_2315 = arith.constant 0 : i32
      %get3A_2316 = tpu.memref_slice %arg23[%get3A_2314, %get3A_2315] : memref<2x128xf32, #tpu.memory_space<vmem>> -> memref<1x128xf32, #tpu.memory_space<vmem>>
      %get3A_2317 = tpu.memref_squeeze %get3A_2316 : memref<1x128xf32, #tpu.memory_space<vmem>> -> memref<128xf32, #tpu.memory_space<vmem>>
      %get3A_2318 = arith.constant 112 : index
      %get3A_2319 = tpu.vector_load %get3A_2317[%get3A_2318] {strides = array<i32>} : memref<128xf32, #tpu.memory_space<vmem>>, vector<16xf32>,
      %mul3A_2320 = arith.mulf %get3A_2319, %gather3A_22 : vector<16xf32>
      %add3A_2321 = arith.addf %mul3A_2320, %gather3A_30 : vector<16xf32>
      %mul3A_2322 = arith.mulf %add3A_2313, %add3A_2313 : vector<16xf32>
      %mul3A_2323 = arith.mulf %add3A_2321, %add3A_2321 : vector<16xf32>
      %add3A_2324 = arith.addf %mul3A_2322, %mul3A_2323 : vector<16xf32>
      %div3A_2325 = arith.constant 1.000000e+00 : f32
      %div3A_2326 = vector.broadcast %div3A_2325 : f32 to vector<16xf32>
      %div3A_2327 = arith.divf %div3A_2326, %add3A_2324 : vector<16xf32>
      %mul3A_2328 = arith.mulf %add3A_2313, %div3A_2327 : vector<16xf32>
      %mul3A_2329 = arith.mulf %add3A_2321, %div3A_2327 : vector<16xf32>
      %neg3A_2330 = arith.constant 0.000000e+00 : f32
      %neg3A_2331 = vector.broadcast %neg3A_2330 : f32 to vector<16xf32>
      %neg3A_2332 = arith.subf %neg3A_2331, %mul3A_2329 : vector<16xf32>
      %mul3A_2333 = arith.mulf %unpack3A_2299, %unpack3A_2304 : vector<16xf32>
      %mul3A_2334 = arith.mulf %unpack3A_2300, %unpack3A_2305 : vector<16xf32>
      %add3A_2335 = arith.addf %mul3A_2333, %mul3A_2334 : vector<16xf32>
      %mul3A_2336 = arith.mulf %unpack3A_2300, %unpack3A_2304 : vector<16xf32>
      %mul3A_2337 = arith.mulf %unpack3A_2299, %unpack3A_2305 : vector<16xf32>
      %sub3A_2338 = arith.subf %mul3A_2336, %mul3A_2337 : vector<16xf32>
      %mul3A_2339 = arith.mulf %unpack3A_2299, %unpack3A_2299 : vector<16xf32>
      %sub3A_2340 = arith.subf %add3A_2335, %mul3A_2339 : vector<16xf32>
      %mul3A_2341 = arith.mulf %unpack3A_2300, %unpack3A_2300 : vector<16xf32>
      %sub3A_2342 = arith.subf %sub3A_2340, %mul3A_2341 : vector<16xf32>
      %mul3A_2343 = arith.mulf %unpack3A_2304, %unpack3A_2304 : vector<16xf32>
      %sub3A_2344 = arith.subf %add3A_2335, %mul3A_2343 : vector<16xf32>
      %mul3A_2345 = arith.mulf %unpack3A_2305, %unpack3A_2305 : vector<16xf32>
      %sub3A_2346 = arith.subf %sub3A_2344, %mul3A_2345 : vector<16xf32>
      %mul3A_2347 = arith.mulf %mul3A_2328, %sub3A_2338 : vector<16xf32>
      %mul3A_2348 = arith.mulf %neg3A_2332, %sub3A_2338 : vector<16xf32>
      %mul3A_2349 = arith.mulf %mul3A_2328, %sub3A_2342 : vector<16xf32>
      %add3A_2350 = arith.addf %mul3A_2349, %mul3A_2348 : vector<16xf32>
      %swap3A_2351 = arith.constant 112 : index
      %swap3A_2352 = tpu.vector_load %arg28[%swap3A_2351] {strides = array<i32>} : memref<128xf32, #tpu.memory_space<vmem>>, vector<16xf32>,
      tpu.vector_store %arg28[%swap3A_2351], %add3A_2350 {strides = array<i32>} : memref<128xf32, #tpu.memory_space<vmem>>, vector<16xf32>,
      %mul3A_2353 = arith.mulf %neg3A_2332, %sub3A_2342 : vector<16xf32>
      %sub3A_2354 = arith.subf %mul3A_2347, %mul3A_2353 : vector<16xf32>
      %swap3A_2355 = arith.constant 112 : index
      %swap3A_2356 = tpu.vector_load %arg29[%swap3A_2355] {strides = array<i32>} : memref<128xf32, #tpu.memory_space<vmem>>, vector<16xf32>,
      tpu.vector_store %arg29[%swap3A_2355], %sub3A_2354 {strides = array<i32>} : memref<128xf32, #tpu.memory_space<vmem>>, vector<16xf32>,
      %mul3A_2357 = arith.mulf %mul3A_2328, %sub3A_2346 : vector<16xf32>
      %sub3A_2358 = arith.subf %mul3A_2357, %mul3A_2348 : vector<16xf32>
      %swap3A_2359 = arith.constant 112 : index
      %swap3A_2360 = tpu.vector_load %arg30[%swap3A_2359] {strides = array<i32>} : memref<128xf32, #tpu.memory_space<vmem>>, vector<16xf32>,
      tpu.vector_store %arg30[%swap3A_2359], %sub3A_2358 {strides = array<i32>} : memref<128xf32, #tpu.memory_space<vmem>>, vector<16xf32>,
      %neg3A_2361 = arith.constant 0.000000e+00 : f32
      %neg3A_2362 = vector.broadcast %neg3A_2361 : f32 to vector<16xf32>
      %neg3A_2363 = arith.subf %neg3A_2362, %mul3A_2347 : vector<16xf32>
      %mul3A_2364 = arith.mulf %neg3A_2332, %sub3A_2346 : vector<16xf32>
      %sub3A_2365 = arith.subf %neg3A_2363, %mul3A_2364 : vector<16xf32>
      %swap3A_2366 = arith.constant 112 : index
      %swap3A_2367 = tpu.vector_load %arg31[%swap3A_2366] {strides = array<i32>} : memref<128xf32, #tpu.memory_space<vmem>>, vector<16xf32>,
      tpu.vector_store %arg31[%swap3A_2366], %sub3A_2365 {strides = array<i32>} : memref<128xf32, #tpu.memory_space<vmem>>, vector<16xf32>,
      %eq3A_2368 = arith.cmpi eq, %get3A_2289, %gather3A_35 : vector<16xi32>
      %eq3A_2369 = arith.cmpi eq, %get3A_2295, %gather3A_31 : vector<16xi32>
      %and3A_2370 = arith.andi %eq3A_2368, %eq3A_2369 : vector<16xi1>
      %get3A_2371 = arith.constant 0 : index
      %get3A_2372 = tpu.vector_load %arg32[%get3A_2371] {strides = array<i32>} : memref<16xi32, #tpu.memory_space<vmem>>, vector<16xi32>,
      %jit3A_2373 = arith.constant 1 : i32
      %jit3A_2374 = arith.constant 0 : i32
      %broadcast_in_dim3A_2375 = vector.broadcast %jit3A_2373 : i32 to vector<16xi32>
      %broadcast_in_dim3A_2376 = vector.broadcast %jit3A_2374 : i32 to vector<16xi32>
      %select_n3A_2377 = arith.select %and3A_2370, %broadcast_in_dim3A_2375, %broadcast_in_dim3A_2376 : vector<16xi1>, vector<16xi32>
      %or3A_2378 = arith.ori %get3A_2372, %select_n3A_2377 : vector<16xi32>
      %swap3A_2379 = arith.constant 0 : index
      %swap3A_2380 = tpu.vector_load %arg32[%swap3A_2379] {strides = array<i32>} : memref<16xi32, #tpu.memory_space<vmem>>, vector<16xi32>,
      tpu.vector_store %arg32[%swap3A_2379], %or3A_2378 {strides = array<i32>} : memref<16xi32, #tpu.memory_space<vmem>>, vector<16xi32>,
      %dma_start3A_2381 = arith.constant 1 : i32
      %dma_start3A_2382 = arith.constant 0 : i32
      %dma_start3A_2383 = tpu.memref_slice %arg28[%dma_start3A_2382] : memref<128xf32, #tpu.memory_space<vmem>> -> memref<128xf32, #tpu.memory_space<vmem>>
      %dma_start3A_2384 = arith.constant 0 : i32
      %dma_start3A_2385 = tpu.memref_slice %arg20[%dma_start3A_2381, %dma_start3A_2384] : memref<2x128xi32, #tpu.memory_space<vmem>> -> memref<1x128xi32, #tpu.memory_space<vmem>>
      %dma_start3A_2386 = tpu.memref_squeeze %dma_start3A_2385 : memref<1x128xi32, #tpu.memory_space<vmem>> -> memref<128xi32, #tpu.memory_space<vmem>>
      %dma_start3A_2387 = arith.constant 0 : i32
      %dma_start3A_2388 = tpu.memref_slice %arg14[%dma_start3A_2387] : memref<100000xf32, #tpu.memory_space<vmem_shared>> -> memref<100000xf32, #tpu.memory_space<vmem_shared>>
      tpu.enqueue_indirect_dma source(%dma_start3A_2383 : memref<128xf32, #tpu.memory_space<vmem>>) target(%dma_start3A_2388 : memref<100000xf32, #tpu.memory_space<vmem_shared>>) offsets(%dma_start3A_2386 : memref<128xi32, #tpu.memory_space<vmem>>) semaphore(%arg35 : memref<!tpu.dma_semaphore, #tpu.memory_space<semaphore_mem>>) {add = true}
      %dma_start3A_2389 = arith.constant 1 : i32
      %dma_start3A_2390 = arith.constant 0 : i32
      %dma_start3A_2391 = tpu.memref_slice %arg29[%dma_start3A_2390] : memref<128xf32, #tpu.memory_space<vmem>> -> memref<128xf32, #tpu.memory_space<vmem>>
      %dma_start3A_2392 = arith.constant 0 : i32
      %dma_start3A_2393 = tpu.memref_slice %arg20[%dma_start3A_2389, %dma_start3A_2392] : memref<2x128xi32, #tpu.memory_space<vmem>> -> memref<1x128xi32, #tpu.memory_space<vmem>>
      %dma_start3A_2394 = tpu.memref_squeeze %dma_start3A_2393 : memref<1x128xi32, #tpu.memory_space<vmem>> -> memref<128xi32, #tpu.memory_space<vmem>>
      %dma_start3A_2395 = arith.constant 0 : i32
      %dma_start3A_2396 = tpu.memref_slice %arg15[%dma_start3A_2395] : memref<100000xf32, #tpu.memory_space<vmem_shared>> -> memref<100000xf32, #tpu.memory_space<vmem_shared>>
      tpu.enqueue_indirect_dma source(%dma_start3A_2391 : memref<128xf32, #tpu.memory_space<vmem>>) target(%dma_start3A_2396 : memref<100000xf32, #tpu.memory_space<vmem_shared>>) offsets(%dma_start3A_2394 : memref<128xi32, #tpu.memory_space<vmem>>) semaphore(%arg35 : memref<!tpu.dma_semaphore, #tpu.memory_space<semaphore_mem>>) {add = true}
      %dma_start3A_2397 = arith.constant 1 : i32
      %dma_start3A_2398 = arith.constant 0 : i32
      %dma_start3A_2399 = tpu.memref_slice %arg30[%dma_start3A_2398] : memref<128xf32, #tpu.memory_space<vmem>> -> memref<128xf32, #tpu.memory_space<vmem>>
      %dma_start3A_2400 = arith.constant 0 : i32
      %dma_start3A_2401 = tpu.memref_slice %arg21[%dma_start3A_2397, %dma_start3A_2400] : memref<2x128xi32, #tpu.memory_space<vmem>> -> memref<1x128xi32, #tpu.memory_space<vmem>>
      %dma_start3A_2402 = tpu.memref_squeeze %dma_start3A_2401 : memref<1x128xi32, #tpu.memory_space<vmem>> -> memref<128xi32, #tpu.memory_space<vmem>>
      %dma_start3A_2403 = arith.constant 0 : i32
      %dma_start3A_2404 = tpu.memref_slice %arg16[%dma_start3A_2403] : memref<100000xf32, #tpu.memory_space<vmem_shared>> -> memref<100000xf32, #tpu.memory_space<vmem_shared>>
      tpu.enqueue_indirect_dma source(%dma_start3A_2399 : memref<128xf32, #tpu.memory_space<vmem>>) target(%dma_start3A_2404 : memref<100000xf32, #tpu.memory_space<vmem_shared>>) offsets(%dma_start3A_2402 : memref<128xi32, #tpu.memory_space<vmem>>) semaphore(%arg35 : memref<!tpu.dma_semaphore, #tpu.memory_space<semaphore_mem>>) {add = true}
      %dma_start3A_2405 = arith.constant 1 : i32
      %dma_start3A_2406 = arith.constant 0 : i32
      %dma_start3A_2407 = tpu.memref_slice %arg31[%dma_start3A_2406] : memref<128xf32, #tpu.memory_space<vmem>> -> memref<128xf32, #tpu.memory_space<vmem>>
      %dma_start3A_2408 = arith.constant 0 : i32
      %dma_start3A_2409 = tpu.memref_slice %arg21[%dma_start3A_2405, %dma_start3A_2408] : memref<2x128xi32, #tpu.memory_space<vmem>> -> memref<1x128xi32, #tpu.memory_space<vmem>>
      %dma_start3A_2410 = tpu.memref_squeeze %dma_start3A_2409 : memref<1x128xi32, #tpu.memory_space<vmem>> -> memref<128xi32, #tpu.memory_space<vmem>>
      %dma_start3A_2411 = arith.constant 0 : i32
      %dma_start3A_2412 = tpu.memref_slice %arg17[%dma_start3A_2411] : memref<100000xf32, #tpu.memory_space<vmem_shared>> -> memref<100000xf32, #tpu.memory_space<vmem_shared>>
      tpu.enqueue_indirect_dma source(%dma_start3A_2407 : memref<128xf32, #tpu.memory_space<vmem>>) target(%dma_start3A_2412 : memref<100000xf32, #tpu.memory_space<vmem_shared>>) offsets(%dma_start3A_2410 : memref<128xi32, #tpu.memory_space<vmem>>) semaphore(%arg35 : memref<!tpu.dma_semaphore, #tpu.memory_space<semaphore_mem>>) {add = true}
      %dma_wait3A_2413 = arith.constant 1 : i32
      %dma_wait3A_2414 = arith.constant 0 : i32
      %dma_wait3A_2415 = tpu.memref_slice %arg28[%dma_wait3A_2414] : memref<128xf32, #tpu.memory_space<vmem>> -> memref<128xf32, #tpu.memory_space<vmem>>
      %dma_wait3A_2416 = arith.constant 0 : i32
      %dma_wait3A_2417 = tpu.memref_slice %arg20[%dma_wait3A_2413, %dma_wait3A_2416] : memref<2x128xi32, #tpu.memory_space<vmem>> -> memref<1x128xi32, #tpu.memory_space<vmem>>
      %dma_wait3A_2418 = tpu.memref_squeeze %dma_wait3A_2417 : memref<1x128xi32, #tpu.memory_space<vmem>> -> memref<128xi32, #tpu.memory_space<vmem>>
      %dma_wait3A_2419 = arith.constant 0 : i32
      %dma_wait3A_2420 = tpu.memref_slice %arg14[%dma_wait3A_2419] : memref<100000xf32, #tpu.memory_space<vmem_shared>> -> memref<100000xf32, #tpu.memory_space<vmem_shared>>
      tpu.wait_indirect_dma semaphore(%arg35 : memref<!tpu.dma_semaphore, #tpu.memory_space<semaphore_mem>>) src(%dma_wait3A_2415 : memref<128xf32, #tpu.memory_space<vmem>>) dst(%dma_wait3A_2420 : memref<100000xf32, #tpu.memory_space<vmem_shared>>)
      %dma_wait3A_2421 = arith.constant 1 : i32
      %dma_wait3A_2422 = arith.constant 0 : i32
      %dma_wait3A_2423 = tpu.memref_slice %arg29[%dma_wait3A_2422] : memref<128xf32, #tpu.memory_space<vmem>> -> memref<128xf32, #tpu.memory_space<vmem>>
      %dma_wait3A_2424 = arith.constant 0 : i32
      %dma_wait3A_2425 = tpu.memref_slice %arg20[%dma_wait3A_2421, %dma_wait3A_2424] : memref<2x128xi32, #tpu.memory_space<vmem>> -> memref<1x128xi32, #tpu.memory_space<vmem>>
      %dma_wait3A_2426 = tpu.memref_squeeze %dma_wait3A_2425 : memref<1x128xi32, #tpu.memory_space<vmem>> -> memref<128xi32, #tpu.memory_space<vmem>>
      %dma_wait3A_2427 = arith.constant 0 : i32
      %dma_wait3A_2428 = tpu.memref_slice %arg15[%dma_wait3A_2427] : memref<100000xf32, #tpu.memory_space<vmem_shared>> -> memref<100000xf32, #tpu.memory_space<vmem_shared>>
      tpu.wait_indirect_dma semaphore(%arg35 : memref<!tpu.dma_semaphore, #tpu.memory_space<semaphore_mem>>) src(%dma_wait3A_2423 : memref<128xf32, #tpu.memory_space<vmem>>) dst(%dma_wait3A_2428 : memref<100000xf32, #tpu.memory_space<vmem_shared>>)
      %dma_wait3A_2429 = arith.constant 1 : i32
      %dma_wait3A_2430 = arith.constant 0 : i32
      %dma_wait3A_2431 = tpu.memref_slice %arg30[%dma_wait3A_2430] : memref<128xf32, #tpu.memory_space<vmem>> -> memref<128xf32, #tpu.memory_space<vmem>>
      %dma_wait3A_2432 = arith.constant 0 : i32
      %dma_wait3A_2433 = tpu.memref_slice %arg21[%dma_wait3A_2429, %dma_wait3A_2432] : memref<2x128xi32, #tpu.memory_space<vmem>> -> memref<1x128xi32, #tpu.memory_space<vmem>>
      %dma_wait3A_2434 = tpu.memref_squeeze %dma_wait3A_2433 : memref<1x128xi32, #tpu.memory_space<vmem>> -> memref<128xi32, #tpu.memory_space<vmem>>
      %dma_wait3A_2435 = arith.constant 0 : i32
      %dma_wait3A_2436 = tpu.memref_slice %arg16[%dma_wait3A_2435] : memref<100000xf32, #tpu.memory_space<vmem_shared>> -> memref<100000xf32, #tpu.memory_space<vmem_shared>>
      tpu.wait_indirect_dma semaphore(%arg35 : memref<!tpu.dma_semaphore, #tpu.memory_space<semaphore_mem>>) src(%dma_wait3A_2431 : memref<128xf32, #tpu.memory_space<vmem>>) dst(%dma_wait3A_2436 : memref<100000xf32, #tpu.memory_space<vmem_shared>>)
      %dma_wait3A_2437 = arith.constant 1 : i32
      %dma_wait3A_2438 = arith.constant 0 : i32
      %dma_wait3A_2439 = tpu.memref_slice %arg31[%dma_wait3A_2438] : memref<128xf32, #tpu.memory_space<vmem>> -> memref<128xf32, #tpu.memory_space<vmem>>
      %dma_wait3A_2440 = arith.constant 0 : i32
      %dma_wait3A_2441 = tpu.memref_slice %arg21[%dma_wait3A_2437, %dma_wait3A_2440] : memref<2x128xi32, #tpu.memory_space<vmem>> -> memref<1x128xi32, #tpu.memory_space<vmem>>
      %dma_wait3A_2442 = tpu.memref_squeeze %dma_wait3A_2441 : memref<1x128xi32, #tpu.memory_space<vmem>> -> memref<128xi32, #tpu.memory_space<vmem>>
      %dma_wait3A_2443 = arith.constant 0 : i32
      %dma_wait3A_2444 = tpu.memref_slice %arg17[%dma_wait3A_2443] : memref<100000xf32, #tpu.memory_space<vmem_shared>> -> memref<100000xf32, #tpu.memory_space<vmem_shared>>
      tpu.wait_indirect_dma semaphore(%arg35 : memref<!tpu.dma_semaphore, #tpu.memory_space<semaphore_mem>>) src(%dma_wait3A_2439 : memref<128xf32, #tpu.memory_space<vmem>>) dst(%dma_wait3A_2444 : memref<100000xf32, #tpu.memory_space<vmem_shared>>)
    }
    %scan3A_569 = arith.constant 195 : i32
    %mul3A_570 = arith.constant 16 : i32
    %mul3A_571 = arith.muli %add3A, %mul3A_570 : i32
    "tpu.region"() ({
      %run_scoped3A_586 = tpu.sem_alloc : memref<!tpu.dma_semaphore, #tpu.memory_space<semaphore_mem>>
      %dma_start3A_587 = tpu.memref_slice %arg12[%mul3A_571] : memref<512xi32, #tpu.memory_space<hbm>> -> memref<16xi32, #tpu.memory_space<hbm>>
      %dma_start3A_588 = tpu.memref_slice %arg12[%mul3A_571] : memref<512xi32, #tpu.memory_space<hbm>> -> memref<16xi32, #tpu.memory_space<hbm>>
      tpu.enqueue_dma source(%arg32 : memref<16xi32, #tpu.memory_space<vmem>>) target(%dma_start3A_588 : memref<16xi32, #tpu.memory_space<hbm>>) target_semaphore(%run_scoped3A_586 : memref<!tpu.dma_semaphore, #tpu.memory_space<semaphore_mem>>)
      %dma_wait3A_589 = tpu.memref_slice %arg12[%mul3A_571] : memref<512xi32, #tpu.memory_space<hbm>> -> memref<16xi32, #tpu.memory_space<hbm>>
      %dma_wait3A_590 = tpu.memref_slice %arg12[%mul3A_571] : memref<512xi32, #tpu.memory_space<hbm>> -> memref<16xi32, #tpu.memory_space<hbm>>
      tpu.wait_dma2 semaphore(%run_scoped3A_586 : memref<!tpu.dma_semaphore, #tpu.memory_space<semaphore_mem>>) src(%arg32 : memref<16xi32, #tpu.memory_space<vmem>>) dst(%dma_wait3A_590 : memref<16xi32, #tpu.memory_space<hbm>>)
      tpu.yield
    }) : () -> ()
    %barrier3A_572 = arith.constant 0 : index
    tpu.barrier barrier_id(%barrier3A_572)
    %mul3A_573 = arith.constant 100000 : i32
    %mul3A_574 = arith.muli %arg0, %mul3A_573 : i32
    %add3A_575 = arith.addi %mul3A_574, %mul3A_12 : i32
    %lt3A_576 = arith.constant 15 : i32
    %lt3A_577 = arith.cmpi slt, %arg1, %lt3A_576 : i32
    %convert_element_type3A_578 = arith.extui %lt3A_577 : i1 to i32
    %cond3A_579 = arith.constant 0 : i32
    %cond3A_580 = arith.cmpi ne, %convert_element_type3A_578, %cond3A_579 : i32
    scf.if %cond3A_580 {
      "tpu.region"() ({
        %run_scoped3A_586 = tpu.sem_alloc : memref<!tpu.dma_semaphore, #tpu.memory_space<semaphore_mem>>
        %dma_start3A_587 = tpu.memref_slice %arg14[%mul3A_12] : memref<100000xf32, #tpu.memory_space<vmem_shared>> -> memref<6256xf32, #tpu.memory_space<vmem_shared>>
        %dma_start3A_588 = tpu.memref_slice %arg14[%mul3A_12] : memref<100000xf32, #tpu.memory_space<vmem_shared>> -> memref<6256xf32, #tpu.memory_space<vmem_shared>>
        tpu.enqueue_dma source(%dma_start3A_588 : memref<6256xf32, #tpu.memory_space<vmem_shared>>) target(%arg19 : memref<6256xf32, #tpu.memory_space<vmem>>) target_semaphore(%run_scoped3A_586 : memref<!tpu.dma_semaphore, #tpu.memory_space<semaphore_mem>>)
        %dma_wait3A_589 = tpu.memref_slice %arg14[%mul3A_12] : memref<100000xf32, #tpu.memory_space<vmem_shared>> -> memref<6256xf32, #tpu.memory_space<vmem_shared>>
        %dma_wait3A_590 = tpu.memref_slice %arg14[%mul3A_12] : memref<100000xf32, #tpu.memory_space<vmem_shared>> -> memref<6256xf32, #tpu.memory_space<vmem_shared>>
        tpu.wait_dma2 semaphore(%run_scoped3A_586 : memref<!tpu.dma_semaphore, #tpu.memory_space<semaphore_mem>>) src(%dma_wait3A_590 : memref<6256xf32, #tpu.memory_space<vmem_shared>>) dst(%arg19 : memref<6256xf32, #tpu.memory_space<vmem>>)
        tpu.yield
      }) : () -> ()
      "tpu.region"() ({
        %run_scoped3A_586 = tpu.sem_alloc : memref<!tpu.dma_semaphore, #tpu.memory_space<semaphore_mem>>
        %dma_start3A_587 = tpu.memref_slice %arg8[%add3A_575] : memref<200000xf32, #tpu.memory_space<hbm>> -> memref<6256xf32, #tpu.memory_space<hbm>>
        %dma_start3A_588 = tpu.memref_slice %arg8[%add3A_575] : memref<200000xf32, #tpu.memory_space<hbm>> -> memref<6256xf32, #tpu.memory_space<hbm>>
        tpu.enqueue_dma source(%arg19 : memref<6256xf32, #tpu.memory_space<vmem>>) target(%dma_start3A_588 : memref<6256xf32, #tpu.memory_space<hbm>>) target_semaphore(%run_scoped3A_586 : memref<!tpu.dma_semaphore, #tpu.memory_space<semaphore_mem>>)
        %dma_wait3A_589 = tpu.memref_slice %arg8[%add3A_575] : memref<200000xf32, #tpu.memory_space<hbm>> -> memref<6256xf32, #tpu.memory_space<hbm>>
        %dma_wait3A_590 = tpu.memref_slice %arg8[%add3A_575] : memref<200000xf32, #tpu.memory_space<hbm>> -> memref<6256xf32, #tpu.memory_space<hbm>>
        tpu.wait_dma2 semaphore(%run_scoped3A_586 : memref<!tpu.dma_semaphore, #tpu.memory_space<semaphore_mem>>) src(%arg19 : memref<6256xf32, #tpu.memory_space<vmem>>) dst(%dma_wait3A_590 : memref<6256xf32, #tpu.memory_space<hbm>>)
        tpu.yield
      }) : () -> ()
      "tpu.region"() ({
        %run_scoped3A_586 = tpu.sem_alloc : memref<!tpu.dma_semaphore, #tpu.memory_space<semaphore_mem>>
        %dma_start3A_587 = tpu.memref_slice %arg15[%mul3A_12] : memref<100000xf32, #tpu.memory_space<vmem_shared>> -> memref<6256xf32, #tpu.memory_space<vmem_shared>>
        %dma_start3A_588 = tpu.memref_slice %arg15[%mul3A_12] : memref<100000xf32, #tpu.memory_space<vmem_shared>> -> memref<6256xf32, #tpu.memory_space<vmem_shared>>
        tpu.enqueue_dma source(%dma_start3A_588 : memref<6256xf32, #tpu.memory_space<vmem_shared>>) target(%arg19 : memref<6256xf32, #tpu.memory_space<vmem>>) target_semaphore(%run_scoped3A_586 : memref<!tpu.dma_semaphore, #tpu.memory_space<semaphore_mem>>)
        %dma_wait3A_589 = tpu.memref_slice %arg15[%mul3A_12] : memref<100000xf32, #tpu.memory_space<vmem_shared>> -> memref<6256xf32, #tpu.memory_space<vmem_shared>>
        %dma_wait3A_590 = tpu.memref_slice %arg15[%mul3A_12] : memref<100000xf32, #tpu.memory_space<vmem_shared>> -> memref<6256xf32, #tpu.memory_space<vmem_shared>>
        tpu.wait_dma2 semaphore(%run_scoped3A_586 : memref<!tpu.dma_semaphore, #tpu.memory_space<semaphore_mem>>) src(%dma_wait3A_590 : memref<6256xf32, #tpu.memory_space<vmem_shared>>) dst(%arg19 : memref<6256xf32, #tpu.memory_space<vmem>>)
        tpu.yield
      }) : () -> ()
      "tpu.region"() ({
        %run_scoped3A_586 = tpu.sem_alloc : memref<!tpu.dma_semaphore, #tpu.memory_space<semaphore_mem>>
        %dma_start3A_587 = tpu.memref_slice %arg9[%add3A_575] : memref<200000xf32, #tpu.memory_space<hbm>> -> memref<6256xf32, #tpu.memory_space<hbm>>
        %dma_start3A_588 = tpu.memref_slice %arg9[%add3A_575] : memref<200000xf32, #tpu.memory_space<hbm>> -> memref<6256xf32, #tpu.memory_space<hbm>>
        tpu.enqueue_dma source(%arg19 : memref<6256xf32, #tpu.memory_space<vmem>>) target(%dma_start3A_588 : memref<6256xf32, #tpu.memory_space<hbm>>) target_semaphore(%run_scoped3A_586 : memref<!tpu.dma_semaphore, #tpu.memory_space<semaphore_mem>>)
        %dma_wait3A_589 = tpu.memref_slice %arg9[%add3A_575] : memref<200000xf32, #tpu.memory_space<hbm>> -> memref<6256xf32, #tpu.memory_space<hbm>>
        %dma_wait3A_590 = tpu.memref_slice %arg9[%add3A_575] : memref<200000xf32, #tpu.memory_space<hbm>> -> memref<6256xf32, #tpu.memory_space<hbm>>
        tpu.wait_dma2 semaphore(%run_scoped3A_586 : memref<!tpu.dma_semaphore, #tpu.memory_space<semaphore_mem>>) src(%arg19 : memref<6256xf32, #tpu.memory_space<vmem>>) dst(%dma_wait3A_590 : memref<6256xf32, #tpu.memory_space<hbm>>)
        tpu.yield
      }) : () -> ()
      "tpu.region"() ({
        %run_scoped3A_586 = tpu.sem_alloc : memref<!tpu.dma_semaphore, #tpu.memory_space<semaphore_mem>>
        %dma_start3A_587 = tpu.memref_slice %arg16[%mul3A_12] : memref<100000xf32, #tpu.memory_space<vmem_shared>> -> memref<6256xf32, #tpu.memory_space<vmem_shared>>
        %dma_start3A_588 = tpu.memref_slice %arg16[%mul3A_12] : memref<100000xf32, #tpu.memory_space<vmem_shared>> -> memref<6256xf32, #tpu.memory_space<vmem_shared>>
        tpu.enqueue_dma source(%dma_start3A_588 : memref<6256xf32, #tpu.memory_space<vmem_shared>>) target(%arg19 : memref<6256xf32, #tpu.memory_space<vmem>>) target_semaphore(%run_scoped3A_586 : memref<!tpu.dma_semaphore, #tpu.memory_space<semaphore_mem>>)
        %dma_wait3A_589 = tpu.memref_slice %arg16[%mul3A_12] : memref<100000xf32, #tpu.memory_space<vmem_shared>> -> memref<6256xf32, #tpu.memory_space<vmem_shared>>
        %dma_wait3A_590 = tpu.memref_slice %arg16[%mul3A_12] : memref<100000xf32, #tpu.memory_space<vmem_shared>> -> memref<6256xf32, #tpu.memory_space<vmem_shared>>
        tpu.wait_dma2 semaphore(%run_scoped3A_586 : memref<!tpu.dma_semaphore, #tpu.memory_space<semaphore_mem>>) src(%dma_wait3A_590 : memref<6256xf32, #tpu.memory_space<vmem_shared>>) dst(%arg19 : memref<6256xf32, #tpu.memory_space<vmem>>)
        tpu.yield
      }) : () -> ()
      "tpu.region"() ({
        %run_scoped3A_586 = tpu.sem_alloc : memref<!tpu.dma_semaphore, #tpu.memory_space<semaphore_mem>>
        %dma_start3A_587 = tpu.memref_slice %arg10[%add3A_575] : memref<200000xf32, #tpu.memory_space<hbm>> -> memref<6256xf32, #tpu.memory_space<hbm>>
        %dma_start3A_588 = tpu.memref_slice %arg10[%add3A_575] : memref<200000xf32, #tpu.memory_space<hbm>> -> memref<6256xf32, #tpu.memory_space<hbm>>
        tpu.enqueue_dma source(%arg19 : memref<6256xf32, #tpu.memory_space<vmem>>) target(%dma_start3A_588 : memref<6256xf32, #tpu.memory_space<hbm>>) target_semaphore(%run_scoped3A_586 : memref<!tpu.dma_semaphore, #tpu.memory_space<semaphore_mem>>)
        %dma_wait3A_589 = tpu.memref_slice %arg10[%add3A_575] : memref<200000xf32, #tpu.memory_space<hbm>> -> memref<6256xf32, #tpu.memory_space<hbm>>
        %dma_wait3A_590 = tpu.memref_slice %arg10[%add3A_575] : memref<200000xf32, #tpu.memory_space<hbm>> -> memref<6256xf32, #tpu.memory_space<hbm>>
        tpu.wait_dma2 semaphore(%run_scoped3A_586 : memref<!tpu.dma_semaphore, #tpu.memory_space<semaphore_mem>>) src(%arg19 : memref<6256xf32, #tpu.memory_space<vmem>>) dst(%dma_wait3A_590 : memref<6256xf32, #tpu.memory_space<hbm>>)
        tpu.yield
      }) : () -> ()
      "tpu.region"() ({
        %run_scoped3A_586 = tpu.sem_alloc : memref<!tpu.dma_semaphore, #tpu.memory_space<semaphore_mem>>
        %dma_start3A_587 = tpu.memref_slice %arg17[%mul3A_12] : memref<100000xf32, #tpu.memory_space<vmem_shared>> -> memref<6256xf32, #tpu.memory_space<vmem_shared>>
        %dma_start3A_588 = tpu.memref_slice %arg17[%mul3A_12] : memref<100000xf32, #tpu.memory_space<vmem_shared>> -> memref<6256xf32, #tpu.memory_space<vmem_shared>>
        tpu.enqueue_dma source(%dma_start3A_588 : memref<6256xf32, #tpu.memory_space<vmem_shared>>) target(%arg19 : memref<6256xf32, #tpu.memory_space<vmem>>) target_semaphore(%run_scoped3A_586 : memref<!tpu.dma_semaphore, #tpu.memory_space<semaphore_mem>>)
        %dma_wait3A_589 = tpu.memref_slice %arg17[%mul3A_12] : memref<100000xf32, #tpu.memory_space<vmem_shared>> -> memref<6256xf32, #tpu.memory_space<vmem_shared>>
        %dma_wait3A_590 = tpu.memref_slice %arg17[%mul3A_12] : memref<100000xf32, #tpu.memory_space<vmem_shared>> -> memref<6256xf32, #tpu.memory_space<vmem_shared>>
        tpu.wait_dma2 semaphore(%run_scoped3A_586 : memref<!tpu.dma_semaphore, #tpu.memory_space<semaphore_mem>>) src(%dma_wait3A_590 : memref<6256xf32, #tpu.memory_space<vmem_shared>>) dst(%arg19 : memref<6256xf32, #tpu.memory_space<vmem>>)
        tpu.yield
      }) : () -> ()
      "tpu.region"() ({
        %run_scoped3A_586 = tpu.sem_alloc : memref<!tpu.dma_semaphore, #tpu.memory_space<semaphore_mem>>
        %dma_start3A_587 = tpu.memref_slice %arg11[%add3A_575] : memref<200000xf32, #tpu.memory_space<hbm>> -> memref<6256xf32, #tpu.memory_space<hbm>>
        %dma_start3A_588 = tpu.memref_slice %arg11[%add3A_575] : memref<200000xf32, #tpu.memory_space<hbm>> -> memref<6256xf32, #tpu.memory_space<hbm>>
        tpu.enqueue_dma source(%arg19 : memref<6256xf32, #tpu.memory_space<vmem>>) target(%dma_start3A_588 : memref<6256xf32, #tpu.memory_space<hbm>>) target_semaphore(%run_scoped3A_586 : memref<!tpu.dma_semaphore, #tpu.memory_space<semaphore_mem>>)
        %dma_wait3A_589 = tpu.memref_slice %arg11[%add3A_575] : memref<200000xf32, #tpu.memory_space<hbm>> -> memref<6256xf32, #tpu.memory_space<hbm>>
        %dma_wait3A_590 = tpu.memref_slice %arg11[%add3A_575] : memref<200000xf32, #tpu.memory_space<hbm>> -> memref<6256xf32, #tpu.memory_space<hbm>>
        tpu.wait_dma2 semaphore(%run_scoped3A_586 : memref<!tpu.dma_semaphore, #tpu.memory_space<semaphore_mem>>) src(%arg19 : memref<6256xf32, #tpu.memory_space<vmem>>) dst(%dma_wait3A_590 : memref<6256xf32, #tpu.memory_space<hbm>>)
        tpu.yield
      }) : () -> ()
    } else {
    }
    %eq3A_581 = arith.constant 15 : i32
    %eq3A_582 = arith.cmpi eq, %arg1, %eq3A_581 : i32
    %convert_element_type3A_583 = arith.extui %eq3A_582 : i1 to i32
    %cond3A_584 = arith.constant 0 : i32
    %cond3A_585 = arith.cmpi ne, %convert_element_type3A_583, %cond3A_584 : i32
    scf.if %cond3A_585 {
      "tpu.region"() ({
        %run_scoped3A_586 = tpu.sem_alloc : memref<!tpu.dma_semaphore, #tpu.memory_space<semaphore_mem>>
        %dma_start3A_587 = arith.constant 0 : i32
        %dma_start3A_588 = tpu.memref_slice %arg19[%dma_start3A_587] : memref<6256xf32, #tpu.memory_space<vmem>> -> memref<6160xf32, #tpu.memory_space<vmem>>
        %dma_start3A_589 = tpu.memref_slice %arg14[%mul3A_12] : memref<100000xf32, #tpu.memory_space<vmem_shared>> -> memref<6160xf32, #tpu.memory_space<vmem_shared>>
        %dma_start3A_590 = arith.constant 0 : i32
        %dma_start3A_591 = tpu.memref_slice %arg19[%dma_start3A_590] : memref<6256xf32, #tpu.memory_space<vmem>> -> memref<6160xf32, #tpu.memory_space<vmem>>
        %dma_start3A_592 = tpu.memref_slice %arg14[%mul3A_12] : memref<100000xf32, #tpu.memory_space<vmem_shared>> -> memref<6160xf32, #tpu.memory_space<vmem_shared>>
        tpu.enqueue_dma source(%dma_start3A_592 : memref<6160xf32, #tpu.memory_space<vmem_shared>>) target(%dma_start3A_591 : memref<6160xf32, #tpu.memory_space<vmem>>) target_semaphore(%run_scoped3A_586 : memref<!tpu.dma_semaphore, #tpu.memory_space<semaphore_mem>>)
        %dma_wait3A_593 = arith.constant 0 : i32
        %dma_wait3A_594 = tpu.memref_slice %arg19[%dma_wait3A_593] : memref<6256xf32, #tpu.memory_space<vmem>> -> memref<6160xf32, #tpu.memory_space<vmem>>
        %dma_wait3A_595 = tpu.memref_slice %arg14[%mul3A_12] : memref<100000xf32, #tpu.memory_space<vmem_shared>> -> memref<6160xf32, #tpu.memory_space<vmem_shared>>
        %dma_wait3A_596 = arith.constant 0 : i32
        %dma_wait3A_597 = tpu.memref_slice %arg19[%dma_wait3A_596] : memref<6256xf32, #tpu.memory_space<vmem>> -> memref<6160xf32, #tpu.memory_space<vmem>>
        %dma_wait3A_598 = tpu.memref_slice %arg14[%mul3A_12] : memref<100000xf32, #tpu.memory_space<vmem_shared>> -> memref<6160xf32, #tpu.memory_space<vmem_shared>>
        tpu.wait_dma2 semaphore(%run_scoped3A_586 : memref<!tpu.dma_semaphore, #tpu.memory_space<semaphore_mem>>) src(%dma_wait3A_598 : memref<6160xf32, #tpu.memory_space<vmem_shared>>) dst(%dma_wait3A_597 : memref<6160xf32, #tpu.memory_space<vmem>>)
        tpu.yield
      }) : () -> ()
      "tpu.region"() ({
        %run_scoped3A_586 = tpu.sem_alloc : memref<!tpu.dma_semaphore, #tpu.memory_space<semaphore_mem>>
        %dma_start3A_587 = arith.constant 0 : i32
        %dma_start3A_588 = tpu.memref_slice %arg19[%dma_start3A_587] : memref<6256xf32, #tpu.memory_space<vmem>> -> memref<6160xf32, #tpu.memory_space<vmem>>
        %dma_start3A_589 = tpu.memref_slice %arg8[%add3A_575] : memref<200000xf32, #tpu.memory_space<hbm>> -> memref<6160xf32, #tpu.memory_space<hbm>>
        %dma_start3A_590 = tpu.memref_slice %arg8[%add3A_575] : memref<200000xf32, #tpu.memory_space<hbm>> -> memref<6160xf32, #tpu.memory_space<hbm>>
        %dma_start3A_591 = arith.constant 0 : i32
        %dma_start3A_592 = tpu.memref_slice %arg19[%dma_start3A_591] : memref<6256xf32, #tpu.memory_space<vmem>> -> memref<6160xf32, #tpu.memory_space<vmem>>
        tpu.enqueue_dma source(%dma_start3A_592 : memref<6160xf32, #tpu.memory_space<vmem>>) target(%dma_start3A_590 : memref<6160xf32, #tpu.memory_space<hbm>>) target_semaphore(%run_scoped3A_586 : memref<!tpu.dma_semaphore, #tpu.memory_space<semaphore_mem>>)
        %dma_wait3A_593 = arith.constant 0 : i32
        %dma_wait3A_594 = tpu.memref_slice %arg19[%dma_wait3A_593] : memref<6256xf32, #tpu.memory_space<vmem>> -> memref<6160xf32, #tpu.memory_space<vmem>>
        %dma_wait3A_595 = tpu.memref_slice %arg8[%add3A_575] : memref<200000xf32, #tpu.memory_space<hbm>> -> memref<6160xf32, #tpu.memory_space<hbm>>
        %dma_wait3A_596 = tpu.memref_slice %arg8[%add3A_575] : memref<200000xf32, #tpu.memory_space<hbm>> -> memref<6160xf32, #tpu.memory_space<hbm>>
        %dma_wait3A_597 = arith.constant 0 : i32
        %dma_wait3A_598 = tpu.memref_slice %arg19[%dma_wait3A_597] : memref<6256xf32, #tpu.memory_space<vmem>> -> memref<6160xf32, #tpu.memory_space<vmem>>
        tpu.wait_dma2 semaphore(%run_scoped3A_586 : memref<!tpu.dma_semaphore, #tpu.memory_space<semaphore_mem>>) src(%dma_wait3A_598 : memref<6160xf32, #tpu.memory_space<vmem>>) dst(%dma_wait3A_596 : memref<6160xf32, #tpu.memory_space<hbm>>)
        tpu.yield
      }) : () -> ()
      "tpu.region"() ({
        %run_scoped3A_586 = tpu.sem_alloc : memref<!tpu.dma_semaphore, #tpu.memory_space<semaphore_mem>>
        %dma_start3A_587 = arith.constant 0 : i32
        %dma_start3A_588 = tpu.memref_slice %arg19[%dma_start3A_587] : memref<6256xf32, #tpu.memory_space<vmem>> -> memref<6160xf32, #tpu.memory_space<vmem>>
        %dma_start3A_589 = tpu.memref_slice %arg15[%mul3A_12] : memref<100000xf32, #tpu.memory_space<vmem_shared>> -> memref<6160xf32, #tpu.memory_space<vmem_shared>>
        %dma_start3A_590 = arith.constant 0 : i32
        %dma_start3A_591 = tpu.memref_slice %arg19[%dma_start3A_590] : memref<6256xf32, #tpu.memory_space<vmem>> -> memref<6160xf32, #tpu.memory_space<vmem>>
        %dma_start3A_592 = tpu.memref_slice %arg15[%mul3A_12] : memref<100000xf32, #tpu.memory_space<vmem_shared>> -> memref<6160xf32, #tpu.memory_space<vmem_shared>>
        tpu.enqueue_dma source(%dma_start3A_592 : memref<6160xf32, #tpu.memory_space<vmem_shared>>) target(%dma_start3A_591 : memref<6160xf32, #tpu.memory_space<vmem>>) target_semaphore(%run_scoped3A_586 : memref<!tpu.dma_semaphore, #tpu.memory_space<semaphore_mem>>)
        %dma_wait3A_593 = arith.constant 0 : i32
        %dma_wait3A_594 = tpu.memref_slice %arg19[%dma_wait3A_593] : memref<6256xf32, #tpu.memory_space<vmem>> -> memref<6160xf32, #tpu.memory_space<vmem>>
        %dma_wait3A_595 = tpu.memref_slice %arg15[%mul3A_12] : memref<100000xf32, #tpu.memory_space<vmem_shared>> -> memref<6160xf32, #tpu.memory_space<vmem_shared>>
        %dma_wait3A_596 = arith.constant 0 : i32
        %dma_wait3A_597 = tpu.memref_slice %arg19[%dma_wait3A_596] : memref<6256xf32, #tpu.memory_space<vmem>> -> memref<6160xf32, #tpu.memory_space<vmem>>
        %dma_wait3A_598 = tpu.memref_slice %arg15[%mul3A_12] : memref<100000xf32, #tpu.memory_space<vmem_shared>> -> memref<6160xf32, #tpu.memory_space<vmem_shared>>
        tpu.wait_dma2 semaphore(%run_scoped3A_586 : memref<!tpu.dma_semaphore, #tpu.memory_space<semaphore_mem>>) src(%dma_wait3A_598 : memref<6160xf32, #tpu.memory_space<vmem_shared>>) dst(%dma_wait3A_597 : memref<6160xf32, #tpu.memory_space<vmem>>)
        tpu.yield
      }) : () -> ()
      "tpu.region"() ({
        %run_scoped3A_586 = tpu.sem_alloc : memref<!tpu.dma_semaphore, #tpu.memory_space<semaphore_mem>>
        %dma_start3A_587 = arith.constant 0 : i32
        %dma_start3A_588 = tpu.memref_slice %arg19[%dma_start3A_587] : memref<6256xf32, #tpu.memory_space<vmem>> -> memref<6160xf32, #tpu.memory_space<vmem>>
        %dma_start3A_589 = tpu.memref_slice %arg9[%add3A_575] : memref<200000xf32, #tpu.memory_space<hbm>> -> memref<6160xf32, #tpu.memory_space<hbm>>
        %dma_start3A_590 = tpu.memref_slice %arg9[%add3A_575] : memref<200000xf32, #tpu.memory_space<hbm>> -> memref<6160xf32, #tpu.memory_space<hbm>>
        %dma_start3A_591 = arith.constant 0 : i32
        %dma_start3A_592 = tpu.memref_slice %arg19[%dma_start3A_591] : memref<6256xf32, #tpu.memory_space<vmem>> -> memref<6160xf32, #tpu.memory_space<vmem>>
        tpu.enqueue_dma source(%dma_start3A_592 : memref<6160xf32, #tpu.memory_space<vmem>>) target(%dma_start3A_590 : memref<6160xf32, #tpu.memory_space<hbm>>) target_semaphore(%run_scoped3A_586 : memref<!tpu.dma_semaphore, #tpu.memory_space<semaphore_mem>>)
        %dma_wait3A_593 = arith.constant 0 : i32
        %dma_wait3A_594 = tpu.memref_slice %arg19[%dma_wait3A_593] : memref<6256xf32, #tpu.memory_space<vmem>> -> memref<6160xf32, #tpu.memory_space<vmem>>
        %dma_wait3A_595 = tpu.memref_slice %arg9[%add3A_575] : memref<200000xf32, #tpu.memory_space<hbm>> -> memref<6160xf32, #tpu.memory_space<hbm>>
        %dma_wait3A_596 = tpu.memref_slice %arg9[%add3A_575] : memref<200000xf32, #tpu.memory_space<hbm>> -> memref<6160xf32, #tpu.memory_space<hbm>>
        %dma_wait3A_597 = arith.constant 0 : i32
        %dma_wait3A_598 = tpu.memref_slice %arg19[%dma_wait3A_597] : memref<6256xf32, #tpu.memory_space<vmem>> -> memref<6160xf32, #tpu.memory_space<vmem>>
        tpu.wait_dma2 semaphore(%run_scoped3A_586 : memref<!tpu.dma_semaphore, #tpu.memory_space<semaphore_mem>>) src(%dma_wait3A_598 : memref<6160xf32, #tpu.memory_space<vmem>>) dst(%dma_wait3A_596 : memref<6160xf32, #tpu.memory_space<hbm>>)
        tpu.yield
      }) : () -> ()
      "tpu.region"() ({
        %run_scoped3A_586 = tpu.sem_alloc : memref<!tpu.dma_semaphore, #tpu.memory_space<semaphore_mem>>
        %dma_start3A_587 = arith.constant 0 : i32
        %dma_start3A_588 = tpu.memref_slice %arg19[%dma_start3A_587] : memref<6256xf32, #tpu.memory_space<vmem>> -> memref<6160xf32, #tpu.memory_space<vmem>>
        %dma_start3A_589 = tpu.memref_slice %arg16[%mul3A_12] : memref<100000xf32, #tpu.memory_space<vmem_shared>> -> memref<6160xf32, #tpu.memory_space<vmem_shared>>
        %dma_start3A_590 = arith.constant 0 : i32
        %dma_start3A_591 = tpu.memref_slice %arg19[%dma_start3A_590] : memref<6256xf32, #tpu.memory_space<vmem>> -> memref<6160xf32, #tpu.memory_space<vmem>>
        %dma_start3A_592 = tpu.memref_slice %arg16[%mul3A_12] : memref<100000xf32, #tpu.memory_space<vmem_shared>> -> memref<6160xf32, #tpu.memory_space<vmem_shared>>
        tpu.enqueue_dma source(%dma_start3A_592 : memref<6160xf32, #tpu.memory_space<vmem_shared>>) target(%dma_start3A_591 : memref<6160xf32, #tpu.memory_space<vmem>>) target_semaphore(%run_scoped3A_586 : memref<!tpu.dma_semaphore, #tpu.memory_space<semaphore_mem>>)
        %dma_wait3A_593 = arith.constant 0 : i32
        %dma_wait3A_594 = tpu.memref_slice %arg19[%dma_wait3A_593] : memref<6256xf32, #tpu.memory_space<vmem>> -> memref<6160xf32, #tpu.memory_space<vmem>>
        %dma_wait3A_595 = tpu.memref_slice %arg16[%mul3A_12] : memref<100000xf32, #tpu.memory_space<vmem_shared>> -> memref<6160xf32, #tpu.memory_space<vmem_shared>>
        %dma_wait3A_596 = arith.constant 0 : i32
        %dma_wait3A_597 = tpu.memref_slice %arg19[%dma_wait3A_596] : memref<6256xf32, #tpu.memory_space<vmem>> -> memref<6160xf32, #tpu.memory_space<vmem>>
        %dma_wait3A_598 = tpu.memref_slice %arg16[%mul3A_12] : memref<100000xf32, #tpu.memory_space<vmem_shared>> -> memref<6160xf32, #tpu.memory_space<vmem_shared>>
        tpu.wait_dma2 semaphore(%run_scoped3A_586 : memref<!tpu.dma_semaphore, #tpu.memory_space<semaphore_mem>>) src(%dma_wait3A_598 : memref<6160xf32, #tpu.memory_space<vmem_shared>>) dst(%dma_wait3A_597 : memref<6160xf32, #tpu.memory_space<vmem>>)
        tpu.yield
      }) : () -> ()
      "tpu.region"() ({
        %run_scoped3A_586 = tpu.sem_alloc : memref<!tpu.dma_semaphore, #tpu.memory_space<semaphore_mem>>
        %dma_start3A_587 = arith.constant 0 : i32
        %dma_start3A_588 = tpu.memref_slice %arg19[%dma_start3A_587] : memref<6256xf32, #tpu.memory_space<vmem>> -> memref<6160xf32, #tpu.memory_space<vmem>>
        %dma_start3A_589 = tpu.memref_slice %arg10[%add3A_575] : memref<200000xf32, #tpu.memory_space<hbm>> -> memref<6160xf32, #tpu.memory_space<hbm>>
        %dma_start3A_590 = tpu.memref_slice %arg10[%add3A_575] : memref<200000xf32, #tpu.memory_space<hbm>> -> memref<6160xf32, #tpu.memory_space<hbm>>
        %dma_start3A_591 = arith.constant 0 : i32
        %dma_start3A_592 = tpu.memref_slice %arg19[%dma_start3A_591] : memref<6256xf32, #tpu.memory_space<vmem>> -> memref<6160xf32, #tpu.memory_space<vmem>>
        tpu.enqueue_dma source(%dma_start3A_592 : memref<6160xf32, #tpu.memory_space<vmem>>) target(%dma_start3A_590 : memref<6160xf32, #tpu.memory_space<hbm>>) target_semaphore(%run_scoped3A_586 : memref<!tpu.dma_semaphore, #tpu.memory_space<semaphore_mem>>)
        %dma_wait3A_593 = arith.constant 0 : i32
        %dma_wait3A_594 = tpu.memref_slice %arg19[%dma_wait3A_593] : memref<6256xf32, #tpu.memory_space<vmem>> -> memref<6160xf32, #tpu.memory_space<vmem>>
        %dma_wait3A_595 = tpu.memref_slice %arg10[%add3A_575] : memref<200000xf32, #tpu.memory_space<hbm>> -> memref<6160xf32, #tpu.memory_space<hbm>>
        %dma_wait3A_596 = tpu.memref_slice %arg10[%add3A_575] : memref<200000xf32, #tpu.memory_space<hbm>> -> memref<6160xf32, #tpu.memory_space<hbm>>
        %dma_wait3A_597 = arith.constant 0 : i32
        %dma_wait3A_598 = tpu.memref_slice %arg19[%dma_wait3A_597] : memref<6256xf32, #tpu.memory_space<vmem>> -> memref<6160xf32, #tpu.memory_space<vmem>>
        tpu.wait_dma2 semaphore(%run_scoped3A_586 : memref<!tpu.dma_semaphore, #tpu.memory_space<semaphore_mem>>) src(%dma_wait3A_598 : memref<6160xf32, #tpu.memory_space<vmem>>) dst(%dma_wait3A_596 : memref<6160xf32, #tpu.memory_space<hbm>>)
        tpu.yield
      }) : () -> ()
      "tpu.region"() ({
        %run_scoped3A_586 = tpu.sem_alloc : memref<!tpu.dma_semaphore, #tpu.memory_space<semaphore_mem>>
        %dma_start3A_587 = arith.constant 0 : i32
        %dma_start3A_588 = tpu.memref_slice %arg19[%dma_start3A_587] : memref<6256xf32, #tpu.memory_space<vmem>> -> memref<6160xf32, #tpu.memory_space<vmem>>
        %dma_start3A_589 = tpu.memref_slice %arg17[%mul3A_12] : memref<100000xf32, #tpu.memory_space<vmem_shared>> -> memref<6160xf32, #tpu.memory_space<vmem_shared>>
        %dma_start3A_590 = arith.constant 0 : i32
        %dma_start3A_591 = tpu.memref_slice %arg19[%dma_start3A_590] : memref<6256xf32, #tpu.memory_space<vmem>> -> memref<6160xf32, #tpu.memory_space<vmem>>
        %dma_start3A_592 = tpu.memref_slice %arg17[%mul3A_12] : memref<100000xf32, #tpu.memory_space<vmem_shared>> -> memref<6160xf32, #tpu.memory_space<vmem_shared>>
        tpu.enqueue_dma source(%dma_start3A_592 : memref<6160xf32, #tpu.memory_space<vmem_shared>>) target(%dma_start3A_591 : memref<6160xf32, #tpu.memory_space<vmem>>) target_semaphore(%run_scoped3A_586 : memref<!tpu.dma_semaphore, #tpu.memory_space<semaphore_mem>>)
        %dma_wait3A_593 = arith.constant 0 : i32
        %dma_wait3A_594 = tpu.memref_slice %arg19[%dma_wait3A_593] : memref<6256xf32, #tpu.memory_space<vmem>> -> memref<6160xf32, #tpu.memory_space<vmem>>
        %dma_wait3A_595 = tpu.memref_slice %arg17[%mul3A_12] : memref<100000xf32, #tpu.memory_space<vmem_shared>> -> memref<6160xf32, #tpu.memory_space<vmem_shared>>
        %dma_wait3A_596 = arith.constant 0 : i32
        %dma_wait3A_597 = tpu.memref_slice %arg19[%dma_wait3A_596] : memref<6256xf32, #tpu.memory_space<vmem>> -> memref<6160xf32, #tpu.memory_space<vmem>>
        %dma_wait3A_598 = tpu.memref_slice %arg17[%mul3A_12] : memref<100000xf32, #tpu.memory_space<vmem_shared>> -> memref<6160xf32, #tpu.memory_space<vmem_shared>>
        tpu.wait_dma2 semaphore(%run_scoped3A_586 : memref<!tpu.dma_semaphore, #tpu.memory_space<semaphore_mem>>) src(%dma_wait3A_598 : memref<6160xf32, #tpu.memory_space<vmem_shared>>) dst(%dma_wait3A_597 : memref<6160xf32, #tpu.memory_space<vmem>>)
        tpu.yield
      }) : () -> ()
      "tpu.region"() ({
        %run_scoped3A_586 = tpu.sem_alloc : memref<!tpu.dma_semaphore, #tpu.memory_space<semaphore_mem>>
        %dma_start3A_587 = arith.constant 0 : i32
        %dma_start3A_588 = tpu.memref_slice %arg19[%dma_start3A_587] : memref<6256xf32, #tpu.memory_space<vmem>> -> memref<6160xf32, #tpu.memory_space<vmem>>
        %dma_start3A_589 = tpu.memref_slice %arg11[%add3A_575] : memref<200000xf32, #tpu.memory_space<hbm>> -> memref<6160xf32, #tpu.memory_space<hbm>>
        %dma_start3A_590 = tpu.memref_slice %arg11[%add3A_575] : memref<200000xf32, #tpu.memory_space<hbm>> -> memref<6160xf32, #tpu.memory_space<hbm>>
        %dma_start3A_591 = arith.constant 0 : i32
        %dma_start3A_592 = tpu.memref_slice %arg19[%dma_start3A_591] : memref<6256xf32, #tpu.memory_space<vmem>> -> memref<6160xf32, #tpu.memory_space<vmem>>
        tpu.enqueue_dma source(%dma_start3A_592 : memref<6160xf32, #tpu.memory_space<vmem>>) target(%dma_start3A_590 : memref<6160xf32, #tpu.memory_space<hbm>>) target_semaphore(%run_scoped3A_586 : memref<!tpu.dma_semaphore, #tpu.memory_space<semaphore_mem>>)
        %dma_wait3A_593 = arith.constant 0 : i32
        %dma_wait3A_594 = tpu.memref_slice %arg19[%dma_wait3A_593] : memref<6256xf32, #tpu.memory_space<vmem>> -> memref<6160xf32, #tpu.memory_space<vmem>>
        %dma_wait3A_595 = tpu.memref_slice %arg11[%add3A_575] : memref<200000xf32, #tpu.memory_space<hbm>> -> memref<6160xf32, #tpu.memory_space<hbm>>
        %dma_wait3A_596 = tpu.memref_slice %arg11[%add3A_575] : memref<200000xf32, #tpu.memory_space<hbm>> -> memref<6160xf32, #tpu.memory_space<hbm>>
        %dma_wait3A_597 = arith.constant 0 : i32
        %dma_wait3A_598 = tpu.memref_slice %arg19[%dma_wait3A_597] : memref<6256xf32, #tpu.memory_space<vmem>> -> memref<6160xf32, #tpu.memory_space<vmem>>
        tpu.wait_dma2 semaphore(%run_scoped3A_586 : memref<!tpu.dma_semaphore, #tpu.memory_space<semaphore_mem>>) src(%dma_wait3A_598 : memref<6160xf32, #tpu.memory_space<vmem>>) dst(%dma_wait3A_596 : memref<6160xf32, #tpu.memory_space<hbm>>)
        tpu.yield
      }) : () -> ()
    } else {
    }
    return
  }
}

module attributes {stable_mosaic.version = 14 : i64} {
  func.func @_ef_mse_body(%arg0: memref<6x100000xf32, #tpu.memory_space<vmem>>, %arg1: memref<6x100000xf32, #tpu.memory_space<vmem>>, %arg2: memref<1x6xf32, #tpu.memory_space<vmem>>, %arg3: memref<1x6xf32, #tpu.memory_space<vmem>>, %arg4: memref<2x100000xf32, #tpu.memory_space<vmem>>, %arg5: memref<1x1xf32, #tpu.memory_space<vmem>>) attributes {dimension_semantics = [], scalar_prefetch = 0 : i64, scratch_operands = 0 : i64, tpu.core_type = #tpu.core_type<tc>} {
    %get3A = arith.constant 0 : index
    %get3A_0 = arith.constant 0 : index
    %get3A_1 = vector.load %arg0[%get3A, %get3A_0] : memref<6x100000xf32, #tpu.memory_space<vmem>>, vector<1x100000xf32>
    %get3A_2 = arith.constant 0 : index
    %get3A_3 = arith.constant 0 : index
    %get3A_4 = vector.load %arg2[%get3A_2, %get3A_3] : memref<1x6xf32, #tpu.memory_space<vmem>>, vector<1x1xf32>
    %get3A_5 = vector.extract %get3A_4[0, 0] : f32 from vector<1x1xf32>
    %mul3A = vector.broadcast %get3A_5 : f32 to vector<1x100000xf32>
    %mul3A_6 = arith.mulf %get3A_1, %mul3A : vector<1x100000xf32>
    %get3A_7 = arith.constant 0 : index
    %get3A_8 = arith.constant 0 : index
    %get3A_9 = vector.load %arg3[%get3A_7, %get3A_8] : memref<1x6xf32, #tpu.memory_space<vmem>>, vector<1x1xf32>
    %get3A_10 = vector.extract %get3A_9[0, 0] : f32 from vector<1x1xf32>
    %add3A = vector.broadcast %get3A_10 : f32 to vector<1x100000xf32>
    %add3A_11 = arith.addf %mul3A_6, %add3A : vector<1x100000xf32>
    %get3A_12 = arith.constant 1 : index
    %get3A_13 = arith.constant 0 : index
    %get3A_14 = vector.load %arg0[%get3A_12, %get3A_13] : memref<6x100000xf32, #tpu.memory_space<vmem>>, vector<1x100000xf32>
    %get3A_15 = arith.constant 0 : index
    %get3A_16 = arith.constant 1 : index
    %get3A_17 = vector.load %arg2[%get3A_15, %get3A_16] : memref<1x6xf32, #tpu.memory_space<vmem>>, vector<1x1xf32>
    %get3A_18 = vector.extract %get3A_17[0, 0] : f32 from vector<1x1xf32>
    %mul3A_19 = vector.broadcast %get3A_18 : f32 to vector<1x100000xf32>
    %mul3A_20 = arith.mulf %get3A_14, %mul3A_19 : vector<1x100000xf32>
    %get3A_21 = arith.constant 0 : index
    %get3A_22 = arith.constant 1 : index
    %get3A_23 = vector.load %arg3[%get3A_21, %get3A_22] : memref<1x6xf32, #tpu.memory_space<vmem>>, vector<1x1xf32>
    %get3A_24 = vector.extract %get3A_23[0, 0] : f32 from vector<1x1xf32>
    %add3A_25 = vector.broadcast %get3A_24 : f32 to vector<1x100000xf32>
    %add3A_26 = arith.addf %mul3A_20, %add3A_25 : vector<1x100000xf32>
    %mul3A_27 = arith.constant 0.0174532924 : f32
    %mul3A_28 = vector.broadcast %mul3A_27 : f32 to vector<1x100000xf32>
    %mul3A_29 = arith.mulf %add3A_26, %mul3A_28 : vector<1x100000xf32>
    %cos3A = math.cos %mul3A_29 : vector<1x100000xf32>
    %mul3A_30 = arith.mulf %add3A_11, %cos3A : vector<1x100000xf32>
    %swap3A = arith.constant 0 : index
    %swap3A_31 = arith.constant 0 : index
    %swap3A_32 = vector.load %arg4[%swap3A, %swap3A_31] : memref<2x100000xf32, #tpu.memory_space<vmem>>, vector<1x100000xf32>
    tpu.vector_store %arg4[%swap3A, %swap3A_31], %mul3A_30 {strides = array<i32>} : memref<2x100000xf32, #tpu.memory_space<vmem>>, vector<1x100000xf32>,
    %sin3A = math.sin %mul3A_29 : vector<1x100000xf32>
    %mul3A_33 = arith.mulf %add3A_11, %sin3A : vector<1x100000xf32>
    %swap3A_34 = arith.constant 1 : index
    %swap3A_35 = arith.constant 0 : index
    %swap3A_36 = vector.load %arg4[%swap3A_34, %swap3A_35] : memref<2x100000xf32, #tpu.memory_space<vmem>>, vector<1x100000xf32>
    tpu.vector_store %arg4[%swap3A_34, %swap3A_35], %mul3A_33 {strides = array<i32>} : memref<2x100000xf32, #tpu.memory_space<vmem>>, vector<1x100000xf32>,
    %get3A_37 = arith.constant 0 : index
    %get3A_38 = arith.constant 0 : index
    %get3A_39 = vector.load %arg0[%get3A_37, %get3A_38] : memref<6x100000xf32, #tpu.memory_space<vmem>>, vector<6x100000xf32>
    %get3A_40 = arith.constant 0 : index
    %get3A_41 = arith.constant 0 : index
    %get3A_42 = vector.load %arg1[%get3A_40, %get3A_41] : memref<6x100000xf32, #tpu.memory_space<vmem>>, vector<6x100000xf32>
    %sub3A = arith.subf %get3A_39, %get3A_42 : vector<6x100000xf32>
    %mul3A_43 = arith.mulf %sub3A, %sub3A : vector<6x100000xf32>
    %reduce_sum3A = vector.shape_cast %mul3A_43 : vector<6x100000xf32> to vector<1x6x100000xf32>
    %reduce_sum3A_44 = arith.constant dense<0.000000e+00> : vector<1xf32>
    %reduce_sum3A_45 = vector.multi_reduction <add>, %reduce_sum3A, %reduce_sum3A_44 [1, 2] : vector<1x6x100000xf32> to vector<1xf32>
    %reduce_sum3A_46 = vector.shape_cast %reduce_sum3A_45 : vector<1xf32> to vector<1x1x1xf32>
    %reduce_sum3A_47 = vector.extract %reduce_sum3A_46[0, 0, 0] : f32 from vector<1x1x1xf32>
    %broadcast_in_dim3A = vector.broadcast %reduce_sum3A_47 : f32 to vector<1x1xf32>
    %swap3A_48 = arith.constant 0 : index
    %swap3A_49 = arith.constant 0 : index
    %swap3A_50 = vector.load %arg5[%swap3A_48, %swap3A_49] : memref<1x1xf32, #tpu.memory_space<vmem>>, vector<1x1xf32>
    tpu.vector_store %arg5[%swap3A_48, %swap3A_49], %broadcast_in_dim3A {strides = array<i32>} : memref<1x1xf32, #tpu.memory_space<vmem>>, vector<1x1xf32>,
    return
  }
}

module attributes {stable_mosaic.version = 14 : i64} {
  func.func @_loss_body(%arg0: memref<6x100000xf32, #tpu.memory_space<vmem>>, %arg1: memref<1x1xf32, #tpu.memory_space<vmem>>, %arg2: memref<2x100000xf32, #tpu.memory_space<vmem>>, %arg3: memref<2x100000xf32, #tpu.memory_space<vmem>>, %arg4: memref<2x100000xf32, #tpu.memory_space<vmem>>, %arg5: memref<2x100000xf32, #tpu.memory_space<vmem>>, %arg6: memref<4x128xi32, #tpu.memory_space<vmem>>, %arg7: memref<1x6xf32, #tpu.memory_space<vmem>>, %arg8: memref<1x6xf32, #tpu.memory_space<vmem>>, %arg9: memref<1x1xf32, #tpu.memory_space<vmem>>) attributes {dimension_semantics = [], scalar_prefetch = 0 : i64, scratch_operands = 0 : i64, tpu.core_type = #tpu.core_type<tc>} {
    %get3A = arith.constant 0 : index
    %get3A_0 = arith.constant 0 : index
    %get3A_1 = vector.load %arg6[%get3A, %get3A_0] : memref<4x128xi32, #tpu.memory_space<vmem>>, vector<4x128xi32>
    %ne3A = arith.constant 0 : i32
    %ne3A_2 = vector.broadcast %ne3A : i32 to vector<4x128xi32>
    %ne3A_3 = arith.cmpi ne, %get3A_1, %ne3A_2 : vector<4x128xi32>
    %reduce_or3A = arith.constant 1.000000e+00 : f32
    %reduce_or3A_4 = arith.constant 0.000000e+00 : f32
    %reduce_or3A_5 = vector.broadcast %reduce_or3A : f32 to vector<4x128xf32>
    %reduce_or3A_6 = vector.broadcast %reduce_or3A_4 : f32 to vector<4x128xf32>
    %reduce_or3A_7 = arith.select %ne3A_3, %reduce_or3A_5, %reduce_or3A_6 : vector<4x128xi1>, vector<4x128xf32>
    %reduce_or3A_8 = vector.shape_cast %reduce_or3A_7 : vector<4x128xf32> to vector<1x4x128xf32>
    %reduce_or3A_9 = arith.constant dense<0xFF800000> : vector<1xf32>
    %reduce_or3A_10 = vector.multi_reduction <maximumf>, %reduce_or3A_8, %reduce_or3A_9 [1, 2] : vector<1x4x128xf32> to vector<1xf32>
    %reduce_or3A_11 = vector.shape_cast %reduce_or3A_10 : vector<1xf32> to vector<1x1x1xf32>
    %reduce_or3A_12 = vector.extract %reduce_or3A_11[0, 0, 0] : f32 from vector<1x1x1xf32>
    %reduce_or3A_13 = arith.constant 0.000000e+00 : f32
    %reduce_or3A_14 = arith.cmpf ogt, %reduce_or3A_12, %reduce_or3A_13 : f32
    %jit3A = arith.constant 0.000000e+00 : f32
    %jit3A_15 = arith.constant 1.000000e+00 : f32
    %select_n3A = arith.select %reduce_or3A_14, %jit3A, %jit3A_15 : f32
    %get3A_16 = arith.constant 0 : index
    %get3A_17 = arith.constant 0 : index
    %get3A_18 = vector.load %arg2[%get3A_16, %get3A_17] : memref<2x100000xf32, #tpu.memory_space<vmem>>, vector<1x100000xf32>
    %get3A_19 = arith.constant 1 : index
    %get3A_20 = arith.constant 0 : index
    %get3A_21 = vector.load %arg2[%get3A_19, %get3A_20] : memref<2x100000xf32, #tpu.memory_space<vmem>>, vector<1x100000xf32>
    %add3A = arith.addf %get3A_18, %get3A_21 : vector<1x100000xf32>
    %get3A_22 = arith.constant 0 : index
    %get3A_23 = arith.constant 0 : index
    %get3A_24 = vector.load %arg4[%get3A_22, %get3A_23] : memref<2x100000xf32, #tpu.memory_space<vmem>>, vector<1x100000xf32>
    %get3A_25 = arith.constant 1 : index
    %get3A_26 = arith.constant 0 : index
    %get3A_27 = vector.load %arg4[%get3A_25, %get3A_26] : memref<2x100000xf32, #tpu.memory_space<vmem>>, vector<1x100000xf32>
    %add3A_28 = arith.addf %get3A_24, %get3A_27 : vector<1x100000xf32>
    %mul3A = vector.broadcast %select_n3A : f32 to vector<1x100000xf32>
    %mul3A_29 = arith.mulf %mul3A, %add3A_28 : vector<1x100000xf32>
    %add3A_30 = arith.addf %add3A, %mul3A_29 : vector<1x100000xf32>
    %get3A_31 = arith.constant 0 : index
    %get3A_32 = arith.constant 0 : index
    %get3A_33 = vector.load %arg3[%get3A_31, %get3A_32] : memref<2x100000xf32, #tpu.memory_space<vmem>>, vector<1x100000xf32>
    %get3A_34 = arith.constant 1 : index
    %get3A_35 = arith.constant 0 : index
    %get3A_36 = vector.load %arg3[%get3A_34, %get3A_35] : memref<2x100000xf32, #tpu.memory_space<vmem>>, vector<1x100000xf32>
    %add3A_37 = arith.addf %get3A_33, %get3A_36 : vector<1x100000xf32>
    %get3A_38 = arith.constant 0 : index
    %get3A_39 = arith.constant 0 : index
    %get3A_40 = vector.load %arg5[%get3A_38, %get3A_39] : memref<2x100000xf32, #tpu.memory_space<vmem>>, vector<1x100000xf32>
    %get3A_41 = arith.constant 1 : index
    %get3A_42 = arith.constant 0 : index
    %get3A_43 = vector.load %arg5[%get3A_41, %get3A_42] : memref<2x100000xf32, #tpu.memory_space<vmem>>, vector<1x100000xf32>
    %add3A_44 = arith.addf %get3A_40, %get3A_43 : vector<1x100000xf32>
    %mul3A_45 = vector.broadcast %select_n3A : f32 to vector<1x100000xf32>
    %mul3A_46 = arith.mulf %mul3A_45, %add3A_44 : vector<1x100000xf32>
    %add3A_47 = arith.addf %add3A_37, %mul3A_46 : vector<1x100000xf32>
    %get3A_48 = arith.constant 2 : index
    %get3A_49 = arith.constant 0 : index
    %get3A_50 = vector.load %arg0[%get3A_48, %get3A_49] : memref<6x100000xf32, #tpu.memory_space<vmem>>, vector<1x100000xf32>
    %get3A_51 = arith.constant 0 : index
    %get3A_52 = arith.constant 2 : index
    %get3A_53 = vector.load %arg7[%get3A_51, %get3A_52] : memref<1x6xf32, #tpu.memory_space<vmem>>, vector<1x1xf32>
    %get3A_54 = vector.extract %get3A_53[0, 0] : f32 from vector<1x1xf32>
    %mul3A_55 = vector.broadcast %get3A_54 : f32 to vector<1x100000xf32>
    %mul3A_56 = arith.mulf %get3A_50, %mul3A_55 : vector<1x100000xf32>
    %get3A_57 = arith.constant 0 : index
    %get3A_58 = arith.constant 2 : index
    %get3A_59 = vector.load %arg8[%get3A_57, %get3A_58] : memref<1x6xf32, #tpu.memory_space<vmem>>, vector<1x1xf32>
    %get3A_60 = vector.extract %get3A_59[0, 0] : f32 from vector<1x1xf32>
    %add3A_61 = vector.broadcast %get3A_60 : f32 to vector<1x100000xf32>
    %add3A_62 = arith.addf %mul3A_56, %add3A_61 : vector<1x100000xf32>
    %get3A_63 = arith.constant 3 : index
    %get3A_64 = arith.constant 0 : index
    %get3A_65 = vector.load %arg0[%get3A_63, %get3A_64] : memref<6x100000xf32, #tpu.memory_space<vmem>>, vector<1x100000xf32>
    %get3A_66 = arith.constant 0 : index
    %get3A_67 = arith.constant 3 : index
    %get3A_68 = vector.load %arg7[%get3A_66, %get3A_67] : memref<1x6xf32, #tpu.memory_space<vmem>>, vector<1x1xf32>
    %get3A_69 = vector.extract %get3A_68[0, 0] : f32 from vector<1x1xf32>
    %mul3A_70 = vector.broadcast %get3A_69 : f32 to vector<1x100000xf32>
    %mul3A_71 = arith.mulf %get3A_65, %mul3A_70 : vector<1x100000xf32>
    %get3A_72 = arith.constant 0 : index
    %get3A_73 = arith.constant 3 : index
    %get3A_74 = vector.load %arg8[%get3A_72, %get3A_73] : memref<1x6xf32, #tpu.memory_space<vmem>>, vector<1x1xf32>
    %get3A_75 = vector.extract %get3A_74[0, 0] : f32 from vector<1x1xf32>
    %add3A_76 = vector.broadcast %get3A_75 : f32 to vector<1x100000xf32>
    %add3A_77 = arith.addf %mul3A_71, %add3A_76 : vector<1x100000xf32>
    %sub3A = arith.subf %add3A_62, %add3A_30 : vector<1x100000xf32>
    %sub3A_78 = arith.subf %add3A_77, %add3A_47 : vector<1x100000xf32>
    %mul3A_79 = arith.mulf %sub3A, %sub3A : vector<1x100000xf32>
    %mul3A_80 = arith.mulf %sub3A_78, %sub3A_78 : vector<1x100000xf32>
    %add3A_81 = arith.addf %mul3A_79, %mul3A_80 : vector<1x100000xf32>
    %reduce_sum3A = vector.shape_cast %add3A_81 : vector<1x100000xf32> to vector<1x1x100000xf32>
    %reduce_sum3A_82 = arith.constant dense<0.000000e+00> : vector<1xf32>
    %reduce_sum3A_83 = vector.multi_reduction <add>, %reduce_sum3A, %reduce_sum3A_82 [1, 2] : vector<1x1x100000xf32> to vector<1xf32>
    %reduce_sum3A_84 = vector.shape_cast %reduce_sum3A_83 : vector<1xf32> to vector<1x1x1xf32>
    %reduce_sum3A_85 = vector.extract %reduce_sum3A_84[0, 0, 0] : f32 from vector<1x1x1xf32>
    %broadcast_in_dim3A = vector.broadcast %reduce_sum3A_85 : f32 to vector<1x1xf32>
    %get3A_86 = arith.constant 0 : index
    %get3A_87 = arith.constant 0 : index
    %get3A_88 = vector.load %arg1[%get3A_86, %get3A_87] : memref<1x1xf32, #tpu.memory_space<vmem>>, vector<1x1xf32>
    %mul3A_89 = arith.constant 8.33333331E-7 : f32
    %mul3A_90 = vector.broadcast %mul3A_89 : f32 to vector<1x1xf32>
    %mul3A_91 = arith.mulf %mul3A_90, %get3A_88 : vector<1x1xf32>
    %mul3A_92 = arith.constant 1.000000e-07 : f32
    %mul3A_93 = vector.broadcast %mul3A_92 : f32 to vector<1x1xf32>
    %mul3A_94 = arith.mulf %mul3A_93, %broadcast_in_dim3A : vector<1x1xf32>
    %add3A_95 = arith.addf %mul3A_91, %mul3A_94 : vector<1x1xf32>
    %swap3A = arith.constant 0 : index
    %swap3A_96 = arith.constant 0 : index
    %swap3A_97 = vector.load %arg9[%swap3A, %swap3A_96] : memref<1x1xf32, #tpu.memory_space<vmem>>, vector<1x1xf32>
    tpu.vector_store %arg9[%swap3A, %swap3A_96], %add3A_95 {strides = array<i32>} : memref<1x1xf32, #tpu.memory_space<vmem>>, vector<1x1xf32>,
    return
  }
}

</mosaic_0001>

<sc_bundles>
// kernel: kernel.5.cloned.1.call-start
scs
__scs_entry_jumppad:
0x0: {  	(pc) =	sbr.rel $0x88, $3  }
0x1: {  	(tag) =	ssettag $0x0;
	lr =	simm.s32 $0x1  }
0x2: {  	[smem:$0x3F99] =	sst lr;
	_ =	strace $0xD0000000  }
0x3: {  	_ = 	snop  }
0x4: {  	_ = 	snop  }
0x5: {  	_ = 	snop  }
0x6: {  	_ = 	snop  }
0x7: {  	_ = 	snop  }
__scs_overlays_trampoline_lowered:
0x8: {  	[smem:$0x3FA8] =	sst s0  }
0x9: {  	[smem:$0x3FA9] =	sst s1  }
0xa: {  	[smem:$0x3FAA] =	sst s2  }
0xb: {  	[smem:$0x3FAB] =	sst s3  }
0xc: {  	[smem:$0x3FAC] =	sst s4  }
0xd: {  	[smem:$0x3FAD] =	sst s5  }
0xe: {  	[smem:$0x3FAE] =	sst s6  }
0xf: {  	[smem:$0x3FAF] =	sst s7  }
0x10: {  	[smem:$0x3FB0] =	sst s8  }
0x11: {  	[smem:$0x3FB1] =	sst s9;
	s0 =	simm.s32 @!p0 $0x0  }
0x12: {  	s1 =	sld [smem:$0x3F97];
	s0 =	simm.s32 @p0 $0x1  }
0x13: {  	[smem:$0x3FB2] =	sst s0;
	s0 =	simm.s32 @!p1 $0x0  }
0x14: {  	s2 =	sld [smem:$0x3F96];
	s0 =	simm.s32 @p1 $0x1  }
0x15: {  	[smem:$0x3FB3] =	sst s0;
	s0 =	simm.s32 @!p2 $0x0  }
0x16: {  	s3 =	sld [smem:$0x3FDB];
	s0 =	simm.s32 @p2 $0x1  }
0x17: {  	s4 =	simm.s32 $0x1BF5;
	[smem:$0x3FB5] =	sst s0  }
0x18: {  	s0 =	sld [smem:$0x3F98];
	_ =	swait.ge [sflag:s4], $0x0  }
0x19: {  	s7 =	sld [smem:$0x3F99]  }
0x1a: {  	s8 =	sadd.s32 $0xFFFFE003, lr  }
0x1b: {  	s9 =	sadd.s32 $0xFFFFFEF7, lr;
	s5 =	simm.s32 $0xFFFFFFFF;
	p2 =	slt.u32 s8, $0xFFFFF086  }
0x1c: {  	p1 =	slt.u32 s9, $0xF7A;
	s5 =	simm.s32 @!p2 $0x0  }
0x1d: {  	s5 =	simm.s32 @p1 $0x1;
	p0 =	seq.s32 s7, s2  }
0x1e: {  	s7 =	smul.u32 @!p0 $0xF7A, s2;
	p2 =	seq.s32 @!p0 s5, $0x0  }
0x1f: {  	s9 =	smul.u32 $0xF7A, s1;
	s8 =	simm.s32 @!p0 $0x1BF5;
	p2 =	por !p2, p0  }
0x20: {  	[sflag:s8] =	ssyncset.s32 @!p0 $0xFFFFF086;
	s6 =	sadd.s32 @!p0 s3, s7;
	s7 =	simm.s32 @!p0 $0x108  }
0x21: {  	s3 =	sadd.s32 s3, s9;
	s6 =	sadd.s32 @!p0 $0x88, s6;
	s7 =	simm.s32 @p2 $0x1082  }
0x22: {  	[simem:s7], [sflag:s8] =	dma.local @!p0 [hbm:s6], $0xF7A  }
0x23: {  	s9 =	sor.u32 $0xD0000000, s2;
	s6 =	simm.s32 $0x108;
	_ =	swait.ge @!p0 [sflag:s8], $0x0  }
0x24: {  	s3 =	sadd.s32 $0x88, s3;
	s6 =	simm.s32 @!p1 $0x1082;
	[sflag:s4] =	ssyncset.s32 $0xFFFFF086  }
0x25: {  	[simem:s6], [sflag:s4] =	dma.local [hbm:s3], $0xF7A  }
0x26: {  	[smem:$0x3F99] =	sst s1;
	(tag) =	ssettag s2;
	_ =	strace s9  }
0x27: {  	s1 =	sld [smem:$0x3FA9]  }
0x28: {  	s2 =	sld [smem:$0x3FAA]  }
0x29: {  	s4 =	sld [smem:$0x3FAC]  }
0x2a: {  	p0 =	seq.s32 s5, $0x0;
	s5 =	sld [smem:$0x3FAD]  }
0x2b: {  	s6 =	sld [smem:$0x3FAE]  }
0x2c: {  	s7 =	sld [smem:$0x3FAF]  }
0x2d: {  	s3 =	simm.s32 $0x108;
	s8 =	sld [smem:$0x3FB0]  }
0x2e: {  	s3 =	simm.s32 @!p0 $0x1082;
	s9 =	sld [smem:$0x3FB1]  }
0x2f: {  	lr =	sadd.s32 s0, s3;
	s0 =	sld [smem:$0x3FA8]  }
0x30: {  	s3 =	sld [smem:$0x3FAB]  }
0x31: {  	[smem:$0x3FB4] =	sst s10  }
0x32: {  	s10 =	sld [smem:$0x3FB2];
	_ =	sdelay $0x3  }
0x33: {  	p0 =	seq.s32 s10, $0x1;
	s10 =	sld [smem:$0x3FB4];
	_ =	sdelay $0x3  }
0x34: {  	[smem:$0x3FB4] =	sst s10  }
0x35: {  	s10 =	sld [smem:$0x3FB3];
	_ =	sdelay $0x3  }
0x36: {  	p1 =	seq.s32 s10, $0x1;
	s10 =	sld [smem:$0x3FB4];
	_ =	sdelay $0x3  }
0x37: {  	[smem:$0x3FB4] =	sst s10  }
0x38: {  	s10 =	sld [smem:$0x3FB5]  }
0x39: {  	_ = 	snop;
	(pc) =	sbr.ind lr, $3  }
0x3a: {  	_ = 	snop  }
0x3b: {  	_ = 	snop  }
0x3c: {  	p2 =	seq.s32 s10, $0x1;
	s10 =	sld [smem:$0x3FB4]  }
0x3d: {  	_ =	shalt  }
0x3e: {  	_ =	shalt  }
0x3f: {  	_ =	shalt  }
0x40: {  	_ =	shalt  }
0x41: {  	_ =	shalt  }
0x42: {  	_ =	shalt  }
0x43: {  	_ =	shalt  }
0x44: {  	_ =	shalt  }
0x45: {  	_ =	shalt  }
0x46: {  	_ =	shalt  }
0x47: {  	_ =	shalt  }
0x48: {  	_ =	shalt  }
0x49: {  	_ =	shalt  }
0x4a: {  	_ =	shalt  }
0x4b: {  	_ =	shalt  }
0x4c: {  	_ =	shalt  }
0x4d: {  	_ =	shalt  }
0x4e: {  	_ =	shalt  }
0x4f: {  	_ =	shalt  }
0x50: {  	_ =	shalt  }
0x51: {  	_ =	shalt  }
0x52: {  	_ =	shalt  }
0x53: {  	_ =	shalt  }
0x54: {  	_ =	shalt  }
0x55: {  	_ =	shalt  }
0x56: {  	_ =	shalt  }
0x57: {  	_ =	shalt  }
0x58: {  	_ =	shalt  }
0x59: {  	_ =	shalt  }
0x5a: {  	_ =	shalt  }
0x5b: {  	_ =	shalt  }
0x5c: {  	_ =	shalt  }
0x5d: {  	_ =	shalt  }
0x5e: {  	_ =	shalt  }
0x5f: {  	_ =	shalt  }
0x60: {  	_ =	shalt  }
0x61: {  	_ =	shalt  }
0x62: {  	_ =	shalt  }
0x63: {  	_ =	shalt  }
0x64: {  	_ =	shalt  }
0x65: {  	_ =	shalt  }
0x66: {  	_ =	shalt  }
0x67: {  	_ =	shalt  }
0x68: {  	_ =	shalt  }
0x69: {  	_ =	shalt  }
0x6a: {  	_ =	shalt  }
0x6b: {  	_ =	shalt  }
0x6c: {  	_ =	shalt  }
0x6d: {  	_ =	shalt  }
0x6e: {  	_ =	shalt  }
0x6f: {  	_ =	shalt  }
0x70: {  	_ =	shalt  }
0x71: {  	_ =	shalt  }
0x72: {  	_ =	shalt  }
0x73: {  	_ =	shalt  }
0x74: {  	_ =	shalt  }
0x75: {  	_ =	shalt  }
0x76: {  	_ =	shalt  }
0x77: {  	_ =	shalt  }
0x78: {  	_ =	shalt  }
0x79: {  	_ =	shalt  }
0x7a: {  	_ =	shalt  }
0x7b: {  	_ =	shalt  }
0x7c: {  	_ =	shalt  }
0x7d: {  	_ =	shalt  }
0x7e: {  	_ =	shalt  }
0x7f: {  	_ =	shalt  }
0x80: {  	_ =	shalt  }
0x81: {  	_ =	shalt  }
0x82: {  	_ =	shalt  }
0x83: {  	_ =	shalt  }
0x84: {  	_ =	shalt  }
0x85: {  	_ =	shalt  }
0x86: {  	_ =	shalt  }
0x87: {  	_ =	shalt  }
.Lfunc_end0:
.L_simem_size_0:
called_computation_lowered:
.L_overlay_start_0:
0x88: {  	s2 =	sld [smem:$0x3FD9]  }
0x89: {  	s3 =	sld [smem:$0x3FFE];
	_ =	sdelay $0x1  }
0x8a: {  	s1 =	srdreg.scid  }
0x8b: {  	s0 =	sand.u32 $0x1, s1  }
0x8c: {  	s17 =	sshll.u32 s0, $0xA;
	s2 =	sadd.s32 s3, s2  }
0x8d: {  	s2 =	sadd.s32 s2, s17  }
0x8e: {  	[smem:$0x3FC0] =	sst s2  }
0x8f: {  	_ = 	snop  }
0x90: {  	s2 =	sld [smem:$0x3FD0];
	(tm) =	ssettm $0x1  }
0x91: {  	s18 =	sld [smem:$0x3FFB];
	_ =	sdelay $0x3  }
0x92: {  	_ =	strace s18  }
0x93: {  	s3 =	sld [smem:$0x3FFC];
	_ =	sdelay $0x3  }
0x94: {  	_ =	strace s3  }
0x95: {  	s3 =	sld [smem:$0x3FFD];
	_ =	sdelay $0x3  }
0x96: {  	_ =	strace s3  }
0x97: {  	_ =	strace $0x8FFFFFFF  }
0x98: {  	s19 =	sld [smem:$0x3FDB];
	_ =	sdelay $0x1  }
0x99: {  	s4 =	simm.s32 $_scs_section_size  }
0x9a: {  	s5 =	simm.s32 $_size__tile_overlayer_lowered;
	s6 =	simm.s32 $_tile_overlayer_lowered  }
0x9b: {  	s22 =	simm.s32 $0x1BFF;
	s21 =	sshll.u32 s6, $0x1;
	s3 =	sadd.s32 s4, s19  }
0x9c: {  	s7 =	simm.s32 $0x0;
	s20 =	sshll.u32 s5, $0x1;
	s5 =	sadd.s32 s21, s3  }
0x9d: {  	[timem:s7], [sflag:s22] =	dma.local [hbm:s5], s20  }
0x9e: {  	_ =	swait.ge [sflag:s22], s20  }
0x9f: {  	s4 =	ssub.s32 $0x0, s20;
	[sflag:s22] =	ssyncset.done $0x0  }
0xa0: {  	[sflag:s22] =	ssyncadd.s32 s4;
	_ =	sdelay $0x1  }
0xa1: {  	s23 =	simm.s32 $0x1B8B  }
0xa2: {  	_ =	swait.ge [sflag:s23], $0x1  }
0xa3: {  	[sflag:s23] =	ssyncset.done $0x0  }
0xa4: {  	s25 =	simm.s32 $0x1B8E;
	s24 =	sld [smem:$0x3FFE];
	[sflag:s23] =	ssyncadd.s32 $0xFFFFFFFF  }
0xa5: {  	s26 =	simm.s32 $execute0_lowered;
	[smem:$0x3FD2] =	sst s25  }
0xa6: {  	s5 =	sshll.u32 s26, $0x1;
	_ =	strace $0x80000046;
	[dreg:$0x1] =	wrdreg $0xFFFFFFFF  }
0xa7: {  	s28 =	simm.s32 $_size_execute0_lowered;
	s3 =	sadd.s32 s3, s5;
	[dreg:$0x0] =	wrdreg $0x0  }
0xa8: {  	s5 =	sshll.u32 s28, $0x1;
	[dreg:$0x2] =	wrdreg s3  }
0xa9: {  	[dreg:$0x3] =	wrdreg s5  }
0xaa: {  	[dreg:$0x4] =	wrdreg $0xC0  }
0xab: {  	_ =	task [dreg:s7], $0x5FFFF  }
0xac: {  	[dreg:$0x1] =	wrdreg $0xFFFFFFFF  }
0xad: {  	[dreg:$0x0] =	wrdreg $0x60  }
0xae: {  	[dreg:$0x2] =	wrdreg s24  }
0xaf: {  	[dreg:$0x3] =	wrdreg s2  }
0xb0: {  	[dreg:$0x4] =	wrdreg $0x0  }
0xb1: {  	[dreg:$0x5] =	wrdreg $0x18700  }
0xb2: {  	[dreg:$0x6] =	wrdreg $0x30E00  }
0xb3: {  	[dreg:$0x7] =	wrdreg $0x49500  }
0xb4: {  	[dreg:$0x8] =	wrdreg $0x61C00  }
0xb5: {  	[dreg:$0x9] =	wrdreg $0x9  }
0xb6: {  	_ =	task.clear_ibuf [dreg:s7], $0xAFFFF;
	_ =	strace $0x90000046  }
0xb7: {  	s29 =	simm.s32 $0x9;
	_ =	strace $0x80000048  }
0xb8: {  	_ =	swait.ge [sflag:s29], $0x1  }
0xb9: {  	[sflag:s29] =	ssyncadd.s32 $0xFFFFFFFF  }
0xba: {  	_ =	strace $0x90000048  }
0xbb: {  	_ =	sfence  }
0xbc: {  	s30 =	sld [smem:$0x0];
	_ =	sdelay $0x2  }
0xbd: {  	s31 =	sshll.u32 s1, $0xD;
	s1 =	sshrl.u32 s1, $0x2  }
0xbe: {  	s3 =	sand.u32 $0x4000, s31;
	s1 =	sadd.s32 s1, s30  }
0xbf: {  	s0 =	sor.u32 s3, s0;
	s1 =	sshll.u32 s1, $0x11  }
0xc0: {  	s0 =	sor.u32 s1, s0  }
0xc1: {  	s0 =	sadd.s32 $0x8F2B, s0  }
0xc2: {  	[sflag:s0] =	ssyncadd.remote.s32 $0x1  }
0xc3: {  	_ =	sfence.sel $0xFFFF  }
0xc4: {  	[dreg:$0x0] =	wrdreg $0xFFFFFFFF;
	(pc) =	sbr.abs _section_cstart, $3  }
0xc5: {  	[dreg:$0x1] =	wrdreg $0xFFFFFFFF  }
0xc6: {  	_ =	task.clear_ibuf [dreg:s7], $0x2FFFF;
	_ =	strace $0x9FFFFFFF  }
0xc7: {  	(tm) =	ssettm $0x7FFFFFFF  }
tec
execute0_lowered:
.L_overlay_start_1:
0x0: {  	(tag) =	ssettag $0x1  }
0x1: {  	s0 =	rddreg [dreg:$0x0]  }
0x2: {  	s1 =	rddreg [dreg:$0x2]  }
0x3: {  	s3 =	rddreg [dreg:$0x3]  }
0x4: {  	s5 =	rddreg [dreg:$0x4]  }
0x5: {  	s6 =	rddreg [dreg:$0x5]  }
0x6: {  	s7 =	rddreg [dreg:$0x6];
	s23 =	stileid.u32  }
0x7: {  	s4 =	srdreg.scid;
	s8 =	simm.s32 $0x0;
	s2 =	smul.u32 $0x1870, s23  }
0x8: {  	s4 =	sand.u32 $0x1, s4;
	[smem:$0x7FF] =	sst s8;
	s11 =	sadd.s32 $0x2000, s0  }
0x9: {  	s13 =	sadd.s32 $0x97E00, s0;
	s12 =	smul.u32 $0x186A0, s23;
	s14 =	sadd.s32 $0x67000, s0  }
0xa: {  	s16 =	sadd.s32 $0xC8C00, s0;
	s26 =	sshll.u32 s23, $0x1;
	s10 =	smul.u32 $0x186A0, s4  }
0xb: {  	_ =	strace $0x80000047;
	s15 =	smul.u32 $0xC350, s4;
	[dreg:$0x12] =	wrdreg s16  }
0xc: {  	s16 =	sor.u32 s4, s26;
	s4 =	ssub.s32 $0x2, s4;
	s9 =	sshrl.u32 s2, $0x3  }
0xd: {  	s28 =	sshll.u32 s16, $0x1;
	s19 =	sadd.s32 s2, s1;
	s21 =	sadd.s32 s2, s3  }
0xe: {  	s16 =	smul.u32 $0xC350, s16;
	s9 =	sadd.s32 s9, s0;
	s10 =	sadd.s32 s2, s10  }
0xf: {  	s15 =	sadd.s32 s15, s12;
	s22 =	sadd.s32 s28, s0;
	[dreg:$0x14] =	wrdreg s19  }
0x10: {  	[smem:$0x7F6] =	sst s21;
	s10 =	sshrl.u32 s10, $0x3;
	s18 =	sadd.s32 $0x150, s15  }
0x11: {  	s9 =	sadd.s32 $0x63E00, s9;
	s25 =	sadd.s32 $0x186B50, s15;
	s16 =	sshrl.u32 s16, $0x3  }
0x12: {  	s10 =	sadd.s32 s10, s0;
	[dreg:$0x13] =	wrdreg s9;
	s21 =	sadd.s32 s13, s16  }
0x13: {  	s9 =	sshrl.u32 s25, $0x3;
	s25 =	sadd.s32 s14, s16;
	[dreg:$0x16] =	wrdreg s21  }
0x14: {  	s18 =	sshrl.u32 s18, $0x3;
	s0 =	sadd.s32 $0x66BD2, s0;
	[dreg:$0x17] =	wrdreg s25  }
0x15: {  	s17 =	sshrl.u32 s4, $0x1;
	s20 =	sadd.s32 s18, s14;
	[dreg:$0x1b] =	wrdreg s0  }
0x16: {  	s4 =	ssub.s32 s4, s17;
	s24 =	sadd.s32 s18, s13;
	[dreg:$0x8] =	wrdreg s20  }
0x17: {  	s26 =	sadd.s32 $0xD0, s15;
	s17 =	sadd.s32 s18, s11;
	[dreg:$0x9] =	wrdreg s24  }
0x18: {  	s28 =	sshrl.u32 s26, $0x3;
	s9 =	sadd.s32 s9, s11;
	[dreg:$0xa] =	wrdreg s17  }
0x19: {  	s12 =	sadd.s32 s28, s14;
	[dreg:$0xb] =	wrdreg s9  }
0x1a: {  	s26 =	sadd.s32 $0xA, s16;
	s19 =	sadd.s32 s28, s13;
	[dreg:$0xc] =	wrdreg s12  }
0x1b: {  	s18 =	sadd.s32 s11, s16;
	s16 =	sadd.s32 s2, s5;
	[dreg:$0xd] =	wrdreg s19  }
0x1c: {  	s21 =	sadd.s32 $0xCF000, s10;
	[smem:$0x7F7] =	sst s16  }
0x1d: {  	s25 =	smax.u32 s4, $0x1;
	[dreg:$0x1e] =	wrdreg s21  }
0x1e: {  	s29 =	simm.s32 $0xB2B0;
	[smem:$0x7FB] =	sst s25  }
0x1f: {  	s30 =	simm.s32 $0xAB30;
	s20 =	sadd.s32 s28, s11;
	[dreg:$0x15] =	wrdreg s18  }
0x20: {  	s31 =	simm.s32 $0xAC30;
	s12 =	sadd.s32 s13, s26;
	[dreg:$0xe] =	wrdreg s20  }
0x21: {  	s15 =	sadd.s32 $0x186AD0, s15;
	s28 =	simm.s32 $0xADB0;
	[dreg:$0x19] =	wrdreg s12  }
0x22: {  	s24 =	sshrl.u32 s15, $0x3;
	s15 =	sadd.s32 s14, s26;
	[dreg:$0x10] =	wrdreg s28  }
0x23: {  	p0 =	seq.s32 s23, $0xF;
	s13 =	simm.s32 $0xAEB0;
	[dreg:$0x1a] =	wrdreg s15  }
0x24: {  	s23 =	simm.s32 $0xB230;
	s17 =	sadd.s32 s2, s6;
	[dreg:$0x11] =	wrdreg s13  }
0x25: {  	s0 =	simm.s32 $0xABB0;
	s2 =	sadd.s32 s2, s7;
	[smem:$0x7F8] =	sst s17  }
0x26: {  	s4 =	simm.s32 $0x0;
	s19 =	sadd.s32 $0x1C00, s22;
	[smem:$0x7F9] =	sst s2  }
0x27: {  	s22 =	sadd.s32 $0xD5200, s10;
	s14 =	simm.s32 $0xB030;
	[dreg:$0x1c] =	wrdreg s19  }
0x28: {  	s9 =	sadd.s32 s24, s11;
	s11 =	sadd.s32 s11, s26;
	[dreg:$0x1f] =	wrdreg s22  }
0x29: {  	s20 =	sadd.s32 $0xC8E00, s10;
	s24 =	sadd.s32 $0xDB400, s10;
	[dreg:$0x18] =	wrdreg s11  }
0x2a: {  	s26 =	sadd.s32 $0x30D40, s18;
	s28 =	sadd.s32 $0x30D4A, s18;
	[dreg:$0xf] =	wrdreg s9  }
0x2b: {  	s15 =	simm.s32 $0xB0B0;
	s17 =	simm.s32 $0x1;
	[dreg:$0x1d] =	wrdreg s20  }
0x2c: {  	s18 =	simm.s32 $0xB130;
	s22 =	simm.s32 $0xB1B0;
	[smem:$0x7FA] =	sst s24  }
0x2d: {  	v0 =	vimm.f32 $0.0e+00;
	v1 =	vimm.s32 $0x1;
	v2 =	vimm.s32 $0x2;
	s13 =	simm.s32 $0x2;
	s10 =	simm.s32 $0x3;
	[smem:$0x7FC] =	sst s26  }
0x2e: {  	v3 =	vimm.s32 $0x3;
	v4 =	vimm.s32 $0x4;
	v5 =	vimm.s32 $0x0;
	[smem:$0x7FD] =	sst s28;
	s11 =	simm.s32 $0xACB0;
	s9 =	simm.s32 $0x80  }
.LBB2_1:
0x2f: {  	[smem:$0x7F5] =	sst s4;
	s25 =	simm.s32 $0x40;
	s26 =	simm.s32 $0x0  }
.LBB2_2:
0x30: {  	p1 =	sne.s32 s25, $0x6180;
	[tilespmem:s26+$0x7A30] =	vst v0;
	s26 =	smov.u32 s25;
	s25 =	sadd.s32 $0x40, s25  }
.Ltmp0:
0x31: {  	(pc) =	sbr.rel @p1 .LBB2_2-.Ltmp0, $2  }
0x32: {  	_ =	sdelay $0x2  }
0x33: {  	s26 =	sshra.s32 s26, $0x2  }
0x34: {  	[tilespmem:s26+$0x7A30] =	vst v0;
	s25 =	simm.s32 @p0 $0x0;
	s26 =	simm.s32 @p0 $0x92B0;
	s4 =	rddreg [dreg:$0x1b]  }
0x35: {  	[tilespmem:s26], [sflag:$0x4] =	stream.linear.gather @p0 [hbm4b:s4+s25], $0x1810, $0x38;
	[tilespmem:$0xB4B0] =	vst v63  }
0x36: {  	s25 =	simm.s32 @p0 $0x4  }
0x37: {  	_ =	swait.ge @p0 [sflag:s25], $0x1810  }
0x38: {  	[sflag:s25] =	ssyncset.done @p0 $0x0  }
0x39: {  	s16 =	rddreg [dreg:$0x14];
	[sflag:s25] =	ssyncadd.s32 @p0 $0xFFFFE7F0  }
0x3a: {  	[spmem:s16] =	stream.linear.scatter @p0 [tilespmem:s26], [sflag:$0x4], $0x1810, $0x38;
	[tilespmem:$0xB4B0] =	vst v63  }
0x3b: {  	_ =	swait.ge @p0 [sflag:s25], $0x1810  }
0x3c: {  	s12 =	sld [smem:$0x7F6]  }
0x3d: {  	[sflag:s25] =	ssyncset.done @p0 $0x0  }
0x3e: {  	s26 =	simm.s32 @p0 $0x7A30;
	[sflag:s25] =	ssyncadd.s32 @p0 $0xFFFFE7F0  }
0x3f: {  	[spmem:s12] =	stream.linear.scatter @p0 [tilespmem:s26], [sflag:$0x4], $0x1810, $0x38;
	[tilespmem:$0xB4B0] =	vst v63  }
0x40: {  	_ =	swait.ge @p0 [sflag:s25], $0x1810  }
0x41: {  	s19 =	sld [smem:$0x7F7]  }
0x42: {  	[sflag:s25] =	ssyncset.done @p0 $0x0  }
0x43: {  	[sflag:s25] =	ssyncadd.s32 @p0 $0xFFFFE7F0  }
0x44: {  	[spmem:s19] =	stream.linear.scatter @p0 [tilespmem:s26], [sflag:$0x4], $0x1810, $0x38;
	[tilespmem:$0xB4B0] =	vst v63  }
0x45: {  	_ =	swait.ge @p0 [sflag:s25], $0x1810  }
0x46: {  	s20 =	sld [smem:$0x7F8]  }
0x47: {  	[sflag:s25] =	ssyncset.done @p0 $0x0  }
0x48: {  	[sflag:s25] =	ssyncadd.s32 @p0 $0xFFFFE7F0  }
0x49: {  	[spmem:s20] =	stream.linear.scatter @p0 [tilespmem:s26], [sflag:$0x4], $0x1810, $0x38;
	[tilespmem:$0xB4B0] =	vst v63  }
0x4a: {  	_ =	swait.ge @p0 [sflag:s25], $0x1810  }
0x4b: {  	s21 =	sld [smem:$0x7F9]  }
0x4c: {  	[sflag:s25] =	ssyncset.done @p0 $0x0  }
0x4d: {  	[sflag:s25] =	ssyncadd.s32 @p0 $0xFFFFE7F0  }
0x4e: {  	[spmem:s21] =	stream.linear.scatter @p0 [tilespmem:s26], [sflag:$0x4], $0x1810, $0x38;
	[tilespmem:$0xB4B0] =	vst v63  }
0x4f: {  	_ =	swait.ge @p0 [sflag:s25], $0x1810  }
0x50: {  	s26 =	simm.s32 @!p0 $0x92B0;
	[sflag:s25] =	ssyncset.done @p0 $0x0  }
0x51: {  	s4 =	rddreg [dreg:$0x13];
	[sflag:s25] =	ssyncadd.s32 @p0 $0xFFFFE7F0;
	s25 =	simm.s32 @!p0 $0x0  }
0x52: {  	[tilespmem:s26], [sflag:$0x4] =	stream.linear.gather @!p0 [hbm4b:s4+s25], $0x1870, $0x38;
	[tilespmem:$0xB4B0] =	vst v63  }
0x53: {  	s25 =	simm.s32 @!p0 $0x4  }
0x54: {  	_ =	swait.ge @!p0 [sflag:s25], $0x1870  }
0x55: {  	[sflag:s25] =	ssyncset.done @!p0 $0x0  }
0x56: {  	[sflag:s25] =	ssyncadd.s32 @!p0 $0xFFFFE790  }
0x57: {  	[spmem:s16] =	stream.linear.scatter @!p0 [tilespmem:s26], [sflag:$0x4], $0x1870, $0x38;
	[tilespmem:$0xB4B0] =	vst v63  }
0x58: {  	_ =	swait.ge @!p0 [sflag:s25], $0x1870  }
0x59: {  	[sflag:s25] =	ssyncset.done @!p0 $0x0  }
0x5a: {  	s26 =	simm.s32 @!p0 $0x7A30;
	[sflag:s25] =	ssyncadd.s32 @!p0 $0xFFFFE790  }
0x5b: {  	[spmem:s12] =	stream.linear.scatter @!p0 [tilespmem:s26], [sflag:$0x4], $0x1870, $0x38;
	[tilespmem:$0xB4B0] =	vst v63  }
0x5c: {  	_ =	swait.ge @!p0 [sflag:s25], $0x1870  }
0x5d: {  	[sflag:s25] =	ssyncset.done @!p0 $0x0  }
0x5e: {  	[sflag:s25] =	ssyncadd.s32 @!p0 $0xFFFFE790  }
0x5f: {  	[spmem:s19] =	stream.linear.scatter @!p0 [tilespmem:s26], [sflag:$0x4], $0x1870, $0x38;
	[tilespmem:$0xB4B0] =	vst v63  }
0x60: {  	_ =	swait.ge @!p0 [sflag:s25], $0x1870  }
0x61: {  	[sflag:s25] =	ssyncset.done @!p0 $0x0  }
0x62: {  	[sflag:s25] =	ssyncadd.s32 @!p0 $0xFFFFE790  }
0x63: {  	[spmem:s20] =	stream.linear.scatter @!p0 [tilespmem:s26], [sflag:$0x4], $0x1870, $0x38;
	[tilespmem:$0xB4B0] =	vst v63  }
0x64: {  	_ =	swait.ge @!p0 [sflag:s25], $0x1870  }
0x65: {  	[sflag:s25] =	ssyncset.done @!p0 $0x0  }
0x66: {  	[sflag:s25] =	ssyncadd.s32 @!p0 $0xFFFFE790  }
0x67: {  	[spmem:s21] =	stream.linear.scatter @!p0 [tilespmem:s26], [sflag:$0x4], $0x1870, $0x38;
	[tilespmem:$0xB4B0] =	vst v63  }
0x68: {  	_ =	swait.ge @!p0 [sflag:s25], $0x1870  }
0x69: {  	[sflag:s25] =	ssyncset.done @!p0 $0x0  }
0x6a: {  	s2 =	simm.s32 $0xB3B0;
	[sflag:s25] =	ssyncadd.s32 @!p0 $0xFFFFE790  }
0x6b: {  	s12 =	simm.s32 $0x4;
	s25 =	simm.s32 $0x0;
	s24 =	rddreg [dreg:$0x1]  }
0x6c: {  	[tilespmem:s2], [sflag:$0x4] =	stream.linear.gather [hbm4b:s24+s25], $0x80, $0x38;
	[tilespmem:$0xB4B0] =	vst v63  }
0x6d: {  	_ =	swait.ge [sflag:s12], $0x80  }
0x6e: {  	[sflag:s12] =	ssyncset.done $0x0  }
0x6f: {  	s28 =	simm.s32 $0xB430;
	s26 =	rddreg [dreg:$0x12];
	[sflag:s12] =	ssyncadd.s32 $0xFFFFFF80  }
0x70: {  	[tilespmem:s28], [sflag:$0x4] =	stream.linear.gather [hbm4b:s26+s25], $0x80, $0x38;
	[tilespmem:$0xB4B0] =	vst v63  }
0x71: {  	_ =	swait.ge [sflag:s12], $0x80  }
0x72: {  	[sflag:s12] =	ssyncset.done $0x0  }
0x73: {  	[sflag:s12] =	ssyncadd.s32 $0xFFFFFF80  }
0x74: {  	v6 =	vld.idx.msk [tilespmem:v1+s2+$0x0], $0xffff  }
0x75: {  	v7 =	vld.idx.msk [tilespmem:v2+s2+$0x0], $0xffff  }
0x76: {  	v8 =	vld.idx.msk [tilespmem:v3+s2+$0x0], $0xffff  }
0x77: {  	v9 =	vld.idx.msk [tilespmem:v4+s2+$0x0], $0xffff  }
0x78: {  	v10 =	vld.idx.msk [tilespmem:v1+s28+$0x0], $0xffff  }
0x79: {  	v11 =	vld.idx.msk [tilespmem:v2+s28+$0x0], $0xffff;
	[tilespmem:$0xB330] =	vst v5  }
0x7a: {  	[bflag:$0x0] =	sbarrier.arrive $0xFFFF  }
0x7b: {  	s20 =	simm.s32 $0xAF30;
	s19 =	rddreg [dreg:$0x15]  }
0x7c: {  	[tilespmem:s20], [sflag:$0x4] =	stream.linear.gather [hbm4b:s19+s25], $0x50, $0x38;
	[tilespmem:$0xB4B0] =	vst v63  }
0x7d: {  	_ =	swait.ge [sflag:s12], $0x50  }
0x7e: {  	s21 =	sld [smem:$0x7FC]  }
0x7f: {  	[sflag:s12] =	ssyncset.done $0x0  }
0x80: {  	s24 =	simm.s32 $0xAFB0;
	[sflag:s12] =	ssyncadd.s32 $0xFFFFFFB0  }
0x81: {  	[tilespmem:s24], [sflag:$0x4] =	stream.linear.gather [hbm4b:s21+s25], $0x50, $0x38;
	[tilespmem:$0xB4B0] =	vst v63  }
0x82: {  	_ =	swait.ge [sflag:s12], $0x50  }
0x83: {  	[sflag:s12] =	ssyncset.done $0x0  }
0x84: {  	s28 =	simm.s32 $0xAD30;
	s26 =	rddreg [dreg:$0x16];
	[sflag:s12] =	ssyncadd.s32 $0xFFFFFFB0  }
0x85: {  	[tilespmem:s28], [sflag:$0x4] =	stream.linear.gather [hbm4b:s26+s25], $0x50, $0x38;
	[tilespmem:$0xB4B0] =	vst v63  }
0x86: {  	_ =	swait.ge [sflag:s12], $0x50  }
0x87: {  	[sflag:s12] =	ssyncset.done $0x0  }
0x88: {  	s21 =	simm.s32 $0xAE30;
	s2 =	rddreg [dreg:$0x17];
	[sflag:s12] =	ssyncadd.s32 $0xFFFFFFB0  }
0x89: {  	[tilespmem:s21], [sflag:$0x4] =	stream.linear.gather [hbm4b:s2+s25], $0x50, $0x38;
	[tilespmem:$0xB4B0] =	vst v63  }
0x8a: {  	_ =	swait.ge [sflag:s12], $0x50  }
0x8b: {  	[sflag:s12] =	ssyncset.done $0x0  }
0x8c: {  	[sflag:s12] =	ssyncadd.s32 $0xFFFFFFB0;
	s12 =	simm.s32 $0x50  }
0x8d: {  	[tilespmem:s14], [sflag:$0x1] =	stream.indirect.gather [spmem:s1], $0x1, s20, s12, $0xb8;
	[tilespmem:$0xB4B0] =	vst v63  }
0x8e: {  	_ = 	snop  }
0x8f: {  	[tilespmem:s15], [sflag:$0x1] =	stream.indirect.gather [spmem:s1], $0x1, s24, s12, $0xb8;
	[tilespmem:$0xB4B0] =	vst v63  }
0x90: {  	_ =	swait.ge [sflag:s17], $0x50  }
0x91: {  	[sflag:s17] =	ssyncset.done $0x0  }
0x92: {  	[sflag:s17] =	ssyncadd.s32 $0xFFFFFFB0  }
0x93: {  	_ =	swait.ge [sflag:s17], $0x50  }
0x94: {  	[sflag:s17] =	ssyncset.done $0x0  }
0x95: {  	[sflag:s17] =	ssyncadd.s32 $0xFFFFFFB0  }
0x96: {  	v12 =	vld [tilespmem:$0xAD30]  }
0x97: {  	v13 =	vld [tilespmem:$0xAE30]  }
0x98: {  	v16 =	vld [tilespmem:$0xAE40]  }
0x99: {  	v41 =	vld [tilespmem:$0xB030]  }
0x9a: {  	v17 =	vld [tilespmem:$0xB0B0]  }
0x9b: {  	v50 =	vld [tilespmem:$0xB040]  }
0x9c: {  	v51 =	vld [tilespmem:$0xB0C0]  }
0x9d: {  	v28 =	vld [tilespmem:$0xAF30]  }
0x9e: {  	v31 =	vld [tilespmem:$0xAFB0];
	v12 =	vmul.f32 v12, v6  }
0x9f: {  	v13 =	vmul.f32 v13, v7;
	v16 =	vmul.f32 v16, v7;
	v18 =	vunpack.i.u.bf16.f32 v41  }
0xa0: {  	v40 =	vld [tilespmem:$0xAD40];
	v19 =	vunpack.i.u.bf16.f32 v17;
	v17 =	vunpack.i.l.bf16.f32 v17;
	v52 =	vunpack.i.u.bf16.f32 v50  }
0xa1: {  	v35 =	vld [tilespmem:$0xAF40];
	v54 =	vunpack.i.u.bf16.f32 v51;
	v12 =	vadd.f32 v12, v8;
	v13 =	vadd.f32 v13, v9  }
0xa2: {  	vm0 =	veq.s32 v28, v11;
	v24 =	vmul.f32 v19, v18;
	v25 =	vmul.f32 v17, v18  }
0xa3: {  	vm1 =	veq.s32 v31, v10;
	v14 =	vmul.f32 v12, v12;
	v15 =	vmul.f32 v13, v13  }
0xa4: {  	v18 =	vmul.f32 v18, v18;
	v30 =	vmul.f32 v54, v52;
	v16 =	vadd.f32 v16, v9  }
0xa5: {  	v60 =	vmul.f32 v52, v52;
	v14 =	vadd.f32 v15, v14;
	v15 =	vmul.f32 v40, v6  }
0xa6: {  	v46 =	vld [tilespmem:$0xAE50];
	vm8 =	veq.s32 v35, v11;
	v62 =	vmul.f32 v54, v54;
	v21 =	vmul.f32 v16, v16  }
0xa7: {  	(erf) = vrcp.f32 v14;
	v15 =	vadd.f32 v15, v8;
	v14 =	vunpack.i.l.bf16.f32 v41  }
0xa8: {  	v34 =	vld [tilespmem:$0xB0D0];
	vm0 =	vmand vm0, vm1;
	v23 =	vmul.f32 v17, v14;
	v43 =	vmul.f32 v19, v14  }
0xa9: {  	v39 =	vsel vm0, $0x1, v5;
	v14 =	vmul.f32 v14, v14;
	v20 =	vmul.f32 v15, v15  }
0xaa: {  	v63 =	vld [tilespmem:$0xB050];
	v17 =	vmul.f32 v17, v17;
	v19 =	vmul.f32 v19, v19;
	v42 =	vadd.f32 v23, v24  }
0xab: {  	v24 =	vunpack.i.l.bf16.f32 v51;
	v20 =	vadd.f32 v21, v20;
	v21 =	vmul.f32 v46, v7  }
0xac: {  	v40 =	vld [tilespmem:$0xAE60];
	v56 =	vmul.f32 v24, v52;
	v58 =	vmul.f32 v24, v24;
	v17 =	vsub.f32 v42, v17  }
0xad: {  	v44 =	vld [tilespmem:$0xAD50];
	v14 =	vsub.f32 v42, v14;
	v42 =	vunpack.i.u.bf16.f32 v34;
	v21 =	vadd.f32 v21, v9  }
0xae: {  	v51 =	vmul.f32 v42, v42;
	v17 =	vsub.f32 v17, v19;
	v19 =	vunpack.i.l.bf16.f32 v50  }
0xaf: {  	v35 =	vld [tilespmem:$0xAE70];
	v41 =	vunpack.i.u.bf16.f32 v63;
	v27 =	vmul.f32 v21, v21;
	v29 =	vmul.f32 v24, v19  }
0xb0: {  	v45 =	vsub.f32 v25, v43;
	v57 =	vmul.f32 v54, v19;
	v19 =	vmul.f32 v19, v19  }
0xb1: {  	v25 =	vunpack.i.l.bf16.f32 v34;
	v24 =	vmul.f32 v40, v7;
	v22 =	vpop (erf);
	(erf) = vrcp.f32 v20  }
0xb2: {  	v48 =	vsub.f32 v14, v18;
	v20 =	vmul.f32 v44, v6;
	v12 =	vmul.f32 v22, v12  }
0xb3: {  	v46 =	vld [tilespmem:$0xAFC0];
	v13 =	vmul.f32 v22, v13;
	v29 =	vadd.f32 v29, v30;
	v23 =	vsub.f32 v56, v57  }
0xb4: {  	v24 =	vadd.f32 v24, v9;
	v57 =	vmul.f32 v35, v7;
	v49 =	vmul.f32 v12, v45  }
0xb5: {  	v20 =	vadd.f32 v20, v8;
	v14 =	vmul.f32 v12, v48;
	v12 =	vmul.f32 v12, v17  }
0xb6: {  	v59 =	vsub.f32 v29, v19;
	v19 =	vunpack.i.l.bf16.f32 v63;
	v34 =	vmul.f32 v24, v24  }
0xb7: {  	v47 =	vsub.f32 $0.0e+00, v13;
	v55 =	vmul.f32 v20, v20;
	v44 =	vmul.f32 v25, v19  }
0xb8: {  	v61 =	vld [tilespmem:$0xB330];
	vm9 =	veq.s32 v46, v10;
	v32 =	vmul.f32 v19, v19;
	v19 =	vmul.f32 v42, v19  }
0xb9: {  	vm0 =	vmand vm8, vm9;
	v22 =	vmul.f32 v47, v45;
	v13 =	vmul.f32 v47, v48  }
0xba: {  	v17 =	vmul.f32 v47, v17;
	v18 =	vsub.f32 $0.0e+00, v49;
	v45 =	vmul.f32 v42, v41  }
0xbb: {  	v54 =	vld [tilespmem:$0xB060];
	v47 =	vmul.f32 v25, v41;
	v25 =	vmul.f32 v25, v25;
	v27 =	vadd.f32 v27, v55  }
0xbc: {  	v55 =	vsel vm0, $0x1, v5;
	v14 =	vadd.f32 v22, v14;
	v13 =	vsub.f32 v49, v13  }
0xbd: {  	v12 =	vsub.f32 v12, v22;
	v22 =	vor.u32 v39, v61;
	v19 =	vsub.f32 v47, v19;
	v53 =	vpop (erf)  }
0xbe: {  	v38 =	vld [tilespmem:$0xAD60];
	(erf) = vrcp.f32 v27;
	v27 =	vadd.f32 v44, v45;
	v26 =	vmul.f32 v53, v15  }
0xbf: {  	v47 =	vld [tilespmem:$0xB0F0];
	v16 =	vmul.f32 v53, v16;
	v15 =	vsub.f32 v18, v17;
	v17 =	vsub.f32 v29, v58  }
0xc0: {  	v61 =	vunpack.i.u.bf16.f32 v54;
	v18 =	vsub.f32 v59, v60;
	v58 =	vld [tilespmem:$0xAF50];
	v32 =	vsub.f32 v27, v32  }
0xc1: {  	v59 =	vld [tilespmem:$0xAFD0];
	v25 =	vsub.f32 v27, v25;
	v27 =	vunpack.i.l.bf16.f32 v54;
	v16 =	vsub.f32 $0.0e+00, v16  }
0xc2: {  	v17 =	vsub.f32 v17, v62;
	v33 =	vmul.f32 v26, v23;
	v36 =	vmul.f32 v26, v18  }
0xc3: {  	v56 =	vld [tilespmem:$0xB0E0];
	v42 =	vmul.f32 v27, v27;
	v25 =	vsub.f32 v25, v51;
	v23 =	vmul.f32 v16, v23  }
0xc4: {  	v18 =	vmul.f32 v16, v18;
	v26 =	vmul.f32 v26, v17;
	v37 =	vsub.f32 $0.0e+00, v33  }
0xc5: {  	v54 =	vld [tilespmem:$0xAFE0];
	v16 =	vmul.f32 v16, v17;
	v17 =	vmul.f32 v38, v6;
	vm10 =	veq.s32 v58, v11  }
0xc6: {  	v51 =	vld [tilespmem:$0xAF60];
	vm11 =	veq.s32 v59, v10;
	v58 =	vunpack.i.u.bf16.f32 v47;
	v28 =	vadd.f32 v23, v36  }
0xc7: {  	[tilespmem:$0xB330] =	vst v22;
	v59 =	vunpack.i.l.bf16.f32 v47;
	v18 =	vsub.f32 v33, v18;
	v23 =	vsub.f32 v26, v23  }
0xc8: {  	v50 =	vld [tilespmem:$0xB330];
	v16 =	vsub.f32 v37, v16;
	v17 =	vadd.f32 v17, v8;
	v37 =	vunpack.i.u.bf16.f32 v56  }
0xc9: {  	v45 =	vld [tilespmem:$0xB070];
	v26 =	vmul.f32 v41, v41;
	vm0 =	vmand vm10, vm11;
	v63 =	vmul.f32 v37, v61  }
0xca: {  	v33 =	vld [tilespmem:$0xAD70];
	vm13 =	veq.s32 v54, v10;
	v46 =	vmul.f32 v37, v37;
	v48 =	vmul.f32 v17, v17  }
0xcb: {  	v43 =	vpop (erf);
	v49 =	vsub.f32 v32, v26;
	v32 =	vunpack.i.l.bf16.f32 v56;
	vm12 =	veq.s32 v51, v11  }
0xcc: {  	v51 =	vmul.f32 v58, v58;
	v20 =	vmul.f32 v43, v20;
	v30 =	vadd.f32 v34, v48  }
0xcd: {  	v26 =	vor.u32 v55, v50;
	v21 =	vmul.f32 v43, v21;
	v38 =	vmul.f32 v32, v27  }
0xce: {  	v50 =	vsel vm0, $0x1, v5;
	v44 =	vmul.f32 v32, v32;
	(erf) = vrcp.f32 v30  }
0xcf: {  	v56 =	vunpack.i.u.bf16.f32 v45;
	v32 =	vmul.f32 v32, v61;
	v33 =	vmul.f32 v33, v6  }
0xd0: {  	v27 =	vmul.f32 v37, v27;
	v34 =	vadd.f32 v57, v9;
	v57 =	vunpack.i.l.bf16.f32 v45  }
0xd1: {  	[tilespmem:$0xB330] =	vst v26;
	v45 =	vmul.f32 v59, v59;
	v52 =	vmul.f32 v20, v19;
	v33 =	vadd.f32 v33, v8  }
0xd2: {  	v43 =	vld [tilespmem:$0xB330];
	v21 =	vsub.f32 $0.0e+00, v21;
	v53 =	vmul.f32 v20, v49;
	v20 =	vmul.f32 v20, v25  }
0xd3: {  	vm0 =	vmand vm12, vm13;
	v36 =	vmul.f32 v34, v34;
	v62 =	vmul.f32 v33, v33  }
0xd4: {  	v41 =	vadd.f32 v38, v63;
	v63 =	vmul.f32 v58, v56;
	v19 =	vmul.f32 v21, v19  }
0xd5: {  	v22 =	vmul.f32 v21, v49;
	v60 =	vsub.f32 $0.0e+00, v52;
	v29 =	vadd.f32 v36, v62  }
0xd6: {  	[tilespmem:$0xB130] =	vst v14;
	v21 =	vmul.f32 v21, v25;
	v30 =	vsub.f32 v41, v42;
	v25 =	vmul.f32 v61, v61  }
0xd7: {  	[tilespmem:$0xB1B0] =	vst v13;
	v22 =	vsub.f32 v52, v22;
	v52 =	vor.u32 v50, v43;
	v50 =	vld [tilespmem:$0xAF70];
	v40 =	vpop (erf);
	(erf) = vrcp.f32 v29  }
0xd8: {  	v26 =	vsub.f32 v41, v44;
	v49 =	vsub.f32 v32, v27;
	v42 =	vmul.f32 v59, v56;
	[tilespmem:$0xB330] =	vst v52;
	v52 =	vld [tilespmem:$0xAFF0]  }
0xd9: {  	[tilespmem:$0xB230] =	vst v12;
	v31 =	vadd.f32 v19, v53;
	v19 =	vsub.f32 v20, v19;
	v43 =	vmul.f32 v58, v57  }
0xda: {  	[tilespmem:$0xB2B0] =	vst v15;
	v20 =	vsub.f32 v60, v21;
	v25 =	vsub.f32 v30, v25;
	v62 =	vmul.f32 v59, v57  }
0xdb: {  	[tilespmem:$0xB2C0] =	vst v16;
	v44 =	vmul.f32 v56, v56;
	v26 =	vsub.f32 v26, v46;
	v41 =	vld [tilespmem:$0xB330];
	v16 =	vsub.f32 v42, v43  }
0xdc: {  	[tilespmem:$0xB140] =	vst v28;
	v39 =	vadd.f32 v62, v63;
	v24 =	vmul.f32 v40, v24;
	v48 =	vmul.f32 v40, v17  }
0xdd: {  	[tilespmem:$0xB1C0] =	vst v18;
	vm14 =	veq.s32 v50, v11;
	vm15 =	veq.s32 v52, v10;
	v40 =	vmul.f32 v57, v57  }
0xde: {  	[tilespmem:$0xB240] =	vst v23;
	v17 =	vsub.f32 $0.0e+00, v24;
	v53 =	vmul.f32 v48, v49;
	v55 =	vmul.f32 v48, v25  }
0xdf: {  	[tilespmem:$0xB150] =	vst v31;
	v14 =	vmul.f32 v48, v26;
	v24 =	vsub.f32 v39, v40;
	v48 =	vsel vm0, $0x1, v5  }
0xe0: {  	[tilespmem:$0xB1D0] =	vst v22;
	v15 =	vor.u32 v48, v41;
	v21 =	vmul.f32 v17, v49;
	v25 =	vmul.f32 v17, v25;
	v61 =	vpop (erf)  }
0xe1: {  	v46 =	vsub.f32 v24, v44;
	v49 =	vsub.f32 v39, v45;
	[tilespmem:$0xB330] =	vst v15;
	v38 =	vmul.f32 v61, v34  }
0xe2: {  	[tilespmem:$0xB250] =	vst v19;
	v17 =	vmul.f32 v17, v26;
	v13 =	vsub.f32 $0.0e+00, v53;
	v59 =	vld [tilespmem:$0xB330];
	v60 =	vadd.f32 v21, v55  }
0xe3: {  	[tilespmem:$0xB2D0] =	vst v20;
	v47 =	vsub.f32 v53, v25;
	v37 =	vmul.f32 v61, v33;
	v12 =	vsub.f32 $0.0e+00, v38  }
0xe4: {  	vm0 =	vmand vm14, vm15;
	v14 =	vsub.f32 v14, v21;
	v20 =	vsub.f32 v49, v51;
	[tilespmem:$0xB160] =	vst v60  }
0xe5: {  	v13 =	vsub.f32 v13, v17;
	[tilespmem:$0xB1E0] =	vst v47;
	v54 =	vmul.f32 v37, v46;
	v53 =	vmul.f32 v12, v16  }
0xe6: {  	v62 =	vsel vm0, $0x1, v5;
	[tilespmem:$0xB260] =	vst v14;
	v55 =	vmul.f32 v37, v16;
	v56 =	vmul.f32 v12, v46  }
0xe7: {  	[tilespmem:$0xB2E0] =	vst v13;
	v63 =	vor.u32 v62, v59;
	v58 =	vmul.f32 v37, v20;
	v57 =	vadd.f32 v53, v54  }
0xe8: {  	[tilespmem:$0xB330] =	vst v63;
	v15 =	vsub.f32 $0.0e+00, v55;
	v12 =	vmul.f32 v12, v20;
	v60 =	vsub.f32 v55, v56  }
0xe9: {  	v61 =	vsub.f32 v58, v53;
	[tilespmem:$0xB170] =	vst v57  }
0xea: {  	v12 =	vsub.f32 v15, v12;
	[tilespmem:$0xB1F0] =	vst v60  }
0xeb: {  	[tilespmem:$0xB270] =	vst v61  }
0xec: {  	[tilespmem:$0xB2F0] =	vst v12  }
0xed: {  	[spmem:s3] =	stream.indirect.scatter.add.f32 [tilespmem:s18], [sflag:$0x1], $0x1, s20, s12, $0xb8;
	[tilespmem:$0xB4B0] =	vst v63  }
0xee: {  	_ = 	snop  }
0xef: {  	[spmem:s5] =	stream.indirect.scatter.add.f32 [tilespmem:s22], [sflag:$0x1], $0x1, s20, s12, $0xb8;
	[tilespmem:$0xB4B0] =	vst v63  }
0xf0: {  	_ = 	snop  }
0xf1: {  	[spmem:s6] =	stream.indirect.scatter.add.f32 [tilespmem:s23], [sflag:$0x1], $0x1, s24, s12, $0xb8;
	[tilespmem:$0xB4B0] =	vst v63  }
0xf2: {  	_ = 	snop  }
0xf3: {  	[spmem:s7] =	stream.indirect.scatter.add.f32 [tilespmem:s29], [sflag:$0x1], $0x1, s24, s12, $0xb8;
	[tilespmem:$0xB4B0] =	vst v63  }
0xf4: {  	_ =	swait.ge [sflag:s17], $0x50  }
0xf5: {  	[sflag:s17] =	ssyncset.done $0x0  }
0xf6: {  	[sflag:s17] =	ssyncadd.s32 $0xFFFFFFB0  }
0xf7: {  	_ =	swait.ge [sflag:s17], $0x50  }
0xf8: {  	[sflag:s17] =	ssyncset.done $0x0  }
0xf9: {  	[sflag:s17] =	ssyncadd.s32 $0xFFFFFFB0  }
0xfa: {  	_ =	swait.ge [sflag:s17], $0x50  }
0xfb: {  	[sflag:s17] =	ssyncset.done $0x0  }
0xfc: {  	[sflag:s17] =	ssyncadd.s32 $0xFFFFFFB0  }
0xfd: {  	_ =	swait.ge [sflag:s17], $0x50  }
0xfe: {  	[sflag:s17] =	ssyncset.done $0x0;
	s19 =	rddreg [dreg:$0x18]  }
0xff: {  	s24 =	sld [smem:$0x7FD];
	[sflag:s17] =	ssyncadd.s32 $0xFFFFFFB0  }
0x100: {  	[tilespmem:s30], [sflag:$0x2] =	stream.linear.gather [hbm4b:s19+s25], $0x80, $0x38;
	[tilespmem:$0xB4B0] =	vst v63  }
0x101: {  	_ = 	snop  }
0x102: {  	[tilespmem:s31], [sflag:$0x2] =	stream.linear.gather [hbm4b:s24+s25], $0x80, $0x38;
	[tilespmem:$0xB4B0] =	vst v63  }
0x103: {  	s26 =	rddreg [dreg:$0x19]  }
0x104: {  	[tilespmem:s28], [sflag:$0x2] =	stream.linear.gather [hbm4b:s26+s25], $0x80, $0x38;
	[tilespmem:$0xB4B0] =	vst v63  }
0x105: {  	s28 =	rddreg [dreg:$0x1a]  }
0x106: {  	[tilespmem:s21], [sflag:$0x2] =	stream.linear.gather [hbm4b:s28+s25], $0x80, $0x38;
	[tilespmem:$0xB4B0] =	vst v63  }
.LBB2_4:
0x107: {  	_ =	swait.ge [sflag:s13], $0x80  }
0x108: {  	[sflag:s13] =	ssyncset.done $0x0  }
0x109: {  	[sflag:s13] =	ssyncadd.s32 $0xFFFFFF80  }
0x10a: {  	_ =	swait.ge [sflag:s13], $0x80  }
0x10b: {  	[sflag:s13] =	ssyncset.done $0x0  }
0x10c: {  	[sflag:s13] =	ssyncadd.s32 $0xFFFFFF80  }
0x10d: {  	_ =	swait.ge [sflag:s13], $0x80  }
0x10e: {  	[sflag:s13] =	ssyncset.done $0x0  }
0x10f: {  	[sflag:s13] =	ssyncadd.s32 $0xFFFFFF80  }
0x110: {  	_ =	swait.ge [sflag:s13], $0x80  }
0x111: {  	s26 =	rddreg [dreg:$0xe]  }
0x112: {  	[sflag:s13] =	ssyncset.done $0x0;
	s28 =	rddreg [dreg:$0xf]  }
0x113: {  	s21 =	rddreg [dreg:$0xd];
	[sflag:s13] =	ssyncadd.s32 $0xFFFFFF80;
	s26 =	sadd.s32 s25, s26  }
0x114: {  	[tilespmem:s0], [sflag:$0x3] =	stream.linear.gather [hbm4b:s26+s8], $0x80, $0x38;
	[tilespmem:$0xB4B0] =	vst v63  }
0x115: {  	s24 =	rddreg [dreg:$0x10];
	s20 =	sadd.s32 s25, s28  }
0x116: {  	[tilespmem:s11], [sflag:$0x3] =	stream.linear.gather [hbm4b:s20+s8], $0x80, $0x38;
	[tilespmem:$0xB4B0] =	vst v63  }
0x117: {  	s4 =	rddreg [dreg:$0xc];
	s26 =	sadd.s32 s25, s21  }
0x118: {  	[tilespmem:s24], [sflag:$0x3] =	stream.linear.gather [hbm4b:s26+s8], $0x80, $0x38;
	[tilespmem:$0xB4B0] =	vst v63  }
0x119: {  	s16 =	rddreg [dreg:$0x11];
	s4 =	sadd.s32 s25, s4  }
0x11a: {  	[tilespmem:s16], [sflag:$0x3] =	stream.linear.gather [hbm4b:s4+s8], $0x80, $0x38;
	[tilespmem:$0xB4B0] =	vst v63  }
0x11b: {  	_ = 	snop  }
0x11c: {  	[tilespmem:s14], [sflag:$0x1] =	stream.indirect.gather [spmem:s1], $0x1, s30, s9, $0xb8;
	[tilespmem:$0xB4B0] =	vst v63  }
0x11d: {  	_ = 	snop  }
0x11e: {  	[tilespmem:s15], [sflag:$0x1] =	stream.indirect.gather [spmem:s1], $0x1, s31, s9, $0xb8;
	[tilespmem:$0xB4B0] =	vst v63  }
0x11f: {  	_ =	swait.ge [sflag:s17], $0x80  }
0x120: {  	[sflag:s17] =	ssyncset.done $0x0  }
0x121: {  	[sflag:s17] =	ssyncadd.s32 $0xFFFFFF80  }
0x122: {  	_ =	swait.ge [sflag:s17], $0x80  }
0x123: {  	[sflag:s17] =	ssyncset.done $0x0  }
0x124: {  	[sflag:s17] =	ssyncadd.s32 $0xFFFFFF80  }
0x125: {  	v12 =	vld [tilespmem:$0xAD30]  }
0x126: {  	v13 =	vld [tilespmem:$0xAE30];
	_ =	sdelay $0x3  }
0x127: {  	v29 =	vld [tilespmem:$0xB030]  }
0x128: {  	v30 =	vld [tilespmem:$0xB0B0];
	v12 =	vmul.f32 v12, v6;
	v13 =	vmul.f32 v13, v7  }
0x129: {  	v16 =	vld [tilespmem:$0xAD40]  }
0x12a: {  	v17 =	vld [tilespmem:$0xAE40];
	v12 =	vadd.f32 v12, v8;
	v13 =	vadd.f32 v13, v9  }
0x12b: {  	v33 =	vld [tilespmem:$0xAB30]  }
0x12c: {  	v36 =	vld [tilespmem:$0xB040];
	v14 =	vmul.f32 v12, v12;
	v15 =	vmul.f32 v13, v13  }
0x12d: {  	v38 =	vld [tilespmem:$0xB0C0]  }
0x12e: {  	v25 =	vld [tilespmem:$0xAE50];
	v14 =	vadd.f32 v15, v14  }
0x12f: {  	v26 =	vld [tilespmem:$0xAC30]  }
0x130: {  	v52 =	vld [tilespmem:$0xAE60];
	(erf) = vrcp.f32 v14  }
0x131: {  	v19 =	vunpack.i.u.bf16.f32 v29  }
0x132: {  	v20 =	vunpack.i.l.bf16.f32 v30;
	v16 =	vmul.f32 v16, v6;
	v17 =	vmul.f32 v17, v7  }
0x133: {  	v48 =	vld [tilespmem:$0xB050];
	vm0 =	veq.s32 v33, v11;
	v41 =	vunpack.i.u.bf16.f32 v36;
	v42 =	vunpack.i.u.bf16.f32 v38  }
0x134: {  	v56 =	vld [tilespmem:$0xB0D0];
	v43 =	vmul.f32 v25, v7;
	vm1 =	veq.s32 v26, v10;
	v16 =	vadd.f32 v16, v8  }
0x135: {  	v60 =	vmul.f32 v52, v7;
	v22 =	vmul.f32 v20, v19;
	v17 =	vadd.f32 v17, v9  }
0x136: {  	v27 =	vmul.f32 v42, v41;
	v32 =	vmul.f32 v16, v16;
	v15 =	vunpack.i.u.bf16.f32 v30  }
0x137: {  	v24 =	vmul.f32 v17, v17;
	v21 =	vmul.f32 v15, v19;
	v14 =	vunpack.i.l.bf16.f32 v29  }
0x138: {  	v61 =	vunpack.i.u.bf16.f32 v48;
	v19 =	vmul.f32 v19, v19;
	v31 =	vmul.f32 v20, v14  }
0x139: {  	v62 =	vunpack.i.u.bf16.f32 v56;
	v23 =	vmul.f32 v14, v14;
	v14 =	vmul.f32 v15, v14;
	v18 =	vpop (erf)  }
0x13a: {  	vm0 =	vmand vm0, vm1;
	v20 =	vmul.f32 v20, v20;
	v12 =	vmul.f32 v18, v12  }
0x13b: {  	v13 =	vmul.f32 v18, v13;
	v18 =	vadd.f32 v31, v21;
	v21 =	vadd.f32 v24, v32  }
0x13c: {  	v15 =	vmul.f32 v15, v15;
	v14 =	vsub.f32 v22, v14;
	v24 =	vadd.f32 v43, v9  }
0x13d: {  	v40 =	vld [tilespmem:$0xAD50];
	v23 =	vsub.f32 v18, v23;
	v18 =	vsub.f32 v18, v20;
	(erf) = vrcp.f32 v21  }
0x13e: {  	v37 =	vmul.f32 v12, v14;
	v21 =	vunpack.i.l.bf16.f32 v38;
	v30 =	vmul.f32 v24, v24  }
0x13f: {  	v34 =	vsub.f32 $0.0e+00, v13;
	v20 =	vmul.f32 v41, v41;
	v46 =	vmul.f32 v21, v41  }
0x140: {  	v53 =	vsel vm0, $0x1, v5;
	v47 =	vmul.f32 v21, v21;
	v41 =	vmul.f32 v62, v61  }
0x141: {  	v31 =	vld [tilespmem:$0xB330];
	v35 =	vsub.f32 v23, v19;
	v22 =	vmul.f32 v34, v14;
	v19 =	vunpack.i.l.bf16.f32 v36  }
0x142: {  	v15 =	vsub.f32 v18, v15;
	v23 =	vmul.f32 v40, v6;
	v45 =	vmul.f32 v21, v19  }
0x143: {  	v18 =	vsub.f32 $0.0e+00, v37;
	v28 =	vmul.f32 v19, v19;
	v19 =	vmul.f32 v42, v19  }
0x144: {  	v21 =	vunpack.i.l.bf16.f32 v48;
	v39 =	vmul.f32 v12, v35;
	v13 =	vmul.f32 v34, v35  }
0x145: {  	v51 =	vld [tilespmem:$0xAD60];
	v12 =	vmul.f32 v12, v15;
	v15 =	vmul.f32 v34, v15;
	v23 =	vadd.f32 v23, v8  }
0x146: {  	v26 =	vadd.f32 v45, v27;
	v49 =	vsub.f32 v46, v19;
	v27 =	vor.u32 v53, v31  }
0x147: {  	v35 =	vld [tilespmem:$0xAC40];
	v14 =	vadd.f32 v22, v39;
	v13 =	vsub.f32 v37, v13;
	v29 =	vmul.f32 v23, v23  }
0x148: {  	v46 =	vmul.f32 v21, v21;
	v53 =	vld [tilespmem:$0xAE70];
	v12 =	vsub.f32 v12, v22;
	v28 =	vsub.f32 v26, v28  }
0x149: {  	v22 =	vmul.f32 v42, v42;
	v42 =	vld [tilespmem:$0xAB40];
	v29 =	vadd.f32 v30, v29;
	v30 =	vunpack.i.l.bf16.f32 v56  }
0x14a: {  	v37 =	vld [tilespmem:$0xAB50];
	v50 =	vsub.f32 v28, v20;
	v20 =	vmul.f32 v51, v6;
	v40 =	vmul.f32 v30, v21  }
0x14b: {  	v44 =	vpop (erf);
	v45 =	vmul.f32 v30, v61;
	v21 =	vmul.f32 v62, v21  }
0x14c: {  	vm11 =	veq.s32 v35, v10;
	v17 =	vmul.f32 v44, v17;
	v25 =	vmul.f32 v44, v16  }
0x14d: {  	(erf) = vrcp.f32 v29;
	v29 =	vmul.f32 v53, v7;
	v63 =	vadd.f32 v20, v8  }
0x14e: {  	v20 =	vadd.f32 v40, v41;
	v21 =	vsub.f32 v45, v21;
	vm10 =	veq.s32 v42, v11  }
0x14f: {  	vm12 =	veq.s32 v37, v11;
	v32 =	vsub.f32 $0.0e+00, v17;
	v55 =	vmul.f32 v25, v50  }
0x150: {  	v51 =	vld [tilespmem:$0xAD70];
	v17 =	vsub.f32 v26, v47;
	v33 =	vmul.f32 v25, v49;
	v47 =	vmul.f32 v30, v30  }
0x151: {  	v26 =	vmul.f32 v61, v61;
	vm0 =	vmand vm10, vm11;
	v29 =	vadd.f32 v29, v9  }
0x152: {  	v44 =	vmul.f32 v63, v63;
	v28 =	vsub.f32 v20, v46;
	v36 =	vsel vm0, $0x1, v5  }
0x153: {  	v54 =	vmul.f32 v32, v49;
	v22 =	vsub.f32 v17, v22;
	v17 =	vsub.f32 v18, v15  }
0x154: {  	v46 =	vld [tilespmem:$0xAD80];
	v19 =	vmul.f32 v32, v50;
	v59 =	vsub.f32 $0.0e+00, v33;
	v20 =	vsub.f32 v20, v47  }
0x155: {  	[tilespmem:$0xB330] =	vst v27;
	v49 =	vmul.f32 v62, v62;
	v50 =	vld [tilespmem:$0xB060];
	v26 =	vsub.f32 v28, v26;
	v28 =	vmul.f32 v51, v6  }
0x156: {  	v48 =	vld [tilespmem:$0xB330];
	v16 =	vadd.f32 v54, v55;
	v15 =	vsub.f32 v33, v19;
	v57 =	vmul.f32 v25, v22  }
0x157: {  	v58 =	vmul.f32 v32, v22;
	v25 =	vadd.f32 v60, v9;
	v20 =	vsub.f32 v20, v49;
	v55 =	vld [tilespmem:$0xB0E0]  }
0x158: {  	v42 =	vmul.f32 v29, v29;
	v49 =	vld [tilespmem:$0xAE80];
	v28 =	vadd.f32 v28, v8;
	v18 =	vsub.f32 v57, v54  }
0x159: {  	v19 =	vsub.f32 v59, v58;
	v34 =	vmul.f32 v25, v25;
	v37 =	vmul.f32 v46, v6  }
0x15a: {  	v43 =	vpop (erf);
	v60 =	vunpack.i.u.bf16.f32 v50;
	v27 =	vunpack.i.l.bf16.f32 v50;
	v41 =	vmul.f32 v28, v28  }
0x15b: {  	v23 =	vmul.f32 v43, v23;
	v22 =	vmul.f32 v43, v24;
	v33 =	vadd.f32 v34, v44  }
0x15c: {  	v58 =	vor.u32 v36, v48;
	v59 =	vld [tilespmem:$0xAC50];
	v44 =	vmul.f32 v27, v27;
	v48 =	vmul.f32 v60, v60  }
0x15d: {  	v61 =	vunpack.i.u.bf16.f32 v55;
	v30 =	vmul.f32 v49, v7;
	(erf) = vrcp.f32 v33  }
0x15e: {  	v22 =	vsub.f32 $0.0e+00, v22;
	v52 =	vmul.f32 v23, v21;
	v54 =	vmul.f32 v23, v26  }
0x15f: {  	[tilespmem:$0xB330] =	vst v58;
	v56 =	vmul.f32 v23, v20;
	v33 =	vunpack.i.l.bf16.f32 v55;
	v40 =	vmul.f32 v61, v60  }
0x160: {  	v50 =	vld [tilespmem:$0xB330];
	v36 =	vadd.f32 v37, v8;
	v51 =	vmul.f32 v61, v61;
	v45 =	vmul.f32 v33, v60  }
0x161: {  	v55 =	vld [tilespmem:$0xB0F0];
	vm13 =	veq.s32 v59, v10;
	v21 =	vmul.f32 v22, v21;
	v26 =	vmul.f32 v22, v26  }
0x162: {  	v30 =	vadd.f32 v30, v9;
	v57 =	vsub.f32 $0.0e+00, v52;
	v20 =	vmul.f32 v22, v20  }
0x163: {  	vm0 =	vmand vm12, vm13;
	v23 =	vadd.f32 v21, v54;
	v22 =	vsub.f32 v52, v26;
	v52 =	vld [tilespmem:$0xB070]  }
0x164: {  	v21 =	vsub.f32 v56, v21;
	v26 =	vadd.f32 v42, v41;
	v56 =	vsel vm0, $0x1, v5  }
0x165: {  	v41 =	vmul.f32 v36, v36;
	v42 =	vmul.f32 v30, v30;
	v35 =	vor.u32 v56, v50;
	v50 =	vld [tilespmem:$0xAB70]  }
0x166: {  	v20 =	vsub.f32 v57, v20;
	v34 =	vunpack.i.l.bf16.f32 v55;
	v62 =	vpop (erf);
	(erf) = vrcp.f32 v26  }
0x167: {  	v41 =	vadd.f32 v42, v41;
	v31 =	vmul.f32 v62, v63;
	v63 =	vmul.f32 v33, v27  }
0x168: {  	v58 =	vunpack.i.l.bf16.f32 v52;
	v25 =	vmul.f32 v62, v25;
	v27 =	vmul.f32 v61, v27  }
0x169: {  	v57 =	vunpack.i.u.bf16.f32 v52;
	v33 =	vmul.f32 v33, v33;
	v60 =	vmul.f32 v34, v58  }
0x16a: {  	v61 =	vld [tilespmem:$0xAB60];
	v46 =	vmul.f32 v57, v57;
	vm4 =	veq.s32 v50, v11;
	v43 =	vadd.f32 v63, v40  }
0x16b: {  	v38 =	vsub.f32 $0.0e+00, v25;
	v27 =	vsub.f32 v45, v27;
	v40 =	vunpack.i.u.bf16.f32 v55;
	v55 =	vld [tilespmem:$0xAD90]  }
0x16c: {  	v62 =	vmul.f32 v40, v58;
	v49 =	vmul.f32 v40, v40;
	v47 =	vsub.f32 v43, v44  }
0x16d: {  	v45 =	vld [tilespmem:$0xAC60];
	v53 =	vsub.f32 v43, v33;
	v54 =	vmul.f32 v31, v27;
	v27 =	vmul.f32 v38, v27  }
0x16e: {  	v43 =	vmul.f32 v40, v57;
	v44 =	vmul.f32 v34, v57;
	v24 =	vsub.f32 v47, v48  }
0x16f: {  	v34 =	vmul.f32 v34, v34;
	vm14 =	veq.s32 v61, v11;
	v32 =	vsub.f32 v53, v51  }
0x170: {  	v33 =	vsub.f32 $0.0e+00, v54;
	v42 =	vmul.f32 v55, v6;
	v39 =	vmul.f32 v31, v24  }
0x171: {  	v57 =	vld [tilespmem:$0xAE90];
	v48 =	vsub.f32 v44, v62;
	v24 =	vmul.f32 v38, v24;
	v31 =	vmul.f32 v31, v32  }
0x172: {  	v52 =	vld [tilespmem:$0xB080];
	vm15 =	veq.s32 v45, v10;
	v59 =	vpop (erf);
	(erf) = vrcp.f32 v41;
	v32 =	vmul.f32 v38, v32  }
0x173: {  	vm0 =	vmand vm14, vm15;
	v28 =	vmul.f32 v59, v28;
	v42 =	vadd.f32 v42, v8  }
0x174: {  	v56 =	vsel vm0, $0x1, v5;
	v25 =	vadd.f32 v27, v39;
	v24 =	vsub.f32 v54, v24  }
0x175: {  	v26 =	vsub.f32 v31, v27;
	v31 =	vadd.f32 v60, v43;
	v39 =	vmul.f32 v58, v58;
	v54 =	vld [tilespmem:$0xB100]  }
0x176: {  	[tilespmem:$0xB330] =	vst v35;
	v27 =	vmul.f32 v59, v29;
	v32 =	vsub.f32 v33, v32;
	v43 =	vmul.f32 v57, v7;
	v57 =	vld [tilespmem:$0xADA0]  }
0x177: {  	v47 =	vld [tilespmem:$0xB330];
	v60 =	vunpack.i.l.bf16.f32 v52;
	v63 =	vsub.f32 v31, v39;
	v31 =	vsub.f32 v31, v34  }
0x178: {  	v51 =	vmul.f32 v28, v48;
	v27 =	vsub.f32 $0.0e+00, v27;
	v43 =	vadd.f32 v43, v9  }
0x179: {  	v50 =	vmul.f32 v60, v60;
	v29 =	vsub.f32 v63, v46;
	v31 =	vsub.f32 v31, v49  }
0x17a: {  	v39 =	vmul.f32 v27, v48;
	v55 =	vmul.f32 v43, v43;
	v61 =	vunpack.i.l.bf16.f32 v54  }
0x17b: {  	v58 =	vld [tilespmem:$0xAC70];
	v41 =	vunpack.i.u.bf16.f32 v54;
	v54 =	vmul.f32 v42, v42;
	v45 =	vmul.f32 v57, v6  }
0x17c: {  	v33 =	vor.u32 v56, v47;
	v56 =	vld [tilespmem:$0xB090];
	v53 =	vmul.f32 v28, v29;
	v29 =	vmul.f32 v27, v29  }
0x17d: {  	v35 =	vunpack.i.u.bf16.f32 v52;
	v28 =	vmul.f32 v28, v31;
	v27 =	vmul.f32 v27, v31  }
0x17e: {  	v62 =	vmul.f32 v61, v60;
	v63 =	vmul.f32 v41, v35  }
0x17f: {  	[tilespmem:$0xB330] =	vst v33;
	v34 =	vsub.f32 $0.0e+00, v51;
	v48 =	vmul.f32 v61, v35;
	v49 =	vmul.f32 v41, v60  }
0x180: {  	v52 =	vld [tilespmem:$0xB330];
	vm5 =	veq.s32 v58, v10;
	v35 =	vmul.f32 v35, v35;
	v41 =	vmul.f32 v41, v41  }
0x181: {  	vm0 =	vmand vm4, vm5;
	v37 =	vunpack.i.l.bf16.f32 v56;
	v44 =	vadd.f32 v55, v54  }
0x182: {  	v46 =	vld [tilespmem:$0xAEA0];
	v59 =	vpop (erf);
	v60 =	vsel vm0, $0x1, v5;
	v40 =	vadd.f32 v39, v53;
	v29 =	vsub.f32 v51, v29  }
0x183: {  	v28 =	vsub.f32 v28, v39;
	v36 =	vmul.f32 v59, v36;
	v30 =	vmul.f32 v59, v30  }
0x184: {  	[tilespmem:$0xB130] =	vst v14;
	v31 =	vadd.f32 v62, v63;
	v51 =	vmul.f32 v61, v61;
	v53 =	vsub.f32 v48, v49;
	v59 =	vld [tilespmem:$0xB110]  }
0x185: {  	[tilespmem:$0xB1B0] =	vst v13;
	v13 =	vsub.f32 v34, v27;
	v14 =	vor.u32 v60, v52;
	v48 =	vunpack.i.u.bf16.f32 v56  }
0x186: {  	v63 =	vld [tilespmem:$0xAB80];
	(erf) = vrcp.f32 v44;
	v33 =	vsub.f32 v31, v50;
	v31 =	vsub.f32 v31, v51  }
0x187: {  	v47 =	vmul.f32 v46, v7;
	v30 =	vsub.f32 $0.0e+00, v30;
	v58 =	vmul.f32 v36, v53  }
0x188: {  	[tilespmem:$0xB140] =	vst v16;
	v44 =	vld [tilespmem:$0xAC80];
	v16 =	vmul.f32 v48, v48;
	v33 =	vsub.f32 v33, v35;
	v31 =	vsub.f32 v31, v41  }
0x189: {  	v39 =	vmul.f32 v30, v53;
	v51 =	vsub.f32 $0.0e+00, v58;
	v49 =	vunpack.i.u.bf16.f32 v59  }
0x18a: {  	[tilespmem:$0xB230] =	vst v12;
	v50 =	vunpack.i.l.bf16.f32 v59;
	v61 =	vmul.f32 v36, v33;
	v33 =	vmul.f32 v30, v33  }
0x18b: {  	[tilespmem:$0xB2B0] =	vst v17;
	vm6 =	veq.s32 v63, v11;
	v62 =	vmul.f32 v36, v31;
	v30 =	vmul.f32 v30, v31  }
0x18c: {  	[tilespmem:$0xB1C0] =	vst v15;
	v31 =	vadd.f32 v45, v8;
	v36 =	vadd.f32 v47, v9;
	v52 =	vmul.f32 v50, v37  }
0x18d: {  	[tilespmem:$0xB240] =	vst v18;
	v53 =	vmul.f32 v49, v48;
	vm7 =	veq.s32 v44, v10;
	v60 =	vmul.f32 v50, v48  }
0x18e: {  	[tilespmem:$0xB2C0] =	vst v19;
	v63 =	vld [tilespmem:$0xAB90];
	v15 =	vmul.f32 v50, v50;
	v44 =	vmul.f32 v49, v49;
	vm0 =	vmand vm6, vm7  }
0x18f: {  	[tilespmem:$0xB150] =	vst v23;
	v45 =	vld [tilespmem:$0xB120];
	v34 =	vadd.f32 v39, v61;
	v33 =	vsub.f32 v58, v33;
	v54 =	vmul.f32 v31, v31  }
0x190: {  	[tilespmem:$0xB1D0] =	vst v22;
	v47 =	vld [tilespmem:$0xAC90];
	v55 =	vmul.f32 v36, v36;
	v57 =	vadd.f32 v52, v53;
	v58 =	vmul.f32 v37, v37  }
0x191: {  	[tilespmem:$0xB330] =	vst v14;
	v27 =	vsub.f32 v62, v39;
	v62 =	vmul.f32 v49, v37;
	v18 =	vsub.f32 v51, v30  }
0x192: {  	[tilespmem:$0xB250] =	vst v21;
	v61 =	vld [tilespmem:$0xB330];
	v46 =	vsel vm0, $0x1, v5;
	v56 =	vpop (erf);
	v12 =	vadd.f32 v55, v54;
	v35 =	vsub.f32 v57, v58  }
0x193: {  	[tilespmem:$0xB2D0] =	vst v20;
	v15 =	vsub.f32 v57, v15;
	vm8 =	veq.s32 v63, v11;
	v59 =	vmul.f32 v56, v43  }
0x194: {  	[tilespmem:$0xB160] =	vst v25;
	v41 =	vmul.f32 v56, v42;
	v42 =	vsub.f32 v60, v62;
	v52 =	vunpack.i.u.bf16.f32 v45  }
0x195: {  	[tilespmem:$0xB1E0] =	vst v24;
	v43 =	vld [tilespmem:$0xB0A0];
	v23 =	vunpack.i.l.bf16.f32 v45;
	vm9 =	veq.s32 v47, v10;
	(erf) = vrcp.f32 v12  }
0x196: {  	[tilespmem:$0xB260] =	vst v26;
	v63 =	vld [tilespmem:$0xACA0];
	v16 =	vsub.f32 v35, v16;
	v15 =	vsub.f32 v15, v44;
	v24 =	vmul.f32 v52, v52  }
0x197: {  	[tilespmem:$0xB2E0] =	vst v32;
	v14 =	vsub.f32 $0.0e+00, v59;
	v19 =	vor.u32 v46, v61;
	v17 =	vmul.f32 v41, v42  }
0x198: {  	vm0 =	vmand vm8, vm9;
	v49 =	vmul.f32 v41, v16;
	v12 =	vmul.f32 v41, v15;
	[tilespmem:$0xB330] =	vst v19  }
0x199: {  	[tilespmem:$0xB170] =	vst v40;
	v59 =	vsel vm0, $0x1, v5;
	v48 =	vmul.f32 v14, v42;
	v16 =	vmul.f32 v14, v16;
	v56 =	vld [tilespmem:$0xB330]  }
0x19a: {  	[tilespmem:$0xB1F0] =	vst v29;
	v14 =	vmul.f32 v14, v15;
	v51 =	vunpack.i.u.bf16.f32 v43;
	v20 =	vunpack.i.l.bf16.f32 v43  }
0x19b: {  	[tilespmem:$0xB270] =	vst v28;
	vm11 =	veq.s32 v63, v10;
	v53 =	vmul.f32 v23, v20;
	v54 =	vmul.f32 v52, v51  }
0x19c: {  	[tilespmem:$0xB2F0] =	vst v13;
	v62 =	vld [tilespmem:$0xABA0];
	v50 =	vadd.f32 v48, v49;
	v16 =	vsub.f32 v17, v16;
	v58 =	vmul.f32 v20, v20  }
0x19d: {  	[tilespmem:$0xB180] =	vst v34;
	v60 =	vmul.f32 v23, v51;
	v20 =	vmul.f32 v52, v20;
	v25 =	vadd.f32 v53, v54  }
0x19e: {  	[tilespmem:$0xB200] =	vst v33;
	v21 =	vmul.f32 v51, v51;
	v23 =	vmul.f32 v23, v23;
	v13 =	vor.u32 v59, v56;
	v55 =	vpop (erf)  }
0x19f: {  	v17 =	vsub.f32 $0.0e+00, v17;
	v26 =	vsub.f32 v25, v58;
	[tilespmem:$0xB330] =	vst v13;
	v57 =	vmul.f32 v55, v36  }
0x1a0: {  	[tilespmem:$0xB280] =	vst v27;
	v20 =	vsub.f32 v60, v20;
	v23 =	vsub.f32 v25, v23;
	v19 =	vmul.f32 v55, v31;
	v31 =	vld [tilespmem:$0xB330]  }
0x1a1: {  	[tilespmem:$0xB300] =	vst v18;
	vm10 =	veq.s32 v62, v11;
	v21 =	vsub.f32 v26, v21;
	v61 =	vsub.f32 $0.0e+00, v57  }
0x1a2: {  	v12 =	vsub.f32 v12, v48;
	vm0 =	vmand vm10, vm11;
	[tilespmem:$0xB190] =	vst v50;
	v14 =	vsub.f32 v17, v14  }
0x1a3: {  	[tilespmem:$0xB210] =	vst v16;
	v24 =	vsub.f32 v23, v24;
	v26 =	vmul.f32 v19, v21;
	v25 =	vmul.f32 v61, v20  }
0x1a4: {  	v34 =	vsel vm0, $0x1, v5;
	[tilespmem:$0xB290] =	vst v12;
	v28 =	vmul.f32 v19, v20;
	v29 =	vmul.f32 v61, v21  }
0x1a5: {  	[tilespmem:$0xB310] =	vst v14;
	v19 =	vmul.f32 v19, v24;
	v12 =	vor.u32 v34, v31;
	v30 =	vadd.f32 v25, v26  }
0x1a6: {  	v13 =	vsub.f32 $0.0e+00, v28;
	v16 =	vmul.f32 v61, v24;
	v32 =	vsub.f32 v28, v29;
	[tilespmem:$0xB330] =	vst v12  }
0x1a7: {  	v33 =	vsub.f32 v19, v25;
	[tilespmem:$0xB1A0] =	vst v30  }
0x1a8: {  	v13 =	vsub.f32 v13, v16;
	[tilespmem:$0xB220] =	vst v32  }
0x1a9: {  	[tilespmem:$0xB2A0] =	vst v33  }
0x1aa: {  	[tilespmem:$0xB320] =	vst v13  }
0x1ab: {  	[spmem:s3] =	stream.indirect.scatter.add.f32 [tilespmem:s18], [sflag:$0x1], $0x1, s30, s9, $0xb8;
	[tilespmem:$0xB4B0] =	vst v63  }
0x1ac: {  	_ = 	snop  }
0x1ad: {  	[spmem:s5] =	stream.indirect.scatter.add.f32 [tilespmem:s22], [sflag:$0x1], $0x1, s30, s9, $0xb8;
	[tilespmem:$0xB4B0] =	vst v63  }
0x1ae: {  	_ = 	snop  }
0x1af: {  	[spmem:s6] =	stream.indirect.scatter.add.f32 [tilespmem:s23], [sflag:$0x1], $0x1, s31, s9, $0xb8;
	[tilespmem:$0xB4B0] =	vst v63  }
0x1b0: {  	_ = 	snop  }
0x1b1: {  	[spmem:s7] =	stream.indirect.scatter.add.f32 [tilespmem:s29], [sflag:$0x1], $0x1, s31, s9, $0xb8;
	[tilespmem:$0xB4B0] =	vst v63  }
0x1b2: {  	_ =	swait.ge [sflag:s17], $0x80  }
0x1b3: {  	[sflag:s17] =	ssyncset.done $0x0  }
0x1b4: {  	[sflag:s17] =	ssyncadd.s32 $0xFFFFFF80  }
0x1b5: {  	_ =	swait.ge [sflag:s17], $0x80  }
0x1b6: {  	[sflag:s17] =	ssyncset.done $0x0  }
0x1b7: {  	[sflag:s17] =	ssyncadd.s32 $0xFFFFFF80  }
0x1b8: {  	_ =	swait.ge [sflag:s17], $0x80  }
0x1b9: {  	[sflag:s17] =	ssyncset.done $0x0  }
0x1ba: {  	[sflag:s17] =	ssyncadd.s32 $0xFFFFFF80  }
0x1bb: {  	_ =	swait.ge [sflag:s17], $0x80  }
0x1bc: {  	[sflag:s17] =	ssyncset.done $0x0  }
0x1bd: {  	[sflag:s17] =	ssyncadd.s32 $0xFFFFFF80  }
0x1be: {  	_ =	swait.ge [sflag:s10], $0x80  }
0x1bf: {  	[sflag:s10] =	ssyncset.done $0x0  }
0x1c0: {  	[sflag:s10] =	ssyncadd.s32 $0xFFFFFF80  }
0x1c1: {  	_ =	swait.ge [sflag:s10], $0x80  }
0x1c2: {  	[sflag:s10] =	ssyncset.done $0x0  }
0x1c3: {  	[sflag:s10] =	ssyncadd.s32 $0xFFFFFF80  }
0x1c4: {  	_ =	swait.ge [sflag:s10], $0x80  }
0x1c5: {  	[sflag:s10] =	ssyncset.done $0x0  }
0x1c6: {  	p1 =	seq.s32 s25, $0x1840;
	[sflag:s10] =	ssyncadd.s32 $0xFFFFFF80  }
0x1c7: {  	s28 =	simm.s32 @!p1 $0xAB30;
	_ =	swait.ge [sflag:s10], $0x80  }
0x1c8: {  	s26 =	simm.s32 @!p1 $0x0;
	s4 =	rddreg [dreg:$0xa];
	[sflag:s10] =	ssyncset.done $0x0  }
0x1c9: {  	s16 =	rddreg [dreg:$0xb];
	[sflag:s10] =	ssyncadd.s32 $0xFFFFFF80;
	s4 =	sadd.s32 @!p1 s25, s4  }
0x1ca: {  	[tilespmem:s28], [sflag:$0x2] =	stream.linear.gather @!p1 [hbm4b:s4+s26], $0x80, $0x38;
	[tilespmem:$0xB4B0] =	vst v63  }
0x1cb: {  	s4 =	sadd.s32 @!p1 s25, s16;
	s16 =	simm.s32 @!p1 $0xAC30;
	s28 =	rddreg [dreg:$0x9]  }
0x1cc: {  	[tilespmem:s16], [sflag:$0x2] =	stream.linear.gather @!p1 [hbm4b:s4+s26], $0x80, $0x38;
	[tilespmem:$0xB4B0] =	vst v63  }
0x1cd: {  	s4 =	rddreg [dreg:$0x8];
	s16 =	sadd.s32 @!p1 s25, s28;
	s28 =	simm.s32 @!p1 $0xAD30  }
0x1ce: {  	[tilespmem:s28], [sflag:$0x2] =	stream.linear.gather @!p1 [hbm4b:s16+s26], $0x80, $0x38;
	[tilespmem:$0xB4B0] =	vst v63  }
0x1cf: {  	s4 =	sadd.s32 @!p1 s25, s4;
	s16 =	simm.s32 @!p1 $0xAE30  }
0x1d0: {  	[tilespmem:s16], [sflag:$0x2] =	stream.linear.gather @!p1 [hbm4b:s4+s26], $0x80, $0x38;
	[tilespmem:$0xB4B0] =	vst v63  }
0x1d1: {  	_ = 	snop  }
0x1d2: {  	[tilespmem:s14], [sflag:$0x1] =	stream.indirect.gather [spmem:s1], $0x1, s0, s9, $0xb8;
	[tilespmem:$0xB4B0] =	vst v63  }
0x1d3: {  	_ = 	snop  }
0x1d4: {  	[tilespmem:s15], [sflag:$0x1] =	stream.indirect.gather [spmem:s1], $0x1, s11, s9, $0xb8;
	[tilespmem:$0xB4B0] =	vst v63  }
0x1d5: {  	_ =	swait.ge [sflag:s17], $0x80  }
0x1d6: {  	[sflag:s17] =	ssyncset.done $0x0  }
0x1d7: {  	[sflag:s17] =	ssyncadd.s32 $0xFFFFFF80  }
0x1d8: {  	_ =	swait.ge [sflag:s17], $0x80  }
0x1d9: {  	[sflag:s17] =	ssyncset.done $0x0  }
0x1da: {  	[sflag:s17] =	ssyncadd.s32 $0xFFFFFF80  }
0x1db: {  	v35 =	vld [tilespmem:$0xADB0]  }
0x1dc: {  	v36 =	vld [tilespmem:$0xAEB0]  }
0x1dd: {  	v39 =	vld [tilespmem:$0xB030]  }
0x1de: {  	v40 =	vld [tilespmem:$0xADC0]  }
0x1df: {  	v41 =	vld [tilespmem:$0xAEC0]  }
0x1e0: {  	v42 =	vld [tilespmem:$0xB0B0]  }
0x1e1: {  	v52 =	vld [tilespmem:$0xB040]  }
0x1e2: {  	v53 =	vld [tilespmem:$0xADD0]  }
0x1e3: {  	v57 =	vld [tilespmem:$0xB0C0]  }
0x1e4: {  	v12 =	vmul.f32 v35, v6  }
0x1e5: {  	v13 =	vmul.f32 v36, v7;
	v43 =	vunpack.i.u.bf16.f32 v39;
	v15 =	vmul.f32 v40, v6  }
0x1e6: {  	v16 =	vmul.f32 v41, v7;
	v45 =	vunpack.i.u.bf16.f32 v42;
	v17 =	vunpack.i.l.bf16.f32 v42  }
0x1e7: {  	v62 =	vmul.f32 v53, v6;
	v63 =	vunpack.i.u.bf16.f32 v52;
	v19 =	vunpack.i.l.bf16.f32 v52  }
0x1e8: {  	v33 =	vunpack.i.u.bf16.f32 v57;
	v47 =	vmul.f32 v45, v43;
	v48 =	vmul.f32 v17, v43  }
0x1e9: {  	v34 =	vunpack.i.l.bf16.f32 v57;
	v18 =	vmul.f32 v43, v43;
	v20 =	vmul.f32 v45, v45  }
0x1ea: {  	v35 =	vmul.f32 v34, v19;
	v12 =	vadd.f32 v12, v8;
	v13 =	vadd.f32 v13, v9  }
0x1eb: {  	v36 =	vmul.f32 v33, v63;
	v42 =	vmul.f32 v34, v63  }
0x1ec: {  	v37 =	vmul.f32 v12, v12;
	v38 =	vmul.f32 v13, v13  }
0x1ed: {  	v43 =	vmul.f32 v19, v19;
	v23 =	vmul.f32 v63, v63;
	v63 =	vld [tilespmem:$0xACC0]  }
0x1ee: {  	v52 =	vld [tilespmem:$0xAEE0];
	v19 =	vmul.f32 v33, v19;
	v27 =	vmul.f32 v34, v34;
	v14 =	vadd.f32 v38, v37  }
0x1ef: {  	v41 =	vld [tilespmem:$0xABB0];
	v26 =	vmul.f32 v33, v33;
	v15 =	vadd.f32 v15, v8;
	v16 =	vadd.f32 v16, v9  }
0x1f0: {  	v54 =	vld [tilespmem:$0xAED0];
	v40 =	vadd.f32 v35, v36;
	v19 =	vsub.f32 v42, v19;
	(erf) = vrcp.f32 v14  }
0x1f1: {  	v53 =	vld [tilespmem:$0xB0D0];
	v49 =	vmul.f32 v15, v15;
	v50 =	vmul.f32 v16, v16;
	v14 =	vunpack.i.l.bf16.f32 v39  }
0x1f2: {  	v31 =	vsub.f32 v40, v43;
	vm15 =	veq.s32 v63, v10;
	v63 =	vld [tilespmem:$0xABD0];
	v46 =	vmul.f32 v17, v14  }
0x1f3: {  	v29 =	vmul.f32 v52, v7;
	v24 =	vadd.f32 v50, v49;
	v50 =	vld [tilespmem:$0xADE0];
	v51 =	vmul.f32 v45, v14  }
0x1f4: {  	vm12 =	veq.s32 v41, v11;
	v17 =	vmul.f32 v17, v17;
	v21 =	vadd.f32 v46, v47  }
0x1f5: {  	v29 =	vadd.f32 v29, v9;
	v14 =	vmul.f32 v14, v14;
	v22 =	vsub.f32 v48, v51  }
0x1f6: {  	v30 =	vunpack.i.l.bf16.f32 v53;
	v47 =	vsub.f32 v31, v23;
	v48 =	vld [tilespmem:$0xB050];
	v17 =	vsub.f32 v21, v17  }
0x1f7: {  	vm4 =	veq.s32 v63, v11;
	v14 =	vsub.f32 v21, v14;
	v21 =	vmul.f32 v54, v7  }
0x1f8: {  	v17 =	vsub.f32 v17, v20;
	v20 =	vsub.f32 v40, v27;
	v27 =	vmul.f32 v50, v6  }
0x1f9: {  	v56 =	vsub.f32 v14, v18;
	v21 =	vadd.f32 v21, v9;
	v40 =	vmul.f32 v30, v30;
	v44 =	vpop (erf)  }
0x1fa: {  	(erf) = vrcp.f32 v24;
	v27 =	vadd.f32 v27, v8;
	v13 =	vmul.f32 v44, v13  }
0x1fb: {  	v57 =	vunpack.i.u.bf16.f32 v48;
	v39 =	vmul.f32 v21, v21;
	v12 =	vmul.f32 v44, v12  }
0x1fc: {  	v24 =	vmul.f32 v57, v57;
	v44 =	vld [tilespmem:$0xACB0];
	v36 =	vmul.f32 v27, v27;
	v55 =	vsub.f32 $0.0e+00, v13  }
0x1fd: {  	v23 =	vunpack.i.l.bf16.f32 v48;
	v58 =	vmul.f32 v12, v22;
	v60 =	vmul.f32 v12, v56  }
0x1fe: {  	v20 =	vsub.f32 v20, v26;
	v61 =	vmul.f32 v12, v17;
	v59 =	vmul.f32 v55, v22  }
0x1ff: {  	v13 =	vmul.f32 v55, v56;
	v22 =	vadd.f32 v62, v8;
	v18 =	vsub.f32 $0.0e+00, v58  }
0x200: {  	v17 =	vmul.f32 v55, v17;
	v62 =	vmul.f32 v30, v57;
	v12 =	vadd.f32 v59, v60  }
0x201: {  	v45 =	vld [tilespmem:$0xB330];
	vm13 =	veq.s32 v44, v10;
	v14 =	vsub.f32 v58, v13;
	v13 =	vsub.f32 v61, v59  }
0x202: {  	v42 =	vld [tilespmem:$0xADF0];
	v38 =	vmul.f32 v22, v22;
	vm0 =	vmand vm12, vm13;
	v59 =	vunpack.i.u.bf16.f32 v53  }
0x203: {  	v41 =	vld [tilespmem:$0xB060];
	v18 =	vsub.f32 v18, v17;
	v60 =	vmul.f32 v30, v23;
	v61 =	vmul.f32 v59, v57  }
0x204: {  	v37 =	vpop (erf);
	v25 =	vadd.f32 v39, v38;
	v39 =	vmul.f32 v59, v23;
	v23 =	vmul.f32 v23, v23  }
0x205: {  	v54 =	vsel vm0, $0x1, v5;
	v15 =	vmul.f32 v37, v15;
	v16 =	vmul.f32 v37, v16  }
0x206: {  	v55 =	vld [tilespmem:$0xABC0];
	v37 =	vmul.f32 v29, v29;
	(erf) = vrcp.f32 v25;
	v25 =	vor.u32 v54, v45  }
0x207: {  	v54 =	vmul.f32 v42, v6;
	v46 =	vsub.f32 $0.0e+00, v16;
	v49 =	vmul.f32 v15, v19  }
0x208: {  	v30 =	vunpack.i.l.bf16.f32 v41;
	v51 =	vmul.f32 v15, v47;
	v15 =	vmul.f32 v15, v20;
	[tilespmem:$0xB330] =	vst v25  }
0x209: {  	v28 =	vadd.f32 v37, v36;
	v38 =	vld [tilespmem:$0xB330];
	v36 =	vadd.f32 v54, v8;
	v19 =	vmul.f32 v46, v19  }
0x20a: {  	v16 =	vmul.f32 v46, v47;
	v56 =	vsub.f32 $0.0e+00, v49;
	v20 =	vmul.f32 v46, v20;
	v46 =	vld [tilespmem:$0xB0E0]  }
0x20b: {  	v44 =	vld [tilespmem:$0xAEF0];
	vm14 =	veq.s32 v55, v11;
	v17 =	vadd.f32 v19, v51;
	v15 =	vsub.f32 v15, v19  }
0x20c: {  	vm0 =	vmand vm14, vm15;
	v19 =	vsub.f32 v56, v20;
	v20 =	vadd.f32 v60, v61  }
0x20d: {  	v43 =	vmul.f32 v59, v59;
	v55 =	vunpack.i.u.bf16.f32 v41;
	v48 =	vsel vm0, $0x1, v5  }
0x20e: {  	v60 =	vmul.f32 v36, v36;
	v23 =	vsub.f32 v20, v23;
	v20 =	vsub.f32 v20, v40  }
0x20f: {  	v51 =	vor.u32 v48, v38;
	v56 =	vunpack.i.u.bf16.f32 v46;
	v58 =	vpop (erf);
	(erf) = vrcp.f32 v28  }
0x210: {  	v45 =	vsub.f32 v23, v24;
	v28 =	vmul.f32 v44, v7;
	v48 =	vmul.f32 v56, v56  }
0x211: {  	v23 =	vunpack.i.l.bf16.f32 v46;
	v22 =	vmul.f32 v58, v22;
	v21 =	vmul.f32 v58, v21  }
0x212: {  	v32 =	vsub.f32 v62, v39;
	v57 =	vmul.f32 v23, v30;
	v58 =	vmul.f32 v56, v55  }
0x213: {  	v24 =	vsub.f32 v20, v43;
	v44 =	vmul.f32 v23, v55;
	v23 =	vmul.f32 v23, v23  }
0x214: {  	v28 =	vadd.f32 v28, v9;
	v25 =	vsub.f32 $0.0e+00, v21;
	v47 =	vmul.f32 v22, v32  }
0x215: {  	v16 =	vsub.f32 v49, v16;
	v46 =	vld [tilespmem:$0xACD0];
	v50 =	vmul.f32 v22, v45;
	v53 =	vmul.f32 v22, v24  }
0x216: {  	v62 =	vadd.f32 v57, v58;
	v61 =	vmul.f32 v28, v28;
	v49 =	vmul.f32 v25, v32  }
0x217: {  	v52 =	vmul.f32 v25, v45;
	v45 =	vmul.f32 v30, v30;
	v26 =	vsub.f32 $0.0e+00, v47  }
0x218: {  	[tilespmem:$0xB330] =	vst v51;
	v51 =	vld [tilespmem:$0xAE00];
	v30 =	vmul.f32 v56, v30;
	v32 =	vmul.f32 v55, v55;
	v23 =	vsub.f32 v62, v23  }
0x219: {  	v58 =	vld [tilespmem:$0xABE0];
	v24 =	vmul.f32 v25, v24;
	v35 =	vadd.f32 v61, v60;
	v21 =	vadd.f32 v49, v50  }
0x21a: {  	vm5 =	veq.s32 v46, v10;
	v55 =	vld [tilespmem:$0xB0F0];
	v22 =	vsub.f32 v47, v52;
	v20 =	vsub.f32 v53, v49  }
0x21b: {  	vm0 =	vmand vm4, vm5;
	v60 =	vld [tilespmem:$0xACE0];
	v40 =	vsub.f32 v62, v45;
	v30 =	vsub.f32 v44, v30  }
0x21c: {  	v49 =	vld [tilespmem:$0xB070];
	v31 =	vsub.f32 v23, v48;
	v26 =	vsub.f32 v26, v24;
	v57 =	vsel vm0, $0x1, v5  }
0x21d: {  	v52 =	vld [tilespmem:$0xAF00];
	v59 =	vpop (erf);
	(erf) = vrcp.f32 v35;
	v50 =	vsub.f32 v40, v32;
	v32 =	vmul.f32 v51, v6  }
0x21e: {  	v47 =	vld [tilespmem:$0xB330];
	vm6 =	veq.s32 v58, v11;
	v27 =	vmul.f32 v59, v27;
	v29 =	vmul.f32 v59, v29  }
0x21f: {  	v62 =	vunpack.i.u.bf16.f32 v55;
	v34 =	vunpack.i.l.bf16.f32 v55;
	v32 =	vadd.f32 v32, v8  }
0x220: {  	vm7 =	veq.s32 v60, v10;
	v38 =	vmul.f32 v62, v62;
	v35 =	vmul.f32 v27, v30  }
0x221: {  	v29 =	vsub.f32 $0.0e+00, v29;
	v54 =	vmul.f32 v27, v50;
	v27 =	vmul.f32 v27, v31  }
0x222: {  	v61 =	vunpack.i.u.bf16.f32 v49;
	v37 =	vmul.f32 v52, v7;
	v33 =	vunpack.i.l.bf16.f32 v49  }
0x223: {  	v59 =	vor.u32 v57, v47;
	v45 =	vmul.f32 v34, v33;
	v46 =	vmul.f32 v62, v61  }
0x224: {  	vm0 =	vmand vm6, vm7;
	v47 =	vmul.f32 v32, v32;
	v49 =	vmul.f32 v33, v33  }
0x225: {  	v33 =	vmul.f32 v62, v33;
	v57 =	vsel vm0, $0x1, v5;
	v53 =	vmul.f32 v29, v30  }
0x226: {  	v51 =	vld [tilespmem:$0xB080];
	v56 =	vmul.f32 v29, v50;
	v37 =	vadd.f32 v37, v9;
	v52 =	vsub.f32 $0.0e+00, v35  }
0x227: {  	[tilespmem:$0xB330] =	vst v59;
	v59 =	vld [tilespmem:$0xAE10];
	v50 =	vmul.f32 v34, v61;
	v40 =	vadd.f32 v45, v46;
	v25 =	vadd.f32 v53, v54  }
0x228: {  	v62 =	vld [tilespmem:$0xAF10];
	v29 =	vmul.f32 v29, v31;
	v24 =	vsub.f32 v35, v56;
	v23 =	vsub.f32 v27, v53  }
0x229: {  	v48 =	vmul.f32 v37, v37;
	v27 =	vmul.f32 v61, v61;
	v53 =	vld [tilespmem:$0xB100];
	v41 =	vsub.f32 v40, v49  }
0x22a: {  	v34 =	vmul.f32 v34, v34;
	v33 =	vsub.f32 v50, v33;
	v54 =	vld [tilespmem:$0xB330];
	v29 =	vsub.f32 v52, v29;
	v63 =	vpop (erf)  }
0x22b: {  	v39 =	vadd.f32 v48, v47;
	v36 =	vmul.f32 v63, v36;
	v27 =	vsub.f32 v41, v27  }
0x22c: {  	v61 =	vunpack.i.u.bf16.f32 v51;
	v34 =	vsub.f32 v40, v34;
	v28 =	vmul.f32 v63, v28  }
0x22d: {  	v58 =	vld [tilespmem:$0xABF0];
	(erf) = vrcp.f32 v39;
	v39 =	vunpack.i.l.bf16.f32 v51;
	v56 =	vmul.f32 v36, v27  }
0x22e: {  	v52 =	vld [tilespmem:$0xACF0];
	v63 =	vunpack.i.u.bf16.f32 v53;
	v31 =	vunpack.i.l.bf16.f32 v53;
	v51 =	vmul.f32 v39, v39  }
0x22f: {  	v30 =	vor.u32 v57, v54;
	v53 =	vmul.f32 v59, v6;
	v54 =	vmul.f32 v62, v7  }
0x230: {  	v28 =	vsub.f32 $0.0e+00, v28;
	v48 =	vmul.f32 v31, v39;
	v47 =	vmul.f32 v63, v61  }
0x231: {  	v34 =	vsub.f32 v34, v38;
	v39 =	vmul.f32 v63, v39;
	v63 =	vmul.f32 v63, v63  }
0x232: {  	vm8 =	veq.s32 v58, v11;
	v55 =	vmul.f32 v28, v33;
	v33 =	vmul.f32 v36, v33  }
0x233: {  	vm9 =	veq.s32 v52, v10;
	v27 =	vmul.f32 v28, v27;
	v36 =	vmul.f32 v36, v34  }
0x234: {  	v28 =	vmul.f32 v28, v34;
	v41 =	vadd.f32 v53, v8;
	v42 =	vadd.f32 v54, v9  }
0x235: {  	v57 =	vld [tilespmem:$0xAE20];
	v34 =	vmul.f32 v61, v61;
	v50 =	vadd.f32 v48, v47;
	v40 =	vadd.f32 v55, v56  }
0x236: {  	v54 =	vld [tilespmem:$0xB110];
	v60 =	vsub.f32 $0.0e+00, v33;
	v35 =	vsub.f32 v36, v55;
	v55 =	vmul.f32 v31, v61  }
0x237: {  	v33 =	vsub.f32 v33, v27;
	v31 =	vmul.f32 v31, v31;
	v58 =	vmul.f32 v41, v41  }
0x238: {  	v52 =	vld [tilespmem:$0xB090];
	v59 =	vmul.f32 v42, v42;
	v38 =	vsub.f32 v50, v51;
	v27 =	vsub.f32 v60, v28  }
0x239: {  	[tilespmem:$0xB330] =	vst v30;
	vm0 =	vmand vm8, vm9;
	v56 =	vsub.f32 v55, v39;
	v61 =	vsub.f32 v50, v31  }
0x23a: {  	v62 =	vld [tilespmem:$0xB330];
	v55 =	vmul.f32 v57, v6;
	v34 =	vsub.f32 v38, v34;
	v38 =	vadd.f32 v59, v58  }
0x23b: {  	v57 =	vld [tilespmem:$0xAC00];
	v43 =	vunpack.i.u.bf16.f32 v54;
	v36 =	vunpack.i.l.bf16.f32 v54;
	v49 =	vpop (erf);
	v50 =	vsub.f32 v61, v63  }
0x23c: {  	v58 =	vld [tilespmem:$0xAD00];
	v31 =	vadd.f32 v55, v8;
	v55 =	vmul.f32 v43, v43;
	v32 =	vmul.f32 v49, v32  }
0x23d: {  	[tilespmem:$0xB130] =	vst v12;
	v60 =	vld [tilespmem:$0xAF20];
	v63 =	vunpack.i.l.bf16.f32 v52;
	v28 =	vmul.f32 v49, v37;
	(erf) = vrcp.f32 v38  }
0x23e: {  	[tilespmem:$0xB240] =	vst v15;
	v53 =	vsel vm0, $0x1, v5;
	v45 =	vmul.f32 v36, v63;
	v15 =	vmul.f32 v43, v63  }
0x23f: {  	[tilespmem:$0xB1B0] =	vst v14;
	v61 =	vmul.f32 v31, v31;
	v28 =	vsub.f32 $0.0e+00, v28;
	v48 =	vmul.f32 v32, v56  }
0x240: {  	[tilespmem:$0xB230] =	vst v13;
	v14 =	vor.u32 v53, v62;
	v49 =	vmul.f32 v32, v34;
	v32 =	vmul.f32 v32, v50  }
0x241: {  	[tilespmem:$0xB2B0] =	vst v18;
	v54 =	vld [tilespmem:$0xB0A0];
	vm10 =	veq.s32 v57, v11;
	vm11 =	veq.s32 v58, v10;
	v37 =	vmul.f32 v28, v56  }
0x242: {  	[tilespmem:$0xB140] =	vst v17;
	v51 =	vmul.f32 v28, v34;
	v56 =	vmul.f32 v60, v7;
	v59 =	vsub.f32 $0.0e+00, v48  }
0x243: {  	[tilespmem:$0xB1C0] =	vst v16;
	v12 =	vmul.f32 v28, v50;
	v60 =	vunpack.i.u.bf16.f32 v52;
	v52 =	vmul.f32 v36, v36  }
0x244: {  	[tilespmem:$0xB2C0] =	vst v19;
	vm0 =	vmand vm10, vm11;
	v46 =	vmul.f32 v43, v60;
	v53 =	vmul.f32 v36, v60  }
0x245: {  	[tilespmem:$0xB150] =	vst v21;
	v58 =	vld [tilespmem:$0xAC10];
	v16 =	vmul.f32 v60, v60;
	v57 =	vsel vm0, $0x1, v5;
	v38 =	vadd.f32 v56, v9  }
0x246: {  	[tilespmem:$0xB330] =	vst v14;
	v36 =	vunpack.i.l.bf16.f32 v54;
	v44 =	vadd.f32 v37, v49;
	v30 =	vsub.f32 v48, v51  }
0x247: {  	[tilespmem:$0xB1D0] =	vst v22;
	v50 =	vld [tilespmem:$0xB330];
	v17 =	vsub.f32 v32, v37;
	v12 =	vsub.f32 v59, v12;
	v62 =	vmul.f32 v38, v38  }
0x248: {  	[tilespmem:$0xB250] =	vst v20;
	v49 =	vmul.f32 v63, v63;
	v56 =	vld [tilespmem:$0xB120];
	v63 =	vunpack.i.u.bf16.f32 v54;
	v47 =	vadd.f32 v45, v46  }
0x249: {  	[tilespmem:$0xB2D0] =	vst v26;
	v15 =	vsub.f32 v53, v15;
	v46 =	vmul.f32 v36, v36;
	v28 =	vadd.f32 v62, v61  }
0x24a: {  	[tilespmem:$0xB260] =	vst v23;
	v54 =	vld [tilespmem:$0xAD20];
	v23 =	vmul.f32 v63, v63;
	vm12 =	veq.s32 v58, v11;
	v48 =	vpop (erf);
	v18 =	vsub.f32 v47, v49  }
0x24b: {  	[tilespmem:$0xB160] =	vst v25;
	v13 =	vsub.f32 v47, v52;
	v14 =	vmul.f32 v48, v41;
	(erf) = vrcp.f32 v28  }
0x24c: {  	[tilespmem:$0xB1E0] =	vst v24;
	v59 =	vor.u32 v57, v50;
	v51 =	vmul.f32 v48, v42;
	v61 =	vld [tilespmem:$0xAD10];
	v16 =	vsub.f32 v18, v16  }
0x24d: {  	[tilespmem:$0xB170] =	vst v40;
	v37 =	vunpack.i.u.bf16.f32 v56;
	v26 =	vunpack.i.l.bf16.f32 v56;
	v60 =	vmul.f32 v14, v15  }
0x24e: {  	[tilespmem:$0xB330] =	vst v59;
	v13 =	vsub.f32 v13, v55;
	v40 =	vmul.f32 v26, v36;
	v41 =	vmul.f32 v37, v63  }
0x24f: {  	[tilespmem:$0xB2E0] =	vst v29;
	v47 =	vld [tilespmem:$0xB330];
	vm15 =	veq.s32 v54, v10;
	v48 =	vmul.f32 v26, v63;
	v25 =	vmul.f32 v37, v36  }
0x250: {  	[tilespmem:$0xB1F0] =	vst v33;
	v21 =	vsub.f32 $0.0e+00, v51;
	v26 =	vmul.f32 v26, v26;
	v53 =	vmul.f32 v37, v37  }
0x251: {  	[tilespmem:$0xB270] =	vst v35;
	v52 =	vld [tilespmem:$0xAC20];
	v62 =	vmul.f32 v14, v16;
	v14 =	vmul.f32 v14, v13;
	vm13 =	veq.s32 v61, v10  }
0x252: {  	[tilespmem:$0xB2F0] =	vst v27;
	v15 =	vmul.f32 v21, v15;
	v45 =	vadd.f32 v40, v41;
	vm0 =	vmand vm12, vm13  }
0x253: {  	[tilespmem:$0xB180] =	vst v44;
	v16 =	vmul.f32 v21, v16;
	v25 =	vsub.f32 v48, v25;
	v50 =	vsel vm0, $0x1, v5  }
0x254: {  	[tilespmem:$0xB200] =	vst v30;
	v13 =	vmul.f32 v21, v13;
	v19 =	vsub.f32 $0.0e+00, v60;
	v20 =	vor.u32 v50, v47;
	v39 =	vpop (erf)  }
0x255: {  	v22 =	vadd.f32 v15, v62;
	v29 =	vsub.f32 v45, v46;
	[tilespmem:$0xB330] =	vst v20;
	v43 =	vmul.f32 v39, v38  }
0x256: {  	[tilespmem:$0xB280] =	vst v17;
	vm14 =	veq.s32 v52, v11;
	v16 =	vsub.f32 v60, v16;
	v51 =	vsub.f32 v45, v26;
	v20 =	vld [tilespmem:$0xB330]  }
0x257: {  	[tilespmem:$0xB300] =	vst v12;
	v49 =	vsub.f32 v29, v23;
	v42 =	vmul.f32 v39, v31;
	v18 =	vsub.f32 $0.0e+00, v43  }
0x258: {  	v14 =	vsub.f32 v14, v15;
	v13 =	vsub.f32 v19, v13;
	vm0 =	vmand vm14, vm15;
	[tilespmem:$0xB190] =	vst v22  }
0x259: {  	[tilespmem:$0xB210] =	vst v16;
	v12 =	vsub.f32 v51, v53;
	v56 =	vmul.f32 v42, v49;
	v55 =	vmul.f32 v18, v25  }
0x25a: {  	[tilespmem:$0xB290] =	vst v14;
	v62 =	vsel vm0, $0x1, v5;
	v57 =	vmul.f32 v42, v25;
	v17 =	vmul.f32 v18, v49  }
0x25b: {  	[tilespmem:$0xB310] =	vst v13;
	v15 =	vmul.f32 v42, v12;
	v63 =	vor.u32 v62, v20;
	v58 =	vadd.f32 v55, v56  }
0x25c: {  	v60 =	vsub.f32 $0.0e+00, v57;
	v12 =	vmul.f32 v18, v12;
	[tilespmem:$0xB330] =	vst v63;
	v59 =	vsub.f32 v57, v17  }
0x25d: {  	v61 =	vsub.f32 v15, v55;
	[tilespmem:$0xB1A0] =	vst v58  }
0x25e: {  	v12 =	vsub.f32 v60, v12;
	[tilespmem:$0xB220] =	vst v59  }
0x25f: {  	[tilespmem:$0xB2A0] =	vst v61  }
0x260: {  	[tilespmem:$0xB320] =	vst v12  }
0x261: {  	[spmem:s3] =	stream.indirect.scatter.add.f32 [tilespmem:s18], [sflag:$0x1], $0x1, s0, s9, $0xb8;
	[tilespmem:$0xB4B0] =	vst v63  }
0x262: {  	_ = 	snop  }
0x263: {  	[spmem:s5] =	stream.indirect.scatter.add.f32 [tilespmem:s22], [sflag:$0x1], $0x1, s0, s9, $0xb8;
	[tilespmem:$0xB4B0] =	vst v63  }
0x264: {  	_ = 	snop  }
0x265: {  	[spmem:s6] =	stream.indirect.scatter.add.f32 [tilespmem:s23], [sflag:$0x1], $0x1, s11, s9, $0xb8;
	[tilespmem:$0xB4B0] =	vst v63  }
0x266: {  	_ = 	snop  }
0x267: {  	[spmem:s7] =	stream.indirect.scatter.add.f32 [tilespmem:s29], [sflag:$0x1], $0x1, s11, s9, $0xb8;
	[tilespmem:$0xB4B0] =	vst v63  }
0x268: {  	_ =	swait.ge [sflag:s17], $0x80  }
0x269: {  	[sflag:s17] =	ssyncset.done $0x0  }
0x26a: {  	[sflag:s17] =	ssyncadd.s32 $0xFFFFFF80  }
0x26b: {  	_ =	swait.ge [sflag:s17], $0x80  }
0x26c: {  	[sflag:s17] =	ssyncset.done $0x0  }
0x26d: {  	s25 =	sadd.s32 $0x20, s25;
	[sflag:s17] =	ssyncadd.s32 $0xFFFFFF80  }
0x26e: {  	p1 =	sne.s32 s25, $0x1860;
	_ =	swait.ge [sflag:s17], $0x80  }
.Ltmp1:
0x26f: {  	[sflag:s17] =	ssyncset.done $0x0;
	(pc) =	sbr.rel @p1 .LBB2_4-.Ltmp1, $4  }
0x270: {  	[sflag:s17] =	ssyncadd.s32 $0xFFFFFF80  }
0x271: {  	_ =	swait.ge [sflag:s17], $0x80  }
0x272: {  	[sflag:s17] =	ssyncset.done $0x0  }
0x273: {  	[sflag:s17] =	ssyncadd.s32 $0xFFFFFF80  }
0x274: {  	s4 =	rddreg [dreg:$0x1c];
	s2 =	simm.s32 $0xB330;
	s25 =	simm.s32 $0x4  }
0x275: {  	[hbm4b:s4+s8] =	stream.linear.scatter [tilespmem:s2], [sflag:$0x4], $0x10, $0x38;
	[tilespmem:$0xB4B0] =	vst v63  }
0x276: {  	_ =	swait.ge [sflag:s25], $0x10  }
0x277: {  	[sflag:s25] =	ssyncset.done $0x0  }
0x278: {  	[sflag:s25] =	ssyncadd.s32 $0xFFFFFFF0  }
0x279: {  	[bflag:$0x0] =	sbarrier.arrive $0xFFFF  }
0x27a: {  	s19 =	sld [smem:$0x7F6];
	_ =	sdelay $0x1  }
0x27b: {  	s16 =	simm.s32 @p0 $0x4;
	s4 =	simm.s32 @p0 $0x92B0  }
0x27c: {  	[tilespmem:s4], [sflag:$0x4] =	stream.linear.gather @p0 [spmem:s19], $0x1810, $0x38;
	[tilespmem:$0xB4B0] =	vst v63  }
0x27d: {  	_ =	swait.ge @p0 [sflag:s16], $0x1810  }
0x27e: {  	[sflag:s16] =	ssyncset.done @p0 $0x0  }
0x27f: {  	s25 =	simm.s32 @p0 $0x0;
	s26 =	rddreg [dreg:$0x1d];
	[sflag:s16] =	ssyncadd.s32 @p0 $0xFFFFE7F0  }
0x280: {  	[hbm4b:s26+s25] =	stream.linear.scatter @p0 [tilespmem:s4], [sflag:$0x4], $0x1810, $0x38;
	[tilespmem:$0xB4B0] =	vst v63  }
0x281: {  	_ =	swait.ge @p0 [sflag:s16], $0x1810  }
0x282: {  	s20 =	sld [smem:$0x7F7]  }
0x283: {  	[sflag:s16] =	ssyncset.done @p0 $0x0  }
0x284: {  	[sflag:s16] =	ssyncadd.s32 @p0 $0xFFFFE7F0  }
0x285: {  	[tilespmem:s4], [sflag:$0x4] =	stream.linear.gather @p0 [spmem:s20], $0x1810, $0x38;
	[tilespmem:$0xB4B0] =	vst v63  }
0x286: {  	_ =	swait.ge @p0 [sflag:s16], $0x1810  }
0x287: {  	[sflag:s16] =	ssyncset.done @p0 $0x0  }
0x288: {  	s28 =	rddreg [dreg:$0x1e];
	[sflag:s16] =	ssyncadd.s32 @p0 $0xFFFFE7F0  }
0x289: {  	[hbm4b:s28+s25] =	stream.linear.scatter @p0 [tilespmem:s4], [sflag:$0x4], $0x1810, $0x38;
	[tilespmem:$0xB4B0] =	vst v63  }
0x28a: {  	_ =	swait.ge @p0 [sflag:s16], $0x1810  }
0x28b: {  	s21 =	sld [smem:$0x7F8]  }
0x28c: {  	[sflag:s16] =	ssyncset.done @p0 $0x0  }
0x28d: {  	[sflag:s16] =	ssyncadd.s32 @p0 $0xFFFFE7F0  }
0x28e: {  	[tilespmem:s4], [sflag:$0x4] =	stream.linear.gather @p0 [spmem:s21], $0x1810, $0x38;
	[tilespmem:$0xB4B0] =	vst v63  }
0x28f: {  	_ =	swait.ge @p0 [sflag:s16], $0x1810  }
0x290: {  	[sflag:s16] =	ssyncset.done @p0 $0x0  }
0x291: {  	s12 =	rddreg [dreg:$0x1f];
	[sflag:s16] =	ssyncadd.s32 @p0 $0xFFFFE7F0  }
0x292: {  	[hbm4b:s12+s25] =	stream.linear.scatter @p0 [tilespmem:s4], [sflag:$0x4], $0x1810, $0x38;
	[tilespmem:$0xB4B0] =	vst v63  }
0x293: {  	_ =	swait.ge @p0 [sflag:s16], $0x1810  }
0x294: {  	s24 =	sld [smem:$0x7F9]  }
0x295: {  	[sflag:s16] =	ssyncset.done @p0 $0x0  }
0x296: {  	[sflag:s16] =	ssyncadd.s32 @p0 $0xFFFFE7F0  }
0x297: {  	[tilespmem:s4], [sflag:$0x4] =	stream.linear.gather @p0 [spmem:s24], $0x1810, $0x38;
	[tilespmem:$0xB4B0] =	vst v63  }
0x298: {  	_ =	swait.ge @p0 [sflag:s16], $0x1810  }
0x299: {  	s2 =	sld [smem:$0x7FA]  }
0x29a: {  	[sflag:s16] =	ssyncset.done @p0 $0x0  }
0x29b: {  	[sflag:s16] =	ssyncadd.s32 @p0 $0xFFFFE7F0  }
0x29c: {  	[hbm4b:s2+s25] =	stream.linear.scatter @p0 [tilespmem:s4], [sflag:$0x4], $0x1810, $0x38;
	[tilespmem:$0xB4B0] =	vst v63  }
0x29d: {  	_ =	swait.ge @p0 [sflag:s16], $0x1810  }
0x29e: {  	[sflag:s16] =	ssyncset.done @p0 $0x0  }
0x29f: {  	s4 =	simm.s32 @!p0 $0x92B0;
	[sflag:s16] =	ssyncadd.s32 @p0 $0xFFFFE7F0;
	s16 =	simm.s32 @!p0 $0x4  }
0x2a0: {  	[tilespmem:s4], [sflag:$0x4] =	stream.linear.gather @!p0 [spmem:s19], $0x1870, $0x38;
	[tilespmem:$0xB4B0] =	vst v63  }
0x2a1: {  	_ =	swait.ge @!p0 [sflag:s16], $0x1870  }
0x2a2: {  	[sflag:s16] =	ssyncset.done @!p0 $0x0  }
0x2a3: {  	s25 =	simm.s32 @!p0 $0x0;
	[sflag:s16] =	ssyncadd.s32 @!p0 $0xFFFFE790  }
0x2a4: {  	[hbm4b:s26+s25] =	stream.linear.scatter @!p0 [tilespmem:s4], [sflag:$0x4], $0x1870, $0x38;
	[tilespmem:$0xB4B0] =	vst v63  }
0x2a5: {  	_ =	swait.ge @!p0 [sflag:s16], $0x1870  }
0x2a6: {  	[sflag:s16] =	ssyncset.done @!p0 $0x0  }
0x2a7: {  	[sflag:s16] =	ssyncadd.s32 @!p0 $0xFFFFE790  }
0x2a8: {  	[tilespmem:s4], [sflag:$0x4] =	stream.linear.gather @!p0 [spmem:s20], $0x1870, $0x38;
	[tilespmem:$0xB4B0] =	vst v63  }
0x2a9: {  	_ =	swait.ge @!p0 [sflag:s16], $0x1870  }
0x2aa: {  	[sflag:s16] =	ssyncset.done @!p0 $0x0  }
0x2ab: {  	[sflag:s16] =	ssyncadd.s32 @!p0 $0xFFFFE790  }
0x2ac: {  	[hbm4b:s28+s25] =	stream.linear.scatter @!p0 [tilespmem:s4], [sflag:$0x4], $0x1870, $0x38;
	[tilespmem:$0xB4B0] =	vst v63  }
0x2ad: {  	_ =	swait.ge @!p0 [sflag:s16], $0x1870  }
0x2ae: {  	[sflag:s16] =	ssyncset.done @!p0 $0x0  }
0x2af: {  	[sflag:s16] =	ssyncadd.s32 @!p0 $0xFFFFE790  }
0x2b0: {  	[tilespmem:s4], [sflag:$0x4] =	stream.linear.gather @!p0 [spmem:s21], $0x1870, $0x38;
	[tilespmem:$0xB4B0] =	vst v63  }
0x2b1: {  	_ =	swait.ge @!p0 [sflag:s16], $0x1870  }
0x2b2: {  	[sflag:s16] =	ssyncset.done @!p0 $0x0  }
0x2b3: {  	[sflag:s16] =	ssyncadd.s32 @!p0 $0xFFFFE790  }
0x2b4: {  	[hbm4b:s12+s25] =	stream.linear.scatter @!p0 [tilespmem:s4], [sflag:$0x4], $0x1870, $0x38;
	[tilespmem:$0xB4B0] =	vst v63  }
0x2b5: {  	_ =	swait.ge @!p0 [sflag:s16], $0x1870  }
0x2b6: {  	[sflag:s16] =	ssyncset.done @!p0 $0x0  }
0x2b7: {  	[sflag:s16] =	ssyncadd.s32 @!p0 $0xFFFFE790  }
0x2b8: {  	[tilespmem:s4], [sflag:$0x4] =	stream.linear.gather @!p0 [spmem:s24], $0x1870, $0x38;
	[tilespmem:$0xB4B0] =	vst v63  }
0x2b9: {  	_ =	swait.ge @!p0 [sflag:s16], $0x1870  }
0x2ba: {  	[sflag:s16] =	ssyncset.done @!p0 $0x0  }
0x2bb: {  	[sflag:s16] =	ssyncadd.s32 @!p0 $0xFFFFE790  }
0x2bc: {  	[hbm4b:s2+s25] =	stream.linear.scatter @!p0 [tilespmem:s4], [sflag:$0x4], $0x1870, $0x38;
	[tilespmem:$0xB4B0] =	vst v63  }
0x2bd: {  	_ =	swait.ge @!p0 [sflag:s16], $0x1870  }
0x2be: {  	s26 =	sld [smem:$0x7F5]  }
0x2bf: {  	s28 =	sld [smem:$0x7FB];
	_ =	sdelay $0x1  }
0x2c0: {  	s4 =	sadd.s32 $0x1, s26  }
0x2c1: {  	p1 =	sne.s32 s4, s28  }
.Ltmp2:
0x2c2: {  	_ = 	snop;
	(pc) =	sbr.rel @p1 .LBB2_1-.Ltmp2, $3  }
0x2c3: {  	_ =	sdelay $0x1  }
0x2c4: {  	[sflag:s16] =	ssyncset.done @!p0 $0x0  }
0x2c5: {  	[sflag:s16] =	ssyncadd.s32 @!p0 $0xFFFFE790  }
0x2c6: {  	_ =	sfence.sel $0x180000  }
0x2c7: {  	[bflag:$0x0] =	sbarrier.arrive $0xFFFF  }
0x2c8: {  	_ =	strace $0x90000047  }
0x2c9: {  	s0 =	stileid.u32;
	[bflag:$0x2] =	sbarrier.arrive $0xFFFF  }
0x2ca: {  	p0 =	sne.s32 s0, $0x0;
	s0 =	rddreg [dreg:$0x7]  }
0x2cb: {  	s0 =	sadd.s32 @!p0 $0x100000, s0  }
0x2cc: {  	[sflag:s0] =	ssyncadd.tile.s32 @!p0 $0x1;
	_ =	shalt  }
.Lfunc_end2:
_tile_overlayer_lowered:
.L_overlay_start_2:
0x2cd: {  	(tag) =	ssettag $0x2  }
0x2ce: {  	s0 =	rddreg [dreg:$0x0];
	s2 =	stileid.u32  }
0x2cf: {  	s1 =	rddreg [dreg:$0x1];
	p0 =	sne.s32 s2, $0x0  }
0x2d0: {  	s3 =	rddreg [dreg:$0x2];
	[bflag:$0x3] =	sbarrier.arrive $0xFFFF;
	s2 =	simm.s32 @!p0 $0x1C04  }
0x2d1: {  	[timem:s3], [sflag:s2] =	dma.local @!p0 [hbm:s0], s1  }
0x2d2: {  	s0 =	simm.s32 @!p0 $0x4  }
0x2d3: {  	_ =	swait.ge @!p0 [sflag:s0], s1  }
0x2d4: {  	s1 =	ssub.s32 @!p0 $0x0, s1;
	[sflag:s0] =	ssyncset.done @!p0 $0x0  }
0x2d5: {  	[sflag:s0] =	ssyncadd.s32 @!p0 s1  }
0x2d6: {  	[bflag:$0x3] =	sbarrier.arrive $0xFFFF  }
0x2d7: {  	_ =	shalt  }

</sc_bundles>
